<compile_context>
chip_gen: v7x
topology: tpu7x:2x2x1
jax: 0.10.2.dev20260603
libtpu: 0.0.44.dev20260713+nightly
codegen_flags: <defaults>
</compile_context>

<pallas_src>
import functools
import math

import jax
import jax.numpy as jnp
from jax import lax
from jax.experimental import pallas as pl
from jax.experimental.pallas import tpu as pltpu
from jax.experimental.pallas import tpu_sc as plsc

B = 64
N = 100000
D = 1.5
NEG_C = -math.log(0.9)
CONST = 0.9 / math.exp(D)
SENT = -1e30

L = 16
SC_TILES = 256
SPLIT = SC_TILES * 128
TPW = SC_TILES // 4
CT = 16
CC = CT * 128
NCHUNK_W = TPW // CT

_mesh = plsc.VectorSubcoreMesh(core_axis_name="c", subcore_axis_name="s")


@functools.partial(
    pl.kernel,
    mesh=_mesh,
    out_type=jax.ShapeDtypeStruct((4, B, 256), jnp.float32),
    scratch_types=[
        pltpu.VMEM((8, CC), jnp.float32),
        pltpu.VMEM((8, CC), jnp.float32),
        pltpu.VMEM((8, CC), jnp.float32),
        pltpu.VMEM((8, CC), jnp.float32),
        pltpu.VMEM((8, 256), jnp.float32),
        pltpu.SemaphoreType.DMA,
        pltpu.SemaphoreType.DMA,
    ],
    compiler_params=pltpu.CompilerParams(use_tc_tiling_on_sc=True),
)
def _sc_main(x_hbm, t_hbm, out_hbm, x0, x1, t0, t1b, obuf, s0, s1):
    wid = lax.axis_index("s") * 2 + lax.axis_index("c")
    g = wid // 4
    c4 = wid % 4
    row0 = g * 8
    col0 = c4 * (TPW * 128)
    xbufs, tbufs, sems = (x0, x1), (t0, t1b), (s0, s1)

    def start(k):
        sl = k % 2
        src_c = col0 + k * CC
        hx = pltpu.make_async_copy(
            x_hbm.at[pl.ds(row0, 8), pl.ds(src_c, CC)], xbufs[sl], sems[sl])
        ht = pltpu.make_async_copy(
            t_hbm.at[pl.ds(row0, 8), pl.ds(src_c, CC)], tbufs[sl], sems[sl])
        hx.start()
        ht.start()
        return hx, ht

    def make_acc():
        z = jnp.zeros((L,), jnp.float32)
        s = jnp.full((L,), SENT, jnp.float32)
        return tuple((s, s, z, z) for _ in range(4))

    accs = [make_acc(), make_acc()]
    pend = start(0)
    for k in range(NCHUNK_W):
        nxt = start(k + 1) if k + 1 < NCHUNK_W else None
        pend[0].wait()
        pend[1].wait()
        sl = k % 2
        xb, tb = xbufs[sl], tbufs[sl]
        for half in range(2):
            def body(i, carry, xb=xb, tb=tb, half=half):
                out = []
                for r4, (a1, a2, axt, at) in enumerate(carry):
                    r = half * 4 + r4
                    x = xb[r, pl.ds(i * L, L)]
                    t = tb[r, pl.ds(i * L, L)]
                    xm = jnp.where(t > 0.0, SENT, x)
                    a2 = jnp.maximum(a2, jnp.minimum(a1, xm))
                    a1 = jnp.maximum(a1, xm)
                    axt = axt + x * t
                    at = at + t
                    out.append((a1, a2, axt, at))
                return tuple(out)

            accs[half] = plsc.parallel_loop(
                0, CC // L, carry=accs[half])(body)
        pend = nxt

    for half in range(2):
        for r4, (a1, a2, axt, at) in enumerate(accs[half]):
            r = half * 4 + r4
            obuf[r, pl.ds(0, L)] = a1
            obuf[r, pl.ds(L, L)] = a2
            obuf[r, pl.ds(2 * L, L)] = axt
            obuf[r, pl.ds(3 * L, L)] = at
    pltpu.sync_copy(obuf, out_hbm.at[c4, pl.ds(row0, 8), pl.ds(0, 256)])


BK = 8192
NTC = N - SPLIT
NBLK = (NTC + BK - 1) // BK


def _tc_body(x_ref, t_ref, out_ref, r1, r2, axt, at):
    pid = pl.program_id(0)

    @pl.when(pid == 0)
    def _init():
        r1[...] = jnp.full((B, 128), SENT, jnp.float32)
        r2[...] = jnp.full((B, 128), SENT, jnp.float32)
        axt[...] = jnp.zeros((B, 128), jnp.float32)
        at[...] = jnp.zeros((B, 128), jnp.float32)

    x = x_ref[...]
    t = t_ref[...]

    def accum(masked):
        lane = lax.broadcasted_iota(jnp.int32, (B, 128), 1)
        t1 = r1[...]
        t2 = r2[...]
        sxt = axt[...]
        st = at[...]
        for s in range(BK // 128):
            xs = x[:, s * 128:(s + 1) * 128]
            ts = t[:, s * 128:(s + 1) * 128]
            if masked:
                gcol = SPLIT + pid * BK + s * 128 + lane
                valid = gcol < N
                pos = valid & (ts > 0.0)
                xm = jnp.where(pos | ~valid, SENT, xs)
                xts = jnp.where(pos, xs, 0.0)
                tss = jnp.where(valid, ts, 0.0)
            else:
                pos = ts > 0.0
                xm = jnp.where(pos, SENT, xs)
                xts = jnp.where(pos, xs, 0.0)
                tss = ts
            t2 = jnp.maximum(t2, jnp.minimum(t1, xm))
            t1 = jnp.maximum(t1, xm)
            sxt = sxt + xts
            st = st + tss
        r1[...] = t1
        r2[...] = t2
        axt[...] = sxt
        at[...] = st

    @pl.when(pid < NBLK - 1)
    def _fast():
        accum(False)

    @pl.when(pid == NBLK - 1)
    def _last():
        accum(True)
        out_ref[:, 0:128] = r1[...]
        out_ref[:, 128:256] = r2[...]
        out_ref[:, 256:384] = axt[...]
        out_ref[:, 384:512] = at[...]


def _tc_part(input, target):
    return pl.pallas_call(
        _tc_body,
        grid=(NBLK,),
        in_specs=[
            pl.BlockSpec((B, BK), lambda i: (0, SPLIT // BK + i)),
            pl.BlockSpec((B, BK), lambda i: (0, SPLIT // BK + i)),
        ],
        out_specs=pl.BlockSpec((B, 512), lambda i: (0, 0)),
        out_shape=jax.ShapeDtypeStruct((B, 512), jnp.float32),
        scratch_shapes=[pltpu.VMEM((B, 128), jnp.float32)] * 4,
    )(input, target)


def _merge2(p1, p2, q1, q2):
    n2 = jnp.maximum(jnp.minimum(p1, q1), jnp.maximum(p2, q2))
    return jnp.maximum(p1, q1), n2


def _top2_lanes(c1, c2, nl):
    lane = lax.broadcasted_iota(jnp.int32, (B, nl), 1)
    m1 = jnp.max(c1, axis=1, keepdims=True)
    idx1 = jnp.min(jnp.where(c1 == m1, lane, 1 << 20), axis=1, keepdims=True)
    m2 = jnp.max(jnp.where(lane == idx1, c2, c1), axis=1, keepdims=True)
    return m1, m2


def _merge_body(sp_ref, tp_ref, out_ref):
    tp = tp_ref[...]
    m1, m2 = _top2_lanes(tp[:, 0:128], tp[:, 128:256], 128)
    sx = jnp.sum(tp[:, 256:384])
    p = jnp.sum(tp[:, 384:512])
    for c4 in range(4):
        sp = sp_ref[c4]
        s1, s2 = _top2_lanes(sp[:, 0:L], sp[:, L:2 * L], L)
        m1, m2 = _merge2(m1, m2, s1, s2)
        sx = sx + jnp.sum(sp[:, 2 * L:3 * L])
        p = p + jnp.sum(sp[:, 3 * L:4 * L])

    def neg_loss(v):
        return -jnp.log(1.0 - jnp.exp(D * v) * CONST)

    negs = jnp.sum(neg_loss(m1) + neg_loss(m2))
    total = p * (NEG_C + D) - D * sx + negs
    out_ref[0, 0] = total / (B * N)


def kernel(input, target):
    sc_part = _sc_main(input, target)
    tc_part = _tc_part(input, target)
    out = pl.pallas_call(
        _merge_body,
        out_specs=pl.BlockSpec(memory_space=pltpu.SMEM),
        out_shape=jax.ShapeDtypeStruct((1, 1), jnp.float32),
    )(sc_part, tc_part)
    return jnp.reshape(out, ())

# --- scband reference (transcript-rebuilt; emitter-appended) ---
"""Pipeline reference for scband-k-prob-contrastive-loss-75600014344738 (READ-ONLY COPY).

The authoritative reference and input builder live on the scoring server;
editing this copy changes nothing except your own understanding.
"""

import jax, jax.numpy as jnp
import numpy as np
import math

B = 64
N = 100000

def setup_inputs(seed: int = 0) -> dict:
    key = jax.random.key(seed)
    k1, k2 = jax.random.split(key)
    # cosine-similarity-like predictions in [0, 1)
    inp = jax.random.uniform(k1, (B, N), dtype=jnp.float32)
    # 0/1 ground-truth matrix
    tgt = jax.random.randint(k2, (B, N), 0, 2).astype(jnp.float32)
    return {"input": inp, "target": tgt}

def reference(input, target):
    # hyperparameters from init_kwargs
    pos_weight = 1.0
    d = 1.5
    k = 2
    c = math.log(0.9)
    constant = 0.9 / math.exp(d)
    apply_softmax = False

    # elementwise probabilistic contrastive loss
    loss = jnp.where(
        target > 0,
        -c + (1.0 - input) * d * pos_weight,
        -jnp.log(1.0 - jnp.exp(d * input) * constant),
    )
    # top-k negatives per row (positives pushed down by -3 offset)
    neg_vals, neg_ind = jax.lax.top_k(loss - target * 3.0, k)
    loss_neg = jnp.zeros_like(target)
    row_idx = jnp.arange(loss.shape[0])[:, None]
    if apply_softmax:
        neg_probs = jax.nn.softmax(neg_vals, axis=1)
        loss_neg = loss_neg.at[row_idx, neg_ind].set(neg_probs * neg_vals)
    else:
        loss_neg = loss_neg.at[row_idx, neg_ind].set(neg_vals)
    loss = jnp.where(target > 0, loss, loss_neg)
    # reduction='mean'
    return loss.mean()

if __name__ == "__main__":
    import jax
    _d = setup_inputs()
    print(jax.jit(kernel)(*tuple(_d.values())))

</pallas_src>

<mosaic_0001>
#map = affine_map<(d0, d1) -> (0, 0)>
#map1 = affine_map<(d0, d1) -> (0, 0, 0)>
module attributes {stable_mosaic.version = 14 : i64} {
  func.func @_sc_main(%arg0: i32, %arg1: i32, %arg2: memref<64x100000xf32, #tpu.memory_space<hbm>>, %arg3: memref<64x100000xf32, #tpu.memory_space<hbm>>, %arg4: memref<4x64x256xf32, #tpu.memory_space<hbm>>, %arg5: memref<8x2048xf32, #tpu.memory_space<vmem>>, %arg6: memref<8x2048xf32, #tpu.memory_space<vmem>>, %arg7: memref<8x2048xf32, #tpu.memory_space<vmem>>, %arg8: memref<8x2048xf32, #tpu.memory_space<vmem>>, %arg9: memref<8x256xf32, #tpu.memory_space<vmem>>, %arg10: memref<!tpu.dma_semaphore, #tpu.memory_space<semaphore_mem>>, %arg11: memref<!tpu.dma_semaphore, #tpu.memory_space<semaphore_mem>>) attributes {dimension_semantics = [#tpu.dimension_semantics<core_parallel>, #tpu.dimension_semantics<subcore_parallel>], iteration_bounds = array<i64: 2, 16>, scalar_prefetch = 0 : i64, scratch_operands = 7 : i64, tpu.core_type = #tpu.core_type<sc_vector_subcore>, window_params = [{transform_indices = #map}, {transform_indices = #map}, {transform_indices = #map1}]} {
    %mul3A = arith.constant 2 : i32
    %mul3A_0 = arith.muli %arg1, %mul3A : i32
    %add3A = arith.addi %mul3A_0, %arg0 : i32
    %jit3A = arith.constant 4 : i32
    %div3A = arith.divsi %add3A, %jit3A : i32
    %sign3A = arith.constant 0 : i32
    %sign3A_1 = arith.cmpi sgt, %add3A, %sign3A : i32
    %sign3A_2 = arith.extui %sign3A_1 : i1 to i32
    %sign3A_3 = arith.constant 0 : i32
    %sign3A_4 = arith.cmpi slt, %add3A, %sign3A_3 : i32
    %sign3A_5 = arith.extui %sign3A_4 : i1 to i32
    %sign3A_6 = arith.subi %sign3A_2, %sign3A_5 : i32
    %sign3A_7 = arith.constant 0 : i32
    %sign3A_8 = arith.cmpi sgt, %jit3A, %sign3A_7 : i32
    %sign3A_9 = arith.extui %sign3A_8 : i1 to i32
    %sign3A_10 = arith.constant 0 : i32
    %sign3A_11 = arith.cmpi slt, %jit3A, %sign3A_10 : i32
    %sign3A_12 = arith.extui %sign3A_11 : i1 to i32
    %sign3A_13 = arith.subi %sign3A_9, %sign3A_12 : i32
    %ne3A = arith.cmpi ne, %sign3A_6, %sign3A_13 : i32
    %rem3A = arith.remsi %add3A, %jit3A : i32
    %ne3A_14 = arith.constant 0 : i32
    %ne3A_15 = arith.cmpi ne, %rem3A, %ne3A_14 : i32
    %and3A = arith.andi %ne3A, %ne3A_15 : i1
    %sub3A = arith.constant 1 : i32
    %sub3A_16 = arith.subi %div3A, %sub3A : i32
    %select_n3A = arith.select %and3A, %sub3A_16, %div3A : i32
    %jit3A_17 = arith.constant 4 : i32
    %eq3A = arith.constant 0 : i32
    %eq3A_18 = arith.cmpi eq, %jit3A_17, %eq3A : i32
    %jit3A_19 = arith.constant 1 : i32
    %select_n3A_20 = arith.select %eq3A_18, %jit3A_19, %jit3A_17 : i32
    %rem3A_21 = arith.remsi %add3A, %select_n3A_20 : i32
    %ne3A_22 = arith.constant 0 : i32
    %ne3A_23 = arith.cmpi ne, %rem3A_21, %ne3A_22 : i32
    %lt3A = arith.constant 0 : i32
    %lt3A_24 = arith.cmpi slt, %rem3A_21, %lt3A : i32
    %lt3A_25 = arith.constant 0 : i32
    %lt3A_26 = arith.cmpi slt, %select_n3A_20, %lt3A_25 : i32
    %ne3A_27 = arith.xori %lt3A_24, %lt3A_26 : i1
    %and3A_28 = arith.andi %ne3A_27, %ne3A_23 : i1
    %add3A_29 = arith.addi %rem3A_21, %select_n3A_20 : i32
    %select_n3A_30 = arith.select %and3A_28, %add3A_29, %rem3A_21 : i32
    %mul3A_31 = arith.constant 8 : i32
    %mul3A_32 = arith.muli %select_n3A, %mul3A_31 : i32
    %mul3A_33 = arith.constant 8192 : i32
    %mul3A_34 = arith.muli %select_n3A_30, %mul3A_33 : i32
    %broadcast_in_dim3A = arith.constant 0.000000e+00 : f32
    %broadcast_in_dim3A_35 = vector.broadcast %broadcast_in_dim3A : f32 to vector<16xf32>
    %broadcast_in_dim3A_36 = arith.constant -1.000000e+30 : f32
    %broadcast_in_dim3A_37 = vector.broadcast %broadcast_in_dim3A_36 : f32 to vector<16xf32>
    %broadcast_in_dim3A_38 = arith.constant 0.000000e+00 : f32
    %broadcast_in_dim3A_39 = vector.broadcast %broadcast_in_dim3A_38 : f32 to vector<16xf32>
    %broadcast_in_dim3A_40 = arith.constant -1.000000e+30 : f32
    %broadcast_in_dim3A_41 = vector.broadcast %broadcast_in_dim3A_40 : f32 to vector<16xf32>
    %add3A_42 = arith.constant 0 : i32
    %add3A_43 = arith.addi %mul3A_34, %add3A_42 : i32
    %dma_start3A = tpu.memref_slice %arg2[%mul3A_32, %add3A_43] : memref<64x100000xf32, #tpu.memory_space<hbm>> -> memref<8x2048xf32, #tpu.memory_space<hbm>>
    %dma_start3A_44 = tpu.memref_slice %arg2[%mul3A_32, %add3A_43] : memref<64x100000xf32, #tpu.memory_space<hbm>> -> memref<8x2048xf32, #tpu.memory_space<hbm>>
    tpu.enqueue_dma source(%dma_start3A_44 : memref<8x2048xf32, #tpu.memory_space<hbm>>) target(%arg5 : memref<8x2048xf32, #tpu.memory_space<vmem>>) target_semaphore(%arg10 : memref<!tpu.dma_semaphore, #tpu.memory_space<semaphore_mem>>)
    %dma_start3A_45 = tpu.memref_slice %arg3[%mul3A_32, %add3A_43] : memref<64x100000xf32, #tpu.memory_space<hbm>> -> memref<8x2048xf32, #tpu.memory_space<hbm>>
    %dma_start3A_46 = tpu.memref_slice %arg3[%mul3A_32, %add3A_43] : memref<64x100000xf32, #tpu.memory_space<hbm>> -> memref<8x2048xf32, #tpu.memory_space<hbm>>
    tpu.enqueue_dma source(%dma_start3A_46 : memref<8x2048xf32, #tpu.memory_space<hbm>>) target(%arg7 : memref<8x2048xf32, #tpu.memory_space<vmem>>) target_semaphore(%arg10 : memref<!tpu.dma_semaphore, #tpu.memory_space<semaphore_mem>>)
    %add3A_47 = arith.constant 2048 : i32
    %add3A_48 = arith.addi %mul3A_34, %add3A_47 : i32
    %dma_start3A_49 = tpu.memref_slice %arg2[%mul3A_32, %add3A_48] : memref<64x100000xf32, #tpu.memory_space<hbm>> -> memref<8x2048xf32, #tpu.memory_space<hbm>>
    %dma_start3A_50 = tpu.memref_slice %arg2[%mul3A_32, %add3A_48] : memref<64x100000xf32, #tpu.memory_space<hbm>> -> memref<8x2048xf32, #tpu.memory_space<hbm>>
    tpu.enqueue_dma source(%dma_start3A_50 : memref<8x2048xf32, #tpu.memory_space<hbm>>) target(%arg6 : memref<8x2048xf32, #tpu.memory_space<vmem>>) target_semaphore(%arg11 : memref<!tpu.dma_semaphore, #tpu.memory_space<semaphore_mem>>)
    %dma_start3A_51 = tpu.memref_slice %arg3[%mul3A_32, %add3A_48] : memref<64x100000xf32, #tpu.memory_space<hbm>> -> memref<8x2048xf32, #tpu.memory_space<hbm>>
    %dma_start3A_52 = tpu.memref_slice %arg3[%mul3A_32, %add3A_48] : memref<64x100000xf32, #tpu.memory_space<hbm>> -> memref<8x2048xf32, #tpu.memory_space<hbm>>
    tpu.enqueue_dma source(%dma_start3A_52 : memref<8x2048xf32, #tpu.memory_space<hbm>>) target(%arg8 : memref<8x2048xf32, #tpu.memory_space<vmem>>) target_semaphore(%arg11 : memref<!tpu.dma_semaphore, #tpu.memory_space<semaphore_mem>>)
    %dma_wait3A = tpu.memref_slice %arg2[%mul3A_32, %add3A_43] : memref<64x100000xf32, #tpu.memory_space<hbm>> -> memref<8x2048xf32, #tpu.memory_space<hbm>>
    %dma_wait3A_53 = tpu.memref_slice %arg2[%mul3A_32, %add3A_43] : memref<64x100000xf32, #tpu.memory_space<hbm>> -> memref<8x2048xf32, #tpu.memory_space<hbm>>
    tpu.wait_dma2 semaphore(%arg10 : memref<!tpu.dma_semaphore, #tpu.memory_space<semaphore_mem>>) src(%dma_wait3A_53 : memref<8x2048xf32, #tpu.memory_space<hbm>>) dst(%arg5 : memref<8x2048xf32, #tpu.memory_space<vmem>>)
    %dma_wait3A_54 = tpu.memref_slice %arg3[%mul3A_32, %add3A_43] : memref<64x100000xf32, #tpu.memory_space<hbm>> -> memref<8x2048xf32, #tpu.memory_space<hbm>>
    %dma_wait3A_55 = tpu.memref_slice %arg3[%mul3A_32, %add3A_43] : memref<64x100000xf32, #tpu.memory_space<hbm>> -> memref<8x2048xf32, #tpu.memory_space<hbm>>
    tpu.wait_dma2 semaphore(%arg10 : memref<!tpu.dma_semaphore, #tpu.memory_space<semaphore_mem>>) src(%dma_wait3A_55 : memref<8x2048xf32, #tpu.memory_space<hbm>>) dst(%arg7 : memref<8x2048xf32, #tpu.memory_space<vmem>>)
    %parallel_loop3A = arith.constant 0 : i32
    %parallel_loop3A_56 = arith.constant 128 : i32
    %parallel_loop3A_57 = arith.constant 1 : i32
    %parallel_loop3A_58:16 = scf.for %parallel_loop3A_302 = %parallel_loop3A to %parallel_loop3A_56 step %parallel_loop3A_57 iter_args(%parallel_loop3A_303 = %broadcast_in_dim3A_37, %parallel_loop3A_304 = %broadcast_in_dim3A_37, %parallel_loop3A_305 = %broadcast_in_dim3A_35, %parallel_loop3A_306 = %broadcast_in_dim3A_35, %parallel_loop3A_307 = %broadcast_in_dim3A_37, %parallel_loop3A_308 = %broadcast_in_dim3A_37, %parallel_loop3A_309 = %broadcast_in_dim3A_35, %parallel_loop3A_310 = %broadcast_in_dim3A_35, %parallel_loop3A_311 = %broadcast_in_dim3A_37, %parallel_loop3A_312 = %broadcast_in_dim3A_37, %parallel_loop3A_313 = %broadcast_in_dim3A_35, %parallel_loop3A_314 = %broadcast_in_dim3A_35, %parallel_loop3A_315 = %broadcast_in_dim3A_37, %parallel_loop3A_316 = %broadcast_in_dim3A_37, %parallel_loop3A_317 = %broadcast_in_dim3A_35, %parallel_loop3A_318 = %broadcast_in_dim3A_35) -> (vector<16xf32>, vector<16xf32>, vector<16xf32>, vector<16xf32>, vector<16xf32>, vector<16xf32>, vector<16xf32>, vector<16xf32>, vector<16xf32>, vector<16xf32>, vector<16xf32>, vector<16xf32>, vector<16xf32>, vector<16xf32>, vector<16xf32>, vector<16xf32>)  : i32 {
      %parallel_loop3A_319 = arith.constant 16 : i32
      %parallel_loop3A_320 = arith.muli %parallel_loop3A_302, %parallel_loop3A_319 : i32
      %parallel_loop3A_321 = arith.constant 0 : i32
      %parallel_loop3A_322 = arith.index_cast %parallel_loop3A_321 : i32 to index
      %parallel_loop3A_323 = arith.index_cast %parallel_loop3A_320 : i32 to index
      %parallel_loop3A_324 = tpu.vector_load %arg5[%parallel_loop3A_322, %parallel_loop3A_323] {strides = array<i32>} : memref<8x2048xf32, #tpu.memory_space<vmem>>, vector<1x16xf32>,
      %parallel_loop3A_325 = vector.shape_cast %parallel_loop3A_324 : vector<1x16xf32> to vector<16xf32>
      %parallel_loop3A_326 = arith.constant 16 : i32
      %parallel_loop3A_327 = arith.muli %parallel_loop3A_302, %parallel_loop3A_326 : i32
      %parallel_loop3A_328 = arith.constant 0 : i32
      %parallel_loop3A_329 = arith.index_cast %parallel_loop3A_328 : i32 to index
      %parallel_loop3A_330 = arith.index_cast %parallel_loop3A_327 : i32 to index
      %parallel_loop3A_331 = tpu.vector_load %arg7[%parallel_loop3A_329, %parallel_loop3A_330] {strides = array<i32>} : memref<8x2048xf32, #tpu.memory_space<vmem>>, vector<1x16xf32>,
      %parallel_loop3A_332 = vector.shape_cast %parallel_loop3A_331 : vector<1x16xf32> to vector<16xf32>
      %parallel_loop3A_333 = arith.constant 0.000000e+00 : f32
      %parallel_loop3A_334 = vector.broadcast %parallel_loop3A_333 : f32 to vector<16xf32>
      %parallel_loop3A_335 = arith.cmpf ogt, %parallel_loop3A_332, %parallel_loop3A_334 : vector<16xf32>
      %parallel_loop3A_336 = arith.constant -1.000000e+30 : f32
      %parallel_loop3A_337 = vector.broadcast %parallel_loop3A_336 : f32 to vector<16xf32>
      %parallel_loop3A_338 = arith.select %parallel_loop3A_335, %parallel_loop3A_337, %parallel_loop3A_325 : vector<16xi1>, vector<16xf32>
      %parallel_loop3A_339 = arith.minimumf %parallel_loop3A_303, %parallel_loop3A_338 : vector<16xf32>
      %parallel_loop3A_340 = arith.maximumf %parallel_loop3A_304, %parallel_loop3A_339 : vector<16xf32>
      %parallel_loop3A_341 = arith.maximumf %parallel_loop3A_303, %parallel_loop3A_338 : vector<16xf32>
      %parallel_loop3A_342 = arith.mulf %parallel_loop3A_325, %parallel_loop3A_332 : vector<16xf32>
      %parallel_loop3A_343 = arith.addf %parallel_loop3A_305, %parallel_loop3A_342 : vector<16xf32>
      %parallel_loop3A_344 = arith.addf %parallel_loop3A_306, %parallel_loop3A_332 : vector<16xf32>
      %parallel_loop3A_345 = arith.constant 16 : i32
      %parallel_loop3A_346 = arith.muli %parallel_loop3A_302, %parallel_loop3A_345 : i32
      %parallel_loop3A_347 = arith.constant 1 : i32
      %parallel_loop3A_348 = arith.index_cast %parallel_loop3A_347 : i32 to index
      %parallel_loop3A_349 = arith.index_cast %parallel_loop3A_346 : i32 to index
      %parallel_loop3A_350 = tpu.vector_load %arg5[%parallel_loop3A_348, %parallel_loop3A_349] {strides = array<i32>} : memref<8x2048xf32, #tpu.memory_space<vmem>>, vector<1x16xf32>,
      %parallel_loop3A_351 = vector.shape_cast %parallel_loop3A_350 : vector<1x16xf32> to vector<16xf32>
      %parallel_loop3A_352 = arith.constant 16 : i32
      %parallel_loop3A_353 = arith.muli %parallel_loop3A_302, %parallel_loop3A_352 : i32
      %parallel_loop3A_354 = arith.constant 1 : i32
      %parallel_loop3A_355 = arith.index_cast %parallel_loop3A_354 : i32 to index
      %parallel_loop3A_356 = arith.index_cast %parallel_loop3A_353 : i32 to index
      %parallel_loop3A_357 = tpu.vector_load %arg7[%parallel_loop3A_355, %parallel_loop3A_356] {strides = array<i32>} : memref<8x2048xf32, #tpu.memory_space<vmem>>, vector<1x16xf32>,
      %parallel_loop3A_358 = vector.shape_cast %parallel_loop3A_357 : vector<1x16xf32> to vector<16xf32>
      %parallel_loop3A_359 = arith.constant 0.000000e+00 : f32
      %parallel_loop3A_360 = vector.broadcast %parallel_loop3A_359 : f32 to vector<16xf32>
      %parallel_loop3A_361 = arith.cmpf ogt, %parallel_loop3A_358, %parallel_loop3A_360 : vector<16xf32>
      %parallel_loop3A_362 = arith.constant -1.000000e+30 : f32
      %parallel_loop3A_363 = vector.broadcast %parallel_loop3A_362 : f32 to vector<16xf32>
      %parallel_loop3A_364 = arith.select %parallel_loop3A_361, %parallel_loop3A_363, %parallel_loop3A_351 : vector<16xi1>, vector<16xf32>
      %parallel_loop3A_365 = arith.minimumf %parallel_loop3A_307, %parallel_loop3A_364 : vector<16xf32>
      %parallel_loop3A_366 = arith.maximumf %parallel_loop3A_308, %parallel_loop3A_365 : vector<16xf32>
      %parallel_loop3A_367 = arith.maximumf %parallel_loop3A_307, %parallel_loop3A_364 : vector<16xf32>
      %parallel_loop3A_368 = arith.mulf %parallel_loop3A_351, %parallel_loop3A_358 : vector<16xf32>
      %parallel_loop3A_369 = arith.addf %parallel_loop3A_309, %parallel_loop3A_368 : vector<16xf32>
      %parallel_loop3A_370 = arith.addf %parallel_loop3A_310, %parallel_loop3A_358 : vector<16xf32>
      %parallel_loop3A_371 = arith.constant 16 : i32
      %parallel_loop3A_372 = arith.muli %parallel_loop3A_302, %parallel_loop3A_371 : i32
      %parallel_loop3A_373 = arith.constant 2 : i32
      %parallel_loop3A_374 = arith.index_cast %parallel_loop3A_373 : i32 to index
      %parallel_loop3A_375 = arith.index_cast %parallel_loop3A_372 : i32 to index
      %parallel_loop3A_376 = tpu.vector_load %arg5[%parallel_loop3A_374, %parallel_loop3A_375] {strides = array<i32>} : memref<8x2048xf32, #tpu.memory_space<vmem>>, vector<1x16xf32>,
      %parallel_loop3A_377 = vector.shape_cast %parallel_loop3A_376 : vector<1x16xf32> to vector<16xf32>
      %parallel_loop3A_378 = arith.constant 16 : i32
      %parallel_loop3A_379 = arith.muli %parallel_loop3A_302, %parallel_loop3A_378 : i32
      %parallel_loop3A_380 = arith.constant 2 : i32
      %parallel_loop3A_381 = arith.index_cast %parallel_loop3A_380 : i32 to index
      %parallel_loop3A_382 = arith.index_cast %parallel_loop3A_379 : i32 to index
      %parallel_loop3A_383 = tpu.vector_load %arg7[%parallel_loop3A_381, %parallel_loop3A_382] {strides = array<i32>} : memref<8x2048xf32, #tpu.memory_space<vmem>>, vector<1x16xf32>,
      %parallel_loop3A_384 = vector.shape_cast %parallel_loop3A_383 : vector<1x16xf32> to vector<16xf32>
      %parallel_loop3A_385 = arith.constant 0.000000e+00 : f32
      %parallel_loop3A_386 = vector.broadcast %parallel_loop3A_385 : f32 to vector<16xf32>
      %parallel_loop3A_387 = arith.cmpf ogt, %parallel_loop3A_384, %parallel_loop3A_386 : vector<16xf32>
      %parallel_loop3A_388 = arith.constant -1.000000e+30 : f32
      %parallel_loop3A_389 = vector.broadcast %parallel_loop3A_388 : f32 to vector<16xf32>
      %parallel_loop3A_390 = arith.select %parallel_loop3A_387, %parallel_loop3A_389, %parallel_loop3A_377 : vector<16xi1>, vector<16xf32>
      %parallel_loop3A_391 = arith.minimumf %parallel_loop3A_311, %parallel_loop3A_390 : vector<16xf32>
      %parallel_loop3A_392 = arith.maximumf %parallel_loop3A_312, %parallel_loop3A_391 : vector<16xf32>
      %parallel_loop3A_393 = arith.maximumf %parallel_loop3A_311, %parallel_loop3A_390 : vector<16xf32>
      %parallel_loop3A_394 = arith.mulf %parallel_loop3A_377, %parallel_loop3A_384 : vector<16xf32>
      %parallel_loop3A_395 = arith.addf %parallel_loop3A_313, %parallel_loop3A_394 : vector<16xf32>
      %parallel_loop3A_396 = arith.addf %parallel_loop3A_314, %parallel_loop3A_384 : vector<16xf32>
      %parallel_loop3A_397 = arith.constant 16 : i32
      %parallel_loop3A_398 = arith.muli %parallel_loop3A_302, %parallel_loop3A_397 : i32
      %parallel_loop3A_399 = arith.constant 3 : i32
      %parallel_loop3A_400 = arith.index_cast %parallel_loop3A_399 : i32 to index
      %parallel_loop3A_401 = arith.index_cast %parallel_loop3A_398 : i32 to index
      %parallel_loop3A_402 = tpu.vector_load %arg5[%parallel_loop3A_400, %parallel_loop3A_401] {strides = array<i32>} : memref<8x2048xf32, #tpu.memory_space<vmem>>, vector<1x16xf32>,
      %parallel_loop3A_403 = vector.shape_cast %parallel_loop3A_402 : vector<1x16xf32> to vector<16xf32>
      %parallel_loop3A_404 = arith.constant 16 : i32
      %parallel_loop3A_405 = arith.muli %parallel_loop3A_302, %parallel_loop3A_404 : i32
      %parallel_loop3A_406 = arith.constant 3 : i32
      %parallel_loop3A_407 = arith.index_cast %parallel_loop3A_406 : i32 to index
      %parallel_loop3A_408 = arith.index_cast %parallel_loop3A_405 : i32 to index
      %parallel_loop3A_409 = tpu.vector_load %arg7[%parallel_loop3A_407, %parallel_loop3A_408] {strides = array<i32>} : memref<8x2048xf32, #tpu.memory_space<vmem>>, vector<1x16xf32>,
      %parallel_loop3A_410 = vector.shape_cast %parallel_loop3A_409 : vector<1x16xf32> to vector<16xf32>
      %parallel_loop3A_411 = arith.constant 0.000000e+00 : f32
      %parallel_loop3A_412 = vector.broadcast %parallel_loop3A_411 : f32 to vector<16xf32>
      %parallel_loop3A_413 = arith.cmpf ogt, %parallel_loop3A_410, %parallel_loop3A_412 : vector<16xf32>
      %parallel_loop3A_414 = arith.constant -1.000000e+30 : f32
      %parallel_loop3A_415 = vector.broadcast %parallel_loop3A_414 : f32 to vector<16xf32>
      %parallel_loop3A_416 = arith.select %parallel_loop3A_413, %parallel_loop3A_415, %parallel_loop3A_403 : vector<16xi1>, vector<16xf32>
      %parallel_loop3A_417 = arith.minimumf %parallel_loop3A_315, %parallel_loop3A_416 : vector<16xf32>
      %parallel_loop3A_418 = arith.maximumf %parallel_loop3A_316, %parallel_loop3A_417 : vector<16xf32>
      %parallel_loop3A_419 = arith.maximumf %parallel_loop3A_315, %parallel_loop3A_416 : vector<16xf32>
      %parallel_loop3A_420 = arith.mulf %parallel_loop3A_403, %parallel_loop3A_410 : vector<16xf32>
      %parallel_loop3A_421 = arith.addf %parallel_loop3A_317, %parallel_loop3A_420 : vector<16xf32>
      %parallel_loop3A_422 = arith.addf %parallel_loop3A_318, %parallel_loop3A_410 : vector<16xf32>
      scf.yield %parallel_loop3A_341, %parallel_loop3A_340, %parallel_loop3A_343, %parallel_loop3A_344, %parallel_loop3A_367, %parallel_loop3A_366, %parallel_loop3A_369, %parallel_loop3A_370, %parallel_loop3A_393, %parallel_loop3A_392, %parallel_loop3A_395, %parallel_loop3A_396, %parallel_loop3A_419, %parallel_loop3A_418, %parallel_loop3A_421, %parallel_loop3A_422 : vector<16xf32>, vector<16xf32>, vector<16xf32>, vector<16xf32>, vector<16xf32>, vector<16xf32>, vector<16xf32>, vector<16xf32>, vector<16xf32>, vector<16xf32>, vector<16xf32>, vector<16xf32>, vector<16xf32>, vector<16xf32>, vector<16xf32>, vector<16xf32>
    } {sc.loop_unroll_factor = 1 : i64, sc.parallel_access}
    %parallel_loop3A_59 = arith.constant 0 : i32
    %parallel_loop3A_60 = arith.constant 128 : i32
    %parallel_loop3A_61 = arith.constant 1 : i32
    %parallel_loop3A_62:16 = scf.for %parallel_loop3A_302 = %parallel_loop3A_59 to %parallel_loop3A_60 step %parallel_loop3A_61 iter_args(%parallel_loop3A_303 = %broadcast_in_dim3A_41, %parallel_loop3A_304 = %broadcast_in_dim3A_41, %parallel_loop3A_305 = %broadcast_in_dim3A_39, %parallel_loop3A_306 = %broadcast_in_dim3A_39, %parallel_loop3A_307 = %broadcast_in_dim3A_41, %parallel_loop3A_308 = %broadcast_in_dim3A_41, %parallel_loop3A_309 = %broadcast_in_dim3A_39, %parallel_loop3A_310 = %broadcast_in_dim3A_39, %parallel_loop3A_311 = %broadcast_in_dim3A_41, %parallel_loop3A_312 = %broadcast_in_dim3A_41, %parallel_loop3A_313 = %broadcast_in_dim3A_39, %parallel_loop3A_314 = %broadcast_in_dim3A_39, %parallel_loop3A_315 = %broadcast_in_dim3A_41, %parallel_loop3A_316 = %broadcast_in_dim3A_41, %parallel_loop3A_317 = %broadcast_in_dim3A_39, %parallel_loop3A_318 = %broadcast_in_dim3A_39) -> (vector<16xf32>, vector<16xf32>, vector<16xf32>, vector<16xf32>, vector<16xf32>, vector<16xf32>, vector<16xf32>, vector<16xf32>, vector<16xf32>, vector<16xf32>, vector<16xf32>, vector<16xf32>, vector<16xf32>, vector<16xf32>, vector<16xf32>, vector<16xf32>)  : i32 {
      %parallel_loop3A_319 = arith.constant 16 : i32
      %parallel_loop3A_320 = arith.muli %parallel_loop3A_302, %parallel_loop3A_319 : i32
      %parallel_loop3A_321 = arith.constant 4 : i32
      %parallel_loop3A_322 = arith.index_cast %parallel_loop3A_321 : i32 to index
      %parallel_loop3A_323 = arith.index_cast %parallel_loop3A_320 : i32 to index
      %parallel_loop3A_324 = tpu.vector_load %arg5[%parallel_loop3A_322, %parallel_loop3A_323] {strides = array<i32>} : memref<8x2048xf32, #tpu.memory_space<vmem>>, vector<1x16xf32>,
      %parallel_loop3A_325 = vector.shape_cast %parallel_loop3A_324 : vector<1x16xf32> to vector<16xf32>
      %parallel_loop3A_326 = arith.constant 16 : i32
      %parallel_loop3A_327 = arith.muli %parallel_loop3A_302, %parallel_loop3A_326 : i32
      %parallel_loop3A_328 = arith.constant 4 : i32
      %parallel_loop3A_329 = arith.index_cast %parallel_loop3A_328 : i32 to index
      %parallel_loop3A_330 = arith.index_cast %parallel_loop3A_327 : i32 to index
      %parallel_loop3A_331 = tpu.vector_load %arg7[%parallel_loop3A_329, %parallel_loop3A_330] {strides = array<i32>} : memref<8x2048xf32, #tpu.memory_space<vmem>>, vector<1x16xf32>,
      %parallel_loop3A_332 = vector.shape_cast %parallel_loop3A_331 : vector<1x16xf32> to vector<16xf32>
      %parallel_loop3A_333 = arith.constant 0.000000e+00 : f32
      %parallel_loop3A_334 = vector.broadcast %parallel_loop3A_333 : f32 to vector<16xf32>
      %parallel_loop3A_335 = arith.cmpf ogt, %parallel_loop3A_332, %parallel_loop3A_334 : vector<16xf32>
      %parallel_loop3A_336 = arith.constant -1.000000e+30 : f32
      %parallel_loop3A_337 = vector.broadcast %parallel_loop3A_336 : f32 to vector<16xf32>
      %parallel_loop3A_338 = arith.select %parallel_loop3A_335, %parallel_loop3A_337, %parallel_loop3A_325 : vector<16xi1>, vector<16xf32>
      %parallel_loop3A_339 = arith.minimumf %parallel_loop3A_303, %parallel_loop3A_338 : vector<16xf32>
      %parallel_loop3A_340 = arith.maximumf %parallel_loop3A_304, %parallel_loop3A_339 : vector<16xf32>
      %parallel_loop3A_341 = arith.maximumf %parallel_loop3A_303, %parallel_loop3A_338 : vector<16xf32>
      %parallel_loop3A_342 = arith.mulf %parallel_loop3A_325, %parallel_loop3A_332 : vector<16xf32>
      %parallel_loop3A_343 = arith.addf %parallel_loop3A_305, %parallel_loop3A_342 : vector<16xf32>
      %parallel_loop3A_344 = arith.addf %parallel_loop3A_306, %parallel_loop3A_332 : vector<16xf32>
      %parallel_loop3A_345 = arith.constant 16 : i32
      %parallel_loop3A_346 = arith.muli %parallel_loop3A_302, %parallel_loop3A_345 : i32
      %parallel_loop3A_347 = arith.constant 5 : i32
      %parallel_loop3A_348 = arith.index_cast %parallel_loop3A_347 : i32 to index
      %parallel_loop3A_349 = arith.index_cast %parallel_loop3A_346 : i32 to index
      %parallel_loop3A_350 = tpu.vector_load %arg5[%parallel_loop3A_348, %parallel_loop3A_349] {strides = array<i32>} : memref<8x2048xf32, #tpu.memory_space<vmem>>, vector<1x16xf32>,
      %parallel_loop3A_351 = vector.shape_cast %parallel_loop3A_350 : vector<1x16xf32> to vector<16xf32>
      %parallel_loop3A_352 = arith.constant 16 : i32
      %parallel_loop3A_353 = arith.muli %parallel_loop3A_302, %parallel_loop3A_352 : i32
      %parallel_loop3A_354 = arith.constant 5 : i32
      %parallel_loop3A_355 = arith.index_cast %parallel_loop3A_354 : i32 to index
      %parallel_loop3A_356 = arith.index_cast %parallel_loop3A_353 : i32 to index
      %parallel_loop3A_357 = tpu.vector_load %arg7[%parallel_loop3A_355, %parallel_loop3A_356] {strides = array<i32>} : memref<8x2048xf32, #tpu.memory_space<vmem>>, vector<1x16xf32>,
      %parallel_loop3A_358 = vector.shape_cast %parallel_loop3A_357 : vector<1x16xf32> to vector<16xf32>
      %parallel_loop3A_359 = arith.constant 0.000000e+00 : f32
      %parallel_loop3A_360 = vector.broadcast %parallel_loop3A_359 : f32 to vector<16xf32>
      %parallel_loop3A_361 = arith.cmpf ogt, %parallel_loop3A_358, %parallel_loop3A_360 : vector<16xf32>
      %parallel_loop3A_362 = arith.constant -1.000000e+30 : f32
      %parallel_loop3A_363 = vector.broadcast %parallel_loop3A_362 : f32 to vector<16xf32>
      %parallel_loop3A_364 = arith.select %parallel_loop3A_361, %parallel_loop3A_363, %parallel_loop3A_351 : vector<16xi1>, vector<16xf32>
      %parallel_loop3A_365 = arith.minimumf %parallel_loop3A_307, %parallel_loop3A_364 : vector<16xf32>
      %parallel_loop3A_366 = arith.maximumf %parallel_loop3A_308, %parallel_loop3A_365 : vector<16xf32>
      %parallel_loop3A_367 = arith.maximumf %parallel_loop3A_307, %parallel_loop3A_364 : vector<16xf32>
      %parallel_loop3A_368 = arith.mulf %parallel_loop3A_351, %parallel_loop3A_358 : vector<16xf32>
      %parallel_loop3A_369 = arith.addf %parallel_loop3A_309, %parallel_loop3A_368 : vector<16xf32>
      %parallel_loop3A_370 = arith.addf %parallel_loop3A_310, %parallel_loop3A_358 : vector<16xf32>
      %parallel_loop3A_371 = arith.constant 16 : i32
      %parallel_loop3A_372 = arith.muli %parallel_loop3A_302, %parallel_loop3A_371 : i32
      %parallel_loop3A_373 = arith.constant 6 : i32
      %parallel_loop3A_374 = arith.index_cast %parallel_loop3A_373 : i32 to index
      %parallel_loop3A_375 = arith.index_cast %parallel_loop3A_372 : i32 to index
      %parallel_loop3A_376 = tpu.vector_load %arg5[%parallel_loop3A_374, %parallel_loop3A_375] {strides = array<i32>} : memref<8x2048xf32, #tpu.memory_space<vmem>>, vector<1x16xf32>,
      %parallel_loop3A_377 = vector.shape_cast %parallel_loop3A_376 : vector<1x16xf32> to vector<16xf32>
      %parallel_loop3A_378 = arith.constant 16 : i32
      %parallel_loop3A_379 = arith.muli %parallel_loop3A_302, %parallel_loop3A_378 : i32
      %parallel_loop3A_380 = arith.constant 6 : i32
      %parallel_loop3A_381 = arith.index_cast %parallel_loop3A_380 : i32 to index
      %parallel_loop3A_382 = arith.index_cast %parallel_loop3A_379 : i32 to index
      %parallel_loop3A_383 = tpu.vector_load %arg7[%parallel_loop3A_381, %parallel_loop3A_382] {strides = array<i32>} : memref<8x2048xf32, #tpu.memory_space<vmem>>, vector<1x16xf32>,
      %parallel_loop3A_384 = vector.shape_cast %parallel_loop3A_383 : vector<1x16xf32> to vector<16xf32>
      %parallel_loop3A_385 = arith.constant 0.000000e+00 : f32
      %parallel_loop3A_386 = vector.broadcast %parallel_loop3A_385 : f32 to vector<16xf32>
      %parallel_loop3A_387 = arith.cmpf ogt, %parallel_loop3A_384, %parallel_loop3A_386 : vector<16xf32>
      %parallel_loop3A_388 = arith.constant -1.000000e+30 : f32
      %parallel_loop3A_389 = vector.broadcast %parallel_loop3A_388 : f32 to vector<16xf32>
      %parallel_loop3A_390 = arith.select %parallel_loop3A_387, %parallel_loop3A_389, %parallel_loop3A_377 : vector<16xi1>, vector<16xf32>
      %parallel_loop3A_391 = arith.minimumf %parallel_loop3A_311, %parallel_loop3A_390 : vector<16xf32>
      %parallel_loop3A_392 = arith.maximumf %parallel_loop3A_312, %parallel_loop3A_391 : vector<16xf32>
      %parallel_loop3A_393 = arith.maximumf %parallel_loop3A_311, %parallel_loop3A_390 : vector<16xf32>
      %parallel_loop3A_394 = arith.mulf %parallel_loop3A_377, %parallel_loop3A_384 : vector<16xf32>
      %parallel_loop3A_395 = arith.addf %parallel_loop3A_313, %parallel_loop3A_394 : vector<16xf32>
      %parallel_loop3A_396 = arith.addf %parallel_loop3A_314, %parallel_loop3A_384 : vector<16xf32>
      %parallel_loop3A_397 = arith.constant 16 : i32
      %parallel_loop3A_398 = arith.muli %parallel_loop3A_302, %parallel_loop3A_397 : i32
      %parallel_loop3A_399 = arith.constant 7 : i32
      %parallel_loop3A_400 = arith.index_cast %parallel_loop3A_399 : i32 to index
      %parallel_loop3A_401 = arith.index_cast %parallel_loop3A_398 : i32 to index
      %parallel_loop3A_402 = tpu.vector_load %arg5[%parallel_loop3A_400, %parallel_loop3A_401] {strides = array<i32>} : memref<8x2048xf32, #tpu.memory_space<vmem>>, vector<1x16xf32>,
      %parallel_loop3A_403 = vector.shape_cast %parallel_loop3A_402 : vector<1x16xf32> to vector<16xf32>
      %parallel_loop3A_404 = arith.constant 16 : i32
      %parallel_loop3A_405 = arith.muli %parallel_loop3A_302, %parallel_loop3A_404 : i32
      %parallel_loop3A_406 = arith.constant 7 : i32
      %parallel_loop3A_407 = arith.index_cast %parallel_loop3A_406 : i32 to index
      %parallel_loop3A_408 = arith.index_cast %parallel_loop3A_405 : i32 to index
      %parallel_loop3A_409 = tpu.vector_load %arg7[%parallel_loop3A_407, %parallel_loop3A_408] {strides = array<i32>} : memref<8x2048xf32, #tpu.memory_space<vmem>>, vector<1x16xf32>,
      %parallel_loop3A_410 = vector.shape_cast %parallel_loop3A_409 : vector<1x16xf32> to vector<16xf32>
      %parallel_loop3A_411 = arith.constant 0.000000e+00 : f32
      %parallel_loop3A_412 = vector.broadcast %parallel_loop3A_411 : f32 to vector<16xf32>
      %parallel_loop3A_413 = arith.cmpf ogt, %parallel_loop3A_410, %parallel_loop3A_412 : vector<16xf32>
      %parallel_loop3A_414 = arith.constant -1.000000e+30 : f32
      %parallel_loop3A_415 = vector.broadcast %parallel_loop3A_414 : f32 to vector<16xf32>
      %parallel_loop3A_416 = arith.select %parallel_loop3A_413, %parallel_loop3A_415, %parallel_loop3A_403 : vector<16xi1>, vector<16xf32>
      %parallel_loop3A_417 = arith.minimumf %parallel_loop3A_315, %parallel_loop3A_416 : vector<16xf32>
      %parallel_loop3A_418 = arith.maximumf %parallel_loop3A_316, %parallel_loop3A_417 : vector<16xf32>
      %parallel_loop3A_419 = arith.maximumf %parallel_loop3A_315, %parallel_loop3A_416 : vector<16xf32>
      %parallel_loop3A_420 = arith.mulf %parallel_loop3A_403, %parallel_loop3A_410 : vector<16xf32>
      %parallel_loop3A_421 = arith.addf %parallel_loop3A_317, %parallel_loop3A_420 : vector<16xf32>
      %parallel_loop3A_422 = arith.addf %parallel_loop3A_318, %parallel_loop3A_410 : vector<16xf32>
      scf.yield %parallel_loop3A_341, %parallel_loop3A_340, %parallel_loop3A_343, %parallel_loop3A_344, %parallel_loop3A_367, %parallel_loop3A_366, %parallel_loop3A_369, %parallel_loop3A_370, %parallel_loop3A_393, %parallel_loop3A_392, %parallel_loop3A_395, %parallel_loop3A_396, %parallel_loop3A_419, %parallel_loop3A_418, %parallel_loop3A_421, %parallel_loop3A_422 : vector<16xf32>, vector<16xf32>, vector<16xf32>, vector<16xf32>, vector<16xf32>, vector<16xf32>, vector<16xf32>, vector<16xf32>, vector<16xf32>, vector<16xf32>, vector<16xf32>, vector<16xf32>, vector<16xf32>, vector<16xf32>, vector<16xf32>, vector<16xf32>
    } {sc.loop_unroll_factor = 1 : i64, sc.parallel_access}
    %add3A_63 = arith.constant 4096 : i32
    %add3A_64 = arith.addi %mul3A_34, %add3A_63 : i32
    %dma_start3A_65 = tpu.memref_slice %arg2[%mul3A_32, %add3A_64] : memref<64x100000xf32, #tpu.memory_space<hbm>> -> memref<8x2048xf32, #tpu.memory_space<hbm>>
    %dma_start3A_66 = tpu.memref_slice %arg2[%mul3A_32, %add3A_64] : memref<64x100000xf32, #tpu.memory_space<hbm>> -> memref<8x2048xf32, #tpu.memory_space<hbm>>
    tpu.enqueue_dma source(%dma_start3A_66 : memref<8x2048xf32, #tpu.memory_space<hbm>>) target(%arg5 : memref<8x2048xf32, #tpu.memory_space<vmem>>) target_semaphore(%arg10 : memref<!tpu.dma_semaphore, #tpu.memory_space<semaphore_mem>>)
    %dma_start3A_67 = tpu.memref_slice %arg3[%mul3A_32, %add3A_64] : memref<64x100000xf32, #tpu.memory_space<hbm>> -> memref<8x2048xf32, #tpu.memory_space<hbm>>
    %dma_start3A_68 = tpu.memref_slice %arg3[%mul3A_32, %add3A_64] : memref<64x100000xf32, #tpu.memory_space<hbm>> -> memref<8x2048xf32, #tpu.memory_space<hbm>>
    tpu.enqueue_dma source(%dma_start3A_68 : memref<8x2048xf32, #tpu.memory_space<hbm>>) target(%arg7 : memref<8x2048xf32, #tpu.memory_space<vmem>>) target_semaphore(%arg10 : memref<!tpu.dma_semaphore, #tpu.memory_space<semaphore_mem>>)
    %dma_wait3A_69 = tpu.memref_slice %arg2[%mul3A_32, %add3A_48] : memref<64x100000xf32, #tpu.memory_space<hbm>> -> memref<8x2048xf32, #tpu.memory_space<hbm>>
    %dma_wait3A_70 = tpu.memref_slice %arg2[%mul3A_32, %add3A_48] : memref<64x100000xf32, #tpu.memory_space<hbm>> -> memref<8x2048xf32, #tpu.memory_space<hbm>>
    tpu.wait_dma2 semaphore(%arg11 : memref<!tpu.dma_semaphore, #tpu.memory_space<semaphore_mem>>) src(%dma_wait3A_70 : memref<8x2048xf32, #tpu.memory_space<hbm>>) dst(%arg6 : memref<8x2048xf32, #tpu.memory_space<vmem>>)
    %dma_wait3A_71 = tpu.memref_slice %arg3[%mul3A_32, %add3A_48] : memref<64x100000xf32, #tpu.memory_space<hbm>> -> memref<8x2048xf32, #tpu.memory_space<hbm>>
    %dma_wait3A_72 = tpu.memref_slice %arg3[%mul3A_32, %add3A_48] : memref<64x100000xf32, #tpu.memory_space<hbm>> -> memref<8x2048xf32, #tpu.memory_space<hbm>>
    tpu.wait_dma2 semaphore(%arg11 : memref<!tpu.dma_semaphore, #tpu.memory_space<semaphore_mem>>) src(%dma_wait3A_72 : memref<8x2048xf32, #tpu.memory_space<hbm>>) dst(%arg8 : memref<8x2048xf32, #tpu.memory_space<vmem>>)
    %parallel_loop3A_73 = arith.constant 0 : i32
    %parallel_loop3A_74 = arith.constant 128 : i32
    %parallel_loop3A_75 = arith.constant 1 : i32
    %parallel_loop3A_76:16 = scf.for %parallel_loop3A_302 = %parallel_loop3A_73 to %parallel_loop3A_74 step %parallel_loop3A_75 iter_args(%parallel_loop3A_303 = %parallel_loop3A_58#0, %parallel_loop3A_304 = %parallel_loop3A_58#1, %parallel_loop3A_305 = %parallel_loop3A_58#2, %parallel_loop3A_306 = %parallel_loop3A_58#3, %parallel_loop3A_307 = %parallel_loop3A_58#4, %parallel_loop3A_308 = %parallel_loop3A_58#5, %parallel_loop3A_309 = %parallel_loop3A_58#6, %parallel_loop3A_310 = %parallel_loop3A_58#7, %parallel_loop3A_311 = %parallel_loop3A_58#8, %parallel_loop3A_312 = %parallel_loop3A_58#9, %parallel_loop3A_313 = %parallel_loop3A_58#10, %parallel_loop3A_314 = %parallel_loop3A_58#11, %parallel_loop3A_315 = %parallel_loop3A_58#12, %parallel_loop3A_316 = %parallel_loop3A_58#13, %parallel_loop3A_317 = %parallel_loop3A_58#14, %parallel_loop3A_318 = %parallel_loop3A_58#15) -> (vector<16xf32>, vector<16xf32>, vector<16xf32>, vector<16xf32>, vector<16xf32>, vector<16xf32>, vector<16xf32>, vector<16xf32>, vector<16xf32>, vector<16xf32>, vector<16xf32>, vector<16xf32>, vector<16xf32>, vector<16xf32>, vector<16xf32>, vector<16xf32>)  : i32 {
      %parallel_loop3A_319 = arith.constant 16 : i32
      %parallel_loop3A_320 = arith.muli %parallel_loop3A_302, %parallel_loop3A_319 : i32
      %parallel_loop3A_321 = arith.constant 0 : i32
      %parallel_loop3A_322 = arith.index_cast %parallel_loop3A_321 : i32 to index
      %parallel_loop3A_323 = arith.index_cast %parallel_loop3A_320 : i32 to index
      %parallel_loop3A_324 = tpu.vector_load %arg6[%parallel_loop3A_322, %parallel_loop3A_323] {strides = array<i32>} : memref<8x2048xf32, #tpu.memory_space<vmem>>, vector<1x16xf32>,
      %parallel_loop3A_325 = vector.shape_cast %parallel_loop3A_324 : vector<1x16xf32> to vector<16xf32>
      %parallel_loop3A_326 = arith.constant 16 : i32
      %parallel_loop3A_327 = arith.muli %parallel_loop3A_302, %parallel_loop3A_326 : i32
      %parallel_loop3A_328 = arith.constant 0 : i32
      %parallel_loop3A_329 = arith.index_cast %parallel_loop3A_328 : i32 to index
      %parallel_loop3A_330 = arith.index_cast %parallel_loop3A_327 : i32 to index
      %parallel_loop3A_331 = tpu.vector_load %arg8[%parallel_loop3A_329, %parallel_loop3A_330] {strides = array<i32>} : memref<8x2048xf32, #tpu.memory_space<vmem>>, vector<1x16xf32>,
      %parallel_loop3A_332 = vector.shape_cast %parallel_loop3A_331 : vector<1x16xf32> to vector<16xf32>
      %parallel_loop3A_333 = arith.constant 0.000000e+00 : f32
      %parallel_loop3A_334 = vector.broadcast %parallel_loop3A_333 : f32 to vector<16xf32>
      %parallel_loop3A_335 = arith.cmpf ogt, %parallel_loop3A_332, %parallel_loop3A_334 : vector<16xf32>
      %parallel_loop3A_336 = arith.constant -1.000000e+30 : f32
      %parallel_loop3A_337 = vector.broadcast %parallel_loop3A_336 : f32 to vector<16xf32>
      %parallel_loop3A_338 = arith.select %parallel_loop3A_335, %parallel_loop3A_337, %parallel_loop3A_325 : vector<16xi1>, vector<16xf32>
      %parallel_loop3A_339 = arith.minimumf %parallel_loop3A_303, %parallel_loop3A_338 : vector<16xf32>
      %parallel_loop3A_340 = arith.maximumf %parallel_loop3A_304, %parallel_loop3A_339 : vector<16xf32>
      %parallel_loop3A_341 = arith.maximumf %parallel_loop3A_303, %parallel_loop3A_338 : vector<16xf32>
      %parallel_loop3A_342 = arith.mulf %parallel_loop3A_325, %parallel_loop3A_332 : vector<16xf32>
      %parallel_loop3A_343 = arith.addf %parallel_loop3A_305, %parallel_loop3A_342 : vector<16xf32>
      %parallel_loop3A_344 = arith.addf %parallel_loop3A_306, %parallel_loop3A_332 : vector<16xf32>
      %parallel_loop3A_345 = arith.constant 16 : i32
      %parallel_loop3A_346 = arith.muli %parallel_loop3A_302, %parallel_loop3A_345 : i32
      %parallel_loop3A_347 = arith.constant 1 : i32
      %parallel_loop3A_348 = arith.index_cast %parallel_loop3A_347 : i32 to index
      %parallel_loop3A_349 = arith.index_cast %parallel_loop3A_346 : i32 to index
      %parallel_loop3A_350 = tpu.vector_load %arg6[%parallel_loop3A_348, %parallel_loop3A_349] {strides = array<i32>} : memref<8x2048xf32, #tpu.memory_space<vmem>>, vector<1x16xf32>,
      %parallel_loop3A_351 = vector.shape_cast %parallel_loop3A_350 : vector<1x16xf32> to vector<16xf32>
      %parallel_loop3A_352 = arith.constant 16 : i32
      %parallel_loop3A_353 = arith.muli %parallel_loop3A_302, %parallel_loop3A_352 : i32
      %parallel_loop3A_354 = arith.constant 1 : i32
      %parallel_loop3A_355 = arith.index_cast %parallel_loop3A_354 : i32 to index
      %parallel_loop3A_356 = arith.index_cast %parallel_loop3A_353 : i32 to index
      %parallel_loop3A_357 = tpu.vector_load %arg8[%parallel_loop3A_355, %parallel_loop3A_356] {strides = array<i32>} : memref<8x2048xf32, #tpu.memory_space<vmem>>, vector<1x16xf32>,
      %parallel_loop3A_358 = vector.shape_cast %parallel_loop3A_357 : vector<1x16xf32> to vector<16xf32>
      %parallel_loop3A_359 = arith.constant 0.000000e+00 : f32
      %parallel_loop3A_360 = vector.broadcast %parallel_loop3A_359 : f32 to vector<16xf32>
      %parallel_loop3A_361 = arith.cmpf ogt, %parallel_loop3A_358, %parallel_loop3A_360 : vector<16xf32>
      %parallel_loop3A_362 = arith.constant -1.000000e+30 : f32
      %parallel_loop3A_363 = vector.broadcast %parallel_loop3A_362 : f32 to vector<16xf32>
      %parallel_loop3A_364 = arith.select %parallel_loop3A_361, %parallel_loop3A_363, %parallel_loop3A_351 : vector<16xi1>, vector<16xf32>
      %parallel_loop3A_365 = arith.minimumf %parallel_loop3A_307, %parallel_loop3A_364 : vector<16xf32>
      %parallel_loop3A_366 = arith.maximumf %parallel_loop3A_308, %parallel_loop3A_365 : vector<16xf32>
      %parallel_loop3A_367 = arith.maximumf %parallel_loop3A_307, %parallel_loop3A_364 : vector<16xf32>
      %parallel_loop3A_368 = arith.mulf %parallel_loop3A_351, %parallel_loop3A_358 : vector<16xf32>
      %parallel_loop3A_369 = arith.addf %parallel_loop3A_309, %parallel_loop3A_368 : vector<16xf32>
      %parallel_loop3A_370 = arith.addf %parallel_loop3A_310, %parallel_loop3A_358 : vector<16xf32>
      %parallel_loop3A_371 = arith.constant 16 : i32
      %parallel_loop3A_372 = arith.muli %parallel_loop3A_302, %parallel_loop3A_371 : i32
      %parallel_loop3A_373 = arith.constant 2 : i32
      %parallel_loop3A_374 = arith.index_cast %parallel_loop3A_373 : i32 to index
      %parallel_loop3A_375 = arith.index_cast %parallel_loop3A_372 : i32 to index
      %parallel_loop3A_376 = tpu.vector_load %arg6[%parallel_loop3A_374, %parallel_loop3A_375] {strides = array<i32>} : memref<8x2048xf32, #tpu.memory_space<vmem>>, vector<1x16xf32>,
      %parallel_loop3A_377 = vector.shape_cast %parallel_loop3A_376 : vector<1x16xf32> to vector<16xf32>
      %parallel_loop3A_378 = arith.constant 16 : i32
      %parallel_loop3A_379 = arith.muli %parallel_loop3A_302, %parallel_loop3A_378 : i32
      %parallel_loop3A_380 = arith.constant 2 : i32
      %parallel_loop3A_381 = arith.index_cast %parallel_loop3A_380 : i32 to index
      %parallel_loop3A_382 = arith.index_cast %parallel_loop3A_379 : i32 to index
      %parallel_loop3A_383 = tpu.vector_load %arg8[%parallel_loop3A_381, %parallel_loop3A_382] {strides = array<i32>} : memref<8x2048xf32, #tpu.memory_space<vmem>>, vector<1x16xf32>,
      %parallel_loop3A_384 = vector.shape_cast %parallel_loop3A_383 : vector<1x16xf32> to vector<16xf32>
      %parallel_loop3A_385 = arith.constant 0.000000e+00 : f32
      %parallel_loop3A_386 = vector.broadcast %parallel_loop3A_385 : f32 to vector<16xf32>
      %parallel_loop3A_387 = arith.cmpf ogt, %parallel_loop3A_384, %parallel_loop3A_386 : vector<16xf32>
      %parallel_loop3A_388 = arith.constant -1.000000e+30 : f32
      %parallel_loop3A_389 = vector.broadcast %parallel_loop3A_388 : f32 to vector<16xf32>
      %parallel_loop3A_390 = arith.select %parallel_loop3A_387, %parallel_loop3A_389, %parallel_loop3A_377 : vector<16xi1>, vector<16xf32>
      %parallel_loop3A_391 = arith.minimumf %parallel_loop3A_311, %parallel_loop3A_390 : vector<16xf32>
      %parallel_loop3A_392 = arith.maximumf %parallel_loop3A_312, %parallel_loop3A_391 : vector<16xf32>
      %parallel_loop3A_393 = arith.maximumf %parallel_loop3A_311, %parallel_loop3A_390 : vector<16xf32>
      %parallel_loop3A_394 = arith.mulf %parallel_loop3A_377, %parallel_loop3A_384 : vector<16xf32>
      %parallel_loop3A_395 = arith.addf %parallel_loop3A_313, %parallel_loop3A_394 : vector<16xf32>
      %parallel_loop3A_396 = arith.addf %parallel_loop3A_314, %parallel_loop3A_384 : vector<16xf32>
      %parallel_loop3A_397 = arith.constant 16 : i32
      %parallel_loop3A_398 = arith.muli %parallel_loop3A_302, %parallel_loop3A_397 : i32
      %parallel_loop3A_399 = arith.constant 3 : i32
      %parallel_loop3A_400 = arith.index_cast %parallel_loop3A_399 : i32 to index
      %parallel_loop3A_401 = arith.index_cast %parallel_loop3A_398 : i32 to index
      %parallel_loop3A_402 = tpu.vector_load %arg6[%parallel_loop3A_400, %parallel_loop3A_401] {strides = array<i32>} : memref<8x2048xf32, #tpu.memory_space<vmem>>, vector<1x16xf32>,
      %parallel_loop3A_403 = vector.shape_cast %parallel_loop3A_402 : vector<1x16xf32> to vector<16xf32>
      %parallel_loop3A_404 = arith.constant 16 : i32
      %parallel_loop3A_405 = arith.muli %parallel_loop3A_302, %parallel_loop3A_404 : i32
      %parallel_loop3A_406 = arith.constant 3 : i32
      %parallel_loop3A_407 = arith.index_cast %parallel_loop3A_406 : i32 to index
      %parallel_loop3A_408 = arith.index_cast %parallel_loop3A_405 : i32 to index
      %parallel_loop3A_409 = tpu.vector_load %arg8[%parallel_loop3A_407, %parallel_loop3A_408] {strides = array<i32>} : memref<8x2048xf32, #tpu.memory_space<vmem>>, vector<1x16xf32>,
      %parallel_loop3A_410 = vector.shape_cast %parallel_loop3A_409 : vector<1x16xf32> to vector<16xf32>
      %parallel_loop3A_411 = arith.constant 0.000000e+00 : f32
      %parallel_loop3A_412 = vector.broadcast %parallel_loop3A_411 : f32 to vector<16xf32>
      %parallel_loop3A_413 = arith.cmpf ogt, %parallel_loop3A_410, %parallel_loop3A_412 : vector<16xf32>
      %parallel_loop3A_414 = arith.constant -1.000000e+30 : f32
      %parallel_loop3A_415 = vector.broadcast %parallel_loop3A_414 : f32 to vector<16xf32>
      %parallel_loop3A_416 = arith.select %parallel_loop3A_413, %parallel_loop3A_415, %parallel_loop3A_403 : vector<16xi1>, vector<16xf32>
      %parallel_loop3A_417 = arith.minimumf %parallel_loop3A_315, %parallel_loop3A_416 : vector<16xf32>
      %parallel_loop3A_418 = arith.maximumf %parallel_loop3A_316, %parallel_loop3A_417 : vector<16xf32>
      %parallel_loop3A_419 = arith.maximumf %parallel_loop3A_315, %parallel_loop3A_416 : vector<16xf32>
      %parallel_loop3A_420 = arith.mulf %parallel_loop3A_403, %parallel_loop3A_410 : vector<16xf32>
      %parallel_loop3A_421 = arith.addf %parallel_loop3A_317, %parallel_loop3A_420 : vector<16xf32>
      %parallel_loop3A_422 = arith.addf %parallel_loop3A_318, %parallel_loop3A_410 : vector<16xf32>
      scf.yield %parallel_loop3A_341, %parallel_loop3A_340, %parallel_loop3A_343, %parallel_loop3A_344, %parallel_loop3A_367, %parallel_loop3A_366, %parallel_loop3A_369, %parallel_loop3A_370, %parallel_loop3A_393, %parallel_loop3A_392, %parallel_loop3A_395, %parallel_loop3A_396, %parallel_loop3A_419, %parallel_loop3A_418, %parallel_loop3A_421, %parallel_loop3A_422 : vector<16xf32>, vector<16xf32>, vector<16xf32>, vector<16xf32>, vector<16xf32>, vector<16xf32>, vector<16xf32>, vector<16xf32>, vector<16xf32>, vector<16xf32>, vector<16xf32>, vector<16xf32>, vector<16xf32>, vector<16xf32>, vector<16xf32>, vector<16xf32>
    } {sc.loop_unroll_factor = 1 : i64, sc.parallel_access}
    %parallel_loop3A_77 = arith.constant 0 : i32
    %parallel_loop3A_78 = arith.constant 128 : i32
    %parallel_loop3A_79 = arith.constant 1 : i32
    %parallel_loop3A_80:16 = scf.for %parallel_loop3A_302 = %parallel_loop3A_77 to %parallel_loop3A_78 step %parallel_loop3A_79 iter_args(%parallel_loop3A_303 = %parallel_loop3A_62#0, %parallel_loop3A_304 = %parallel_loop3A_62#1, %parallel_loop3A_305 = %parallel_loop3A_62#2, %parallel_loop3A_306 = %parallel_loop3A_62#3, %parallel_loop3A_307 = %parallel_loop3A_62#4, %parallel_loop3A_308 = %parallel_loop3A_62#5, %parallel_loop3A_309 = %parallel_loop3A_62#6, %parallel_loop3A_310 = %parallel_loop3A_62#7, %parallel_loop3A_311 = %parallel_loop3A_62#8, %parallel_loop3A_312 = %parallel_loop3A_62#9, %parallel_loop3A_313 = %parallel_loop3A_62#10, %parallel_loop3A_314 = %parallel_loop3A_62#11, %parallel_loop3A_315 = %parallel_loop3A_62#12, %parallel_loop3A_316 = %parallel_loop3A_62#13, %parallel_loop3A_317 = %parallel_loop3A_62#14, %parallel_loop3A_318 = %parallel_loop3A_62#15) -> (vector<16xf32>, vector<16xf32>, vector<16xf32>, vector<16xf32>, vector<16xf32>, vector<16xf32>, vector<16xf32>, vector<16xf32>, vector<16xf32>, vector<16xf32>, vector<16xf32>, vector<16xf32>, vector<16xf32>, vector<16xf32>, vector<16xf32>, vector<16xf32>)  : i32 {
      %parallel_loop3A_319 = arith.constant 16 : i32
      %parallel_loop3A_320 = arith.muli %parallel_loop3A_302, %parallel_loop3A_319 : i32
      %parallel_loop3A_321 = arith.constant 4 : i32
      %parallel_loop3A_322 = arith.index_cast %parallel_loop3A_321 : i32 to index
      %parallel_loop3A_323 = arith.index_cast %parallel_loop3A_320 : i32 to index
      %parallel_loop3A_324 = tpu.vector_load %arg6[%parallel_loop3A_322, %parallel_loop3A_323] {strides = array<i32>} : memref<8x2048xf32, #tpu.memory_space<vmem>>, vector<1x16xf32>,
      %parallel_loop3A_325 = vector.shape_cast %parallel_loop3A_324 : vector<1x16xf32> to vector<16xf32>
      %parallel_loop3A_326 = arith.constant 16 : i32
      %parallel_loop3A_327 = arith.muli %parallel_loop3A_302, %parallel_loop3A_326 : i32
      %parallel_loop3A_328 = arith.constant 4 : i32
      %parallel_loop3A_329 = arith.index_cast %parallel_loop3A_328 : i32 to index
      %parallel_loop3A_330 = arith.index_cast %parallel_loop3A_327 : i32 to index
      %parallel_loop3A_331 = tpu.vector_load %arg8[%parallel_loop3A_329, %parallel_loop3A_330] {strides = array<i32>} : memref<8x2048xf32, #tpu.memory_space<vmem>>, vector<1x16xf32>,
      %parallel_loop3A_332 = vector.shape_cast %parallel_loop3A_331 : vector<1x16xf32> to vector<16xf32>
      %parallel_loop3A_333 = arith.constant 0.000000e+00 : f32
      %parallel_loop3A_334 = vector.broadcast %parallel_loop3A_333 : f32 to vector<16xf32>
      %parallel_loop3A_335 = arith.cmpf ogt, %parallel_loop3A_332, %parallel_loop3A_334 : vector<16xf32>
      %parallel_loop3A_336 = arith.constant -1.000000e+30 : f32
      %parallel_loop3A_337 = vector.broadcast %parallel_loop3A_336 : f32 to vector<16xf32>
      %parallel_loop3A_338 = arith.select %parallel_loop3A_335, %parallel_loop3A_337, %parallel_loop3A_325 : vector<16xi1>, vector<16xf32>
      %parallel_loop3A_339 = arith.minimumf %parallel_loop3A_303, %parallel_loop3A_338 : vector<16xf32>
      %parallel_loop3A_340 = arith.maximumf %parallel_loop3A_304, %parallel_loop3A_339 : vector<16xf32>
      %parallel_loop3A_341 = arith.maximumf %parallel_loop3A_303, %parallel_loop3A_338 : vector<16xf32>
      %parallel_loop3A_342 = arith.mulf %parallel_loop3A_325, %parallel_loop3A_332 : vector<16xf32>
      %parallel_loop3A_343 = arith.addf %parallel_loop3A_305, %parallel_loop3A_342 : vector<16xf32>
      %parallel_loop3A_344 = arith.addf %parallel_loop3A_306, %parallel_loop3A_332 : vector<16xf32>
      %parallel_loop3A_345 = arith.constant 16 : i32
      %parallel_loop3A_346 = arith.muli %parallel_loop3A_302, %parallel_loop3A_345 : i32
      %parallel_loop3A_347 = arith.constant 5 : i32
      %parallel_loop3A_348 = arith.index_cast %parallel_loop3A_347 : i32 to index
      %parallel_loop3A_349 = arith.index_cast %parallel_loop3A_346 : i32 to index
      %parallel_loop3A_350 = tpu.vector_load %arg6[%parallel_loop3A_348, %parallel_loop3A_349] {strides = array<i32>} : memref<8x2048xf32, #tpu.memory_space<vmem>>, vector<1x16xf32>,
      %parallel_loop3A_351 = vector.shape_cast %parallel_loop3A_350 : vector<1x16xf32> to vector<16xf32>
      %parallel_loop3A_352 = arith.constant 16 : i32
      %parallel_loop3A_353 = arith.muli %parallel_loop3A_302, %parallel_loop3A_352 : i32
      %parallel_loop3A_354 = arith.constant 5 : i32
      %parallel_loop3A_355 = arith.index_cast %parallel_loop3A_354 : i32 to index
      %parallel_loop3A_356 = arith.index_cast %parallel_loop3A_353 : i32 to index
      %parallel_loop3A_357 = tpu.vector_load %arg8[%parallel_loop3A_355, %parallel_loop3A_356] {strides = array<i32>} : memref<8x2048xf32, #tpu.memory_space<vmem>>, vector<1x16xf32>,
      %parallel_loop3A_358 = vector.shape_cast %parallel_loop3A_357 : vector<1x16xf32> to vector<16xf32>
      %parallel_loop3A_359 = arith.constant 0.000000e+00 : f32
      %parallel_loop3A_360 = vector.broadcast %parallel_loop3A_359 : f32 to vector<16xf32>
      %parallel_loop3A_361 = arith.cmpf ogt, %parallel_loop3A_358, %parallel_loop3A_360 : vector<16xf32>
      %parallel_loop3A_362 = arith.constant -1.000000e+30 : f32
      %parallel_loop3A_363 = vector.broadcast %parallel_loop3A_362 : f32 to vector<16xf32>
      %parallel_loop3A_364 = arith.select %parallel_loop3A_361, %parallel_loop3A_363, %parallel_loop3A_351 : vector<16xi1>, vector<16xf32>
      %parallel_loop3A_365 = arith.minimumf %parallel_loop3A_307, %parallel_loop3A_364 : vector<16xf32>
      %parallel_loop3A_366 = arith.maximumf %parallel_loop3A_308, %parallel_loop3A_365 : vector<16xf32>
      %parallel_loop3A_367 = arith.maximumf %parallel_loop3A_307, %parallel_loop3A_364 : vector<16xf32>
      %parallel_loop3A_368 = arith.mulf %parallel_loop3A_351, %parallel_loop3A_358 : vector<16xf32>
      %parallel_loop3A_369 = arith.addf %parallel_loop3A_309, %parallel_loop3A_368 : vector<16xf32>
      %parallel_loop3A_370 = arith.addf %parallel_loop3A_310, %parallel_loop3A_358 : vector<16xf32>
      %parallel_loop3A_371 = arith.constant 16 : i32
      %parallel_loop3A_372 = arith.muli %parallel_loop3A_302, %parallel_loop3A_371 : i32
      %parallel_loop3A_373 = arith.constant 6 : i32
      %parallel_loop3A_374 = arith.index_cast %parallel_loop3A_373 : i32 to index
      %parallel_loop3A_375 = arith.index_cast %parallel_loop3A_372 : i32 to index
      %parallel_loop3A_376 = tpu.vector_load %arg6[%parallel_loop3A_374, %parallel_loop3A_375] {strides = array<i32>} : memref<8x2048xf32, #tpu.memory_space<vmem>>, vector<1x16xf32>,
      %parallel_loop3A_377 = vector.shape_cast %parallel_loop3A_376 : vector<1x16xf32> to vector<16xf32>
      %parallel_loop3A_378 = arith.constant 16 : i32
      %parallel_loop3A_379 = arith.muli %parallel_loop3A_302, %parallel_loop3A_378 : i32
      %parallel_loop3A_380 = arith.constant 6 : i32
      %parallel_loop3A_381 = arith.index_cast %parallel_loop3A_380 : i32 to index
      %parallel_loop3A_382 = arith.index_cast %parallel_loop3A_379 : i32 to index
      %parallel_loop3A_383 = tpu.vector_load %arg8[%parallel_loop3A_381, %parallel_loop3A_382] {strides = array<i32>} : memref<8x2048xf32, #tpu.memory_space<vmem>>, vector<1x16xf32>,
      %parallel_loop3A_384 = vector.shape_cast %parallel_loop3A_383 : vector<1x16xf32> to vector<16xf32>
      %parallel_loop3A_385 = arith.constant 0.000000e+00 : f32
      %parallel_loop3A_386 = vector.broadcast %parallel_loop3A_385 : f32 to vector<16xf32>
      %parallel_loop3A_387 = arith.cmpf ogt, %parallel_loop3A_384, %parallel_loop3A_386 : vector<16xf32>
      %parallel_loop3A_388 = arith.constant -1.000000e+30 : f32
      %parallel_loop3A_389 = vector.broadcast %parallel_loop3A_388 : f32 to vector<16xf32>
      %parallel_loop3A_390 = arith.select %parallel_loop3A_387, %parallel_loop3A_389, %parallel_loop3A_377 : vector<16xi1>, vector<16xf32>
      %parallel_loop3A_391 = arith.minimumf %parallel_loop3A_311, %parallel_loop3A_390 : vector<16xf32>
      %parallel_loop3A_392 = arith.maximumf %parallel_loop3A_312, %parallel_loop3A_391 : vector<16xf32>
      %parallel_loop3A_393 = arith.maximumf %parallel_loop3A_311, %parallel_loop3A_390 : vector<16xf32>
      %parallel_loop3A_394 = arith.mulf %parallel_loop3A_377, %parallel_loop3A_384 : vector<16xf32>
      %parallel_loop3A_395 = arith.addf %parallel_loop3A_313, %parallel_loop3A_394 : vector<16xf32>
      %parallel_loop3A_396 = arith.addf %parallel_loop3A_314, %parallel_loop3A_384 : vector<16xf32>
      %parallel_loop3A_397 = arith.constant 16 : i32
      %parallel_loop3A_398 = arith.muli %parallel_loop3A_302, %parallel_loop3A_397 : i32
      %parallel_loop3A_399 = arith.constant 7 : i32
      %parallel_loop3A_400 = arith.index_cast %parallel_loop3A_399 : i32 to index
      %parallel_loop3A_401 = arith.index_cast %parallel_loop3A_398 : i32 to index
      %parallel_loop3A_402 = tpu.vector_load %arg6[%parallel_loop3A_400, %parallel_loop3A_401] {strides = array<i32>} : memref<8x2048xf32, #tpu.memory_space<vmem>>, vector<1x16xf32>,
      %parallel_loop3A_403 = vector.shape_cast %parallel_loop3A_402 : vector<1x16xf32> to vector<16xf32>
      %parallel_loop3A_404 = arith.constant 16 : i32
      %parallel_loop3A_405 = arith.muli %parallel_loop3A_302, %parallel_loop3A_404 : i32
      %parallel_loop3A_406 = arith.constant 7 : i32
      %parallel_loop3A_407 = arith.index_cast %parallel_loop3A_406 : i32 to index
      %parallel_loop3A_408 = arith.index_cast %parallel_loop3A_405 : i32 to index
      %parallel_loop3A_409 = tpu.vector_load %arg8[%parallel_loop3A_407, %parallel_loop3A_408] {strides = array<i32>} : memref<8x2048xf32, #tpu.memory_space<vmem>>, vector<1x16xf32>,
      %parallel_loop3A_410 = vector.shape_cast %parallel_loop3A_409 : vector<1x16xf32> to vector<16xf32>
      %parallel_loop3A_411 = arith.constant 0.000000e+00 : f32
      %parallel_loop3A_412 = vector.broadcast %parallel_loop3A_411 : f32 to vector<16xf32>
      %parallel_loop3A_413 = arith.cmpf ogt, %parallel_loop3A_410, %parallel_loop3A_412 : vector<16xf32>
      %parallel_loop3A_414 = arith.constant -1.000000e+30 : f32
      %parallel_loop3A_415 = vector.broadcast %parallel_loop3A_414 : f32 to vector<16xf32>
      %parallel_loop3A_416 = arith.select %parallel_loop3A_413, %parallel_loop3A_415, %parallel_loop3A_403 : vector<16xi1>, vector<16xf32>
      %parallel_loop3A_417 = arith.minimumf %parallel_loop3A_315, %parallel_loop3A_416 : vector<16xf32>
      %parallel_loop3A_418 = arith.maximumf %parallel_loop3A_316, %parallel_loop3A_417 : vector<16xf32>
      %parallel_loop3A_419 = arith.maximumf %parallel_loop3A_315, %parallel_loop3A_416 : vector<16xf32>
      %parallel_loop3A_420 = arith.mulf %parallel_loop3A_403, %parallel_loop3A_410 : vector<16xf32>
      %parallel_loop3A_421 = arith.addf %parallel_loop3A_317, %parallel_loop3A_420 : vector<16xf32>
      %parallel_loop3A_422 = arith.addf %parallel_loop3A_318, %parallel_loop3A_410 : vector<16xf32>
      scf.yield %parallel_loop3A_341, %parallel_loop3A_340, %parallel_loop3A_343, %parallel_loop3A_344, %parallel_loop3A_367, %parallel_loop3A_366, %parallel_loop3A_369, %parallel_loop3A_370, %parallel_loop3A_393, %parallel_loop3A_392, %parallel_loop3A_395, %parallel_loop3A_396, %parallel_loop3A_419, %parallel_loop3A_418, %parallel_loop3A_421, %parallel_loop3A_422 : vector<16xf32>, vector<16xf32>, vector<16xf32>, vector<16xf32>, vector<16xf32>, vector<16xf32>, vector<16xf32>, vector<16xf32>, vector<16xf32>, vector<16xf32>, vector<16xf32>, vector<16xf32>, vector<16xf32>, vector<16xf32>, vector<16xf32>, vector<16xf32>
    } {sc.loop_unroll_factor = 1 : i64, sc.parallel_access}
    %add3A_81 = arith.constant 6144 : i32
    %add3A_82 = arith.addi %mul3A_34, %add3A_81 : i32
    %dma_start3A_83 = tpu.memref_slice %arg2[%mul3A_32, %add3A_82] : memref<64x100000xf32, #tpu.memory_space<hbm>> -> memref<8x2048xf32, #tpu.memory_space<hbm>>
    %dma_start3A_84 = tpu.memref_slice %arg2[%mul3A_32, %add3A_82] : memref<64x100000xf32, #tpu.memory_space<hbm>> -> memref<8x2048xf32, #tpu.memory_space<hbm>>
    tpu.enqueue_dma source(%dma_start3A_84 : memref<8x2048xf32, #tpu.memory_space<hbm>>) target(%arg6 : memref<8x2048xf32, #tpu.memory_space<vmem>>) target_semaphore(%arg11 : memref<!tpu.dma_semaphore, #tpu.memory_space<semaphore_mem>>)
    %dma_start3A_85 = tpu.memref_slice %arg3[%mul3A_32, %add3A_82] : memref<64x100000xf32, #tpu.memory_space<hbm>> -> memref<8x2048xf32, #tpu.memory_space<hbm>>
    %dma_start3A_86 = tpu.memref_slice %arg3[%mul3A_32, %add3A_82] : memref<64x100000xf32, #tpu.memory_space<hbm>> -> memref<8x2048xf32, #tpu.memory_space<hbm>>
    tpu.enqueue_dma source(%dma_start3A_86 : memref<8x2048xf32, #tpu.memory_space<hbm>>) target(%arg8 : memref<8x2048xf32, #tpu.memory_space<vmem>>) target_semaphore(%arg11 : memref<!tpu.dma_semaphore, #tpu.memory_space<semaphore_mem>>)
    %dma_wait3A_87 = tpu.memref_slice %arg2[%mul3A_32, %add3A_64] : memref<64x100000xf32, #tpu.memory_space<hbm>> -> memref<8x2048xf32, #tpu.memory_space<hbm>>
    %dma_wait3A_88 = tpu.memref_slice %arg2[%mul3A_32, %add3A_64] : memref<64x100000xf32, #tpu.memory_space<hbm>> -> memref<8x2048xf32, #tpu.memory_space<hbm>>
    tpu.wait_dma2 semaphore(%arg10 : memref<!tpu.dma_semaphore, #tpu.memory_space<semaphore_mem>>) src(%dma_wait3A_88 : memref<8x2048xf32, #tpu.memory_space<hbm>>) dst(%arg5 : memref<8x2048xf32, #tpu.memory_space<vmem>>)
    %dma_wait3A_89 = tpu.memref_slice %arg3[%mul3A_32, %add3A_64] : memref<64x100000xf32, #tpu.memory_space<hbm>> -> memref<8x2048xf32, #tpu.memory_space<hbm>>
    %dma_wait3A_90 = tpu.memref_slice %arg3[%mul3A_32, %add3A_64] : memref<64x100000xf32, #tpu.memory_space<hbm>> -> memref<8x2048xf32, #tpu.memory_space<hbm>>
    tpu.wait_dma2 semaphore(%arg10 : memref<!tpu.dma_semaphore, #tpu.memory_space<semaphore_mem>>) src(%dma_wait3A_90 : memref<8x2048xf32, #tpu.memory_space<hbm>>) dst(%arg7 : memref<8x2048xf32, #tpu.memory_space<vmem>>)
    %parallel_loop3A_91 = arith.constant 0 : i32
    %parallel_loop3A_92 = arith.constant 128 : i32
    %parallel_loop3A_93 = arith.constant 1 : i32
    %parallel_loop3A_94:16 = scf.for %parallel_loop3A_302 = %parallel_loop3A_91 to %parallel_loop3A_92 step %parallel_loop3A_93 iter_args(%parallel_loop3A_303 = %parallel_loop3A_76#0, %parallel_loop3A_304 = %parallel_loop3A_76#1, %parallel_loop3A_305 = %parallel_loop3A_76#2, %parallel_loop3A_306 = %parallel_loop3A_76#3, %parallel_loop3A_307 = %parallel_loop3A_76#4, %parallel_loop3A_308 = %parallel_loop3A_76#5, %parallel_loop3A_309 = %parallel_loop3A_76#6, %parallel_loop3A_310 = %parallel_loop3A_76#7, %parallel_loop3A_311 = %parallel_loop3A_76#8, %parallel_loop3A_312 = %parallel_loop3A_76#9, %parallel_loop3A_313 = %parallel_loop3A_76#10, %parallel_loop3A_314 = %parallel_loop3A_76#11, %parallel_loop3A_315 = %parallel_loop3A_76#12, %parallel_loop3A_316 = %parallel_loop3A_76#13, %parallel_loop3A_317 = %parallel_loop3A_76#14, %parallel_loop3A_318 = %parallel_loop3A_76#15) -> (vector<16xf32>, vector<16xf32>, vector<16xf32>, vector<16xf32>, vector<16xf32>, vector<16xf32>, vector<16xf32>, vector<16xf32>, vector<16xf32>, vector<16xf32>, vector<16xf32>, vector<16xf32>, vector<16xf32>, vector<16xf32>, vector<16xf32>, vector<16xf32>)  : i32 {
      %parallel_loop3A_319 = arith.constant 16 : i32
      %parallel_loop3A_320 = arith.muli %parallel_loop3A_302, %parallel_loop3A_319 : i32
      %parallel_loop3A_321 = arith.constant 0 : i32
      %parallel_loop3A_322 = arith.index_cast %parallel_loop3A_321 : i32 to index
      %parallel_loop3A_323 = arith.index_cast %parallel_loop3A_320 : i32 to index
      %parallel_loop3A_324 = tpu.vector_load %arg5[%parallel_loop3A_322, %parallel_loop3A_323] {strides = array<i32>} : memref<8x2048xf32, #tpu.memory_space<vmem>>, vector<1x16xf32>,
      %parallel_loop3A_325 = vector.shape_cast %parallel_loop3A_324 : vector<1x16xf32> to vector<16xf32>
      %parallel_loop3A_326 = arith.constant 16 : i32
      %parallel_loop3A_327 = arith.muli %parallel_loop3A_302, %parallel_loop3A_326 : i32
      %parallel_loop3A_328 = arith.constant 0 : i32
      %parallel_loop3A_329 = arith.index_cast %parallel_loop3A_328 : i32 to index
      %parallel_loop3A_330 = arith.index_cast %parallel_loop3A_327 : i32 to index
      %parallel_loop3A_331 = tpu.vector_load %arg7[%parallel_loop3A_329, %parallel_loop3A_330] {strides = array<i32>} : memref<8x2048xf32, #tpu.memory_space<vmem>>, vector<1x16xf32>,
      %parallel_loop3A_332 = vector.shape_cast %parallel_loop3A_331 : vector<1x16xf32> to vector<16xf32>
      %parallel_loop3A_333 = arith.constant 0.000000e+00 : f32
      %parallel_loop3A_334 = vector.broadcast %parallel_loop3A_333 : f32 to vector<16xf32>
      %parallel_loop3A_335 = arith.cmpf ogt, %parallel_loop3A_332, %parallel_loop3A_334 : vector<16xf32>
      %parallel_loop3A_336 = arith.constant -1.000000e+30 : f32
      %parallel_loop3A_337 = vector.broadcast %parallel_loop3A_336 : f32 to vector<16xf32>
      %parallel_loop3A_338 = arith.select %parallel_loop3A_335, %parallel_loop3A_337, %parallel_loop3A_325 : vector<16xi1>, vector<16xf32>
      %parallel_loop3A_339 = arith.minimumf %parallel_loop3A_303, %parallel_loop3A_338 : vector<16xf32>
      %parallel_loop3A_340 = arith.maximumf %parallel_loop3A_304, %parallel_loop3A_339 : vector<16xf32>
      %parallel_loop3A_341 = arith.maximumf %parallel_loop3A_303, %parallel_loop3A_338 : vector<16xf32>
      %parallel_loop3A_342 = arith.mulf %parallel_loop3A_325, %parallel_loop3A_332 : vector<16xf32>
      %parallel_loop3A_343 = arith.addf %parallel_loop3A_305, %parallel_loop3A_342 : vector<16xf32>
      %parallel_loop3A_344 = arith.addf %parallel_loop3A_306, %parallel_loop3A_332 : vector<16xf32>
      %parallel_loop3A_345 = arith.constant 16 : i32
      %parallel_loop3A_346 = arith.muli %parallel_loop3A_302, %parallel_loop3A_345 : i32
      %parallel_loop3A_347 = arith.constant 1 : i32
      %parallel_loop3A_348 = arith.index_cast %parallel_loop3A_347 : i32 to index
      %parallel_loop3A_349 = arith.index_cast %parallel_loop3A_346 : i32 to index
      %parallel_loop3A_350 = tpu.vector_load %arg5[%parallel_loop3A_348, %parallel_loop3A_349] {strides = array<i32>} : memref<8x2048xf32, #tpu.memory_space<vmem>>, vector<1x16xf32>,
      %parallel_loop3A_351 = vector.shape_cast %parallel_loop3A_350 : vector<1x16xf32> to vector<16xf32>
      %parallel_loop3A_352 = arith.constant 16 : i32
      %parallel_loop3A_353 = arith.muli %parallel_loop3A_302, %parallel_loop3A_352 : i32
      %parallel_loop3A_354 = arith.constant 1 : i32
      %parallel_loop3A_355 = arith.index_cast %parallel_loop3A_354 : i32 to index
      %parallel_loop3A_356 = arith.index_cast %parallel_loop3A_353 : i32 to index
      %parallel_loop3A_357 = tpu.vector_load %arg7[%parallel_loop3A_355, %parallel_loop3A_356] {strides = array<i32>} : memref<8x2048xf32, #tpu.memory_space<vmem>>, vector<1x16xf32>,
      %parallel_loop3A_358 = vector.shape_cast %parallel_loop3A_357 : vector<1x16xf32> to vector<16xf32>
      %parallel_loop3A_359 = arith.constant 0.000000e+00 : f32
      %parallel_loop3A_360 = vector.broadcast %parallel_loop3A_359 : f32 to vector<16xf32>
      %parallel_loop3A_361 = arith.cmpf ogt, %parallel_loop3A_358, %parallel_loop3A_360 : vector<16xf32>
      %parallel_loop3A_362 = arith.constant -1.000000e+30 : f32
      %parallel_loop3A_363 = vector.broadcast %parallel_loop3A_362 : f32 to vector<16xf32>
      %parallel_loop3A_364 = arith.select %parallel_loop3A_361, %parallel_loop3A_363, %parallel_loop3A_351 : vector<16xi1>, vector<16xf32>
      %parallel_loop3A_365 = arith.minimumf %parallel_loop3A_307, %parallel_loop3A_364 : vector<16xf32>
      %parallel_loop3A_366 = arith.maximumf %parallel_loop3A_308, %parallel_loop3A_365 : vector<16xf32>
      %parallel_loop3A_367 = arith.maximumf %parallel_loop3A_307, %parallel_loop3A_364 : vector<16xf32>
      %parallel_loop3A_368 = arith.mulf %parallel_loop3A_351, %parallel_loop3A_358 : vector<16xf32>
      %parallel_loop3A_369 = arith.addf %parallel_loop3A_309, %parallel_loop3A_368 : vector<16xf32>
      %parallel_loop3A_370 = arith.addf %parallel_loop3A_310, %parallel_loop3A_358 : vector<16xf32>
      %parallel_loop3A_371 = arith.constant 16 : i32
      %parallel_loop3A_372 = arith.muli %parallel_loop3A_302, %parallel_loop3A_371 : i32
      %parallel_loop3A_373 = arith.constant 2 : i32
      %parallel_loop3A_374 = arith.index_cast %parallel_loop3A_373 : i32 to index
      %parallel_loop3A_375 = arith.index_cast %parallel_loop3A_372 : i32 to index
      %parallel_loop3A_376 = tpu.vector_load %arg5[%parallel_loop3A_374, %parallel_loop3A_375] {strides = array<i32>} : memref<8x2048xf32, #tpu.memory_space<vmem>>, vector<1x16xf32>,
      %parallel_loop3A_377 = vector.shape_cast %parallel_loop3A_376 : vector<1x16xf32> to vector<16xf32>
      %parallel_loop3A_378 = arith.constant 16 : i32
      %parallel_loop3A_379 = arith.muli %parallel_loop3A_302, %parallel_loop3A_378 : i32
      %parallel_loop3A_380 = arith.constant 2 : i32
      %parallel_loop3A_381 = arith.index_cast %parallel_loop3A_380 : i32 to index
      %parallel_loop3A_382 = arith.index_cast %parallel_loop3A_379 : i32 to index
      %parallel_loop3A_383 = tpu.vector_load %arg7[%parallel_loop3A_381, %parallel_loop3A_382] {strides = array<i32>} : memref<8x2048xf32, #tpu.memory_space<vmem>>, vector<1x16xf32>,
      %parallel_loop3A_384 = vector.shape_cast %parallel_loop3A_383 : vector<1x16xf32> to vector<16xf32>
      %parallel_loop3A_385 = arith.constant 0.000000e+00 : f32
      %parallel_loop3A_386 = vector.broadcast %parallel_loop3A_385 : f32 to vector<16xf32>
      %parallel_loop3A_387 = arith.cmpf ogt, %parallel_loop3A_384, %parallel_loop3A_386 : vector<16xf32>
      %parallel_loop3A_388 = arith.constant -1.000000e+30 : f32
      %parallel_loop3A_389 = vector.broadcast %parallel_loop3A_388 : f32 to vector<16xf32>
      %parallel_loop3A_390 = arith.select %parallel_loop3A_387, %parallel_loop3A_389, %parallel_loop3A_377 : vector<16xi1>, vector<16xf32>
      %parallel_loop3A_391 = arith.minimumf %parallel_loop3A_311, %parallel_loop3A_390 : vector<16xf32>
      %parallel_loop3A_392 = arith.maximumf %parallel_loop3A_312, %parallel_loop3A_391 : vector<16xf32>
      %parallel_loop3A_393 = arith.maximumf %parallel_loop3A_311, %parallel_loop3A_390 : vector<16xf32>
      %parallel_loop3A_394 = arith.mulf %parallel_loop3A_377, %parallel_loop3A_384 : vector<16xf32>
      %parallel_loop3A_395 = arith.addf %parallel_loop3A_313, %parallel_loop3A_394 : vector<16xf32>
      %parallel_loop3A_396 = arith.addf %parallel_loop3A_314, %parallel_loop3A_384 : vector<16xf32>
      %parallel_loop3A_397 = arith.constant 16 : i32
      %parallel_loop3A_398 = arith.muli %parallel_loop3A_302, %parallel_loop3A_397 : i32
      %parallel_loop3A_399 = arith.constant 3 : i32
      %parallel_loop3A_400 = arith.index_cast %parallel_loop3A_399 : i32 to index
      %parallel_loop3A_401 = arith.index_cast %parallel_loop3A_398 : i32 to index
      %parallel_loop3A_402 = tpu.vector_load %arg5[%parallel_loop3A_400, %parallel_loop3A_401] {strides = array<i32>} : memref<8x2048xf32, #tpu.memory_space<vmem>>, vector<1x16xf32>,
      %parallel_loop3A_403 = vector.shape_cast %parallel_loop3A_402 : vector<1x16xf32> to vector<16xf32>
      %parallel_loop3A_404 = arith.constant 16 : i32
      %parallel_loop3A_405 = arith.muli %parallel_loop3A_302, %parallel_loop3A_404 : i32
      %parallel_loop3A_406 = arith.constant 3 : i32
      %parallel_loop3A_407 = arith.index_cast %parallel_loop3A_406 : i32 to index
      %parallel_loop3A_408 = arith.index_cast %parallel_loop3A_405 : i32 to index
      %parallel_loop3A_409 = tpu.vector_load %arg7[%parallel_loop3A_407, %parallel_loop3A_408] {strides = array<i32>} : memref<8x2048xf32, #tpu.memory_space<vmem>>, vector<1x16xf32>,
      %parallel_loop3A_410 = vector.shape_cast %parallel_loop3A_409 : vector<1x16xf32> to vector<16xf32>
      %parallel_loop3A_411 = arith.constant 0.000000e+00 : f32
      %parallel_loop3A_412 = vector.broadcast %parallel_loop3A_411 : f32 to vector<16xf32>
      %parallel_loop3A_413 = arith.cmpf ogt, %parallel_loop3A_410, %parallel_loop3A_412 : vector<16xf32>
      %parallel_loop3A_414 = arith.constant -1.000000e+30 : f32
      %parallel_loop3A_415 = vector.broadcast %parallel_loop3A_414 : f32 to vector<16xf32>
      %parallel_loop3A_416 = arith.select %parallel_loop3A_413, %parallel_loop3A_415, %parallel_loop3A_403 : vector<16xi1>, vector<16xf32>
      %parallel_loop3A_417 = arith.minimumf %parallel_loop3A_315, %parallel_loop3A_416 : vector<16xf32>
      %parallel_loop3A_418 = arith.maximumf %parallel_loop3A_316, %parallel_loop3A_417 : vector<16xf32>
      %parallel_loop3A_419 = arith.maximumf %parallel_loop3A_315, %parallel_loop3A_416 : vector<16xf32>
      %parallel_loop3A_420 = arith.mulf %parallel_loop3A_403, %parallel_loop3A_410 : vector<16xf32>
      %parallel_loop3A_421 = arith.addf %parallel_loop3A_317, %parallel_loop3A_420 : vector<16xf32>
      %parallel_loop3A_422 = arith.addf %parallel_loop3A_318, %parallel_loop3A_410 : vector<16xf32>
      scf.yield %parallel_loop3A_341, %parallel_loop3A_340, %parallel_loop3A_343, %parallel_loop3A_344, %parallel_loop3A_367, %parallel_loop3A_366, %parallel_loop3A_369, %parallel_loop3A_370, %parallel_loop3A_393, %parallel_loop3A_392, %parallel_loop3A_395, %parallel_loop3A_396, %parallel_loop3A_419, %parallel_loop3A_418, %parallel_loop3A_421, %parallel_loop3A_422 : vector<16xf32>, vector<16xf32>, vector<16xf32>, vector<16xf32>, vector<16xf32>, vector<16xf32>, vector<16xf32>, vector<16xf32>, vector<16xf32>, vector<16xf32>, vector<16xf32>, vector<16xf32>, vector<16xf32>, vector<16xf32>, vector<16xf32>, vector<16xf32>
    } {sc.loop_unroll_factor = 1 : i64, sc.parallel_access}
    %parallel_loop3A_95 = arith.constant 0 : i32
    %parallel_loop3A_96 = arith.constant 128 : i32
    %parallel_loop3A_97 = arith.constant 1 : i32
    %parallel_loop3A_98:16 = scf.for %parallel_loop3A_302 = %parallel_loop3A_95 to %parallel_loop3A_96 step %parallel_loop3A_97 iter_args(%parallel_loop3A_303 = %parallel_loop3A_80#0, %parallel_loop3A_304 = %parallel_loop3A_80#1, %parallel_loop3A_305 = %parallel_loop3A_80#2, %parallel_loop3A_306 = %parallel_loop3A_80#3, %parallel_loop3A_307 = %parallel_loop3A_80#4, %parallel_loop3A_308 = %parallel_loop3A_80#5, %parallel_loop3A_309 = %parallel_loop3A_80#6, %parallel_loop3A_310 = %parallel_loop3A_80#7, %parallel_loop3A_311 = %parallel_loop3A_80#8, %parallel_loop3A_312 = %parallel_loop3A_80#9, %parallel_loop3A_313 = %parallel_loop3A_80#10, %parallel_loop3A_314 = %parallel_loop3A_80#11, %parallel_loop3A_315 = %parallel_loop3A_80#12, %parallel_loop3A_316 = %parallel_loop3A_80#13, %parallel_loop3A_317 = %parallel_loop3A_80#14, %parallel_loop3A_318 = %parallel_loop3A_80#15) -> (vector<16xf32>, vector<16xf32>, vector<16xf32>, vector<16xf32>, vector<16xf32>, vector<16xf32>, vector<16xf32>, vector<16xf32>, vector<16xf32>, vector<16xf32>, vector<16xf32>, vector<16xf32>, vector<16xf32>, vector<16xf32>, vector<16xf32>, vector<16xf32>)  : i32 {
      %parallel_loop3A_319 = arith.constant 16 : i32
      %parallel_loop3A_320 = arith.muli %parallel_loop3A_302, %parallel_loop3A_319 : i32
      %parallel_loop3A_321 = arith.constant 4 : i32
      %parallel_loop3A_322 = arith.index_cast %parallel_loop3A_321 : i32 to index
      %parallel_loop3A_323 = arith.index_cast %parallel_loop3A_320 : i32 to index
      %parallel_loop3A_324 = tpu.vector_load %arg5[%parallel_loop3A_322, %parallel_loop3A_323] {strides = array<i32>} : memref<8x2048xf32, #tpu.memory_space<vmem>>, vector<1x16xf32>,
      %parallel_loop3A_325 = vector.shape_cast %parallel_loop3A_324 : vector<1x16xf32> to vector<16xf32>
      %parallel_loop3A_326 = arith.constant 16 : i32
      %parallel_loop3A_327 = arith.muli %parallel_loop3A_302, %parallel_loop3A_326 : i32
      %parallel_loop3A_328 = arith.constant 4 : i32
      %parallel_loop3A_329 = arith.index_cast %parallel_loop3A_328 : i32 to index
      %parallel_loop3A_330 = arith.index_cast %parallel_loop3A_327 : i32 to index
      %parallel_loop3A_331 = tpu.vector_load %arg7[%parallel_loop3A_329, %parallel_loop3A_330] {strides = array<i32>} : memref<8x2048xf32, #tpu.memory_space<vmem>>, vector<1x16xf32>,
      %parallel_loop3A_332 = vector.shape_cast %parallel_loop3A_331 : vector<1x16xf32> to vector<16xf32>
      %parallel_loop3A_333 = arith.constant 0.000000e+00 : f32
      %parallel_loop3A_334 = vector.broadcast %parallel_loop3A_333 : f32 to vector<16xf32>
      %parallel_loop3A_335 = arith.cmpf ogt, %parallel_loop3A_332, %parallel_loop3A_334 : vector<16xf32>
      %parallel_loop3A_336 = arith.constant -1.000000e+30 : f32
      %parallel_loop3A_337 = vector.broadcast %parallel_loop3A_336 : f32 to vector<16xf32>
      %parallel_loop3A_338 = arith.select %parallel_loop3A_335, %parallel_loop3A_337, %parallel_loop3A_325 : vector<16xi1>, vector<16xf32>
      %parallel_loop3A_339 = arith.minimumf %parallel_loop3A_303, %parallel_loop3A_338 : vector<16xf32>
      %parallel_loop3A_340 = arith.maximumf %parallel_loop3A_304, %parallel_loop3A_339 : vector<16xf32>
      %parallel_loop3A_341 = arith.maximumf %parallel_loop3A_303, %parallel_loop3A_338 : vector<16xf32>
      %parallel_loop3A_342 = arith.mulf %parallel_loop3A_325, %parallel_loop3A_332 : vector<16xf32>
      %parallel_loop3A_343 = arith.addf %parallel_loop3A_305, %parallel_loop3A_342 : vector<16xf32>
      %parallel_loop3A_344 = arith.addf %parallel_loop3A_306, %parallel_loop3A_332 : vector<16xf32>
      %parallel_loop3A_345 = arith.constant 16 : i32
      %parallel_loop3A_346 = arith.muli %parallel_loop3A_302, %parallel_loop3A_345 : i32
      %parallel_loop3A_347 = arith.constant 5 : i32
      %parallel_loop3A_348 = arith.index_cast %parallel_loop3A_347 : i32 to index
      %parallel_loop3A_349 = arith.index_cast %parallel_loop3A_346 : i32 to index
      %parallel_loop3A_350 = tpu.vector_load %arg5[%parallel_loop3A_348, %parallel_loop3A_349] {strides = array<i32>} : memref<8x2048xf32, #tpu.memory_space<vmem>>, vector<1x16xf32>,
      %parallel_loop3A_351 = vector.shape_cast %parallel_loop3A_350 : vector<1x16xf32> to vector<16xf32>
      %parallel_loop3A_352 = arith.constant 16 : i32
      %parallel_loop3A_353 = arith.muli %parallel_loop3A_302, %parallel_loop3A_352 : i32
      %parallel_loop3A_354 = arith.constant 5 : i32
      %parallel_loop3A_355 = arith.index_cast %parallel_loop3A_354 : i32 to index
      %parallel_loop3A_356 = arith.index_cast %parallel_loop3A_353 : i32 to index
      %parallel_loop3A_357 = tpu.vector_load %arg7[%parallel_loop3A_355, %parallel_loop3A_356] {strides = array<i32>} : memref<8x2048xf32, #tpu.memory_space<vmem>>, vector<1x16xf32>,
      %parallel_loop3A_358 = vector.shape_cast %parallel_loop3A_357 : vector<1x16xf32> to vector<16xf32>
      %parallel_loop3A_359 = arith.constant 0.000000e+00 : f32
      %parallel_loop3A_360 = vector.broadcast %parallel_loop3A_359 : f32 to vector<16xf32>
      %parallel_loop3A_361 = arith.cmpf ogt, %parallel_loop3A_358, %parallel_loop3A_360 : vector<16xf32>
      %parallel_loop3A_362 = arith.constant -1.000000e+30 : f32
      %parallel_loop3A_363 = vector.broadcast %parallel_loop3A_362 : f32 to vector<16xf32>
      %parallel_loop3A_364 = arith.select %parallel_loop3A_361, %parallel_loop3A_363, %parallel_loop3A_351 : vector<16xi1>, vector<16xf32>
      %parallel_loop3A_365 = arith.minimumf %parallel_loop3A_307, %parallel_loop3A_364 : vector<16xf32>
      %parallel_loop3A_366 = arith.maximumf %parallel_loop3A_308, %parallel_loop3A_365 : vector<16xf32>
      %parallel_loop3A_367 = arith.maximumf %parallel_loop3A_307, %parallel_loop3A_364 : vector<16xf32>
      %parallel_loop3A_368 = arith.mulf %parallel_loop3A_351, %parallel_loop3A_358 : vector<16xf32>
      %parallel_loop3A_369 = arith.addf %parallel_loop3A_309, %parallel_loop3A_368 : vector<16xf32>
      %parallel_loop3A_370 = arith.addf %parallel_loop3A_310, %parallel_loop3A_358 : vector<16xf32>
      %parallel_loop3A_371 = arith.constant 16 : i32
      %parallel_loop3A_372 = arith.muli %parallel_loop3A_302, %parallel_loop3A_371 : i32
      %parallel_loop3A_373 = arith.constant 6 : i32
      %parallel_loop3A_374 = arith.index_cast %parallel_loop3A_373 : i32 to index
      %parallel_loop3A_375 = arith.index_cast %parallel_loop3A_372 : i32 to index
      %parallel_loop3A_376 = tpu.vector_load %arg5[%parallel_loop3A_374, %parallel_loop3A_375] {strides = array<i32>} : memref<8x2048xf32, #tpu.memory_space<vmem>>, vector<1x16xf32>,
      %parallel_loop3A_377 = vector.shape_cast %parallel_loop3A_376 : vector<1x16xf32> to vector<16xf32>
      %parallel_loop3A_378 = arith.constant 16 : i32
      %parallel_loop3A_379 = arith.muli %parallel_loop3A_302, %parallel_loop3A_378 : i32
      %parallel_loop3A_380 = arith.constant 6 : i32
      %parallel_loop3A_381 = arith.index_cast %parallel_loop3A_380 : i32 to index
      %parallel_loop3A_382 = arith.index_cast %parallel_loop3A_379 : i32 to index
      %parallel_loop3A_383 = tpu.vector_load %arg7[%parallel_loop3A_381, %parallel_loop3A_382] {strides = array<i32>} : memref<8x2048xf32, #tpu.memory_space<vmem>>, vector<1x16xf32>,
      %parallel_loop3A_384 = vector.shape_cast %parallel_loop3A_383 : vector<1x16xf32> to vector<16xf32>
      %parallel_loop3A_385 = arith.constant 0.000000e+00 : f32
      %parallel_loop3A_386 = vector.broadcast %parallel_loop3A_385 : f32 to vector<16xf32>
      %parallel_loop3A_387 = arith.cmpf ogt, %parallel_loop3A_384, %parallel_loop3A_386 : vector<16xf32>
      %parallel_loop3A_388 = arith.constant -1.000000e+30 : f32
      %parallel_loop3A_389 = vector.broadcast %parallel_loop3A_388 : f32 to vector<16xf32>
      %parallel_loop3A_390 = arith.select %parallel_loop3A_387, %parallel_loop3A_389, %parallel_loop3A_377 : vector<16xi1>, vector<16xf32>
      %parallel_loop3A_391 = arith.minimumf %parallel_loop3A_311, %parallel_loop3A_390 : vector<16xf32>
      %parallel_loop3A_392 = arith.maximumf %parallel_loop3A_312, %parallel_loop3A_391 : vector<16xf32>
      %parallel_loop3A_393 = arith.maximumf %parallel_loop3A_311, %parallel_loop3A_390 : vector<16xf32>
      %parallel_loop3A_394 = arith.mulf %parallel_loop3A_377, %parallel_loop3A_384 : vector<16xf32>
      %parallel_loop3A_395 = arith.addf %parallel_loop3A_313, %parallel_loop3A_394 : vector<16xf32>
      %parallel_loop3A_396 = arith.addf %parallel_loop3A_314, %parallel_loop3A_384 : vector<16xf32>
      %parallel_loop3A_397 = arith.constant 16 : i32
      %parallel_loop3A_398 = arith.muli %parallel_loop3A_302, %parallel_loop3A_397 : i32
      %parallel_loop3A_399 = arith.constant 7 : i32
      %parallel_loop3A_400 = arith.index_cast %parallel_loop3A_399 : i32 to index
      %parallel_loop3A_401 = arith.index_cast %parallel_loop3A_398 : i32 to index
      %parallel_loop3A_402 = tpu.vector_load %arg5[%parallel_loop3A_400, %parallel_loop3A_401] {strides = array<i32>} : memref<8x2048xf32, #tpu.memory_space<vmem>>, vector<1x16xf32>,
      %parallel_loop3A_403 = vector.shape_cast %parallel_loop3A_402 : vector<1x16xf32> to vector<16xf32>
      %parallel_loop3A_404 = arith.constant 16 : i32
      %parallel_loop3A_405 = arith.muli %parallel_loop3A_302, %parallel_loop3A_404 : i32
      %parallel_loop3A_406 = arith.constant 7 : i32
      %parallel_loop3A_407 = arith.index_cast %parallel_loop3A_406 : i32 to index
      %parallel_loop3A_408 = arith.index_cast %parallel_loop3A_405 : i32 to index
      %parallel_loop3A_409 = tpu.vector_load %arg7[%parallel_loop3A_407, %parallel_loop3A_408] {strides = array<i32>} : memref<8x2048xf32, #tpu.memory_space<vmem>>, vector<1x16xf32>,
      %parallel_loop3A_410 = vector.shape_cast %parallel_loop3A_409 : vector<1x16xf32> to vector<16xf32>
      %parallel_loop3A_411 = arith.constant 0.000000e+00 : f32
      %parallel_loop3A_412 = vector.broadcast %parallel_loop3A_411 : f32 to vector<16xf32>
      %parallel_loop3A_413 = arith.cmpf ogt, %parallel_loop3A_410, %parallel_loop3A_412 : vector<16xf32>
      %parallel_loop3A_414 = arith.constant -1.000000e+30 : f32
      %parallel_loop3A_415 = vector.broadcast %parallel_loop3A_414 : f32 to vector<16xf32>
      %parallel_loop3A_416 = arith.select %parallel_loop3A_413, %parallel_loop3A_415, %parallel_loop3A_403 : vector<16xi1>, vector<16xf32>
      %parallel_loop3A_417 = arith.minimumf %parallel_loop3A_315, %parallel_loop3A_416 : vector<16xf32>
      %parallel_loop3A_418 = arith.maximumf %parallel_loop3A_316, %parallel_loop3A_417 : vector<16xf32>
      %parallel_loop3A_419 = arith.maximumf %parallel_loop3A_315, %parallel_loop3A_416 : vector<16xf32>
      %parallel_loop3A_420 = arith.mulf %parallel_loop3A_403, %parallel_loop3A_410 : vector<16xf32>
      %parallel_loop3A_421 = arith.addf %parallel_loop3A_317, %parallel_loop3A_420 : vector<16xf32>
      %parallel_loop3A_422 = arith.addf %parallel_loop3A_318, %parallel_loop3A_410 : vector<16xf32>
      scf.yield %parallel_loop3A_341, %parallel_loop3A_340, %parallel_loop3A_343, %parallel_loop3A_344, %parallel_loop3A_367, %parallel_loop3A_366, %parallel_loop3A_369, %parallel_loop3A_370, %parallel_loop3A_393, %parallel_loop3A_392, %parallel_loop3A_395, %parallel_loop3A_396, %parallel_loop3A_419, %parallel_loop3A_418, %parallel_loop3A_421, %parallel_loop3A_422 : vector<16xf32>, vector<16xf32>, vector<16xf32>, vector<16xf32>, vector<16xf32>, vector<16xf32>, vector<16xf32>, vector<16xf32>, vector<16xf32>, vector<16xf32>, vector<16xf32>, vector<16xf32>, vector<16xf32>, vector<16xf32>, vector<16xf32>, vector<16xf32>
    } {sc.loop_unroll_factor = 1 : i64, sc.parallel_access}
    %dma_wait3A_99 = tpu.memref_slice %arg2[%mul3A_32, %add3A_82] : memref<64x100000xf32, #tpu.memory_space<hbm>> -> memref<8x2048xf32, #tpu.memory_space<hbm>>
    %dma_wait3A_100 = tpu.memref_slice %arg2[%mul3A_32, %add3A_82] : memref<64x100000xf32, #tpu.memory_space<hbm>> -> memref<8x2048xf32, #tpu.memory_space<hbm>>
    tpu.wait_dma2 semaphore(%arg11 : memref<!tpu.dma_semaphore, #tpu.memory_space<semaphore_mem>>) src(%dma_wait3A_100 : memref<8x2048xf32, #tpu.memory_space<hbm>>) dst(%arg6 : memref<8x2048xf32, #tpu.memory_space<vmem>>)
    %dma_wait3A_101 = tpu.memref_slice %arg3[%mul3A_32, %add3A_82] : memref<64x100000xf32, #tpu.memory_space<hbm>> -> memref<8x2048xf32, #tpu.memory_space<hbm>>
    %dma_wait3A_102 = tpu.memref_slice %arg3[%mul3A_32, %add3A_82] : memref<64x100000xf32, #tpu.memory_space<hbm>> -> memref<8x2048xf32, #tpu.memory_space<hbm>>
    tpu.wait_dma2 semaphore(%arg11 : memref<!tpu.dma_semaphore, #tpu.memory_space<semaphore_mem>>) src(%dma_wait3A_102 : memref<8x2048xf32, #tpu.memory_space<hbm>>) dst(%arg8 : memref<8x2048xf32, #tpu.memory_space<vmem>>)
    %parallel_loop3A_103 = arith.constant 0 : i32
    %parallel_loop3A_104 = arith.constant 128 : i32
    %parallel_loop3A_105 = arith.constant 1 : i32
    %parallel_loop3A_106:16 = scf.for %parallel_loop3A_302 = %parallel_loop3A_103 to %parallel_loop3A_104 step %parallel_loop3A_105 iter_args(%parallel_loop3A_303 = %parallel_loop3A_94#0, %parallel_loop3A_304 = %parallel_loop3A_94#1, %parallel_loop3A_305 = %parallel_loop3A_94#2, %parallel_loop3A_306 = %parallel_loop3A_94#3, %parallel_loop3A_307 = %parallel_loop3A_94#4, %parallel_loop3A_308 = %parallel_loop3A_94#5, %parallel_loop3A_309 = %parallel_loop3A_94#6, %parallel_loop3A_310 = %parallel_loop3A_94#7, %parallel_loop3A_311 = %parallel_loop3A_94#8, %parallel_loop3A_312 = %parallel_loop3A_94#9, %parallel_loop3A_313 = %parallel_loop3A_94#10, %parallel_loop3A_314 = %parallel_loop3A_94#11, %parallel_loop3A_315 = %parallel_loop3A_94#12, %parallel_loop3A_316 = %parallel_loop3A_94#13, %parallel_loop3A_317 = %parallel_loop3A_94#14, %parallel_loop3A_318 = %parallel_loop3A_94#15) -> (vector<16xf32>, vector<16xf32>, vector<16xf32>, vector<16xf32>, vector<16xf32>, vector<16xf32>, vector<16xf32>, vector<16xf32>, vector<16xf32>, vector<16xf32>, vector<16xf32>, vector<16xf32>, vector<16xf32>, vector<16xf32>, vector<16xf32>, vector<16xf32>)  : i32 {
      %parallel_loop3A_319 = arith.constant 16 : i32
      %parallel_loop3A_320 = arith.muli %parallel_loop3A_302, %parallel_loop3A_319 : i32
      %parallel_loop3A_321 = arith.constant 0 : i32
      %parallel_loop3A_322 = arith.index_cast %parallel_loop3A_321 : i32 to index
      %parallel_loop3A_323 = arith.index_cast %parallel_loop3A_320 : i32 to index
      %parallel_loop3A_324 = tpu.vector_load %arg6[%parallel_loop3A_322, %parallel_loop3A_323] {strides = array<i32>} : memref<8x2048xf32, #tpu.memory_space<vmem>>, vector<1x16xf32>,
      %parallel_loop3A_325 = vector.shape_cast %parallel_loop3A_324 : vector<1x16xf32> to vector<16xf32>
      %parallel_loop3A_326 = arith.constant 16 : i32
      %parallel_loop3A_327 = arith.muli %parallel_loop3A_302, %parallel_loop3A_326 : i32
      %parallel_loop3A_328 = arith.constant 0 : i32
      %parallel_loop3A_329 = arith.index_cast %parallel_loop3A_328 : i32 to index
      %parallel_loop3A_330 = arith.index_cast %parallel_loop3A_327 : i32 to index
      %parallel_loop3A_331 = tpu.vector_load %arg8[%parallel_loop3A_329, %parallel_loop3A_330] {strides = array<i32>} : memref<8x2048xf32, #tpu.memory_space<vmem>>, vector<1x16xf32>,
      %parallel_loop3A_332 = vector.shape_cast %parallel_loop3A_331 : vector<1x16xf32> to vector<16xf32>
      %parallel_loop3A_333 = arith.constant 0.000000e+00 : f32
      %parallel_loop3A_334 = vector.broadcast %parallel_loop3A_333 : f32 to vector<16xf32>
      %parallel_loop3A_335 = arith.cmpf ogt, %parallel_loop3A_332, %parallel_loop3A_334 : vector<16xf32>
      %parallel_loop3A_336 = arith.constant -1.000000e+30 : f32
      %parallel_loop3A_337 = vector.broadcast %parallel_loop3A_336 : f32 to vector<16xf32>
      %parallel_loop3A_338 = arith.select %parallel_loop3A_335, %parallel_loop3A_337, %parallel_loop3A_325 : vector<16xi1>, vector<16xf32>
      %parallel_loop3A_339 = arith.minimumf %parallel_loop3A_303, %parallel_loop3A_338 : vector<16xf32>
      %parallel_loop3A_340 = arith.maximumf %parallel_loop3A_304, %parallel_loop3A_339 : vector<16xf32>
      %parallel_loop3A_341 = arith.maximumf %parallel_loop3A_303, %parallel_loop3A_338 : vector<16xf32>
      %parallel_loop3A_342 = arith.mulf %parallel_loop3A_325, %parallel_loop3A_332 : vector<16xf32>
      %parallel_loop3A_343 = arith.addf %parallel_loop3A_305, %parallel_loop3A_342 : vector<16xf32>
      %parallel_loop3A_344 = arith.addf %parallel_loop3A_306, %parallel_loop3A_332 : vector<16xf32>
      %parallel_loop3A_345 = arith.constant 16 : i32
      %parallel_loop3A_346 = arith.muli %parallel_loop3A_302, %parallel_loop3A_345 : i32
      %parallel_loop3A_347 = arith.constant 1 : i32
      %parallel_loop3A_348 = arith.index_cast %parallel_loop3A_347 : i32 to index
      %parallel_loop3A_349 = arith.index_cast %parallel_loop3A_346 : i32 to index
      %parallel_loop3A_350 = tpu.vector_load %arg6[%parallel_loop3A_348, %parallel_loop3A_349] {strides = array<i32>} : memref<8x2048xf32, #tpu.memory_space<vmem>>, vector<1x16xf32>,
      %parallel_loop3A_351 = vector.shape_cast %parallel_loop3A_350 : vector<1x16xf32> to vector<16xf32>
      %parallel_loop3A_352 = arith.constant 16 : i32
      %parallel_loop3A_353 = arith.muli %parallel_loop3A_302, %parallel_loop3A_352 : i32
      %parallel_loop3A_354 = arith.constant 1 : i32
      %parallel_loop3A_355 = arith.index_cast %parallel_loop3A_354 : i32 to index
      %parallel_loop3A_356 = arith.index_cast %parallel_loop3A_353 : i32 to index
      %parallel_loop3A_357 = tpu.vector_load %arg8[%parallel_loop3A_355, %parallel_loop3A_356] {strides = array<i32>} : memref<8x2048xf32, #tpu.memory_space<vmem>>, vector<1x16xf32>,
      %parallel_loop3A_358 = vector.shape_cast %parallel_loop3A_357 : vector<1x16xf32> to vector<16xf32>
      %parallel_loop3A_359 = arith.constant 0.000000e+00 : f32
      %parallel_loop3A_360 = vector.broadcast %parallel_loop3A_359 : f32 to vector<16xf32>
      %parallel_loop3A_361 = arith.cmpf ogt, %parallel_loop3A_358, %parallel_loop3A_360 : vector<16xf32>
      %parallel_loop3A_362 = arith.constant -1.000000e+30 : f32
      %parallel_loop3A_363 = vector.broadcast %parallel_loop3A_362 : f32 to vector<16xf32>
      %parallel_loop3A_364 = arith.select %parallel_loop3A_361, %parallel_loop3A_363, %parallel_loop3A_351 : vector<16xi1>, vector<16xf32>
      %parallel_loop3A_365 = arith.minimumf %parallel_loop3A_307, %parallel_loop3A_364 : vector<16xf32>
      %parallel_loop3A_366 = arith.maximumf %parallel_loop3A_308, %parallel_loop3A_365 : vector<16xf32>
      %parallel_loop3A_367 = arith.maximumf %parallel_loop3A_307, %parallel_loop3A_364 : vector<16xf32>
      %parallel_loop3A_368 = arith.mulf %parallel_loop3A_351, %parallel_loop3A_358 : vector<16xf32>
      %parallel_loop3A_369 = arith.addf %parallel_loop3A_309, %parallel_loop3A_368 : vector<16xf32>
      %parallel_loop3A_370 = arith.addf %parallel_loop3A_310, %parallel_loop3A_358 : vector<16xf32>
      %parallel_loop3A_371 = arith.constant 16 : i32
      %parallel_loop3A_372 = arith.muli %parallel_loop3A_302, %parallel_loop3A_371 : i32
      %parallel_loop3A_373 = arith.constant 2 : i32
      %parallel_loop3A_374 = arith.index_cast %parallel_loop3A_373 : i32 to index
      %parallel_loop3A_375 = arith.index_cast %parallel_loop3A_372 : i32 to index
      %parallel_loop3A_376 = tpu.vector_load %arg6[%parallel_loop3A_374, %parallel_loop3A_375] {strides = array<i32>} : memref<8x2048xf32, #tpu.memory_space<vmem>>, vector<1x16xf32>,
      %parallel_loop3A_377 = vector.shape_cast %parallel_loop3A_376 : vector<1x16xf32> to vector<16xf32>
      %parallel_loop3A_378 = arith.constant 16 : i32
      %parallel_loop3A_379 = arith.muli %parallel_loop3A_302, %parallel_loop3A_378 : i32
      %parallel_loop3A_380 = arith.constant 2 : i32
      %parallel_loop3A_381 = arith.index_cast %parallel_loop3A_380 : i32 to index
      %parallel_loop3A_382 = arith.index_cast %parallel_loop3A_379 : i32 to index
      %parallel_loop3A_383 = tpu.vector_load %arg8[%parallel_loop3A_381, %parallel_loop3A_382] {strides = array<i32>} : memref<8x2048xf32, #tpu.memory_space<vmem>>, vector<1x16xf32>,
      %parallel_loop3A_384 = vector.shape_cast %parallel_loop3A_383 : vector<1x16xf32> to vector<16xf32>
      %parallel_loop3A_385 = arith.constant 0.000000e+00 : f32
      %parallel_loop3A_386 = vector.broadcast %parallel_loop3A_385 : f32 to vector<16xf32>
      %parallel_loop3A_387 = arith.cmpf ogt, %parallel_loop3A_384, %parallel_loop3A_386 : vector<16xf32>
      %parallel_loop3A_388 = arith.constant -1.000000e+30 : f32
      %parallel_loop3A_389 = vector.broadcast %parallel_loop3A_388 : f32 to vector<16xf32>
      %parallel_loop3A_390 = arith.select %parallel_loop3A_387, %parallel_loop3A_389, %parallel_loop3A_377 : vector<16xi1>, vector<16xf32>
      %parallel_loop3A_391 = arith.minimumf %parallel_loop3A_311, %parallel_loop3A_390 : vector<16xf32>
      %parallel_loop3A_392 = arith.maximumf %parallel_loop3A_312, %parallel_loop3A_391 : vector<16xf32>
      %parallel_loop3A_393 = arith.maximumf %parallel_loop3A_311, %parallel_loop3A_390 : vector<16xf32>
      %parallel_loop3A_394 = arith.mulf %parallel_loop3A_377, %parallel_loop3A_384 : vector<16xf32>
      %parallel_loop3A_395 = arith.addf %parallel_loop3A_313, %parallel_loop3A_394 : vector<16xf32>
      %parallel_loop3A_396 = arith.addf %parallel_loop3A_314, %parallel_loop3A_384 : vector<16xf32>
      %parallel_loop3A_397 = arith.constant 16 : i32
      %parallel_loop3A_398 = arith.muli %parallel_loop3A_302, %parallel_loop3A_397 : i32
      %parallel_loop3A_399 = arith.constant 3 : i32
      %parallel_loop3A_400 = arith.index_cast %parallel_loop3A_399 : i32 to index
      %parallel_loop3A_401 = arith.index_cast %parallel_loop3A_398 : i32 to index
      %parallel_loop3A_402 = tpu.vector_load %arg6[%parallel_loop3A_400, %parallel_loop3A_401] {strides = array<i32>} : memref<8x2048xf32, #tpu.memory_space<vmem>>, vector<1x16xf32>,
      %parallel_loop3A_403 = vector.shape_cast %parallel_loop3A_402 : vector<1x16xf32> to vector<16xf32>
      %parallel_loop3A_404 = arith.constant 16 : i32
      %parallel_loop3A_405 = arith.muli %parallel_loop3A_302, %parallel_loop3A_404 : i32
      %parallel_loop3A_406 = arith.constant 3 : i32
      %parallel_loop3A_407 = arith.index_cast %parallel_loop3A_406 : i32 to index
      %parallel_loop3A_408 = arith.index_cast %parallel_loop3A_405 : i32 to index
      %parallel_loop3A_409 = tpu.vector_load %arg8[%parallel_loop3A_407, %parallel_loop3A_408] {strides = array<i32>} : memref<8x2048xf32, #tpu.memory_space<vmem>>, vector<1x16xf32>,
      %parallel_loop3A_410 = vector.shape_cast %parallel_loop3A_409 : vector<1x16xf32> to vector<16xf32>
      %parallel_loop3A_411 = arith.constant 0.000000e+00 : f32
      %parallel_loop3A_412 = vector.broadcast %parallel_loop3A_411 : f32 to vector<16xf32>
      %parallel_loop3A_413 = arith.cmpf ogt, %parallel_loop3A_410, %parallel_loop3A_412 : vector<16xf32>
      %parallel_loop3A_414 = arith.constant -1.000000e+30 : f32
      %parallel_loop3A_415 = vector.broadcast %parallel_loop3A_414 : f32 to vector<16xf32>
      %parallel_loop3A_416 = arith.select %parallel_loop3A_413, %parallel_loop3A_415, %parallel_loop3A_403 : vector<16xi1>, vector<16xf32>
      %parallel_loop3A_417 = arith.minimumf %parallel_loop3A_315, %parallel_loop3A_416 : vector<16xf32>
      %parallel_loop3A_418 = arith.maximumf %parallel_loop3A_316, %parallel_loop3A_417 : vector<16xf32>
      %parallel_loop3A_419 = arith.maximumf %parallel_loop3A_315, %parallel_loop3A_416 : vector<16xf32>
      %parallel_loop3A_420 = arith.mulf %parallel_loop3A_403, %parallel_loop3A_410 : vector<16xf32>
      %parallel_loop3A_421 = arith.addf %parallel_loop3A_317, %parallel_loop3A_420 : vector<16xf32>
      %parallel_loop3A_422 = arith.addf %parallel_loop3A_318, %parallel_loop3A_410 : vector<16xf32>
      scf.yield %parallel_loop3A_341, %parallel_loop3A_340, %parallel_loop3A_343, %parallel_loop3A_344, %parallel_loop3A_367, %parallel_loop3A_366, %parallel_loop3A_369, %parallel_loop3A_370, %parallel_loop3A_393, %parallel_loop3A_392, %parallel_loop3A_395, %parallel_loop3A_396, %parallel_loop3A_419, %parallel_loop3A_418, %parallel_loop3A_421, %parallel_loop3A_422 : vector<16xf32>, vector<16xf32>, vector<16xf32>, vector<16xf32>, vector<16xf32>, vector<16xf32>, vector<16xf32>, vector<16xf32>, vector<16xf32>, vector<16xf32>, vector<16xf32>, vector<16xf32>, vector<16xf32>, vector<16xf32>, vector<16xf32>, vector<16xf32>
    } {sc.loop_unroll_factor = 1 : i64, sc.parallel_access}
    %parallel_loop3A_107 = arith.constant 0 : i32
    %parallel_loop3A_108 = arith.constant 128 : i32
    %parallel_loop3A_109 = arith.constant 1 : i32
    %parallel_loop3A_110:16 = scf.for %parallel_loop3A_302 = %parallel_loop3A_107 to %parallel_loop3A_108 step %parallel_loop3A_109 iter_args(%parallel_loop3A_303 = %parallel_loop3A_98#0, %parallel_loop3A_304 = %parallel_loop3A_98#1, %parallel_loop3A_305 = %parallel_loop3A_98#2, %parallel_loop3A_306 = %parallel_loop3A_98#3, %parallel_loop3A_307 = %parallel_loop3A_98#4, %parallel_loop3A_308 = %parallel_loop3A_98#5, %parallel_loop3A_309 = %parallel_loop3A_98#6, %parallel_loop3A_310 = %parallel_loop3A_98#7, %parallel_loop3A_311 = %parallel_loop3A_98#8, %parallel_loop3A_312 = %parallel_loop3A_98#9, %parallel_loop3A_313 = %parallel_loop3A_98#10, %parallel_loop3A_314 = %parallel_loop3A_98#11, %parallel_loop3A_315 = %parallel_loop3A_98#12, %parallel_loop3A_316 = %parallel_loop3A_98#13, %parallel_loop3A_317 = %parallel_loop3A_98#14, %parallel_loop3A_318 = %parallel_loop3A_98#15) -> (vector<16xf32>, vector<16xf32>, vector<16xf32>, vector<16xf32>, vector<16xf32>, vector<16xf32>, vector<16xf32>, vector<16xf32>, vector<16xf32>, vector<16xf32>, vector<16xf32>, vector<16xf32>, vector<16xf32>, vector<16xf32>, vector<16xf32>, vector<16xf32>)  : i32 {
      %parallel_loop3A_319 = arith.constant 16 : i32
      %parallel_loop3A_320 = arith.muli %parallel_loop3A_302, %parallel_loop3A_319 : i32
      %parallel_loop3A_321 = arith.constant 4 : i32
      %parallel_loop3A_322 = arith.index_cast %parallel_loop3A_321 : i32 to index
      %parallel_loop3A_323 = arith.index_cast %parallel_loop3A_320 : i32 to index
      %parallel_loop3A_324 = tpu.vector_load %arg6[%parallel_loop3A_322, %parallel_loop3A_323] {strides = array<i32>} : memref<8x2048xf32, #tpu.memory_space<vmem>>, vector<1x16xf32>,
      %parallel_loop3A_325 = vector.shape_cast %parallel_loop3A_324 : vector<1x16xf32> to vector<16xf32>
      %parallel_loop3A_326 = arith.constant 16 : i32
      %parallel_loop3A_327 = arith.muli %parallel_loop3A_302, %parallel_loop3A_326 : i32
      %parallel_loop3A_328 = arith.constant 4 : i32
      %parallel_loop3A_329 = arith.index_cast %parallel_loop3A_328 : i32 to index
      %parallel_loop3A_330 = arith.index_cast %parallel_loop3A_327 : i32 to index
      %parallel_loop3A_331 = tpu.vector_load %arg8[%parallel_loop3A_329, %parallel_loop3A_330] {strides = array<i32>} : memref<8x2048xf32, #tpu.memory_space<vmem>>, vector<1x16xf32>,
      %parallel_loop3A_332 = vector.shape_cast %parallel_loop3A_331 : vector<1x16xf32> to vector<16xf32>
      %parallel_loop3A_333 = arith.constant 0.000000e+00 : f32
      %parallel_loop3A_334 = vector.broadcast %parallel_loop3A_333 : f32 to vector<16xf32>
      %parallel_loop3A_335 = arith.cmpf ogt, %parallel_loop3A_332, %parallel_loop3A_334 : vector<16xf32>
      %parallel_loop3A_336 = arith.constant -1.000000e+30 : f32
      %parallel_loop3A_337 = vector.broadcast %parallel_loop3A_336 : f32 to vector<16xf32>
      %parallel_loop3A_338 = arith.select %parallel_loop3A_335, %parallel_loop3A_337, %parallel_loop3A_325 : vector<16xi1>, vector<16xf32>
      %parallel_loop3A_339 = arith.minimumf %parallel_loop3A_303, %parallel_loop3A_338 : vector<16xf32>
      %parallel_loop3A_340 = arith.maximumf %parallel_loop3A_304, %parallel_loop3A_339 : vector<16xf32>
      %parallel_loop3A_341 = arith.maximumf %parallel_loop3A_303, %parallel_loop3A_338 : vector<16xf32>
      %parallel_loop3A_342 = arith.mulf %parallel_loop3A_325, %parallel_loop3A_332 : vector<16xf32>
      %parallel_loop3A_343 = arith.addf %parallel_loop3A_305, %parallel_loop3A_342 : vector<16xf32>
      %parallel_loop3A_344 = arith.addf %parallel_loop3A_306, %parallel_loop3A_332 : vector<16xf32>
      %parallel_loop3A_345 = arith.constant 16 : i32
      %parallel_loop3A_346 = arith.muli %parallel_loop3A_302, %parallel_loop3A_345 : i32
      %parallel_loop3A_347 = arith.constant 5 : i32
      %parallel_loop3A_348 = arith.index_cast %parallel_loop3A_347 : i32 to index
      %parallel_loop3A_349 = arith.index_cast %parallel_loop3A_346 : i32 to index
      %parallel_loop3A_350 = tpu.vector_load %arg6[%parallel_loop3A_348, %parallel_loop3A_349] {strides = array<i32>} : memref<8x2048xf32, #tpu.memory_space<vmem>>, vector<1x16xf32>,
      %parallel_loop3A_351 = vector.shape_cast %parallel_loop3A_350 : vector<1x16xf32> to vector<16xf32>
      %parallel_loop3A_352 = arith.constant 16 : i32
      %parallel_loop3A_353 = arith.muli %parallel_loop3A_302, %parallel_loop3A_352 : i32
      %parallel_loop3A_354 = arith.constant 5 : i32
      %parallel_loop3A_355 = arith.index_cast %parallel_loop3A_354 : i32 to index
      %parallel_loop3A_356 = arith.index_cast %parallel_loop3A_353 : i32 to index
      %parallel_loop3A_357 = tpu.vector_load %arg8[%parallel_loop3A_355, %parallel_loop3A_356] {strides = array<i32>} : memref<8x2048xf32, #tpu.memory_space<vmem>>, vector<1x16xf32>,
      %parallel_loop3A_358 = vector.shape_cast %parallel_loop3A_357 : vector<1x16xf32> to vector<16xf32>
      %parallel_loop3A_359 = arith.constant 0.000000e+00 : f32
      %parallel_loop3A_360 = vector.broadcast %parallel_loop3A_359 : f32 to vector<16xf32>
      %parallel_loop3A_361 = arith.cmpf ogt, %parallel_loop3A_358, %parallel_loop3A_360 : vector<16xf32>
      %parallel_loop3A_362 = arith.constant -1.000000e+30 : f32
      %parallel_loop3A_363 = vector.broadcast %parallel_loop3A_362 : f32 to vector<16xf32>
      %parallel_loop3A_364 = arith.select %parallel_loop3A_361, %parallel_loop3A_363, %parallel_loop3A_351 : vector<16xi1>, vector<16xf32>
      %parallel_loop3A_365 = arith.minimumf %parallel_loop3A_307, %parallel_loop3A_364 : vector<16xf32>
      %parallel_loop3A_366 = arith.maximumf %parallel_loop3A_308, %parallel_loop3A_365 : vector<16xf32>
      %parallel_loop3A_367 = arith.maximumf %parallel_loop3A_307, %parallel_loop3A_364 : vector<16xf32>
      %parallel_loop3A_368 = arith.mulf %parallel_loop3A_351, %parallel_loop3A_358 : vector<16xf32>
      %parallel_loop3A_369 = arith.addf %parallel_loop3A_309, %parallel_loop3A_368 : vector<16xf32>
      %parallel_loop3A_370 = arith.addf %parallel_loop3A_310, %parallel_loop3A_358 : vector<16xf32>
      %parallel_loop3A_371 = arith.constant 16 : i32
      %parallel_loop3A_372 = arith.muli %parallel_loop3A_302, %parallel_loop3A_371 : i32
      %parallel_loop3A_373 = arith.constant 6 : i32
      %parallel_loop3A_374 = arith.index_cast %parallel_loop3A_373 : i32 to index
      %parallel_loop3A_375 = arith.index_cast %parallel_loop3A_372 : i32 to index
      %parallel_loop3A_376 = tpu.vector_load %arg6[%parallel_loop3A_374, %parallel_loop3A_375] {strides = array<i32>} : memref<8x2048xf32, #tpu.memory_space<vmem>>, vector<1x16xf32>,
      %parallel_loop3A_377 = vector.shape_cast %parallel_loop3A_376 : vector<1x16xf32> to vector<16xf32>
      %parallel_loop3A_378 = arith.constant 16 : i32
      %parallel_loop3A_379 = arith.muli %parallel_loop3A_302, %parallel_loop3A_378 : i32
      %parallel_loop3A_380 = arith.constant 6 : i32
      %parallel_loop3A_381 = arith.index_cast %parallel_loop3A_380 : i32 to index
      %parallel_loop3A_382 = arith.index_cast %parallel_loop3A_379 : i32 to index
      %parallel_loop3A_383 = tpu.vector_load %arg8[%parallel_loop3A_381, %parallel_loop3A_382] {strides = array<i32>} : memref<8x2048xf32, #tpu.memory_space<vmem>>, vector<1x16xf32>,
      %parallel_loop3A_384 = vector.shape_cast %parallel_loop3A_383 : vector<1x16xf32> to vector<16xf32>
      %parallel_loop3A_385 = arith.constant 0.000000e+00 : f32
      %parallel_loop3A_386 = vector.broadcast %parallel_loop3A_385 : f32 to vector<16xf32>
      %parallel_loop3A_387 = arith.cmpf ogt, %parallel_loop3A_384, %parallel_loop3A_386 : vector<16xf32>
      %parallel_loop3A_388 = arith.constant -1.000000e+30 : f32
      %parallel_loop3A_389 = vector.broadcast %parallel_loop3A_388 : f32 to vector<16xf32>
      %parallel_loop3A_390 = arith.select %parallel_loop3A_387, %parallel_loop3A_389, %parallel_loop3A_377 : vector<16xi1>, vector<16xf32>
      %parallel_loop3A_391 = arith.minimumf %parallel_loop3A_311, %parallel_loop3A_390 : vector<16xf32>
      %parallel_loop3A_392 = arith.maximumf %parallel_loop3A_312, %parallel_loop3A_391 : vector<16xf32>
      %parallel_loop3A_393 = arith.maximumf %parallel_loop3A_311, %parallel_loop3A_390 : vector<16xf32>
      %parallel_loop3A_394 = arith.mulf %parallel_loop3A_377, %parallel_loop3A_384 : vector<16xf32>
      %parallel_loop3A_395 = arith.addf %parallel_loop3A_313, %parallel_loop3A_394 : vector<16xf32>
      %parallel_loop3A_396 = arith.addf %parallel_loop3A_314, %parallel_loop3A_384 : vector<16xf32>
      %parallel_loop3A_397 = arith.constant 16 : i32
      %parallel_loop3A_398 = arith.muli %parallel_loop3A_302, %parallel_loop3A_397 : i32
      %parallel_loop3A_399 = arith.constant 7 : i32
      %parallel_loop3A_400 = arith.index_cast %parallel_loop3A_399 : i32 to index
      %parallel_loop3A_401 = arith.index_cast %parallel_loop3A_398 : i32 to index
      %parallel_loop3A_402 = tpu.vector_load %arg6[%parallel_loop3A_400, %parallel_loop3A_401] {strides = array<i32>} : memref<8x2048xf32, #tpu.memory_space<vmem>>, vector<1x16xf32>,
      %parallel_loop3A_403 = vector.shape_cast %parallel_loop3A_402 : vector<1x16xf32> to vector<16xf32>
      %parallel_loop3A_404 = arith.constant 16 : i32
      %parallel_loop3A_405 = arith.muli %parallel_loop3A_302, %parallel_loop3A_404 : i32
      %parallel_loop3A_406 = arith.constant 7 : i32
      %parallel_loop3A_407 = arith.index_cast %parallel_loop3A_406 : i32 to index
      %parallel_loop3A_408 = arith.index_cast %parallel_loop3A_405 : i32 to index
      %parallel_loop3A_409 = tpu.vector_load %arg8[%parallel_loop3A_407, %parallel_loop3A_408] {strides = array<i32>} : memref<8x2048xf32, #tpu.memory_space<vmem>>, vector<1x16xf32>,
      %parallel_loop3A_410 = vector.shape_cast %parallel_loop3A_409 : vector<1x16xf32> to vector<16xf32>
      %parallel_loop3A_411 = arith.constant 0.000000e+00 : f32
      %parallel_loop3A_412 = vector.broadcast %parallel_loop3A_411 : f32 to vector<16xf32>
      %parallel_loop3A_413 = arith.cmpf ogt, %parallel_loop3A_410, %parallel_loop3A_412 : vector<16xf32>
      %parallel_loop3A_414 = arith.constant -1.000000e+30 : f32
      %parallel_loop3A_415 = vector.broadcast %parallel_loop3A_414 : f32 to vector<16xf32>
      %parallel_loop3A_416 = arith.select %parallel_loop3A_413, %parallel_loop3A_415, %parallel_loop3A_403 : vector<16xi1>, vector<16xf32>
      %parallel_loop3A_417 = arith.minimumf %parallel_loop3A_315, %parallel_loop3A_416 : vector<16xf32>
      %parallel_loop3A_418 = arith.maximumf %parallel_loop3A_316, %parallel_loop3A_417 : vector<16xf32>
      %parallel_loop3A_419 = arith.maximumf %parallel_loop3A_315, %parallel_loop3A_416 : vector<16xf32>
      %parallel_loop3A_420 = arith.mulf %parallel_loop3A_403, %parallel_loop3A_410 : vector<16xf32>
      %parallel_loop3A_421 = arith.addf %parallel_loop3A_317, %parallel_loop3A_420 : vector<16xf32>
      %parallel_loop3A_422 = arith.addf %parallel_loop3A_318, %parallel_loop3A_410 : vector<16xf32>
      scf.yield %parallel_loop3A_341, %parallel_loop3A_340, %parallel_loop3A_343, %parallel_loop3A_344, %parallel_loop3A_367, %parallel_loop3A_366, %parallel_loop3A_369, %parallel_loop3A_370, %parallel_loop3A_393, %parallel_loop3A_392, %parallel_loop3A_395, %parallel_loop3A_396, %parallel_loop3A_419, %parallel_loop3A_418, %parallel_loop3A_421, %parallel_loop3A_422 : vector<16xf32>, vector<16xf32>, vector<16xf32>, vector<16xf32>, vector<16xf32>, vector<16xf32>, vector<16xf32>, vector<16xf32>, vector<16xf32>, vector<16xf32>, vector<16xf32>, vector<16xf32>, vector<16xf32>, vector<16xf32>, vector<16xf32>, vector<16xf32>
    } {sc.loop_unroll_factor = 1 : i64, sc.parallel_access}
    %swap3A = arith.constant 0 : i32
    %swap3A_111 = arith.index_cast %swap3A : i32 to index
    %swap3A_112 = arith.constant 0 : index
    %swap3A_113 = tpu.vector_load %arg9[%swap3A_111, %swap3A_112] {strides = array<i32>} : memref<8x256xf32, #tpu.memory_space<vmem>>, vector<1x16xf32>,
    %swap3A_114 = vector.shape_cast %swap3A_113 : vector<1x16xf32> to vector<16xf32>
    %swap3A_115 = vector.shape_cast %parallel_loop3A_106#0 : vector<16xf32> to vector<1x16xf32>
    tpu.vector_store %arg9[%swap3A_111, %swap3A_112], %swap3A_115 {strides = array<i32>} : memref<8x256xf32, #tpu.memory_space<vmem>>, vector<1x16xf32>,
    %swap3A_116 = arith.constant 0 : i32
    %swap3A_117 = arith.index_cast %swap3A_116 : i32 to index
    %swap3A_118 = arith.constant 16 : index
    %swap3A_119 = tpu.vector_load %arg9[%swap3A_117, %swap3A_118] {strides = array<i32>} : memref<8x256xf32, #tpu.memory_space<vmem>>, vector<1x16xf32>,
    %swap3A_120 = vector.shape_cast %swap3A_119 : vector<1x16xf32> to vector<16xf32>
    %swap3A_121 = vector.shape_cast %parallel_loop3A_106#1 : vector<16xf32> to vector<1x16xf32>
    tpu.vector_store %arg9[%swap3A_117, %swap3A_118], %swap3A_121 {strides = array<i32>} : memref<8x256xf32, #tpu.memory_space<vmem>>, vector<1x16xf32>,
    %swap3A_122 = arith.constant 0 : i32
    %swap3A_123 = arith.index_cast %swap3A_122 : i32 to index
    %swap3A_124 = arith.constant 32 : index
    %swap3A_125 = tpu.vector_load %arg9[%swap3A_123, %swap3A_124] {strides = array<i32>} : memref<8x256xf32, #tpu.memory_space<vmem>>, vector<1x16xf32>,
    %swap3A_126 = vector.shape_cast %swap3A_125 : vector<1x16xf32> to vector<16xf32>
    %swap3A_127 = vector.shape_cast %parallel_loop3A_106#2 : vector<16xf32> to vector<1x16xf32>
    tpu.vector_store %arg9[%swap3A_123, %swap3A_124], %swap3A_127 {strides = array<i32>} : memref<8x256xf32, #tpu.memory_space<vmem>>, vector<1x16xf32>,
    %swap3A_128 = arith.constant 0 : i32
    %swap3A_129 = arith.index_cast %swap3A_128 : i32 to index
    %swap3A_130 = arith.constant 48 : index
    %swap3A_131 = tpu.vector_load %arg9[%swap3A_129, %swap3A_130] {strides = array<i32>} : memref<8x256xf32, #tpu.memory_space<vmem>>, vector<1x16xf32>,
    %swap3A_132 = vector.shape_cast %swap3A_131 : vector<1x16xf32> to vector<16xf32>
    %swap3A_133 = vector.shape_cast %parallel_loop3A_106#3 : vector<16xf32> to vector<1x16xf32>
    tpu.vector_store %arg9[%swap3A_129, %swap3A_130], %swap3A_133 {strides = array<i32>} : memref<8x256xf32, #tpu.memory_space<vmem>>, vector<1x16xf32>,
    %swap3A_134 = arith.constant 1 : i32
    %swap3A_135 = arith.index_cast %swap3A_134 : i32 to index
    %swap3A_136 = arith.constant 0 : index
    %swap3A_137 = tpu.vector_load %arg9[%swap3A_135, %swap3A_136] {strides = array<i32>} : memref<8x256xf32, #tpu.memory_space<vmem>>, vector<1x16xf32>,
    %swap3A_138 = vector.shape_cast %swap3A_137 : vector<1x16xf32> to vector<16xf32>
    %swap3A_139 = vector.shape_cast %parallel_loop3A_106#4 : vector<16xf32> to vector<1x16xf32>
    tpu.vector_store %arg9[%swap3A_135, %swap3A_136], %swap3A_139 {strides = array<i32>} : memref<8x256xf32, #tpu.memory_space<vmem>>, vector<1x16xf32>,
    %swap3A_140 = arith.constant 1 : i32
    %swap3A_141 = arith.index_cast %swap3A_140 : i32 to index
    %swap3A_142 = arith.constant 16 : index
    %swap3A_143 = tpu.vector_load %arg9[%swap3A_141, %swap3A_142] {strides = array<i32>} : memref<8x256xf32, #tpu.memory_space<vmem>>, vector<1x16xf32>,
    %swap3A_144 = vector.shape_cast %swap3A_143 : vector<1x16xf32> to vector<16xf32>
    %swap3A_145 = vector.shape_cast %parallel_loop3A_106#5 : vector<16xf32> to vector<1x16xf32>
    tpu.vector_store %arg9[%swap3A_141, %swap3A_142], %swap3A_145 {strides = array<i32>} : memref<8x256xf32, #tpu.memory_space<vmem>>, vector<1x16xf32>,
    %swap3A_146 = arith.constant 1 : i32
    %swap3A_147 = arith.index_cast %swap3A_146 : i32 to index
    %swap3A_148 = arith.constant 32 : index
    %swap3A_149 = tpu.vector_load %arg9[%swap3A_147, %swap3A_148] {strides = array<i32>} : memref<8x256xf32, #tpu.memory_space<vmem>>, vector<1x16xf32>,
    %swap3A_150 = vector.shape_cast %swap3A_149 : vector<1x16xf32> to vector<16xf32>
    %swap3A_151 = vector.shape_cast %parallel_loop3A_106#6 : vector<16xf32> to vector<1x16xf32>
    tpu.vector_store %arg9[%swap3A_147, %swap3A_148], %swap3A_151 {strides = array<i32>} : memref<8x256xf32, #tpu.memory_space<vmem>>, vector<1x16xf32>,
    %swap3A_152 = arith.constant 1 : i32
    %swap3A_153 = arith.index_cast %swap3A_152 : i32 to index
    %swap3A_154 = arith.constant 48 : index
    %swap3A_155 = tpu.vector_load %arg9[%swap3A_153, %swap3A_154] {strides = array<i32>} : memref<8x256xf32, #tpu.memory_space<vmem>>, vector<1x16xf32>,
    %swap3A_156 = vector.shape_cast %swap3A_155 : vector<1x16xf32> to vector<16xf32>
    %swap3A_157 = vector.shape_cast %parallel_loop3A_106#7 : vector<16xf32> to vector<1x16xf32>
    tpu.vector_store %arg9[%swap3A_153, %swap3A_154], %swap3A_157 {strides = array<i32>} : memref<8x256xf32, #tpu.memory_space<vmem>>, vector<1x16xf32>,
    %swap3A_158 = arith.constant 2 : i32
    %swap3A_159 = arith.index_cast %swap3A_158 : i32 to index
    %swap3A_160 = arith.constant 0 : index
    %swap3A_161 = tpu.vector_load %arg9[%swap3A_159, %swap3A_160] {strides = array<i32>} : memref<8x256xf32, #tpu.memory_space<vmem>>, vector<1x16xf32>,
    %swap3A_162 = vector.shape_cast %swap3A_161 : vector<1x16xf32> to vector<16xf32>
    %swap3A_163 = vector.shape_cast %parallel_loop3A_106#8 : vector<16xf32> to vector<1x16xf32>
    tpu.vector_store %arg9[%swap3A_159, %swap3A_160], %swap3A_163 {strides = array<i32>} : memref<8x256xf32, #tpu.memory_space<vmem>>, vector<1x16xf32>,
    %swap3A_164 = arith.constant 2 : i32
    %swap3A_165 = arith.index_cast %swap3A_164 : i32 to index
    %swap3A_166 = arith.constant 16 : index
    %swap3A_167 = tpu.vector_load %arg9[%swap3A_165, %swap3A_166] {strides = array<i32>} : memref<8x256xf32, #tpu.memory_space<vmem>>, vector<1x16xf32>,
    %swap3A_168 = vector.shape_cast %swap3A_167 : vector<1x16xf32> to vector<16xf32>
    %swap3A_169 = vector.shape_cast %parallel_loop3A_106#9 : vector<16xf32> to vector<1x16xf32>
    tpu.vector_store %arg9[%swap3A_165, %swap3A_166], %swap3A_169 {strides = array<i32>} : memref<8x256xf32, #tpu.memory_space<vmem>>, vector<1x16xf32>,
    %swap3A_170 = arith.constant 2 : i32
    %swap3A_171 = arith.index_cast %swap3A_170 : i32 to index
    %swap3A_172 = arith.constant 32 : index
    %swap3A_173 = tpu.vector_load %arg9[%swap3A_171, %swap3A_172] {strides = array<i32>} : memref<8x256xf32, #tpu.memory_space<vmem>>, vector<1x16xf32>,
    %swap3A_174 = vector.shape_cast %swap3A_173 : vector<1x16xf32> to vector<16xf32>
    %swap3A_175 = vector.shape_cast %parallel_loop3A_106#10 : vector<16xf32> to vector<1x16xf32>
    tpu.vector_store %arg9[%swap3A_171, %swap3A_172], %swap3A_175 {strides = array<i32>} : memref<8x256xf32, #tpu.memory_space<vmem>>, vector<1x16xf32>,
    %swap3A_176 = arith.constant 2 : i32
    %swap3A_177 = arith.index_cast %swap3A_176 : i32 to index
    %swap3A_178 = arith.constant 48 : index
    %swap3A_179 = tpu.vector_load %arg9[%swap3A_177, %swap3A_178] {strides = array<i32>} : memref<8x256xf32, #tpu.memory_space<vmem>>, vector<1x16xf32>,
    %swap3A_180 = vector.shape_cast %swap3A_179 : vector<1x16xf32> to vector<16xf32>
    %swap3A_181 = vector.shape_cast %parallel_loop3A_106#11 : vector<16xf32> to vector<1x16xf32>
    tpu.vector_store %arg9[%swap3A_177, %swap3A_178], %swap3A_181 {strides = array<i32>} : memref<8x256xf32, #tpu.memory_space<vmem>>, vector<1x16xf32>,
    %swap3A_182 = arith.constant 3 : i32
    %swap3A_183 = arith.index_cast %swap3A_182 : i32 to index
    %swap3A_184 = arith.constant 0 : index
    %swap3A_185 = tpu.vector_load %arg9[%swap3A_183, %swap3A_184] {strides = array<i32>} : memref<8x256xf32, #tpu.memory_space<vmem>>, vector<1x16xf32>,
    %swap3A_186 = vector.shape_cast %swap3A_185 : vector<1x16xf32> to vector<16xf32>
    %swap3A_187 = vector.shape_cast %parallel_loop3A_106#12 : vector<16xf32> to vector<1x16xf32>
    tpu.vector_store %arg9[%swap3A_183, %swap3A_184], %swap3A_187 {strides = array<i32>} : memref<8x256xf32, #tpu.memory_space<vmem>>, vector<1x16xf32>,
    %swap3A_188 = arith.constant 3 : i32
    %swap3A_189 = arith.index_cast %swap3A_188 : i32 to index
    %swap3A_190 = arith.constant 16 : index
    %swap3A_191 = tpu.vector_load %arg9[%swap3A_189, %swap3A_190] {strides = array<i32>} : memref<8x256xf32, #tpu.memory_space<vmem>>, vector<1x16xf32>,
    %swap3A_192 = vector.shape_cast %swap3A_191 : vector<1x16xf32> to vector<16xf32>
    %swap3A_193 = vector.shape_cast %parallel_loop3A_106#13 : vector<16xf32> to vector<1x16xf32>
    tpu.vector_store %arg9[%swap3A_189, %swap3A_190], %swap3A_193 {strides = array<i32>} : memref<8x256xf32, #tpu.memory_space<vmem>>, vector<1x16xf32>,
    %swap3A_194 = arith.constant 3 : i32
    %swap3A_195 = arith.index_cast %swap3A_194 : i32 to index
    %swap3A_196 = arith.constant 32 : index
    %swap3A_197 = tpu.vector_load %arg9[%swap3A_195, %swap3A_196] {strides = array<i32>} : memref<8x256xf32, #tpu.memory_space<vmem>>, vector<1x16xf32>,
    %swap3A_198 = vector.shape_cast %swap3A_197 : vector<1x16xf32> to vector<16xf32>
    %swap3A_199 = vector.shape_cast %parallel_loop3A_106#14 : vector<16xf32> to vector<1x16xf32>
    tpu.vector_store %arg9[%swap3A_195, %swap3A_196], %swap3A_199 {strides = array<i32>} : memref<8x256xf32, #tpu.memory_space<vmem>>, vector<1x16xf32>,
    %swap3A_200 = arith.constant 3 : i32
    %swap3A_201 = arith.index_cast %swap3A_200 : i32 to index
    %swap3A_202 = arith.constant 48 : index
    %swap3A_203 = tpu.vector_load %arg9[%swap3A_201, %swap3A_202] {strides = array<i32>} : memref<8x256xf32, #tpu.memory_space<vmem>>, vector<1x16xf32>,
    %swap3A_204 = vector.shape_cast %swap3A_203 : vector<1x16xf32> to vector<16xf32>
    %swap3A_205 = vector.shape_cast %parallel_loop3A_106#15 : vector<16xf32> to vector<1x16xf32>
    tpu.vector_store %arg9[%swap3A_201, %swap3A_202], %swap3A_205 {strides = array<i32>} : memref<8x256xf32, #tpu.memory_space<vmem>>, vector<1x16xf32>,
    %swap3A_206 = arith.constant 4 : i32
    %swap3A_207 = arith.index_cast %swap3A_206 : i32 to index
    %swap3A_208 = arith.constant 0 : index
    %swap3A_209 = tpu.vector_load %arg9[%swap3A_207, %swap3A_208] {strides = array<i32>} : memref<8x256xf32, #tpu.memory_space<vmem>>, vector<1x16xf32>,
    %swap3A_210 = vector.shape_cast %swap3A_209 : vector<1x16xf32> to vector<16xf32>
    %swap3A_211 = vector.shape_cast %parallel_loop3A_110#0 : vector<16xf32> to vector<1x16xf32>
    tpu.vector_store %arg9[%swap3A_207, %swap3A_208], %swap3A_211 {strides = array<i32>} : memref<8x256xf32, #tpu.memory_space<vmem>>, vector<1x16xf32>,
    %swap3A_212 = arith.constant 4 : i32
    %swap3A_213 = arith.index_cast %swap3A_212 : i32 to index
    %swap3A_214 = arith.constant 16 : index
    %swap3A_215 = tpu.vector_load %arg9[%swap3A_213, %swap3A_214] {strides = array<i32>} : memref<8x256xf32, #tpu.memory_space<vmem>>, vector<1x16xf32>,
    %swap3A_216 = vector.shape_cast %swap3A_215 : vector<1x16xf32> to vector<16xf32>
    %swap3A_217 = vector.shape_cast %parallel_loop3A_110#1 : vector<16xf32> to vector<1x16xf32>
    tpu.vector_store %arg9[%swap3A_213, %swap3A_214], %swap3A_217 {strides = array<i32>} : memref<8x256xf32, #tpu.memory_space<vmem>>, vector<1x16xf32>,
    %swap3A_218 = arith.constant 4 : i32
    %swap3A_219 = arith.index_cast %swap3A_218 : i32 to index
    %swap3A_220 = arith.constant 32 : index
    %swap3A_221 = tpu.vector_load %arg9[%swap3A_219, %swap3A_220] {strides = array<i32>} : memref<8x256xf32, #tpu.memory_space<vmem>>, vector<1x16xf32>,
    %swap3A_222 = vector.shape_cast %swap3A_221 : vector<1x16xf32> to vector<16xf32>
    %swap3A_223 = vector.shape_cast %parallel_loop3A_110#2 : vector<16xf32> to vector<1x16xf32>
    tpu.vector_store %arg9[%swap3A_219, %swap3A_220], %swap3A_223 {strides = array<i32>} : memref<8x256xf32, #tpu.memory_space<vmem>>, vector<1x16xf32>,
    %swap3A_224 = arith.constant 4 : i32
    %swap3A_225 = arith.index_cast %swap3A_224 : i32 to index
    %swap3A_226 = arith.constant 48 : index
    %swap3A_227 = tpu.vector_load %arg9[%swap3A_225, %swap3A_226] {strides = array<i32>} : memref<8x256xf32, #tpu.memory_space<vmem>>, vector<1x16xf32>,
    %swap3A_228 = vector.shape_cast %swap3A_227 : vector<1x16xf32> to vector<16xf32>
    %swap3A_229 = vector.shape_cast %parallel_loop3A_110#3 : vector<16xf32> to vector<1x16xf32>
    tpu.vector_store %arg9[%swap3A_225, %swap3A_226], %swap3A_229 {strides = array<i32>} : memref<8x256xf32, #tpu.memory_space<vmem>>, vector<1x16xf32>,
    %swap3A_230 = arith.constant 5 : i32
    %swap3A_231 = arith.index_cast %swap3A_230 : i32 to index
    %swap3A_232 = arith.constant 0 : index
    %swap3A_233 = tpu.vector_load %arg9[%swap3A_231, %swap3A_232] {strides = array<i32>} : memref<8x256xf32, #tpu.memory_space<vmem>>, vector<1x16xf32>,
    %swap3A_234 = vector.shape_cast %swap3A_233 : vector<1x16xf32> to vector<16xf32>
    %swap3A_235 = vector.shape_cast %parallel_loop3A_110#4 : vector<16xf32> to vector<1x16xf32>
    tpu.vector_store %arg9[%swap3A_231, %swap3A_232], %swap3A_235 {strides = array<i32>} : memref<8x256xf32, #tpu.memory_space<vmem>>, vector<1x16xf32>,
    %swap3A_236 = arith.constant 5 : i32
    %swap3A_237 = arith.index_cast %swap3A_236 : i32 to index
    %swap3A_238 = arith.constant 16 : index
    %swap3A_239 = tpu.vector_load %arg9[%swap3A_237, %swap3A_238] {strides = array<i32>} : memref<8x256xf32, #tpu.memory_space<vmem>>, vector<1x16xf32>,
    %swap3A_240 = vector.shape_cast %swap3A_239 : vector<1x16xf32> to vector<16xf32>
    %swap3A_241 = vector.shape_cast %parallel_loop3A_110#5 : vector<16xf32> to vector<1x16xf32>
    tpu.vector_store %arg9[%swap3A_237, %swap3A_238], %swap3A_241 {strides = array<i32>} : memref<8x256xf32, #tpu.memory_space<vmem>>, vector<1x16xf32>,
    %swap3A_242 = arith.constant 5 : i32
    %swap3A_243 = arith.index_cast %swap3A_242 : i32 to index
    %swap3A_244 = arith.constant 32 : index
    %swap3A_245 = tpu.vector_load %arg9[%swap3A_243, %swap3A_244] {strides = array<i32>} : memref<8x256xf32, #tpu.memory_space<vmem>>, vector<1x16xf32>,
    %swap3A_246 = vector.shape_cast %swap3A_245 : vector<1x16xf32> to vector<16xf32>
    %swap3A_247 = vector.shape_cast %parallel_loop3A_110#6 : vector<16xf32> to vector<1x16xf32>
    tpu.vector_store %arg9[%swap3A_243, %swap3A_244], %swap3A_247 {strides = array<i32>} : memref<8x256xf32, #tpu.memory_space<vmem>>, vector<1x16xf32>,
    %swap3A_248 = arith.constant 5 : i32
    %swap3A_249 = arith.index_cast %swap3A_248 : i32 to index
    %swap3A_250 = arith.constant 48 : index
    %swap3A_251 = tpu.vector_load %arg9[%swap3A_249, %swap3A_250] {strides = array<i32>} : memref<8x256xf32, #tpu.memory_space<vmem>>, vector<1x16xf32>,
    %swap3A_252 = vector.shape_cast %swap3A_251 : vector<1x16xf32> to vector<16xf32>
    %swap3A_253 = vector.shape_cast %parallel_loop3A_110#7 : vector<16xf32> to vector<1x16xf32>
    tpu.vector_store %arg9[%swap3A_249, %swap3A_250], %swap3A_253 {strides = array<i32>} : memref<8x256xf32, #tpu.memory_space<vmem>>, vector<1x16xf32>,
    %swap3A_254 = arith.constant 6 : i32
    %swap3A_255 = arith.index_cast %swap3A_254 : i32 to index
    %swap3A_256 = arith.constant 0 : index
    %swap3A_257 = tpu.vector_load %arg9[%swap3A_255, %swap3A_256] {strides = array<i32>} : memref<8x256xf32, #tpu.memory_space<vmem>>, vector<1x16xf32>,
    %swap3A_258 = vector.shape_cast %swap3A_257 : vector<1x16xf32> to vector<16xf32>
    %swap3A_259 = vector.shape_cast %parallel_loop3A_110#8 : vector<16xf32> to vector<1x16xf32>
    tpu.vector_store %arg9[%swap3A_255, %swap3A_256], %swap3A_259 {strides = array<i32>} : memref<8x256xf32, #tpu.memory_space<vmem>>, vector<1x16xf32>,
    %swap3A_260 = arith.constant 6 : i32
    %swap3A_261 = arith.index_cast %swap3A_260 : i32 to index
    %swap3A_262 = arith.constant 16 : index
    %swap3A_263 = tpu.vector_load %arg9[%swap3A_261, %swap3A_262] {strides = array<i32>} : memref<8x256xf32, #tpu.memory_space<vmem>>, vector<1x16xf32>,
    %swap3A_264 = vector.shape_cast %swap3A_263 : vector<1x16xf32> to vector<16xf32>
    %swap3A_265 = vector.shape_cast %parallel_loop3A_110#9 : vector<16xf32> to vector<1x16xf32>
    tpu.vector_store %arg9[%swap3A_261, %swap3A_262], %swap3A_265 {strides = array<i32>} : memref<8x256xf32, #tpu.memory_space<vmem>>, vector<1x16xf32>,
    %swap3A_266 = arith.constant 6 : i32
    %swap3A_267 = arith.index_cast %swap3A_266 : i32 to index
    %swap3A_268 = arith.constant 32 : index
    %swap3A_269 = tpu.vector_load %arg9[%swap3A_267, %swap3A_268] {strides = array<i32>} : memref<8x256xf32, #tpu.memory_space<vmem>>, vector<1x16xf32>,
    %swap3A_270 = vector.shape_cast %swap3A_269 : vector<1x16xf32> to vector<16xf32>
    %swap3A_271 = vector.shape_cast %parallel_loop3A_110#10 : vector<16xf32> to vector<1x16xf32>
    tpu.vector_store %arg9[%swap3A_267, %swap3A_268], %swap3A_271 {strides = array<i32>} : memref<8x256xf32, #tpu.memory_space<vmem>>, vector<1x16xf32>,
    %swap3A_272 = arith.constant 6 : i32
    %swap3A_273 = arith.index_cast %swap3A_272 : i32 to index
    %swap3A_274 = arith.constant 48 : index
    %swap3A_275 = tpu.vector_load %arg9[%swap3A_273, %swap3A_274] {strides = array<i32>} : memref<8x256xf32, #tpu.memory_space<vmem>>, vector<1x16xf32>,
    %swap3A_276 = vector.shape_cast %swap3A_275 : vector<1x16xf32> to vector<16xf32>
    %swap3A_277 = vector.shape_cast %parallel_loop3A_110#11 : vector<16xf32> to vector<1x16xf32>
    tpu.vector_store %arg9[%swap3A_273, %swap3A_274], %swap3A_277 {strides = array<i32>} : memref<8x256xf32, #tpu.memory_space<vmem>>, vector<1x16xf32>,
    %swap3A_278 = arith.constant 7 : i32
    %swap3A_279 = arith.index_cast %swap3A_278 : i32 to index
    %swap3A_280 = arith.constant 0 : index
    %swap3A_281 = tpu.vector_load %arg9[%swap3A_279, %swap3A_280] {strides = array<i32>} : memref<8x256xf32, #tpu.memory_space<vmem>>, vector<1x16xf32>,
    %swap3A_282 = vector.shape_cast %swap3A_281 : vector<1x16xf32> to vector<16xf32>
    %swap3A_283 = vector.shape_cast %parallel_loop3A_110#12 : vector<16xf32> to vector<1x16xf32>
    tpu.vector_store %arg9[%swap3A_279, %swap3A_280], %swap3A_283 {strides = array<i32>} : memref<8x256xf32, #tpu.memory_space<vmem>>, vector<1x16xf32>,
    %swap3A_284 = arith.constant 7 : i32
    %swap3A_285 = arith.index_cast %swap3A_284 : i32 to index
    %swap3A_286 = arith.constant 16 : index
    %swap3A_287 = tpu.vector_load %arg9[%swap3A_285, %swap3A_286] {strides = array<i32>} : memref<8x256xf32, #tpu.memory_space<vmem>>, vector<1x16xf32>,
    %swap3A_288 = vector.shape_cast %swap3A_287 : vector<1x16xf32> to vector<16xf32>
    %swap3A_289 = vector.shape_cast %parallel_loop3A_110#13 : vector<16xf32> to vector<1x16xf32>
    tpu.vector_store %arg9[%swap3A_285, %swap3A_286], %swap3A_289 {strides = array<i32>} : memref<8x256xf32, #tpu.memory_space<vmem>>, vector<1x16xf32>,
    %swap3A_290 = arith.constant 7 : i32
    %swap3A_291 = arith.index_cast %swap3A_290 : i32 to index
    %swap3A_292 = arith.constant 32 : index
    %swap3A_293 = tpu.vector_load %arg9[%swap3A_291, %swap3A_292] {strides = array<i32>} : memref<8x256xf32, #tpu.memory_space<vmem>>, vector<1x16xf32>,
    %swap3A_294 = vector.shape_cast %swap3A_293 : vector<1x16xf32> to vector<16xf32>
    %swap3A_295 = vector.shape_cast %parallel_loop3A_110#14 : vector<16xf32> to vector<1x16xf32>
    tpu.vector_store %arg9[%swap3A_291, %swap3A_292], %swap3A_295 {strides = array<i32>} : memref<8x256xf32, #tpu.memory_space<vmem>>, vector<1x16xf32>,
    %swap3A_296 = arith.constant 7 : i32
    %swap3A_297 = arith.index_cast %swap3A_296 : i32 to index
    %swap3A_298 = arith.constant 48 : index
    %swap3A_299 = tpu.vector_load %arg9[%swap3A_297, %swap3A_298] {strides = array<i32>} : memref<8x256xf32, #tpu.memory_space<vmem>>, vector<1x16xf32>,
    %swap3A_300 = vector.shape_cast %swap3A_299 : vector<1x16xf32> to vector<16xf32>
    %swap3A_301 = vector.shape_cast %parallel_loop3A_110#15 : vector<16xf32> to vector<1x16xf32>
    tpu.vector_store %arg9[%swap3A_297, %swap3A_298], %swap3A_301 {strides = array<i32>} : memref<8x256xf32, #tpu.memory_space<vmem>>, vector<1x16xf32>,
    "tpu.region"() ({
      %run_scoped3A = tpu.sem_alloc : memref<!tpu.dma_semaphore, #tpu.memory_space<semaphore_mem>>
      %dma_start3A_302 = arith.constant 0 : i32
      %dma_start3A_303 = tpu.memref_slice %arg4[%select_n3A_30, %mul3A_32, %dma_start3A_302] : memref<4x64x256xf32, #tpu.memory_space<hbm>> -> memref<1x8x256xf32, #tpu.memory_space<hbm>>
      %dma_start3A_304 = tpu.memref_squeeze %dma_start3A_303 : memref<1x8x256xf32, #tpu.memory_space<hbm>> -> memref<8x256xf32, #tpu.memory_space<hbm>>
      %dma_start3A_305 = arith.constant 0 : i32
      %dma_start3A_306 = tpu.memref_slice %arg4[%select_n3A_30, %mul3A_32, %dma_start3A_305] : memref<4x64x256xf32, #tpu.memory_space<hbm>> -> memref<1x8x256xf32, #tpu.memory_space<hbm>>
      %dma_start3A_307 = tpu.memref_squeeze %dma_start3A_306 : memref<1x8x256xf32, #tpu.memory_space<hbm>> -> memref<8x256xf32, #tpu.memory_space<hbm>>
      tpu.enqueue_dma source(%arg9 : memref<8x256xf32, #tpu.memory_space<vmem>>) target(%dma_start3A_307 : memref<8x256xf32, #tpu.memory_space<hbm>>) target_semaphore(%run_scoped3A : memref<!tpu.dma_semaphore, #tpu.memory_space<semaphore_mem>>)
      %dma_wait3A_308 = arith.constant 0 : i32
      %dma_wait3A_309 = tpu.memref_slice %arg4[%select_n3A_30, %mul3A_32, %dma_wait3A_308] : memref<4x64x256xf32, #tpu.memory_space<hbm>> -> memref<1x8x256xf32, #tpu.memory_space<hbm>>
      %dma_wait3A_310 = tpu.memref_squeeze %dma_wait3A_309 : memref<1x8x256xf32, #tpu.memory_space<hbm>> -> memref<8x256xf32, #tpu.memory_space<hbm>>
      %dma_wait3A_311 = arith.constant 0 : i32
      %dma_wait3A_312 = tpu.memref_slice %arg4[%select_n3A_30, %mul3A_32, %dma_wait3A_311] : memref<4x64x256xf32, #tpu.memory_space<hbm>> -> memref<1x8x256xf32, #tpu.memory_space<hbm>>
      %dma_wait3A_313 = tpu.memref_squeeze %dma_wait3A_312 : memref<1x8x256xf32, #tpu.memory_space<hbm>> -> memref<8x256xf32, #tpu.memory_space<hbm>>
      tpu.wait_dma2 semaphore(%run_scoped3A : memref<!tpu.dma_semaphore, #tpu.memory_space<semaphore_mem>>) src(%arg9 : memref<8x256xf32, #tpu.memory_space<vmem>>) dst(%dma_wait3A_313 : memref<8x256xf32, #tpu.memory_space<hbm>>)
      tpu.yield
    }) : () -> ()
    return
  }
}

module attributes {stable_mosaic.version = 14 : i64} {
  func.func @_merge_body(%arg0: memref<4x64x256xf32, #tpu.memory_space<vmem>>, %arg1: memref<64x512xf32, #tpu.memory_space<vmem>>, %arg2: memref<1x1xf32, #tpu.memory_space<smem>>) attributes {dimension_semantics = [], scalar_prefetch = 0 : i64, scratch_operands = 0 : i64, tpu.core_type = #tpu.core_type<tc>} {
    %get3A = arith.constant 0 : index
    %get3A_0 = arith.constant 0 : index
    %get3A_1 = vector.load %arg1[%get3A, %get3A_0] : memref<64x512xf32, #tpu.memory_space<vmem>>, vector<64x512xf32>
    %slice3A = vector.extract_strided_slice %get3A_1 {offsets = [0, 0], sizes = [64, 128], strides = [1, 1]} : vector<64x512xf32> to vector<64x128xf32>
    %slice3A_2 = vector.extract_strided_slice %get3A_1 {offsets = [0, 128], sizes = [64, 128], strides = [1, 1]} : vector<64x512xf32> to vector<64x128xf32>
    %iota3A = tpu.iota {dimensions = array<i32: 1>} : vector<64x128xi32>
    %reduce_max3A = arith.constant dense<0xFF800000> : vector<64xf32>
    %reduce_max3A_3 = vector.multi_reduction <maximumf>, %slice3A, %reduce_max3A [1] : vector<64x128xf32> to vector<64xf32>
    %broadcast_in_dim3A = vector.shape_cast %reduce_max3A_3 : vector<64xf32> to vector<64x1xf32>
    %eq3A = vector.broadcast %broadcast_in_dim3A : vector<64x1xf32> to vector<64x128xf32>
    %eq3A_4 = arith.cmpf oeq, %slice3A, %eq3A : vector<64x128xf32>
    %jit3A = arith.constant 1048576 : i32
    %broadcast_in_dim3A_5 = vector.broadcast %jit3A : i32 to vector<64x128xi32>
    %select_n3A = arith.select %eq3A_4, %iota3A, %broadcast_in_dim3A_5 : vector<64x128xi1>, vector<64x128xi32>
    %reduce_min3A = arith.constant dense<2147483647> : vector<64xi32>
    %reduce_min3A_6 = vector.multi_reduction <minsi>, %select_n3A, %reduce_min3A [1] : vector<64x128xi32> to vector<64xi32>
    %broadcast_in_dim3A_7 = vector.shape_cast %reduce_min3A_6 : vector<64xi32> to vector<64x1xi32>
    %eq3A_8 = vector.broadcast %broadcast_in_dim3A_7 : vector<64x1xi32> to vector<64x128xi32>
    %eq3A_9 = arith.cmpi eq, %iota3A, %eq3A_8 : vector<64x128xi32>
    %select_n3A_10 = arith.select %eq3A_9, %slice3A_2, %slice3A : vector<64x128xi1>, vector<64x128xf32>
    %reduce_max3A_11 = arith.constant dense<0xFF800000> : vector<64xf32>
    %reduce_max3A_12 = vector.multi_reduction <maximumf>, %select_n3A_10, %reduce_max3A_11 [1] : vector<64x128xf32> to vector<64xf32>
    %broadcast_in_dim3A_13 = vector.shape_cast %reduce_max3A_12 : vector<64xf32> to vector<64x1xf32>
    %slice3A_14 = vector.extract_strided_slice %get3A_1 {offsets = [0, 256], sizes = [64, 128], strides = [1, 1]} : vector<64x512xf32> to vector<64x128xf32>
    %reduce_sum3A = vector.shape_cast %slice3A_14 : vector<64x128xf32> to vector<1x64x128xf32>
    %reduce_sum3A_15 = arith.constant dense<0.000000e+00> : vector<1xf32>
    %reduce_sum3A_16 = vector.multi_reduction <add>, %reduce_sum3A, %reduce_sum3A_15 [1, 2] : vector<1x64x128xf32> to vector<1xf32>
    %reduce_sum3A_17 = vector.shape_cast %reduce_sum3A_16 : vector<1xf32> to vector<1x1x1xf32>
    %reduce_sum3A_18 = vector.extract %reduce_sum3A_17[0, 0, 0] : f32 from vector<1x1x1xf32>
    %slice3A_19 = vector.extract_strided_slice %get3A_1 {offsets = [0, 384], sizes = [64, 128], strides = [1, 1]} : vector<64x512xf32> to vector<64x128xf32>
    %reduce_sum3A_20 = vector.shape_cast %slice3A_19 : vector<64x128xf32> to vector<1x64x128xf32>
    %reduce_sum3A_21 = arith.constant dense<0.000000e+00> : vector<1xf32>
    %reduce_sum3A_22 = vector.multi_reduction <add>, %reduce_sum3A_20, %reduce_sum3A_21 [1, 2] : vector<1x64x128xf32> to vector<1xf32>
    %reduce_sum3A_23 = vector.shape_cast %reduce_sum3A_22 : vector<1xf32> to vector<1x1x1xf32>
    %reduce_sum3A_24 = vector.extract %reduce_sum3A_23[0, 0, 0] : f32 from vector<1x1x1xf32>
    %get3A_25 = arith.constant 0 : index
    %get3A_26 = arith.constant 0 : index
    %get3A_27 = arith.constant 0 : index
    %get3A_28 = vector.load %arg0[%get3A_25, %get3A_26, %get3A_27] : memref<4x64x256xf32, #tpu.memory_space<vmem>>, vector<1x64x256xf32>
    %get3A_29 = vector.shape_cast %get3A_28 : vector<1x64x256xf32> to vector<64x256xf32>
    %slice3A_30 = vector.extract_strided_slice %get3A_29 {offsets = [0, 0], sizes = [64, 16], strides = [1, 1]} : vector<64x256xf32> to vector<64x16xf32>
    %slice3A_31 = vector.extract_strided_slice %get3A_29 {offsets = [0, 16], sizes = [64, 16], strides = [1, 1]} : vector<64x256xf32> to vector<64x16xf32>
    %iota3A_32 = tpu.iota {dimensions = array<i32: 1>} : vector<64x16xi32>
    %reduce_max3A_33 = arith.constant dense<0xFF800000> : vector<64xf32>
    %reduce_max3A_34 = vector.multi_reduction <maximumf>, %slice3A_30, %reduce_max3A_33 [1] : vector<64x16xf32> to vector<64xf32>
    %broadcast_in_dim3A_35 = vector.shape_cast %reduce_max3A_34 : vector<64xf32> to vector<64x1xf32>
    %eq3A_36 = vector.broadcast %broadcast_in_dim3A_35 : vector<64x1xf32> to vector<64x16xf32>
    %eq3A_37 = arith.cmpf oeq, %slice3A_30, %eq3A_36 : vector<64x16xf32>
    %jit3A_38 = arith.constant 1048576 : i32
    %broadcast_in_dim3A_39 = vector.broadcast %jit3A_38 : i32 to vector<64x16xi32>
    %select_n3A_40 = arith.select %eq3A_37, %iota3A_32, %broadcast_in_dim3A_39 : vector<64x16xi1>, vector<64x16xi32>
    %reduce_min3A_41 = arith.constant dense<2147483647> : vector<64xi32>
    %reduce_min3A_42 = vector.multi_reduction <minsi>, %select_n3A_40, %reduce_min3A_41 [1] : vector<64x16xi32> to vector<64xi32>
    %broadcast_in_dim3A_43 = vector.shape_cast %reduce_min3A_42 : vector<64xi32> to vector<64x1xi32>
    %eq3A_44 = vector.broadcast %broadcast_in_dim3A_43 : vector<64x1xi32> to vector<64x16xi32>
    %eq3A_45 = arith.cmpi eq, %iota3A_32, %eq3A_44 : vector<64x16xi32>
    %select_n3A_46 = arith.select %eq3A_45, %slice3A_31, %slice3A_30 : vector<64x16xi1>, vector<64x16xf32>
    %reduce_max3A_47 = arith.constant dense<0xFF800000> : vector<64xf32>
    %reduce_max3A_48 = vector.multi_reduction <maximumf>, %select_n3A_46, %reduce_max3A_47 [1] : vector<64x16xf32> to vector<64xf32>
    %broadcast_in_dim3A_49 = vector.shape_cast %reduce_max3A_48 : vector<64xf32> to vector<64x1xf32>
    %min3A = arith.minimumf %broadcast_in_dim3A, %broadcast_in_dim3A_35 : vector<64x1xf32>
    %max3A = arith.maximumf %broadcast_in_dim3A_13, %broadcast_in_dim3A_49 : vector<64x1xf32>
    %max3A_50 = arith.maximumf %min3A, %max3A : vector<64x1xf32>
    %max3A_51 = arith.maximumf %broadcast_in_dim3A, %broadcast_in_dim3A_35 : vector<64x1xf32>
    %slice3A_52 = vector.extract_strided_slice %get3A_29 {offsets = [0, 32], sizes = [64, 16], strides = [1, 1]} : vector<64x256xf32> to vector<64x16xf32>
    %reduce_sum3A_53 = vector.shape_cast %slice3A_52 : vector<64x16xf32> to vector<1x64x16xf32>
    %reduce_sum3A_54 = arith.constant dense<0.000000e+00> : vector<1xf32>
    %reduce_sum3A_55 = vector.multi_reduction <add>, %reduce_sum3A_53, %reduce_sum3A_54 [1, 2] : vector<1x64x16xf32> to vector<1xf32>
    %reduce_sum3A_56 = vector.shape_cast %reduce_sum3A_55 : vector<1xf32> to vector<1x1x1xf32>
    %reduce_sum3A_57 = vector.extract %reduce_sum3A_56[0, 0, 0] : f32 from vector<1x1x1xf32>
    %add3A = arith.addf %reduce_sum3A_18, %reduce_sum3A_57 : f32
    %slice3A_58 = vector.extract_strided_slice %get3A_29 {offsets = [0, 48], sizes = [64, 16], strides = [1, 1]} : vector<64x256xf32> to vector<64x16xf32>
    %reduce_sum3A_59 = vector.shape_cast %slice3A_58 : vector<64x16xf32> to vector<1x64x16xf32>
    %reduce_sum3A_60 = arith.constant dense<0.000000e+00> : vector<1xf32>
    %reduce_sum3A_61 = vector.multi_reduction <add>, %reduce_sum3A_59, %reduce_sum3A_60 [1, 2] : vector<1x64x16xf32> to vector<1xf32>
    %reduce_sum3A_62 = vector.shape_cast %reduce_sum3A_61 : vector<1xf32> to vector<1x1x1xf32>
    %reduce_sum3A_63 = vector.extract %reduce_sum3A_62[0, 0, 0] : f32 from vector<1x1x1xf32>
    %add3A_64 = arith.addf %reduce_sum3A_24, %reduce_sum3A_63 : f32
    %get3A_65 = arith.constant 1 : index
    %get3A_66 = arith.constant 0 : index
    %get3A_67 = arith.constant 0 : index
    %get3A_68 = vector.load %arg0[%get3A_65, %get3A_66, %get3A_67] : memref<4x64x256xf32, #tpu.memory_space<vmem>>, vector<1x64x256xf32>
    %get3A_69 = vector.shape_cast %get3A_68 : vector<1x64x256xf32> to vector<64x256xf32>
    %slice3A_70 = vector.extract_strided_slice %get3A_69 {offsets = [0, 0], sizes = [64, 16], strides = [1, 1]} : vector<64x256xf32> to vector<64x16xf32>
    %slice3A_71 = vector.extract_strided_slice %get3A_69 {offsets = [0, 16], sizes = [64, 16], strides = [1, 1]} : vector<64x256xf32> to vector<64x16xf32>
    %iota3A_72 = tpu.iota {dimensions = array<i32: 1>} : vector<64x16xi32>
    %reduce_max3A_73 = arith.constant dense<0xFF800000> : vector<64xf32>
    %reduce_max3A_74 = vector.multi_reduction <maximumf>, %slice3A_70, %reduce_max3A_73 [1] : vector<64x16xf32> to vector<64xf32>
    %broadcast_in_dim3A_75 = vector.shape_cast %reduce_max3A_74 : vector<64xf32> to vector<64x1xf32>
    %eq3A_76 = vector.broadcast %broadcast_in_dim3A_75 : vector<64x1xf32> to vector<64x16xf32>
    %eq3A_77 = arith.cmpf oeq, %slice3A_70, %eq3A_76 : vector<64x16xf32>
    %jit3A_78 = arith.constant 1048576 : i32
    %broadcast_in_dim3A_79 = vector.broadcast %jit3A_78 : i32 to vector<64x16xi32>
    %select_n3A_80 = arith.select %eq3A_77, %iota3A_72, %broadcast_in_dim3A_79 : vector<64x16xi1>, vector<64x16xi32>
    %reduce_min3A_81 = arith.constant dense<2147483647> : vector<64xi32>
    %reduce_min3A_82 = vector.multi_reduction <minsi>, %select_n3A_80, %reduce_min3A_81 [1] : vector<64x16xi32> to vector<64xi32>
    %broadcast_in_dim3A_83 = vector.shape_cast %reduce_min3A_82 : vector<64xi32> to vector<64x1xi32>
    %eq3A_84 = vector.broadcast %broadcast_in_dim3A_83 : vector<64x1xi32> to vector<64x16xi32>
    %eq3A_85 = arith.cmpi eq, %iota3A_72, %eq3A_84 : vector<64x16xi32>
    %select_n3A_86 = arith.select %eq3A_85, %slice3A_71, %slice3A_70 : vector<64x16xi1>, vector<64x16xf32>
    %reduce_max3A_87 = arith.constant dense<0xFF800000> : vector<64xf32>
    %reduce_max3A_88 = vector.multi_reduction <maximumf>, %select_n3A_86, %reduce_max3A_87 [1] : vector<64x16xf32> to vector<64xf32>
    %broadcast_in_dim3A_89 = vector.shape_cast %reduce_max3A_88 : vector<64xf32> to vector<64x1xf32>
    %min3A_90 = arith.minimumf %max3A_51, %broadcast_in_dim3A_75 : vector<64x1xf32>
    %max3A_91 = arith.maximumf %max3A_50, %broadcast_in_dim3A_89 : vector<64x1xf32>
    %max3A_92 = arith.maximumf %min3A_90, %max3A_91 : vector<64x1xf32>
    %max3A_93 = arith.maximumf %max3A_51, %broadcast_in_dim3A_75 : vector<64x1xf32>
    %slice3A_94 = vector.extract_strided_slice %get3A_69 {offsets = [0, 32], sizes = [64, 16], strides = [1, 1]} : vector<64x256xf32> to vector<64x16xf32>
    %reduce_sum3A_95 = vector.shape_cast %slice3A_94 : vector<64x16xf32> to vector<1x64x16xf32>
    %reduce_sum3A_96 = arith.constant dense<0.000000e+00> : vector<1xf32>
    %reduce_sum3A_97 = vector.multi_reduction <add>, %reduce_sum3A_95, %reduce_sum3A_96 [1, 2] : vector<1x64x16xf32> to vector<1xf32>
    %reduce_sum3A_98 = vector.shape_cast %reduce_sum3A_97 : vector<1xf32> to vector<1x1x1xf32>
    %reduce_sum3A_99 = vector.extract %reduce_sum3A_98[0, 0, 0] : f32 from vector<1x1x1xf32>
    %add3A_100 = arith.addf %add3A, %reduce_sum3A_99 : f32
    %slice3A_101 = vector.extract_strided_slice %get3A_69 {offsets = [0, 48], sizes = [64, 16], strides = [1, 1]} : vector<64x256xf32> to vector<64x16xf32>
    %reduce_sum3A_102 = vector.shape_cast %slice3A_101 : vector<64x16xf32> to vector<1x64x16xf32>
    %reduce_sum3A_103 = arith.constant dense<0.000000e+00> : vector<1xf32>
    %reduce_sum3A_104 = vector.multi_reduction <add>, %reduce_sum3A_102, %reduce_sum3A_103 [1, 2] : vector<1x64x16xf32> to vector<1xf32>
    %reduce_sum3A_105 = vector.shape_cast %reduce_sum3A_104 : vector<1xf32> to vector<1x1x1xf32>
    %reduce_sum3A_106 = vector.extract %reduce_sum3A_105[0, 0, 0] : f32 from vector<1x1x1xf32>
    %add3A_107 = arith.addf %add3A_64, %reduce_sum3A_106 : f32
    %get3A_108 = arith.constant 2 : index
    %get3A_109 = arith.constant 0 : index
    %get3A_110 = arith.constant 0 : index
    %get3A_111 = vector.load %arg0[%get3A_108, %get3A_109, %get3A_110] : memref<4x64x256xf32, #tpu.memory_space<vmem>>, vector<1x64x256xf32>
    %get3A_112 = vector.shape_cast %get3A_111 : vector<1x64x256xf32> to vector<64x256xf32>
    %slice3A_113 = vector.extract_strided_slice %get3A_112 {offsets = [0, 0], sizes = [64, 16], strides = [1, 1]} : vector<64x256xf32> to vector<64x16xf32>
    %slice3A_114 = vector.extract_strided_slice %get3A_112 {offsets = [0, 16], sizes = [64, 16], strides = [1, 1]} : vector<64x256xf32> to vector<64x16xf32>
    %iota3A_115 = tpu.iota {dimensions = array<i32: 1>} : vector<64x16xi32>
    %reduce_max3A_116 = arith.constant dense<0xFF800000> : vector<64xf32>
    %reduce_max3A_117 = vector.multi_reduction <maximumf>, %slice3A_113, %reduce_max3A_116 [1] : vector<64x16xf32> to vector<64xf32>
    %broadcast_in_dim3A_118 = vector.shape_cast %reduce_max3A_117 : vector<64xf32> to vector<64x1xf32>
    %eq3A_119 = vector.broadcast %broadcast_in_dim3A_118 : vector<64x1xf32> to vector<64x16xf32>
    %eq3A_120 = arith.cmpf oeq, %slice3A_113, %eq3A_119 : vector<64x16xf32>
    %jit3A_121 = arith.constant 1048576 : i32
    %broadcast_in_dim3A_122 = vector.broadcast %jit3A_121 : i32 to vector<64x16xi32>
    %select_n3A_123 = arith.select %eq3A_120, %iota3A_115, %broadcast_in_dim3A_122 : vector<64x16xi1>, vector<64x16xi32>
    %reduce_min3A_124 = arith.constant dense<2147483647> : vector<64xi32>
    %reduce_min3A_125 = vector.multi_reduction <minsi>, %select_n3A_123, %reduce_min3A_124 [1] : vector<64x16xi32> to vector<64xi32>
    %broadcast_in_dim3A_126 = vector.shape_cast %reduce_min3A_125 : vector<64xi32> to vector<64x1xi32>
    %eq3A_127 = vector.broadcast %broadcast_in_dim3A_126 : vector<64x1xi32> to vector<64x16xi32>
    %eq3A_128 = arith.cmpi eq, %iota3A_115, %eq3A_127 : vector<64x16xi32>
    %select_n3A_129 = arith.select %eq3A_128, %slice3A_114, %slice3A_113 : vector<64x16xi1>, vector<64x16xf32>
    %reduce_max3A_130 = arith.constant dense<0xFF800000> : vector<64xf32>
    %reduce_max3A_131 = vector.multi_reduction <maximumf>, %select_n3A_129, %reduce_max3A_130 [1] : vector<64x16xf32> to vector<64xf32>
    %broadcast_in_dim3A_132 = vector.shape_cast %reduce_max3A_131 : vector<64xf32> to vector<64x1xf32>
    %min3A_133 = arith.minimumf %max3A_93, %broadcast_in_dim3A_118 : vector<64x1xf32>
    %max3A_134 = arith.maximumf %max3A_92, %broadcast_in_dim3A_132 : vector<64x1xf32>
    %max3A_135 = arith.maximumf %min3A_133, %max3A_134 : vector<64x1xf32>
    %max3A_136 = arith.maximumf %max3A_93, %broadcast_in_dim3A_118 : vector<64x1xf32>
    %slice3A_137 = vector.extract_strided_slice %get3A_112 {offsets = [0, 32], sizes = [64, 16], strides = [1, 1]} : vector<64x256xf32> to vector<64x16xf32>
    %reduce_sum3A_138 = vector.shape_cast %slice3A_137 : vector<64x16xf32> to vector<1x64x16xf32>
    %reduce_sum3A_139 = arith.constant dense<0.000000e+00> : vector<1xf32>
    %reduce_sum3A_140 = vector.multi_reduction <add>, %reduce_sum3A_138, %reduce_sum3A_139 [1, 2] : vector<1x64x16xf32> to vector<1xf32>
    %reduce_sum3A_141 = vector.shape_cast %reduce_sum3A_140 : vector<1xf32> to vector<1x1x1xf32>
    %reduce_sum3A_142 = vector.extract %reduce_sum3A_141[0, 0, 0] : f32 from vector<1x1x1xf32>
    %add3A_143 = arith.addf %add3A_100, %reduce_sum3A_142 : f32
    %slice3A_144 = vector.extract_strided_slice %get3A_112 {offsets = [0, 48], sizes = [64, 16], strides = [1, 1]} : vector<64x256xf32> to vector<64x16xf32>
    %reduce_sum3A_145 = vector.shape_cast %slice3A_144 : vector<64x16xf32> to vector<1x64x16xf32>
    %reduce_sum3A_146 = arith.constant dense<0.000000e+00> : vector<1xf32>
    %reduce_sum3A_147 = vector.multi_reduction <add>, %reduce_sum3A_145, %reduce_sum3A_146 [1, 2] : vector<1x64x16xf32> to vector<1xf32>
    %reduce_sum3A_148 = vector.shape_cast %reduce_sum3A_147 : vector<1xf32> to vector<1x1x1xf32>
    %reduce_sum3A_149 = vector.extract %reduce_sum3A_148[0, 0, 0] : f32 from vector<1x1x1xf32>
    %add3A_150 = arith.addf %add3A_107, %reduce_sum3A_149 : f32
    %get3A_151 = arith.constant 3 : index
    %get3A_152 = arith.constant 0 : index
    %get3A_153 = arith.constant 0 : index
    %get3A_154 = vector.load %arg0[%get3A_151, %get3A_152, %get3A_153] : memref<4x64x256xf32, #tpu.memory_space<vmem>>, vector<1x64x256xf32>
    %get3A_155 = vector.shape_cast %get3A_154 : vector<1x64x256xf32> to vector<64x256xf32>
    %slice3A_156 = vector.extract_strided_slice %get3A_155 {offsets = [0, 0], sizes = [64, 16], strides = [1, 1]} : vector<64x256xf32> to vector<64x16xf32>
    %slice3A_157 = vector.extract_strided_slice %get3A_155 {offsets = [0, 16], sizes = [64, 16], strides = [1, 1]} : vector<64x256xf32> to vector<64x16xf32>
    %iota3A_158 = tpu.iota {dimensions = array<i32: 1>} : vector<64x16xi32>
    %reduce_max3A_159 = arith.constant dense<0xFF800000> : vector<64xf32>
    %reduce_max3A_160 = vector.multi_reduction <maximumf>, %slice3A_156, %reduce_max3A_159 [1] : vector<64x16xf32> to vector<64xf32>
    %broadcast_in_dim3A_161 = vector.shape_cast %reduce_max3A_160 : vector<64xf32> to vector<64x1xf32>
    %eq3A_162 = vector.broadcast %broadcast_in_dim3A_161 : vector<64x1xf32> to vector<64x16xf32>
    %eq3A_163 = arith.cmpf oeq, %slice3A_156, %eq3A_162 : vector<64x16xf32>
    %jit3A_164 = arith.constant 1048576 : i32
    %broadcast_in_dim3A_165 = vector.broadcast %jit3A_164 : i32 to vector<64x16xi32>
    %select_n3A_166 = arith.select %eq3A_163, %iota3A_158, %broadcast_in_dim3A_165 : vector<64x16xi1>, vector<64x16xi32>
    %reduce_min3A_167 = arith.constant dense<2147483647> : vector<64xi32>
    %reduce_min3A_168 = vector.multi_reduction <minsi>, %select_n3A_166, %reduce_min3A_167 [1] : vector<64x16xi32> to vector<64xi32>
    %broadcast_in_dim3A_169 = vector.shape_cast %reduce_min3A_168 : vector<64xi32> to vector<64x1xi32>
    %eq3A_170 = vector.broadcast %broadcast_in_dim3A_169 : vector<64x1xi32> to vector<64x16xi32>
    %eq3A_171 = arith.cmpi eq, %iota3A_158, %eq3A_170 : vector<64x16xi32>
    %select_n3A_172 = arith.select %eq3A_171, %slice3A_157, %slice3A_156 : vector<64x16xi1>, vector<64x16xf32>
    %reduce_max3A_173 = arith.constant dense<0xFF800000> : vector<64xf32>
    %reduce_max3A_174 = vector.multi_reduction <maximumf>, %select_n3A_172, %reduce_max3A_173 [1] : vector<64x16xf32> to vector<64xf32>
    %broadcast_in_dim3A_175 = vector.shape_cast %reduce_max3A_174 : vector<64xf32> to vector<64x1xf32>
    %min3A_176 = arith.minimumf %max3A_136, %broadcast_in_dim3A_161 : vector<64x1xf32>
    %max3A_177 = arith.maximumf %max3A_135, %broadcast_in_dim3A_175 : vector<64x1xf32>
    %max3A_178 = arith.maximumf %min3A_176, %max3A_177 : vector<64x1xf32>
    %max3A_179 = arith.maximumf %max3A_136, %broadcast_in_dim3A_161 : vector<64x1xf32>
    %slice3A_180 = vector.extract_strided_slice %get3A_155 {offsets = [0, 32], sizes = [64, 16], strides = [1, 1]} : vector<64x256xf32> to vector<64x16xf32>
    %reduce_sum3A_181 = vector.shape_cast %slice3A_180 : vector<64x16xf32> to vector<1x64x16xf32>
    %reduce_sum3A_182 = arith.constant dense<0.000000e+00> : vector<1xf32>
    %reduce_sum3A_183 = vector.multi_reduction <add>, %reduce_sum3A_181, %reduce_sum3A_182 [1, 2] : vector<1x64x16xf32> to vector<1xf32>
    %reduce_sum3A_184 = vector.shape_cast %reduce_sum3A_183 : vector<1xf32> to vector<1x1x1xf32>
    %reduce_sum3A_185 = vector.extract %reduce_sum3A_184[0, 0, 0] : f32 from vector<1x1x1xf32>
    %add3A_186 = arith.addf %add3A_143, %reduce_sum3A_185 : f32
    %slice3A_187 = vector.extract_strided_slice %get3A_155 {offsets = [0, 48], sizes = [64, 16], strides = [1, 1]} : vector<64x256xf32> to vector<64x16xf32>
    %reduce_sum3A_188 = vector.shape_cast %slice3A_187 : vector<64x16xf32> to vector<1x64x16xf32>
    %reduce_sum3A_189 = arith.constant dense<0.000000e+00> : vector<1xf32>
    %reduce_sum3A_190 = vector.multi_reduction <add>, %reduce_sum3A_188, %reduce_sum3A_189 [1, 2] : vector<1x64x16xf32> to vector<1xf32>
    %reduce_sum3A_191 = vector.shape_cast %reduce_sum3A_190 : vector<1xf32> to vector<1x1x1xf32>
    %reduce_sum3A_192 = vector.extract %reduce_sum3A_191[0, 0, 0] : f32 from vector<1x1x1xf32>
    %add3A_193 = arith.addf %add3A_150, %reduce_sum3A_192 : f32
    %mul3A = arith.constant 1.500000e+00 : f32
    %mul3A_194 = vector.broadcast %mul3A : f32 to vector<64x1xf32>
    %mul3A_195 = arith.mulf %mul3A_194, %max3A_179 : vector<64x1xf32>
    %exp3A = math.exp %mul3A_195 : vector<64x1xf32>
    %mul3A_196 = arith.constant 0.200817138 : f32
    %mul3A_197 = vector.broadcast %mul3A_196 : f32 to vector<64x1xf32>
    %mul3A_198 = arith.mulf %exp3A, %mul3A_197 : vector<64x1xf32>
    %sub3A = arith.constant 1.000000e+00 : f32
    %sub3A_199 = vector.broadcast %sub3A : f32 to vector<64x1xf32>
    %sub3A_200 = arith.subf %sub3A_199, %mul3A_198 : vector<64x1xf32>
    %log3A = math.log %sub3A_200 : vector<64x1xf32>
    %neg3A = arith.constant 0.000000e+00 : f32
    %neg3A_201 = vector.broadcast %neg3A : f32 to vector<64x1xf32>
    %neg3A_202 = arith.subf %neg3A_201, %log3A : vector<64x1xf32>
    %mul3A_203 = arith.constant 1.500000e+00 : f32
    %mul3A_204 = vector.broadcast %mul3A_203 : f32 to vector<64x1xf32>
    %mul3A_205 = arith.mulf %mul3A_204, %max3A_178 : vector<64x1xf32>
    %exp3A_206 = math.exp %mul3A_205 : vector<64x1xf32>
    %mul3A_207 = arith.constant 0.200817138 : f32
    %mul3A_208 = vector.broadcast %mul3A_207 : f32 to vector<64x1xf32>
    %mul3A_209 = arith.mulf %exp3A_206, %mul3A_208 : vector<64x1xf32>
    %sub3A_210 = arith.constant 1.000000e+00 : f32
    %sub3A_211 = vector.broadcast %sub3A_210 : f32 to vector<64x1xf32>
    %sub3A_212 = arith.subf %sub3A_211, %mul3A_209 : vector<64x1xf32>
    %log3A_213 = math.log %sub3A_212 : vector<64x1xf32>
    %neg3A_214 = arith.constant 0.000000e+00 : f32
    %neg3A_215 = vector.broadcast %neg3A_214 : f32 to vector<64x1xf32>
    %neg3A_216 = arith.subf %neg3A_215, %log3A_213 : vector<64x1xf32>
    %add3A_217 = arith.addf %neg3A_202, %neg3A_216 : vector<64x1xf32>
    %reduce_sum3A_218 = vector.shape_cast %add3A_217 : vector<64x1xf32> to vector<1x64x1xf32>
    %reduce_sum3A_219 = arith.constant dense<0.000000e+00> : vector<1xf32>
    %reduce_sum3A_220 = vector.multi_reduction <add>, %reduce_sum3A_218, %reduce_sum3A_219 [1, 2] : vector<1x64x1xf32> to vector<1xf32>
    %reduce_sum3A_221 = vector.shape_cast %reduce_sum3A_220 : vector<1xf32> to vector<1x1x1xf32>
    %reduce_sum3A_222 = vector.extract %reduce_sum3A_221[0, 0, 0] : f32 from vector<1x1x1xf32>
    %mul3A_223 = arith.constant 1.60536051 : f32
    %mul3A_224 = arith.mulf %add3A_193, %mul3A_223 : f32
    %mul3A_225 = arith.constant 1.500000e+00 : f32
    %mul3A_226 = arith.mulf %mul3A_225, %add3A_186 : f32
    %sub3A_227 = arith.subf %mul3A_224, %mul3A_226 : f32
    %add3A_228 = arith.addf %sub3A_227, %reduce_sum3A_222 : f32
    %div3A = arith.constant 6.400000e+06 : f32
    %div3A_229 = arith.divf %add3A_228, %div3A : f32
    %swap3A = arith.constant 0 : index
    %swap3A_230 = arith.constant 0 : index
    %swap3A_231 = memref.load %arg2[%swap3A, %swap3A_230] : memref<1x1xf32, #tpu.memory_space<smem>>
    memref.store %div3A_229, %arg2[%swap3A, %swap3A_230] : memref<1x1xf32, #tpu.memory_space<smem>>
    return
  }
}

module attributes {stable_mosaic.version = 14 : i64} {
  func.func @_tc_body(%arg0: i32, %arg1: memref<64x8192xf32, #tpu.memory_space<vmem>>, %arg2: memref<64x8192xf32, #tpu.memory_space<vmem>>, %arg3: memref<64x512xf32, #tpu.memory_space<vmem>>, %arg4: memref<64x128xf32, #tpu.memory_space<vmem>>, %arg5: memref<64x128xf32, #tpu.memory_space<vmem>>, %arg6: memref<64x128xf32, #tpu.memory_space<vmem>>, %arg7: memref<64x128xf32, #tpu.memory_space<vmem>>) attributes {dimension_semantics = [#tpu.dimension_semantics<arbitrary>], iteration_bounds = array<i64: 9>, scalar_prefetch = 0 : i64, scratch_operands = 4 : i64, tpu.core_type = #tpu.core_type<tc>, window_params = [{transform_indices = @transform_0, window_bounds = array<i64: 64, 8192>}, {transform_indices = @transform_1, window_bounds = array<i64: 64, 8192>}, {pipeline_mode = #tpu.pipeline_mode<synchronous>, transform_indices = @transform_2, window_bounds = array<i64: 64, 512>}]} {
    %eq3A = arith.constant 0 : i32
    %eq3A_0 = arith.cmpi eq, %arg0, %eq3A : i32
    %convert_element_type3A = arith.extui %eq3A_0 : i1 to i32
    %cond3A = arith.constant 0 : i32
    %cond3A_1 = arith.cmpi ne, %convert_element_type3A, %cond3A : i32
    scf.if %cond3A_1 {
      %broadcast_in_dim3A = arith.constant -1.000000e+30 : f32
      %broadcast_in_dim3A_16 = vector.broadcast %broadcast_in_dim3A : f32 to vector<64x128xf32>
      %swap3A = arith.constant 0 : index
      %swap3A_17 = arith.constant 0 : index
      %swap3A_18 = vector.load %arg4[%swap3A, %swap3A_17] : memref<64x128xf32, #tpu.memory_space<vmem>>, vector<64x128xf32>
      tpu.vector_store %arg4[%swap3A, %swap3A_17], %broadcast_in_dim3A_16 {strides = array<i32>} : memref<64x128xf32, #tpu.memory_space<vmem>>, vector<64x128xf32>,
      %broadcast_in_dim3A_19 = arith.constant -1.000000e+30 : f32
      %broadcast_in_dim3A_20 = vector.broadcast %broadcast_in_dim3A_19 : f32 to vector<64x128xf32>
      %swap3A_21 = arith.constant 0 : index
      %swap3A_22 = arith.constant 0 : index
      %swap3A_23 = vector.load %arg5[%swap3A_21, %swap3A_22] : memref<64x128xf32, #tpu.memory_space<vmem>>, vector<64x128xf32>
      tpu.vector_store %arg5[%swap3A_21, %swap3A_22], %broadcast_in_dim3A_20 {strides = array<i32>} : memref<64x128xf32, #tpu.memory_space<vmem>>, vector<64x128xf32>,
      %broadcast_in_dim3A_24 = arith.constant 0.000000e+00 : f32
      %broadcast_in_dim3A_25 = vector.broadcast %broadcast_in_dim3A_24 : f32 to vector<64x128xf32>
      %swap3A_26 = arith.constant 0 : index
      %swap3A_27 = arith.constant 0 : index
      %swap3A_28 = vector.load %arg6[%swap3A_26, %swap3A_27] : memref<64x128xf32, #tpu.memory_space<vmem>>, vector<64x128xf32>
      tpu.vector_store %arg6[%swap3A_26, %swap3A_27], %broadcast_in_dim3A_25 {strides = array<i32>} : memref<64x128xf32, #tpu.memory_space<vmem>>, vector<64x128xf32>,
      %broadcast_in_dim3A_29 = arith.constant 0.000000e+00 : f32
      %broadcast_in_dim3A_30 = vector.broadcast %broadcast_in_dim3A_29 : f32 to vector<64x128xf32>
      %swap3A_31 = arith.constant 0 : index
      %swap3A_32 = arith.constant 0 : index
      %swap3A_33 = vector.load %arg7[%swap3A_31, %swap3A_32] : memref<64x128xf32, #tpu.memory_space<vmem>>, vector<64x128xf32>
      tpu.vector_store %arg7[%swap3A_31, %swap3A_32], %broadcast_in_dim3A_30 {strides = array<i32>} : memref<64x128xf32, #tpu.memory_space<vmem>>, vector<64x128xf32>,
    } else {
    }
    %get3A = arith.constant 0 : index
    %get3A_2 = arith.constant 0 : index
    %get3A_3 = vector.load %arg1[%get3A, %get3A_2] : memref<64x8192xf32, #tpu.memory_space<vmem>>, vector<64x8192xf32>
    %get3A_4 = arith.constant 0 : index
    %get3A_5 = arith.constant 0 : index
    %get3A_6 = vector.load %arg2[%get3A_4, %get3A_5] : memref<64x8192xf32, #tpu.memory_space<vmem>>, vector<64x8192xf32>
    %lt3A = arith.constant 8 : i32
    %lt3A_7 = arith.cmpi slt, %arg0, %lt3A : i32
    %convert_element_type3A_8 = arith.extui %lt3A_7 : i1 to i32
    %cond3A_9 = arith.constant 0 : i32
    %cond3A_10 = arith.cmpi ne, %convert_element_type3A_8, %cond3A_9 : i32
    scf.if %cond3A_10 {
      %get3A_16 = arith.constant 0 : index
      %get3A_17 = arith.constant 0 : index
      %get3A_18 = vector.load %arg4[%get3A_16, %get3A_17] : memref<64x128xf32, #tpu.memory_space<vmem>>, vector<64x128xf32>
      %get3A_19 = arith.constant 0 : index
      %get3A_20 = arith.constant 0 : index
      %get3A_21 = vector.load %arg5[%get3A_19, %get3A_20] : memref<64x128xf32, #tpu.memory_space<vmem>>, vector<64x128xf32>
      %get3A_22 = arith.constant 0 : index
      %get3A_23 = arith.constant 0 : index
      %get3A_24 = vector.load %arg6[%get3A_22, %get3A_23] : memref<64x128xf32, #tpu.memory_space<vmem>>, vector<64x128xf32>
      %get3A_25 = arith.constant 0 : index
      %get3A_26 = arith.constant 0 : index
      %get3A_27 = vector.load %arg7[%get3A_25, %get3A_26] : memref<64x128xf32, #tpu.memory_space<vmem>>, vector<64x128xf32>
      %slice3A = vector.extract_strided_slice %get3A_3 {offsets = [0, 0], sizes = [64, 128], strides = [1, 1]} : vector<64x8192xf32> to vector<64x128xf32>
      %slice3A_28 = vector.extract_strided_slice %get3A_6 {offsets = [0, 0], sizes = [64, 128], strides = [1, 1]} : vector<64x8192xf32> to vector<64x128xf32>
      %gt3A = arith.constant 0.000000e+00 : f32
      %gt3A_29 = vector.broadcast %gt3A : f32 to vector<64x128xf32>
      %gt3A_30 = arith.cmpf ogt, %slice3A_28, %gt3A_29 : vector<64x128xf32>
      %jit3A = arith.constant -1.000000e+30 : f32
      %broadcast_in_dim3A = vector.broadcast %jit3A : f32 to vector<64x128xf32>
      %select_n3A = arith.select %gt3A_30, %broadcast_in_dim3A, %slice3A : vector<64x128xi1>, vector<64x128xf32>
      %jit3A_31 = arith.constant 0.000000e+00 : f32
      %broadcast_in_dim3A_32 = vector.broadcast %jit3A_31 : f32 to vector<64x128xf32>
      %select_n3A_33 = arith.select %gt3A_30, %slice3A, %broadcast_in_dim3A_32 : vector<64x128xi1>, vector<64x128xf32>
      %min3A = arith.minimumf %get3A_18, %select_n3A : vector<64x128xf32>
      %max3A = arith.maximumf %get3A_21, %min3A : vector<64x128xf32>
      %max3A_34 = arith.maximumf %get3A_18, %select_n3A : vector<64x128xf32>
      %add3A = arith.addf %get3A_24, %select_n3A_33 : vector<64x128xf32>
      %add3A_35 = arith.addf %get3A_27, %slice3A_28 : vector<64x128xf32>
      %slice3A_36 = vector.extract_strided_slice %get3A_3 {offsets = [0, 128], sizes = [64, 128], strides = [1, 1]} : vector<64x8192xf32> to vector<64x128xf32>
      %slice3A_37 = vector.extract_strided_slice %get3A_6 {offsets = [0, 128], sizes = [64, 128], strides = [1, 1]} : vector<64x8192xf32> to vector<64x128xf32>
      %gt3A_38 = arith.constant 0.000000e+00 : f32
      %gt3A_39 = vector.broadcast %gt3A_38 : f32 to vector<64x128xf32>
      %gt3A_40 = arith.cmpf ogt, %slice3A_37, %gt3A_39 : vector<64x128xf32>
      %jit3A_41 = arith.constant -1.000000e+30 : f32
      %broadcast_in_dim3A_42 = vector.broadcast %jit3A_41 : f32 to vector<64x128xf32>
      %select_n3A_43 = arith.select %gt3A_40, %broadcast_in_dim3A_42, %slice3A_36 : vector<64x128xi1>, vector<64x128xf32>
      %jit3A_44 = arith.constant 0.000000e+00 : f32
      %broadcast_in_dim3A_45 = vector.broadcast %jit3A_44 : f32 to vector<64x128xf32>
      %select_n3A_46 = arith.select %gt3A_40, %slice3A_36, %broadcast_in_dim3A_45 : vector<64x128xi1>, vector<64x128xf32>
      %min3A_47 = arith.minimumf %max3A_34, %select_n3A_43 : vector<64x128xf32>
      %max3A_48 = arith.maximumf %max3A, %min3A_47 : vector<64x128xf32>
      %max3A_49 = arith.maximumf %max3A_34, %select_n3A_43 : vector<64x128xf32>
      %add3A_50 = arith.addf %add3A, %select_n3A_46 : vector<64x128xf32>
      %add3A_51 = arith.addf %add3A_35, %slice3A_37 : vector<64x128xf32>
      %slice3A_52 = vector.extract_strided_slice %get3A_3 {offsets = [0, 256], sizes = [64, 128], strides = [1, 1]} : vector<64x8192xf32> to vector<64x128xf32>
      %slice3A_53 = vector.extract_strided_slice %get3A_6 {offsets = [0, 256], sizes = [64, 128], strides = [1, 1]} : vector<64x8192xf32> to vector<64x128xf32>
      %gt3A_54 = arith.constant 0.000000e+00 : f32
      %gt3A_55 = vector.broadcast %gt3A_54 : f32 to vector<64x128xf32>
      %gt3A_56 = arith.cmpf ogt, %slice3A_53, %gt3A_55 : vector<64x128xf32>
      %jit3A_57 = arith.constant -1.000000e+30 : f32
      %broadcast_in_dim3A_58 = vector.broadcast %jit3A_57 : f32 to vector<64x128xf32>
      %select_n3A_59 = arith.select %gt3A_56, %broadcast_in_dim3A_58, %slice3A_52 : vector<64x128xi1>, vector<64x128xf32>
      %jit3A_60 = arith.constant 0.000000e+00 : f32
      %broadcast_in_dim3A_61 = vector.broadcast %jit3A_60 : f32 to vector<64x128xf32>
      %select_n3A_62 = arith.select %gt3A_56, %slice3A_52, %broadcast_in_dim3A_61 : vector<64x128xi1>, vector<64x128xf32>
      %min3A_63 = arith.minimumf %max3A_49, %select_n3A_59 : vector<64x128xf32>
      %max3A_64 = arith.maximumf %max3A_48, %min3A_63 : vector<64x128xf32>
      %max3A_65 = arith.maximumf %max3A_49, %select_n3A_59 : vector<64x128xf32>
      %add3A_66 = arith.addf %add3A_50, %select_n3A_62 : vector<64x128xf32>
      %add3A_67 = arith.addf %add3A_51, %slice3A_53 : vector<64x128xf32>
      %slice3A_68 = vector.extract_strided_slice %get3A_3 {offsets = [0, 384], sizes = [64, 128], strides = [1, 1]} : vector<64x8192xf32> to vector<64x128xf32>
      %slice3A_69 = vector.extract_strided_slice %get3A_6 {offsets = [0, 384], sizes = [64, 128], strides = [1, 1]} : vector<64x8192xf32> to vector<64x128xf32>
      %gt3A_70 = arith.constant 0.000000e+00 : f32
      %gt3A_71 = vector.broadcast %gt3A_70 : f32 to vector<64x128xf32>
      %gt3A_72 = arith.cmpf ogt, %slice3A_69, %gt3A_71 : vector<64x128xf32>
      %jit3A_73 = arith.constant -1.000000e+30 : f32
      %broadcast_in_dim3A_74 = vector.broadcast %jit3A_73 : f32 to vector<64x128xf32>
      %select_n3A_75 = arith.select %gt3A_72, %broadcast_in_dim3A_74, %slice3A_68 : vector<64x128xi1>, vector<64x128xf32>
      %jit3A_76 = arith.constant 0.000000e+00 : f32
      %broadcast_in_dim3A_77 = vector.broadcast %jit3A_76 : f32 to vector<64x128xf32>
      %select_n3A_78 = arith.select %gt3A_72, %slice3A_68, %broadcast_in_dim3A_77 : vector<64x128xi1>, vector<64x128xf32>
      %min3A_79 = arith.minimumf %max3A_65, %select_n3A_75 : vector<64x128xf32>
      %max3A_80 = arith.maximumf %max3A_64, %min3A_79 : vector<64x128xf32>
      %max3A_81 = arith.maximumf %max3A_65, %select_n3A_75 : vector<64x128xf32>
      %add3A_82 = arith.addf %add3A_66, %select_n3A_78 : vector<64x128xf32>
      %add3A_83 = arith.addf %add3A_67, %slice3A_69 : vector<64x128xf32>
      %slice3A_84 = vector.extract_strided_slice %get3A_3 {offsets = [0, 512], sizes = [64, 128], strides = [1, 1]} : vector<64x8192xf32> to vector<64x128xf32>
      %slice3A_85 = vector.extract_strided_slice %get3A_6 {offsets = [0, 512], sizes = [64, 128], strides = [1, 1]} : vector<64x8192xf32> to vector<64x128xf32>
      %gt3A_86 = arith.constant 0.000000e+00 : f32
      %gt3A_87 = vector.broadcast %gt3A_86 : f32 to vector<64x128xf32>
      %gt3A_88 = arith.cmpf ogt, %slice3A_85, %gt3A_87 : vector<64x128xf32>
      %jit3A_89 = arith.constant -1.000000e+30 : f32
      %broadcast_in_dim3A_90 = vector.broadcast %jit3A_89 : f32 to vector<64x128xf32>
      %select_n3A_91 = arith.select %gt3A_88, %broadcast_in_dim3A_90, %slice3A_84 : vector<64x128xi1>, vector<64x128xf32>
      %jit3A_92 = arith.constant 0.000000e+00 : f32
      %broadcast_in_dim3A_93 = vector.broadcast %jit3A_92 : f32 to vector<64x128xf32>
      %select_n3A_94 = arith.select %gt3A_88, %slice3A_84, %broadcast_in_dim3A_93 : vector<64x128xi1>, vector<64x128xf32>
      %min3A_95 = arith.minimumf %max3A_81, %select_n3A_91 : vector<64x128xf32>
      %max3A_96 = arith.maximumf %max3A_80, %min3A_95 : vector<64x128xf32>
      %max3A_97 = arith.maximumf %max3A_81, %select_n3A_91 : vector<64x128xf32>
      %add3A_98 = arith.addf %add3A_82, %select_n3A_94 : vector<64x128xf32>
      %add3A_99 = arith.addf %add3A_83, %slice3A_85 : vector<64x128xf32>
      %slice3A_100 = vector.extract_strided_slice %get3A_3 {offsets = [0, 640], sizes = [64, 128], strides = [1, 1]} : vector<64x8192xf32> to vector<64x128xf32>
      %slice3A_101 = vector.extract_strided_slice %get3A_6 {offsets = [0, 640], sizes = [64, 128], strides = [1, 1]} : vector<64x8192xf32> to vector<64x128xf32>
      %gt3A_102 = arith.constant 0.000000e+00 : f32
      %gt3A_103 = vector.broadcast %gt3A_102 : f32 to vector<64x128xf32>
      %gt3A_104 = arith.cmpf ogt, %slice3A_101, %gt3A_103 : vector<64x128xf32>
      %jit3A_105 = arith.constant -1.000000e+30 : f32
      %broadcast_in_dim3A_106 = vector.broadcast %jit3A_105 : f32 to vector<64x128xf32>
      %select_n3A_107 = arith.select %gt3A_104, %broadcast_in_dim3A_106, %slice3A_100 : vector<64x128xi1>, vector<64x128xf32>
      %jit3A_108 = arith.constant 0.000000e+00 : f32
      %broadcast_in_dim3A_109 = vector.broadcast %jit3A_108 : f32 to vector<64x128xf32>
      %select_n3A_110 = arith.select %gt3A_104, %slice3A_100, %broadcast_in_dim3A_109 : vector<64x128xi1>, vector<64x128xf32>
      %min3A_111 = arith.minimumf %max3A_97, %select_n3A_107 : vector<64x128xf32>
      %max3A_112 = arith.maximumf %max3A_96, %min3A_111 : vector<64x128xf32>
      %max3A_113 = arith.maximumf %max3A_97, %select_n3A_107 : vector<64x128xf32>
      %add3A_114 = arith.addf %add3A_98, %select_n3A_110 : vector<64x128xf32>
      %add3A_115 = arith.addf %add3A_99, %slice3A_101 : vector<64x128xf32>
      %slice3A_116 = vector.extract_strided_slice %get3A_3 {offsets = [0, 768], sizes = [64, 128], strides = [1, 1]} : vector<64x8192xf32> to vector<64x128xf32>
      %slice3A_117 = vector.extract_strided_slice %get3A_6 {offsets = [0, 768], sizes = [64, 128], strides = [1, 1]} : vector<64x8192xf32> to vector<64x128xf32>
      %gt3A_118 = arith.constant 0.000000e+00 : f32
      %gt3A_119 = vector.broadcast %gt3A_118 : f32 to vector<64x128xf32>
      %gt3A_120 = arith.cmpf ogt, %slice3A_117, %gt3A_119 : vector<64x128xf32>
      %jit3A_121 = arith.constant -1.000000e+30 : f32
      %broadcast_in_dim3A_122 = vector.broadcast %jit3A_121 : f32 to vector<64x128xf32>
      %select_n3A_123 = arith.select %gt3A_120, %broadcast_in_dim3A_122, %slice3A_116 : vector<64x128xi1>, vector<64x128xf32>
      %jit3A_124 = arith.constant 0.000000e+00 : f32
      %broadcast_in_dim3A_125 = vector.broadcast %jit3A_124 : f32 to vector<64x128xf32>
      %select_n3A_126 = arith.select %gt3A_120, %slice3A_116, %broadcast_in_dim3A_125 : vector<64x128xi1>, vector<64x128xf32>
      %min3A_127 = arith.minimumf %max3A_113, %select_n3A_123 : vector<64x128xf32>
      %max3A_128 = arith.maximumf %max3A_112, %min3A_127 : vector<64x128xf32>
      %max3A_129 = arith.maximumf %max3A_113, %select_n3A_123 : vector<64x128xf32>
      %add3A_130 = arith.addf %add3A_114, %select_n3A_126 : vector<64x128xf32>
      %add3A_131 = arith.addf %add3A_115, %slice3A_117 : vector<64x128xf32>
      %slice3A_132 = vector.extract_strided_slice %get3A_3 {offsets = [0, 896], sizes = [64, 128], strides = [1, 1]} : vector<64x8192xf32> to vector<64x128xf32>
      %slice3A_133 = vector.extract_strided_slice %get3A_6 {offsets = [0, 896], sizes = [64, 128], strides = [1, 1]} : vector<64x8192xf32> to vector<64x128xf32>
      %gt3A_134 = arith.constant 0.000000e+00 : f32
      %gt3A_135 = vector.broadcast %gt3A_134 : f32 to vector<64x128xf32>
      %gt3A_136 = arith.cmpf ogt, %slice3A_133, %gt3A_135 : vector<64x128xf32>
      %jit3A_137 = arith.constant -1.000000e+30 : f32
      %broadcast_in_dim3A_138 = vector.broadcast %jit3A_137 : f32 to vector<64x128xf32>
      %select_n3A_139 = arith.select %gt3A_136, %broadcast_in_dim3A_138, %slice3A_132 : vector<64x128xi1>, vector<64x128xf32>
      %jit3A_140 = arith.constant 0.000000e+00 : f32
      %broadcast_in_dim3A_141 = vector.broadcast %jit3A_140 : f32 to vector<64x128xf32>
      %select_n3A_142 = arith.select %gt3A_136, %slice3A_132, %broadcast_in_dim3A_141 : vector<64x128xi1>, vector<64x128xf32>
      %min3A_143 = arith.minimumf %max3A_129, %select_n3A_139 : vector<64x128xf32>
      %max3A_144 = arith.maximumf %max3A_128, %min3A_143 : vector<64x128xf32>
      %max3A_145 = arith.maximumf %max3A_129, %select_n3A_139 : vector<64x128xf32>
      %add3A_146 = arith.addf %add3A_130, %select_n3A_142 : vector<64x128xf32>
      %add3A_147 = arith.addf %add3A_131, %slice3A_133 : vector<64x128xf32>
      %slice3A_148 = vector.extract_strided_slice %get3A_3 {offsets = [0, 1024], sizes = [64, 128], strides = [1, 1]} : vector<64x8192xf32> to vector<64x128xf32>
      %slice3A_149 = vector.extract_strided_slice %get3A_6 {offsets = [0, 1024], sizes = [64, 128], strides = [1, 1]} : vector<64x8192xf32> to vector<64x128xf32>
      %gt3A_150 = arith.constant 0.000000e+00 : f32
      %gt3A_151 = vector.broadcast %gt3A_150 : f32 to vector<64x128xf32>
      %gt3A_152 = arith.cmpf ogt, %slice3A_149, %gt3A_151 : vector<64x128xf32>
      %jit3A_153 = arith.constant -1.000000e+30 : f32
      %broadcast_in_dim3A_154 = vector.broadcast %jit3A_153 : f32 to vector<64x128xf32>
      %select_n3A_155 = arith.select %gt3A_152, %broadcast_in_dim3A_154, %slice3A_148 : vector<64x128xi1>, vector<64x128xf32>
      %jit3A_156 = arith.constant 0.000000e+00 : f32
      %broadcast_in_dim3A_157 = vector.broadcast %jit3A_156 : f32 to vector<64x128xf32>
      %select_n3A_158 = arith.select %gt3A_152, %slice3A_148, %broadcast_in_dim3A_157 : vector<64x128xi1>, vector<64x128xf32>
      %min3A_159 = arith.minimumf %max3A_145, %select_n3A_155 : vector<64x128xf32>
      %max3A_160 = arith.maximumf %max3A_144, %min3A_159 : vector<64x128xf32>
      %max3A_161 = arith.maximumf %max3A_145, %select_n3A_155 : vector<64x128xf32>
      %add3A_162 = arith.addf %add3A_146, %select_n3A_158 : vector<64x128xf32>
      %add3A_163 = arith.addf %add3A_147, %slice3A_149 : vector<64x128xf32>
      %slice3A_164 = vector.extract_strided_slice %get3A_3 {offsets = [0, 1152], sizes = [64, 128], strides = [1, 1]} : vector<64x8192xf32> to vector<64x128xf32>
      %slice3A_165 = vector.extract_strided_slice %get3A_6 {offsets = [0, 1152], sizes = [64, 128], strides = [1, 1]} : vector<64x8192xf32> to vector<64x128xf32>
      %gt3A_166 = arith.constant 0.000000e+00 : f32
      %gt3A_167 = vector.broadcast %gt3A_166 : f32 to vector<64x128xf32>
      %gt3A_168 = arith.cmpf ogt, %slice3A_165, %gt3A_167 : vector<64x128xf32>
      %jit3A_169 = arith.constant -1.000000e+30 : f32
      %broadcast_in_dim3A_170 = vector.broadcast %jit3A_169 : f32 to vector<64x128xf32>
      %select_n3A_171 = arith.select %gt3A_168, %broadcast_in_dim3A_170, %slice3A_164 : vector<64x128xi1>, vector<64x128xf32>
      %jit3A_172 = arith.constant 0.000000e+00 : f32
      %broadcast_in_dim3A_173 = vector.broadcast %jit3A_172 : f32 to vector<64x128xf32>
      %select_n3A_174 = arith.select %gt3A_168, %slice3A_164, %broadcast_in_dim3A_173 : vector<64x128xi1>, vector<64x128xf32>
      %min3A_175 = arith.minimumf %max3A_161, %select_n3A_171 : vector<64x128xf32>
      %max3A_176 = arith.maximumf %max3A_160, %min3A_175 : vector<64x128xf32>
      %max3A_177 = arith.maximumf %max3A_161, %select_n3A_171 : vector<64x128xf32>
      %add3A_178 = arith.addf %add3A_162, %select_n3A_174 : vector<64x128xf32>
      %add3A_179 = arith.addf %add3A_163, %slice3A_165 : vector<64x128xf32>
      %slice3A_180 = vector.extract_strided_slice %get3A_3 {offsets = [0, 1280], sizes = [64, 128], strides = [1, 1]} : vector<64x8192xf32> to vector<64x128xf32>
      %slice3A_181 = vector.extract_strided_slice %get3A_6 {offsets = [0, 1280], sizes = [64, 128], strides = [1, 1]} : vector<64x8192xf32> to vector<64x128xf32>
      %gt3A_182 = arith.constant 0.000000e+00 : f32
      %gt3A_183 = vector.broadcast %gt3A_182 : f32 to vector<64x128xf32>
      %gt3A_184 = arith.cmpf ogt, %slice3A_181, %gt3A_183 : vector<64x128xf32>
      %jit3A_185 = arith.constant -1.000000e+30 : f32
      %broadcast_in_dim3A_186 = vector.broadcast %jit3A_185 : f32 to vector<64x128xf32>
      %select_n3A_187 = arith.select %gt3A_184, %broadcast_in_dim3A_186, %slice3A_180 : vector<64x128xi1>, vector<64x128xf32>
      %jit3A_188 = arith.constant 0.000000e+00 : f32
      %broadcast_in_dim3A_189 = vector.broadcast %jit3A_188 : f32 to vector<64x128xf32>
      %select_n3A_190 = arith.select %gt3A_184, %slice3A_180, %broadcast_in_dim3A_189 : vector<64x128xi1>, vector<64x128xf32>
      %min3A_191 = arith.minimumf %max3A_177, %select_n3A_187 : vector<64x128xf32>
      %max3A_192 = arith.maximumf %max3A_176, %min3A_191 : vector<64x128xf32>
      %max3A_193 = arith.maximumf %max3A_177, %select_n3A_187 : vector<64x128xf32>
      %add3A_194 = arith.addf %add3A_178, %select_n3A_190 : vector<64x128xf32>
      %add3A_195 = arith.addf %add3A_179, %slice3A_181 : vector<64x128xf32>
      %slice3A_196 = vector.extract_strided_slice %get3A_3 {offsets = [0, 1408], sizes = [64, 128], strides = [1, 1]} : vector<64x8192xf32> to vector<64x128xf32>
      %slice3A_197 = vector.extract_strided_slice %get3A_6 {offsets = [0, 1408], sizes = [64, 128], strides = [1, 1]} : vector<64x8192xf32> to vector<64x128xf32>
      %gt3A_198 = arith.constant 0.000000e+00 : f32
      %gt3A_199 = vector.broadcast %gt3A_198 : f32 to vector<64x128xf32>
      %gt3A_200 = arith.cmpf ogt, %slice3A_197, %gt3A_199 : vector<64x128xf32>
      %jit3A_201 = arith.constant -1.000000e+30 : f32
      %broadcast_in_dim3A_202 = vector.broadcast %jit3A_201 : f32 to vector<64x128xf32>
      %select_n3A_203 = arith.select %gt3A_200, %broadcast_in_dim3A_202, %slice3A_196 : vector<64x128xi1>, vector<64x128xf32>
      %jit3A_204 = arith.constant 0.000000e+00 : f32
      %broadcast_in_dim3A_205 = vector.broadcast %jit3A_204 : f32 to vector<64x128xf32>
      %select_n3A_206 = arith.select %gt3A_200, %slice3A_196, %broadcast_in_dim3A_205 : vector<64x128xi1>, vector<64x128xf32>
      %min3A_207 = arith.minimumf %max3A_193, %select_n3A_203 : vector<64x128xf32>
      %max3A_208 = arith.maximumf %max3A_192, %min3A_207 : vector<64x128xf32>
      %max3A_209 = arith.maximumf %max3A_193, %select_n3A_203 : vector<64x128xf32>
      %add3A_210 = arith.addf %add3A_194, %select_n3A_206 : vector<64x128xf32>
      %add3A_211 = arith.addf %add3A_195, %slice3A_197 : vector<64x128xf32>
      %slice3A_212 = vector.extract_strided_slice %get3A_3 {offsets = [0, 1536], sizes = [64, 128], strides = [1, 1]} : vector<64x8192xf32> to vector<64x128xf32>
      %slice3A_213 = vector.extract_strided_slice %get3A_6 {offsets = [0, 1536], sizes = [64, 128], strides = [1, 1]} : vector<64x8192xf32> to vector<64x128xf32>
      %gt3A_214 = arith.constant 0.000000e+00 : f32
      %gt3A_215 = vector.broadcast %gt3A_214 : f32 to vector<64x128xf32>
      %gt3A_216 = arith.cmpf ogt, %slice3A_213, %gt3A_215 : vector<64x128xf32>
      %jit3A_217 = arith.constant -1.000000e+30 : f32
      %broadcast_in_dim3A_218 = vector.broadcast %jit3A_217 : f32 to vector<64x128xf32>
      %select_n3A_219 = arith.select %gt3A_216, %broadcast_in_dim3A_218, %slice3A_212 : vector<64x128xi1>, vector<64x128xf32>
      %jit3A_220 = arith.constant 0.000000e+00 : f32
      %broadcast_in_dim3A_221 = vector.broadcast %jit3A_220 : f32 to vector<64x128xf32>
      %select_n3A_222 = arith.select %gt3A_216, %slice3A_212, %broadcast_in_dim3A_221 : vector<64x128xi1>, vector<64x128xf32>
      %min3A_223 = arith.minimumf %max3A_209, %select_n3A_219 : vector<64x128xf32>
      %max3A_224 = arith.maximumf %max3A_208, %min3A_223 : vector<64x128xf32>
      %max3A_225 = arith.maximumf %max3A_209, %select_n3A_219 : vector<64x128xf32>
      %add3A_226 = arith.addf %add3A_210, %select_n3A_222 : vector<64x128xf32>
      %add3A_227 = arith.addf %add3A_211, %slice3A_213 : vector<64x128xf32>
      %slice3A_228 = vector.extract_strided_slice %get3A_3 {offsets = [0, 1664], sizes = [64, 128], strides = [1, 1]} : vector<64x8192xf32> to vector<64x128xf32>
      %slice3A_229 = vector.extract_strided_slice %get3A_6 {offsets = [0, 1664], sizes = [64, 128], strides = [1, 1]} : vector<64x8192xf32> to vector<64x128xf32>
      %gt3A_230 = arith.constant 0.000000e+00 : f32
      %gt3A_231 = vector.broadcast %gt3A_230 : f32 to vector<64x128xf32>
      %gt3A_232 = arith.cmpf ogt, %slice3A_229, %gt3A_231 : vector<64x128xf32>
      %jit3A_233 = arith.constant -1.000000e+30 : f32
      %broadcast_in_dim3A_234 = vector.broadcast %jit3A_233 : f32 to vector<64x128xf32>
      %select_n3A_235 = arith.select %gt3A_232, %broadcast_in_dim3A_234, %slice3A_228 : vector<64x128xi1>, vector<64x128xf32>
      %jit3A_236 = arith.constant 0.000000e+00 : f32
      %broadcast_in_dim3A_237 = vector.broadcast %jit3A_236 : f32 to vector<64x128xf32>
      %select_n3A_238 = arith.select %gt3A_232, %slice3A_228, %broadcast_in_dim3A_237 : vector<64x128xi1>, vector<64x128xf32>
      %min3A_239 = arith.minimumf %max3A_225, %select_n3A_235 : vector<64x128xf32>
      %max3A_240 = arith.maximumf %max3A_224, %min3A_239 : vector<64x128xf32>
      %max3A_241 = arith.maximumf %max3A_225, %select_n3A_235 : vector<64x128xf32>
      %add3A_242 = arith.addf %add3A_226, %select_n3A_238 : vector<64x128xf32>
      %add3A_243 = arith.addf %add3A_227, %slice3A_229 : vector<64x128xf32>
      %slice3A_244 = vector.extract_strided_slice %get3A_3 {offsets = [0, 1792], sizes = [64, 128], strides = [1, 1]} : vector<64x8192xf32> to vector<64x128xf32>
      %slice3A_245 = vector.extract_strided_slice %get3A_6 {offsets = [0, 1792], sizes = [64, 128], strides = [1, 1]} : vector<64x8192xf32> to vector<64x128xf32>
      %gt3A_246 = arith.constant 0.000000e+00 : f32
      %gt3A_247 = vector.broadcast %gt3A_246 : f32 to vector<64x128xf32>
      %gt3A_248 = arith.cmpf ogt, %slice3A_245, %gt3A_247 : vector<64x128xf32>
      %jit3A_249 = arith.constant -1.000000e+30 : f32
      %broadcast_in_dim3A_250 = vector.broadcast %jit3A_249 : f32 to vector<64x128xf32>
      %select_n3A_251 = arith.select %gt3A_248, %broadcast_in_dim3A_250, %slice3A_244 : vector<64x128xi1>, vector<64x128xf32>
      %jit3A_252 = arith.constant 0.000000e+00 : f32
      %broadcast_in_dim3A_253 = vector.broadcast %jit3A_252 : f32 to vector<64x128xf32>
      %select_n3A_254 = arith.select %gt3A_248, %slice3A_244, %broadcast_in_dim3A_253 : vector<64x128xi1>, vector<64x128xf32>
      %min3A_255 = arith.minimumf %max3A_241, %select_n3A_251 : vector<64x128xf32>
      %max3A_256 = arith.maximumf %max3A_240, %min3A_255 : vector<64x128xf32>
      %max3A_257 = arith.maximumf %max3A_241, %select_n3A_251 : vector<64x128xf32>
      %add3A_258 = arith.addf %add3A_242, %select_n3A_254 : vector<64x128xf32>
      %add3A_259 = arith.addf %add3A_243, %slice3A_245 : vector<64x128xf32>
      %slice3A_260 = vector.extract_strided_slice %get3A_3 {offsets = [0, 1920], sizes = [64, 128], strides = [1, 1]} : vector<64x8192xf32> to vector<64x128xf32>
      %slice3A_261 = vector.extract_strided_slice %get3A_6 {offsets = [0, 1920], sizes = [64, 128], strides = [1, 1]} : vector<64x8192xf32> to vector<64x128xf32>
      %gt3A_262 = arith.constant 0.000000e+00 : f32
      %gt3A_263 = vector.broadcast %gt3A_262 : f32 to vector<64x128xf32>
      %gt3A_264 = arith.cmpf ogt, %slice3A_261, %gt3A_263 : vector<64x128xf32>
      %jit3A_265 = arith.constant -1.000000e+30 : f32
      %broadcast_in_dim3A_266 = vector.broadcast %jit3A_265 : f32 to vector<64x128xf32>
      %select_n3A_267 = arith.select %gt3A_264, %broadcast_in_dim3A_266, %slice3A_260 : vector<64x128xi1>, vector<64x128xf32>
      %jit3A_268 = arith.constant 0.000000e+00 : f32
      %broadcast_in_dim3A_269 = vector.broadcast %jit3A_268 : f32 to vector<64x128xf32>
      %select_n3A_270 = arith.select %gt3A_264, %slice3A_260, %broadcast_in_dim3A_269 : vector<64x128xi1>, vector<64x128xf32>
      %min3A_271 = arith.minimumf %max3A_257, %select_n3A_267 : vector<64x128xf32>
      %max3A_272 = arith.maximumf %max3A_256, %min3A_271 : vector<64x128xf32>
      %max3A_273 = arith.maximumf %max3A_257, %select_n3A_267 : vector<64x128xf32>
      %add3A_274 = arith.addf %add3A_258, %select_n3A_270 : vector<64x128xf32>
      %add3A_275 = arith.addf %add3A_259, %slice3A_261 : vector<64x128xf32>
      %slice3A_276 = vector.extract_strided_slice %get3A_3 {offsets = [0, 2048], sizes = [64, 128], strides = [1, 1]} : vector<64x8192xf32> to vector<64x128xf32>
      %slice3A_277 = vector.extract_strided_slice %get3A_6 {offsets = [0, 2048], sizes = [64, 128], strides = [1, 1]} : vector<64x8192xf32> to vector<64x128xf32>
      %gt3A_278 = arith.constant 0.000000e+00 : f32
      %gt3A_279 = vector.broadcast %gt3A_278 : f32 to vector<64x128xf32>
      %gt3A_280 = arith.cmpf ogt, %slice3A_277, %gt3A_279 : vector<64x128xf32>
      %jit3A_281 = arith.constant -1.000000e+30 : f32
      %broadcast_in_dim3A_282 = vector.broadcast %jit3A_281 : f32 to vector<64x128xf32>
      %select_n3A_283 = arith.select %gt3A_280, %broadcast_in_dim3A_282, %slice3A_276 : vector<64x128xi1>, vector<64x128xf32>
      %jit3A_284 = arith.constant 0.000000e+00 : f32
      %broadcast_in_dim3A_285 = vector.broadcast %jit3A_284 : f32 to vector<64x128xf32>
      %select_n3A_286 = arith.select %gt3A_280, %slice3A_276, %broadcast_in_dim3A_285 : vector<64x128xi1>, vector<64x128xf32>
      %min3A_287 = arith.minimumf %max3A_273, %select_n3A_283 : vector<64x128xf32>
      %max3A_288 = arith.maximumf %max3A_272, %min3A_287 : vector<64x128xf32>
      %max3A_289 = arith.maximumf %max3A_273, %select_n3A_283 : vector<64x128xf32>
      %add3A_290 = arith.addf %add3A_274, %select_n3A_286 : vector<64x128xf32>
      %add3A_291 = arith.addf %add3A_275, %slice3A_277 : vector<64x128xf32>
      %slice3A_292 = vector.extract_strided_slice %get3A_3 {offsets = [0, 2176], sizes = [64, 128], strides = [1, 1]} : vector<64x8192xf32> to vector<64x128xf32>
      %slice3A_293 = vector.extract_strided_slice %get3A_6 {offsets = [0, 2176], sizes = [64, 128], strides = [1, 1]} : vector<64x8192xf32> to vector<64x128xf32>
      %gt3A_294 = arith.constant 0.000000e+00 : f32
      %gt3A_295 = vector.broadcast %gt3A_294 : f32 to vector<64x128xf32>
      %gt3A_296 = arith.cmpf ogt, %slice3A_293, %gt3A_295 : vector<64x128xf32>
      %jit3A_297 = arith.constant -1.000000e+30 : f32
      %broadcast_in_dim3A_298 = vector.broadcast %jit3A_297 : f32 to vector<64x128xf32>
      %select_n3A_299 = arith.select %gt3A_296, %broadcast_in_dim3A_298, %slice3A_292 : vector<64x128xi1>, vector<64x128xf32>
      %jit3A_300 = arith.constant 0.000000e+00 : f32
      %broadcast_in_dim3A_301 = vector.broadcast %jit3A_300 : f32 to vector<64x128xf32>
      %select_n3A_302 = arith.select %gt3A_296, %slice3A_292, %broadcast_in_dim3A_301 : vector<64x128xi1>, vector<64x128xf32>
      %min3A_303 = arith.minimumf %max3A_289, %select_n3A_299 : vector<64x128xf32>
      %max3A_304 = arith.maximumf %max3A_288, %min3A_303 : vector<64x128xf32>
      %max3A_305 = arith.maximumf %max3A_289, %select_n3A_299 : vector<64x128xf32>
      %add3A_306 = arith.addf %add3A_290, %select_n3A_302 : vector<64x128xf32>
      %add3A_307 = arith.addf %add3A_291, %slice3A_293 : vector<64x128xf32>
      %slice3A_308 = vector.extract_strided_slice %get3A_3 {offsets = [0, 2304], sizes = [64, 128], strides = [1, 1]} : vector<64x8192xf32> to vector<64x128xf32>
      %slice3A_309 = vector.extract_strided_slice %get3A_6 {offsets = [0, 2304], sizes = [64, 128], strides = [1, 1]} : vector<64x8192xf32> to vector<64x128xf32>
      %gt3A_310 = arith.constant 0.000000e+00 : f32
      %gt3A_311 = vector.broadcast %gt3A_310 : f32 to vector<64x128xf32>
      %gt3A_312 = arith.cmpf ogt, %slice3A_309, %gt3A_311 : vector<64x128xf32>
      %jit3A_313 = arith.constant -1.000000e+30 : f32
      %broadcast_in_dim3A_314 = vector.broadcast %jit3A_313 : f32 to vector<64x128xf32>
      %select_n3A_315 = arith.select %gt3A_312, %broadcast_in_dim3A_314, %slice3A_308 : vector<64x128xi1>, vector<64x128xf32>
      %jit3A_316 = arith.constant 0.000000e+00 : f32
      %broadcast_in_dim3A_317 = vector.broadcast %jit3A_316 : f32 to vector<64x128xf32>
      %select_n3A_318 = arith.select %gt3A_312, %slice3A_308, %broadcast_in_dim3A_317 : vector<64x128xi1>, vector<64x128xf32>
      %min3A_319 = arith.minimumf %max3A_305, %select_n3A_315 : vector<64x128xf32>
      %max3A_320 = arith.maximumf %max3A_304, %min3A_319 : vector<64x128xf32>
      %max3A_321 = arith.maximumf %max3A_305, %select_n3A_315 : vector<64x128xf32>
      %add3A_322 = arith.addf %add3A_306, %select_n3A_318 : vector<64x128xf32>
      %add3A_323 = arith.addf %add3A_307, %slice3A_309 : vector<64x128xf32>
      %slice3A_324 = vector.extract_strided_slice %get3A_3 {offsets = [0, 2432], sizes = [64, 128], strides = [1, 1]} : vector<64x8192xf32> to vector<64x128xf32>
      %slice3A_325 = vector.extract_strided_slice %get3A_6 {offsets = [0, 2432], sizes = [64, 128], strides = [1, 1]} : vector<64x8192xf32> to vector<64x128xf32>
      %gt3A_326 = arith.constant 0.000000e+00 : f32
      %gt3A_327 = vector.broadcast %gt3A_326 : f32 to vector<64x128xf32>
      %gt3A_328 = arith.cmpf ogt, %slice3A_325, %gt3A_327 : vector<64x128xf32>
      %jit3A_329 = arith.constant -1.000000e+30 : f32
      %broadcast_in_dim3A_330 = vector.broadcast %jit3A_329 : f32 to vector<64x128xf32>
      %select_n3A_331 = arith.select %gt3A_328, %broadcast_in_dim3A_330, %slice3A_324 : vector<64x128xi1>, vector<64x128xf32>
      %jit3A_332 = arith.constant 0.000000e+00 : f32
      %broadcast_in_dim3A_333 = vector.broadcast %jit3A_332 : f32 to vector<64x128xf32>
      %select_n3A_334 = arith.select %gt3A_328, %slice3A_324, %broadcast_in_dim3A_333 : vector<64x128xi1>, vector<64x128xf32>
      %min3A_335 = arith.minimumf %max3A_321, %select_n3A_331 : vector<64x128xf32>
      %max3A_336 = arith.maximumf %max3A_320, %min3A_335 : vector<64x128xf32>
      %max3A_337 = arith.maximumf %max3A_321, %select_n3A_331 : vector<64x128xf32>
      %add3A_338 = arith.addf %add3A_322, %select_n3A_334 : vector<64x128xf32>
      %add3A_339 = arith.addf %add3A_323, %slice3A_325 : vector<64x128xf32>
      %slice3A_340 = vector.extract_strided_slice %get3A_3 {offsets = [0, 2560], sizes = [64, 128], strides = [1, 1]} : vector<64x8192xf32> to vector<64x128xf32>
      %slice3A_341 = vector.extract_strided_slice %get3A_6 {offsets = [0, 2560], sizes = [64, 128], strides = [1, 1]} : vector<64x8192xf32> to vector<64x128xf32>
      %gt3A_342 = arith.constant 0.000000e+00 : f32
      %gt3A_343 = vector.broadcast %gt3A_342 : f32 to vector<64x128xf32>
      %gt3A_344 = arith.cmpf ogt, %slice3A_341, %gt3A_343 : vector<64x128xf32>
      %jit3A_345 = arith.constant -1.000000e+30 : f32
      %broadcast_in_dim3A_346 = vector.broadcast %jit3A_345 : f32 to vector<64x128xf32>
      %select_n3A_347 = arith.select %gt3A_344, %broadcast_in_dim3A_346, %slice3A_340 : vector<64x128xi1>, vector<64x128xf32>
      %jit3A_348 = arith.constant 0.000000e+00 : f32
      %broadcast_in_dim3A_349 = vector.broadcast %jit3A_348 : f32 to vector<64x128xf32>
      %select_n3A_350 = arith.select %gt3A_344, %slice3A_340, %broadcast_in_dim3A_349 : vector<64x128xi1>, vector<64x128xf32>
      %min3A_351 = arith.minimumf %max3A_337, %select_n3A_347 : vector<64x128xf32>
      %max3A_352 = arith.maximumf %max3A_336, %min3A_351 : vector<64x128xf32>
      %max3A_353 = arith.maximumf %max3A_337, %select_n3A_347 : vector<64x128xf32>
      %add3A_354 = arith.addf %add3A_338, %select_n3A_350 : vector<64x128xf32>
      %add3A_355 = arith.addf %add3A_339, %slice3A_341 : vector<64x128xf32>
      %slice3A_356 = vector.extract_strided_slice %get3A_3 {offsets = [0, 2688], sizes = [64, 128], strides = [1, 1]} : vector<64x8192xf32> to vector<64x128xf32>
      %slice3A_357 = vector.extract_strided_slice %get3A_6 {offsets = [0, 2688], sizes = [64, 128], strides = [1, 1]} : vector<64x8192xf32> to vector<64x128xf32>
      %gt3A_358 = arith.constant 0.000000e+00 : f32
      %gt3A_359 = vector.broadcast %gt3A_358 : f32 to vector<64x128xf32>
      %gt3A_360 = arith.cmpf ogt, %slice3A_357, %gt3A_359 : vector<64x128xf32>
      %jit3A_361 = arith.constant -1.000000e+30 : f32
      %broadcast_in_dim3A_362 = vector.broadcast %jit3A_361 : f32 to vector<64x128xf32>
      %select_n3A_363 = arith.select %gt3A_360, %broadcast_in_dim3A_362, %slice3A_356 : vector<64x128xi1>, vector<64x128xf32>
      %jit3A_364 = arith.constant 0.000000e+00 : f32
      %broadcast_in_dim3A_365 = vector.broadcast %jit3A_364 : f32 to vector<64x128xf32>
      %select_n3A_366 = arith.select %gt3A_360, %slice3A_356, %broadcast_in_dim3A_365 : vector<64x128xi1>, vector<64x128xf32>
      %min3A_367 = arith.minimumf %max3A_353, %select_n3A_363 : vector<64x128xf32>
      %max3A_368 = arith.maximumf %max3A_352, %min3A_367 : vector<64x128xf32>
      %max3A_369 = arith.maximumf %max3A_353, %select_n3A_363 : vector<64x128xf32>
      %add3A_370 = arith.addf %add3A_354, %select_n3A_366 : vector<64x128xf32>
      %add3A_371 = arith.addf %add3A_355, %slice3A_357 : vector<64x128xf32>
      %slice3A_372 = vector.extract_strided_slice %get3A_3 {offsets = [0, 2816], sizes = [64, 128], strides = [1, 1]} : vector<64x8192xf32> to vector<64x128xf32>
      %slice3A_373 = vector.extract_strided_slice %get3A_6 {offsets = [0, 2816], sizes = [64, 128], strides = [1, 1]} : vector<64x8192xf32> to vector<64x128xf32>
      %gt3A_374 = arith.constant 0.000000e+00 : f32
      %gt3A_375 = vector.broadcast %gt3A_374 : f32 to vector<64x128xf32>
      %gt3A_376 = arith.cmpf ogt, %slice3A_373, %gt3A_375 : vector<64x128xf32>
      %jit3A_377 = arith.constant -1.000000e+30 : f32
      %broadcast_in_dim3A_378 = vector.broadcast %jit3A_377 : f32 to vector<64x128xf32>
      %select_n3A_379 = arith.select %gt3A_376, %broadcast_in_dim3A_378, %slice3A_372 : vector<64x128xi1>, vector<64x128xf32>
      %jit3A_380 = arith.constant 0.000000e+00 : f32
      %broadcast_in_dim3A_381 = vector.broadcast %jit3A_380 : f32 to vector<64x128xf32>
      %select_n3A_382 = arith.select %gt3A_376, %slice3A_372, %broadcast_in_dim3A_381 : vector<64x128xi1>, vector<64x128xf32>
      %min3A_383 = arith.minimumf %max3A_369, %select_n3A_379 : vector<64x128xf32>
      %max3A_384 = arith.maximumf %max3A_368, %min3A_383 : vector<64x128xf32>
      %max3A_385 = arith.maximumf %max3A_369, %select_n3A_379 : vector<64x128xf32>
      %add3A_386 = arith.addf %add3A_370, %select_n3A_382 : vector<64x128xf32>
      %add3A_387 = arith.addf %add3A_371, %slice3A_373 : vector<64x128xf32>
      %slice3A_388 = vector.extract_strided_slice %get3A_3 {offsets = [0, 2944], sizes = [64, 128], strides = [1, 1]} : vector<64x8192xf32> to vector<64x128xf32>
      %slice3A_389 = vector.extract_strided_slice %get3A_6 {offsets = [0, 2944], sizes = [64, 128], strides = [1, 1]} : vector<64x8192xf32> to vector<64x128xf32>
      %gt3A_390 = arith.constant 0.000000e+00 : f32
      %gt3A_391 = vector.broadcast %gt3A_390 : f32 to vector<64x128xf32>
      %gt3A_392 = arith.cmpf ogt, %slice3A_389, %gt3A_391 : vector<64x128xf32>
      %jit3A_393 = arith.constant -1.000000e+30 : f32
      %broadcast_in_dim3A_394 = vector.broadcast %jit3A_393 : f32 to vector<64x128xf32>
      %select_n3A_395 = arith.select %gt3A_392, %broadcast_in_dim3A_394, %slice3A_388 : vector<64x128xi1>, vector<64x128xf32>
      %jit3A_396 = arith.constant 0.000000e+00 : f32
      %broadcast_in_dim3A_397 = vector.broadcast %jit3A_396 : f32 to vector<64x128xf32>
      %select_n3A_398 = arith.select %gt3A_392, %slice3A_388, %broadcast_in_dim3A_397 : vector<64x128xi1>, vector<64x128xf32>
      %min3A_399 = arith.minimumf %max3A_385, %select_n3A_395 : vector<64x128xf32>
      %max3A_400 = arith.maximumf %max3A_384, %min3A_399 : vector<64x128xf32>
      %max3A_401 = arith.maximumf %max3A_385, %select_n3A_395 : vector<64x128xf32>
      %add3A_402 = arith.addf %add3A_386, %select_n3A_398 : vector<64x128xf32>
      %add3A_403 = arith.addf %add3A_387, %slice3A_389 : vector<64x128xf32>
      %slice3A_404 = vector.extract_strided_slice %get3A_3 {offsets = [0, 3072], sizes = [64, 128], strides = [1, 1]} : vector<64x8192xf32> to vector<64x128xf32>
      %slice3A_405 = vector.extract_strided_slice %get3A_6 {offsets = [0, 3072], sizes = [64, 128], strides = [1, 1]} : vector<64x8192xf32> to vector<64x128xf32>
      %gt3A_406 = arith.constant 0.000000e+00 : f32
      %gt3A_407 = vector.broadcast %gt3A_406 : f32 to vector<64x128xf32>
      %gt3A_408 = arith.cmpf ogt, %slice3A_405, %gt3A_407 : vector<64x128xf32>
      %jit3A_409 = arith.constant -1.000000e+30 : f32
      %broadcast_in_dim3A_410 = vector.broadcast %jit3A_409 : f32 to vector<64x128xf32>
      %select_n3A_411 = arith.select %gt3A_408, %broadcast_in_dim3A_410, %slice3A_404 : vector<64x128xi1>, vector<64x128xf32>
      %jit3A_412 = arith.constant 0.000000e+00 : f32
      %broadcast_in_dim3A_413 = vector.broadcast %jit3A_412 : f32 to vector<64x128xf32>
      %select_n3A_414 = arith.select %gt3A_408, %slice3A_404, %broadcast_in_dim3A_413 : vector<64x128xi1>, vector<64x128xf32>
      %min3A_415 = arith.minimumf %max3A_401, %select_n3A_411 : vector<64x128xf32>
      %max3A_416 = arith.maximumf %max3A_400, %min3A_415 : vector<64x128xf32>
      %max3A_417 = arith.maximumf %max3A_401, %select_n3A_411 : vector<64x128xf32>
      %add3A_418 = arith.addf %add3A_402, %select_n3A_414 : vector<64x128xf32>
      %add3A_419 = arith.addf %add3A_403, %slice3A_405 : vector<64x128xf32>
      %slice3A_420 = vector.extract_strided_slice %get3A_3 {offsets = [0, 3200], sizes = [64, 128], strides = [1, 1]} : vector<64x8192xf32> to vector<64x128xf32>
      %slice3A_421 = vector.extract_strided_slice %get3A_6 {offsets = [0, 3200], sizes = [64, 128], strides = [1, 1]} : vector<64x8192xf32> to vector<64x128xf32>
      %gt3A_422 = arith.constant 0.000000e+00 : f32
      %gt3A_423 = vector.broadcast %gt3A_422 : f32 to vector<64x128xf32>
      %gt3A_424 = arith.cmpf ogt, %slice3A_421, %gt3A_423 : vector<64x128xf32>
      %jit3A_425 = arith.constant -1.000000e+30 : f32
      %broadcast_in_dim3A_426 = vector.broadcast %jit3A_425 : f32 to vector<64x128xf32>
      %select_n3A_427 = arith.select %gt3A_424, %broadcast_in_dim3A_426, %slice3A_420 : vector<64x128xi1>, vector<64x128xf32>
      %jit3A_428 = arith.constant 0.000000e+00 : f32
      %broadcast_in_dim3A_429 = vector.broadcast %jit3A_428 : f32 to vector<64x128xf32>
      %select_n3A_430 = arith.select %gt3A_424, %slice3A_420, %broadcast_in_dim3A_429 : vector<64x128xi1>, vector<64x128xf32>
      %min3A_431 = arith.minimumf %max3A_417, %select_n3A_427 : vector<64x128xf32>
      %max3A_432 = arith.maximumf %max3A_416, %min3A_431 : vector<64x128xf32>
      %max3A_433 = arith.maximumf %max3A_417, %select_n3A_427 : vector<64x128xf32>
      %add3A_434 = arith.addf %add3A_418, %select_n3A_430 : vector<64x128xf32>
      %add3A_435 = arith.addf %add3A_419, %slice3A_421 : vector<64x128xf32>
      %slice3A_436 = vector.extract_strided_slice %get3A_3 {offsets = [0, 3328], sizes = [64, 128], strides = [1, 1]} : vector<64x8192xf32> to vector<64x128xf32>
      %slice3A_437 = vector.extract_strided_slice %get3A_6 {offsets = [0, 3328], sizes = [64, 128], strides = [1, 1]} : vector<64x8192xf32> to vector<64x128xf32>
      %gt3A_438 = arith.constant 0.000000e+00 : f32
      %gt3A_439 = vector.broadcast %gt3A_438 : f32 to vector<64x128xf32>
      %gt3A_440 = arith.cmpf ogt, %slice3A_437, %gt3A_439 : vector<64x128xf32>
      %jit3A_441 = arith.constant -1.000000e+30 : f32
      %broadcast_in_dim3A_442 = vector.broadcast %jit3A_441 : f32 to vector<64x128xf32>
      %select_n3A_443 = arith.select %gt3A_440, %broadcast_in_dim3A_442, %slice3A_436 : vector<64x128xi1>, vector<64x128xf32>
      %jit3A_444 = arith.constant 0.000000e+00 : f32
      %broadcast_in_dim3A_445 = vector.broadcast %jit3A_444 : f32 to vector<64x128xf32>
      %select_n3A_446 = arith.select %gt3A_440, %slice3A_436, %broadcast_in_dim3A_445 : vector<64x128xi1>, vector<64x128xf32>
      %min3A_447 = arith.minimumf %max3A_433, %select_n3A_443 : vector<64x128xf32>
      %max3A_448 = arith.maximumf %max3A_432, %min3A_447 : vector<64x128xf32>
      %max3A_449 = arith.maximumf %max3A_433, %select_n3A_443 : vector<64x128xf32>
      %add3A_450 = arith.addf %add3A_434, %select_n3A_446 : vector<64x128xf32>
      %add3A_451 = arith.addf %add3A_435, %slice3A_437 : vector<64x128xf32>
      %slice3A_452 = vector.extract_strided_slice %get3A_3 {offsets = [0, 3456], sizes = [64, 128], strides = [1, 1]} : vector<64x8192xf32> to vector<64x128xf32>
      %slice3A_453 = vector.extract_strided_slice %get3A_6 {offsets = [0, 3456], sizes = [64, 128], strides = [1, 1]} : vector<64x8192xf32> to vector<64x128xf32>
      %gt3A_454 = arith.constant 0.000000e+00 : f32
      %gt3A_455 = vector.broadcast %gt3A_454 : f32 to vector<64x128xf32>
      %gt3A_456 = arith.cmpf ogt, %slice3A_453, %gt3A_455 : vector<64x128xf32>
      %jit3A_457 = arith.constant -1.000000e+30 : f32
      %broadcast_in_dim3A_458 = vector.broadcast %jit3A_457 : f32 to vector<64x128xf32>
      %select_n3A_459 = arith.select %gt3A_456, %broadcast_in_dim3A_458, %slice3A_452 : vector<64x128xi1>, vector<64x128xf32>
      %jit3A_460 = arith.constant 0.000000e+00 : f32
      %broadcast_in_dim3A_461 = vector.broadcast %jit3A_460 : f32 to vector<64x128xf32>
      %select_n3A_462 = arith.select %gt3A_456, %slice3A_452, %broadcast_in_dim3A_461 : vector<64x128xi1>, vector<64x128xf32>
      %min3A_463 = arith.minimumf %max3A_449, %select_n3A_459 : vector<64x128xf32>
      %max3A_464 = arith.maximumf %max3A_448, %min3A_463 : vector<64x128xf32>
      %max3A_465 = arith.maximumf %max3A_449, %select_n3A_459 : vector<64x128xf32>
      %add3A_466 = arith.addf %add3A_450, %select_n3A_462 : vector<64x128xf32>
      %add3A_467 = arith.addf %add3A_451, %slice3A_453 : vector<64x128xf32>
      %slice3A_468 = vector.extract_strided_slice %get3A_3 {offsets = [0, 3584], sizes = [64, 128], strides = [1, 1]} : vector<64x8192xf32> to vector<64x128xf32>
      %slice3A_469 = vector.extract_strided_slice %get3A_6 {offsets = [0, 3584], sizes = [64, 128], strides = [1, 1]} : vector<64x8192xf32> to vector<64x128xf32>
      %gt3A_470 = arith.constant 0.000000e+00 : f32
      %gt3A_471 = vector.broadcast %gt3A_470 : f32 to vector<64x128xf32>
      %gt3A_472 = arith.cmpf ogt, %slice3A_469, %gt3A_471 : vector<64x128xf32>
      %jit3A_473 = arith.constant -1.000000e+30 : f32
      %broadcast_in_dim3A_474 = vector.broadcast %jit3A_473 : f32 to vector<64x128xf32>
      %select_n3A_475 = arith.select %gt3A_472, %broadcast_in_dim3A_474, %slice3A_468 : vector<64x128xi1>, vector<64x128xf32>
      %jit3A_476 = arith.constant 0.000000e+00 : f32
      %broadcast_in_dim3A_477 = vector.broadcast %jit3A_476 : f32 to vector<64x128xf32>
      %select_n3A_478 = arith.select %gt3A_472, %slice3A_468, %broadcast_in_dim3A_477 : vector<64x128xi1>, vector<64x128xf32>
      %min3A_479 = arith.minimumf %max3A_465, %select_n3A_475 : vector<64x128xf32>
      %max3A_480 = arith.maximumf %max3A_464, %min3A_479 : vector<64x128xf32>
      %max3A_481 = arith.maximumf %max3A_465, %select_n3A_475 : vector<64x128xf32>
      %add3A_482 = arith.addf %add3A_466, %select_n3A_478 : vector<64x128xf32>
      %add3A_483 = arith.addf %add3A_467, %slice3A_469 : vector<64x128xf32>
      %slice3A_484 = vector.extract_strided_slice %get3A_3 {offsets = [0, 3712], sizes = [64, 128], strides = [1, 1]} : vector<64x8192xf32> to vector<64x128xf32>
      %slice3A_485 = vector.extract_strided_slice %get3A_6 {offsets = [0, 3712], sizes = [64, 128], strides = [1, 1]} : vector<64x8192xf32> to vector<64x128xf32>
      %gt3A_486 = arith.constant 0.000000e+00 : f32
      %gt3A_487 = vector.broadcast %gt3A_486 : f32 to vector<64x128xf32>
      %gt3A_488 = arith.cmpf ogt, %slice3A_485, %gt3A_487 : vector<64x128xf32>
      %jit3A_489 = arith.constant -1.000000e+30 : f32
      %broadcast_in_dim3A_490 = vector.broadcast %jit3A_489 : f32 to vector<64x128xf32>
      %select_n3A_491 = arith.select %gt3A_488, %broadcast_in_dim3A_490, %slice3A_484 : vector<64x128xi1>, vector<64x128xf32>
      %jit3A_492 = arith.constant 0.000000e+00 : f32
      %broadcast_in_dim3A_493 = vector.broadcast %jit3A_492 : f32 to vector<64x128xf32>
      %select_n3A_494 = arith.select %gt3A_488, %slice3A_484, %broadcast_in_dim3A_493 : vector<64x128xi1>, vector<64x128xf32>
      %min3A_495 = arith.minimumf %max3A_481, %select_n3A_491 : vector<64x128xf32>
      %max3A_496 = arith.maximumf %max3A_480, %min3A_495 : vector<64x128xf32>
      %max3A_497 = arith.maximumf %max3A_481, %select_n3A_491 : vector<64x128xf32>
      %add3A_498 = arith.addf %add3A_482, %select_n3A_494 : vector<64x128xf32>
      %add3A_499 = arith.addf %add3A_483, %slice3A_485 : vector<64x128xf32>
      %slice3A_500 = vector.extract_strided_slice %get3A_3 {offsets = [0, 3840], sizes = [64, 128], strides = [1, 1]} : vector<64x8192xf32> to vector<64x128xf32>
      %slice3A_501 = vector.extract_strided_slice %get3A_6 {offsets = [0, 3840], sizes = [64, 128], strides = [1, 1]} : vector<64x8192xf32> to vector<64x128xf32>
      %gt3A_502 = arith.constant 0.000000e+00 : f32
      %gt3A_503 = vector.broadcast %gt3A_502 : f32 to vector<64x128xf32>
      %gt3A_504 = arith.cmpf ogt, %slice3A_501, %gt3A_503 : vector<64x128xf32>
      %jit3A_505 = arith.constant -1.000000e+30 : f32
      %broadcast_in_dim3A_506 = vector.broadcast %jit3A_505 : f32 to vector<64x128xf32>
      %select_n3A_507 = arith.select %gt3A_504, %broadcast_in_dim3A_506, %slice3A_500 : vector<64x128xi1>, vector<64x128xf32>
      %jit3A_508 = arith.constant 0.000000e+00 : f32
      %broadcast_in_dim3A_509 = vector.broadcast %jit3A_508 : f32 to vector<64x128xf32>
      %select_n3A_510 = arith.select %gt3A_504, %slice3A_500, %broadcast_in_dim3A_509 : vector<64x128xi1>, vector<64x128xf32>
      %min3A_511 = arith.minimumf %max3A_497, %select_n3A_507 : vector<64x128xf32>
      %max3A_512 = arith.maximumf %max3A_496, %min3A_511 : vector<64x128xf32>
      %max3A_513 = arith.maximumf %max3A_497, %select_n3A_507 : vector<64x128xf32>
      %add3A_514 = arith.addf %add3A_498, %select_n3A_510 : vector<64x128xf32>
      %add3A_515 = arith.addf %add3A_499, %slice3A_501 : vector<64x128xf32>
      %slice3A_516 = vector.extract_strided_slice %get3A_3 {offsets = [0, 3968], sizes = [64, 128], strides = [1, 1]} : vector<64x8192xf32> to vector<64x128xf32>
      %slice3A_517 = vector.extract_strided_slice %get3A_6 {offsets = [0, 3968], sizes = [64, 128], strides = [1, 1]} : vector<64x8192xf32> to vector<64x128xf32>
      %gt3A_518 = arith.constant 0.000000e+00 : f32
      %gt3A_519 = vector.broadcast %gt3A_518 : f32 to vector<64x128xf32>
      %gt3A_520 = arith.cmpf ogt, %slice3A_517, %gt3A_519 : vector<64x128xf32>
      %jit3A_521 = arith.constant -1.000000e+30 : f32
      %broadcast_in_dim3A_522 = vector.broadcast %jit3A_521 : f32 to vector<64x128xf32>
      %select_n3A_523 = arith.select %gt3A_520, %broadcast_in_dim3A_522, %slice3A_516 : vector<64x128xi1>, vector<64x128xf32>
      %jit3A_524 = arith.constant 0.000000e+00 : f32
      %broadcast_in_dim3A_525 = vector.broadcast %jit3A_524 : f32 to vector<64x128xf32>
      %select_n3A_526 = arith.select %gt3A_520, %slice3A_516, %broadcast_in_dim3A_525 : vector<64x128xi1>, vector<64x128xf32>
      %min3A_527 = arith.minimumf %max3A_513, %select_n3A_523 : vector<64x128xf32>
      %max3A_528 = arith.maximumf %max3A_512, %min3A_527 : vector<64x128xf32>
      %max3A_529 = arith.maximumf %max3A_513, %select_n3A_523 : vector<64x128xf32>
      %add3A_530 = arith.addf %add3A_514, %select_n3A_526 : vector<64x128xf32>
      %add3A_531 = arith.addf %add3A_515, %slice3A_517 : vector<64x128xf32>
      %slice3A_532 = vector.extract_strided_slice %get3A_3 {offsets = [0, 4096], sizes = [64, 128], strides = [1, 1]} : vector<64x8192xf32> to vector<64x128xf32>
      %slice3A_533 = vector.extract_strided_slice %get3A_6 {offsets = [0, 4096], sizes = [64, 128], strides = [1, 1]} : vector<64x8192xf32> to vector<64x128xf32>
      %gt3A_534 = arith.constant 0.000000e+00 : f32
      %gt3A_535 = vector.broadcast %gt3A_534 : f32 to vector<64x128xf32>
      %gt3A_536 = arith.cmpf ogt, %slice3A_533, %gt3A_535 : vector<64x128xf32>
      %jit3A_537 = arith.constant -1.000000e+30 : f32
      %broadcast_in_dim3A_538 = vector.broadcast %jit3A_537 : f32 to vector<64x128xf32>
      %select_n3A_539 = arith.select %gt3A_536, %broadcast_in_dim3A_538, %slice3A_532 : vector<64x128xi1>, vector<64x128xf32>
      %jit3A_540 = arith.constant 0.000000e+00 : f32
      %broadcast_in_dim3A_541 = vector.broadcast %jit3A_540 : f32 to vector<64x128xf32>
      %select_n3A_542 = arith.select %gt3A_536, %slice3A_532, %broadcast_in_dim3A_541 : vector<64x128xi1>, vector<64x128xf32>
      %min3A_543 = arith.minimumf %max3A_529, %select_n3A_539 : vector<64x128xf32>
      %max3A_544 = arith.maximumf %max3A_528, %min3A_543 : vector<64x128xf32>
      %max3A_545 = arith.maximumf %max3A_529, %select_n3A_539 : vector<64x128xf32>
      %add3A_546 = arith.addf %add3A_530, %select_n3A_542 : vector<64x128xf32>
      %add3A_547 = arith.addf %add3A_531, %slice3A_533 : vector<64x128xf32>
      %slice3A_548 = vector.extract_strided_slice %get3A_3 {offsets = [0, 4224], sizes = [64, 128], strides = [1, 1]} : vector<64x8192xf32> to vector<64x128xf32>
      %slice3A_549 = vector.extract_strided_slice %get3A_6 {offsets = [0, 4224], sizes = [64, 128], strides = [1, 1]} : vector<64x8192xf32> to vector<64x128xf32>
      %gt3A_550 = arith.constant 0.000000e+00 : f32
      %gt3A_551 = vector.broadcast %gt3A_550 : f32 to vector<64x128xf32>
      %gt3A_552 = arith.cmpf ogt, %slice3A_549, %gt3A_551 : vector<64x128xf32>
      %jit3A_553 = arith.constant -1.000000e+30 : f32
      %broadcast_in_dim3A_554 = vector.broadcast %jit3A_553 : f32 to vector<64x128xf32>
      %select_n3A_555 = arith.select %gt3A_552, %broadcast_in_dim3A_554, %slice3A_548 : vector<64x128xi1>, vector<64x128xf32>
      %jit3A_556 = arith.constant 0.000000e+00 : f32
      %broadcast_in_dim3A_557 = vector.broadcast %jit3A_556 : f32 to vector<64x128xf32>
      %select_n3A_558 = arith.select %gt3A_552, %slice3A_548, %broadcast_in_dim3A_557 : vector<64x128xi1>, vector<64x128xf32>
      %min3A_559 = arith.minimumf %max3A_545, %select_n3A_555 : vector<64x128xf32>
      %max3A_560 = arith.maximumf %max3A_544, %min3A_559 : vector<64x128xf32>
      %max3A_561 = arith.maximumf %max3A_545, %select_n3A_555 : vector<64x128xf32>
      %add3A_562 = arith.addf %add3A_546, %select_n3A_558 : vector<64x128xf32>
      %add3A_563 = arith.addf %add3A_547, %slice3A_549 : vector<64x128xf32>
      %slice3A_564 = vector.extract_strided_slice %get3A_3 {offsets = [0, 4352], sizes = [64, 128], strides = [1, 1]} : vector<64x8192xf32> to vector<64x128xf32>
      %slice3A_565 = vector.extract_strided_slice %get3A_6 {offsets = [0, 4352], sizes = [64, 128], strides = [1, 1]} : vector<64x8192xf32> to vector<64x128xf32>
      %gt3A_566 = arith.constant 0.000000e+00 : f32
      %gt3A_567 = vector.broadcast %gt3A_566 : f32 to vector<64x128xf32>
      %gt3A_568 = arith.cmpf ogt, %slice3A_565, %gt3A_567 : vector<64x128xf32>
      %jit3A_569 = arith.constant -1.000000e+30 : f32
      %broadcast_in_dim3A_570 = vector.broadcast %jit3A_569 : f32 to vector<64x128xf32>
      %select_n3A_571 = arith.select %gt3A_568, %broadcast_in_dim3A_570, %slice3A_564 : vector<64x128xi1>, vector<64x128xf32>
      %jit3A_572 = arith.constant 0.000000e+00 : f32
      %broadcast_in_dim3A_573 = vector.broadcast %jit3A_572 : f32 to vector<64x128xf32>
      %select_n3A_574 = arith.select %gt3A_568, %slice3A_564, %broadcast_in_dim3A_573 : vector<64x128xi1>, vector<64x128xf32>
      %min3A_575 = arith.minimumf %max3A_561, %select_n3A_571 : vector<64x128xf32>
      %max3A_576 = arith.maximumf %max3A_560, %min3A_575 : vector<64x128xf32>
      %max3A_577 = arith.maximumf %max3A_561, %select_n3A_571 : vector<64x128xf32>
      %add3A_578 = arith.addf %add3A_562, %select_n3A_574 : vector<64x128xf32>
      %add3A_579 = arith.addf %add3A_563, %slice3A_565 : vector<64x128xf32>
      %slice3A_580 = vector.extract_strided_slice %get3A_3 {offsets = [0, 4480], sizes = [64, 128], strides = [1, 1]} : vector<64x8192xf32> to vector<64x128xf32>
      %slice3A_581 = vector.extract_strided_slice %get3A_6 {offsets = [0, 4480], sizes = [64, 128], strides = [1, 1]} : vector<64x8192xf32> to vector<64x128xf32>
      %gt3A_582 = arith.constant 0.000000e+00 : f32
      %gt3A_583 = vector.broadcast %gt3A_582 : f32 to vector<64x128xf32>
      %gt3A_584 = arith.cmpf ogt, %slice3A_581, %gt3A_583 : vector<64x128xf32>
      %jit3A_585 = arith.constant -1.000000e+30 : f32
      %broadcast_in_dim3A_586 = vector.broadcast %jit3A_585 : f32 to vector<64x128xf32>
      %select_n3A_587 = arith.select %gt3A_584, %broadcast_in_dim3A_586, %slice3A_580 : vector<64x128xi1>, vector<64x128xf32>
      %jit3A_588 = arith.constant 0.000000e+00 : f32
      %broadcast_in_dim3A_589 = vector.broadcast %jit3A_588 : f32 to vector<64x128xf32>
      %select_n3A_590 = arith.select %gt3A_584, %slice3A_580, %broadcast_in_dim3A_589 : vector<64x128xi1>, vector<64x128xf32>
      %min3A_591 = arith.minimumf %max3A_577, %select_n3A_587 : vector<64x128xf32>
      %max3A_592 = arith.maximumf %max3A_576, %min3A_591 : vector<64x128xf32>
      %max3A_593 = arith.maximumf %max3A_577, %select_n3A_587 : vector<64x128xf32>
      %add3A_594 = arith.addf %add3A_578, %select_n3A_590 : vector<64x128xf32>
      %add3A_595 = arith.addf %add3A_579, %slice3A_581 : vector<64x128xf32>
      %slice3A_596 = vector.extract_strided_slice %get3A_3 {offsets = [0, 4608], sizes = [64, 128], strides = [1, 1]} : vector<64x8192xf32> to vector<64x128xf32>
      %slice3A_597 = vector.extract_strided_slice %get3A_6 {offsets = [0, 4608], sizes = [64, 128], strides = [1, 1]} : vector<64x8192xf32> to vector<64x128xf32>
      %gt3A_598 = arith.constant 0.000000e+00 : f32
      %gt3A_599 = vector.broadcast %gt3A_598 : f32 to vector<64x128xf32>
      %gt3A_600 = arith.cmpf ogt, %slice3A_597, %gt3A_599 : vector<64x128xf32>
      %jit3A_601 = arith.constant -1.000000e+30 : f32
      %broadcast_in_dim3A_602 = vector.broadcast %jit3A_601 : f32 to vector<64x128xf32>
      %select_n3A_603 = arith.select %gt3A_600, %broadcast_in_dim3A_602, %slice3A_596 : vector<64x128xi1>, vector<64x128xf32>
      %jit3A_604 = arith.constant 0.000000e+00 : f32
      %broadcast_in_dim3A_605 = vector.broadcast %jit3A_604 : f32 to vector<64x128xf32>
      %select_n3A_606 = arith.select %gt3A_600, %slice3A_596, %broadcast_in_dim3A_605 : vector<64x128xi1>, vector<64x128xf32>
      %min3A_607 = arith.minimumf %max3A_593, %select_n3A_603 : vector<64x128xf32>
      %max3A_608 = arith.maximumf %max3A_592, %min3A_607 : vector<64x128xf32>
      %max3A_609 = arith.maximumf %max3A_593, %select_n3A_603 : vector<64x128xf32>
      %add3A_610 = arith.addf %add3A_594, %select_n3A_606 : vector<64x128xf32>
      %add3A_611 = arith.addf %add3A_595, %slice3A_597 : vector<64x128xf32>
      %slice3A_612 = vector.extract_strided_slice %get3A_3 {offsets = [0, 4736], sizes = [64, 128], strides = [1, 1]} : vector<64x8192xf32> to vector<64x128xf32>
      %slice3A_613 = vector.extract_strided_slice %get3A_6 {offsets = [0, 4736], sizes = [64, 128], strides = [1, 1]} : vector<64x8192xf32> to vector<64x128xf32>
      %gt3A_614 = arith.constant 0.000000e+00 : f32
      %gt3A_615 = vector.broadcast %gt3A_614 : f32 to vector<64x128xf32>
      %gt3A_616 = arith.cmpf ogt, %slice3A_613, %gt3A_615 : vector<64x128xf32>
      %jit3A_617 = arith.constant -1.000000e+30 : f32
      %broadcast_in_dim3A_618 = vector.broadcast %jit3A_617 : f32 to vector<64x128xf32>
      %select_n3A_619 = arith.select %gt3A_616, %broadcast_in_dim3A_618, %slice3A_612 : vector<64x128xi1>, vector<64x128xf32>
      %jit3A_620 = arith.constant 0.000000e+00 : f32
      %broadcast_in_dim3A_621 = vector.broadcast %jit3A_620 : f32 to vector<64x128xf32>
      %select_n3A_622 = arith.select %gt3A_616, %slice3A_612, %broadcast_in_dim3A_621 : vector<64x128xi1>, vector<64x128xf32>
      %min3A_623 = arith.minimumf %max3A_609, %select_n3A_619 : vector<64x128xf32>
      %max3A_624 = arith.maximumf %max3A_608, %min3A_623 : vector<64x128xf32>
      %max3A_625 = arith.maximumf %max3A_609, %select_n3A_619 : vector<64x128xf32>
      %add3A_626 = arith.addf %add3A_610, %select_n3A_622 : vector<64x128xf32>
      %add3A_627 = arith.addf %add3A_611, %slice3A_613 : vector<64x128xf32>
      %slice3A_628 = vector.extract_strided_slice %get3A_3 {offsets = [0, 4864], sizes = [64, 128], strides = [1, 1]} : vector<64x8192xf32> to vector<64x128xf32>
      %slice3A_629 = vector.extract_strided_slice %get3A_6 {offsets = [0, 4864], sizes = [64, 128], strides = [1, 1]} : vector<64x8192xf32> to vector<64x128xf32>
      %gt3A_630 = arith.constant 0.000000e+00 : f32
      %gt3A_631 = vector.broadcast %gt3A_630 : f32 to vector<64x128xf32>
      %gt3A_632 = arith.cmpf ogt, %slice3A_629, %gt3A_631 : vector<64x128xf32>
      %jit3A_633 = arith.constant -1.000000e+30 : f32
      %broadcast_in_dim3A_634 = vector.broadcast %jit3A_633 : f32 to vector<64x128xf32>
      %select_n3A_635 = arith.select %gt3A_632, %broadcast_in_dim3A_634, %slice3A_628 : vector<64x128xi1>, vector<64x128xf32>
      %jit3A_636 = arith.constant 0.000000e+00 : f32
      %broadcast_in_dim3A_637 = vector.broadcast %jit3A_636 : f32 to vector<64x128xf32>
      %select_n3A_638 = arith.select %gt3A_632, %slice3A_628, %broadcast_in_dim3A_637 : vector<64x128xi1>, vector<64x128xf32>
      %min3A_639 = arith.minimumf %max3A_625, %select_n3A_635 : vector<64x128xf32>
      %max3A_640 = arith.maximumf %max3A_624, %min3A_639 : vector<64x128xf32>
      %max3A_641 = arith.maximumf %max3A_625, %select_n3A_635 : vector<64x128xf32>
      %add3A_642 = arith.addf %add3A_626, %select_n3A_638 : vector<64x128xf32>
      %add3A_643 = arith.addf %add3A_627, %slice3A_629 : vector<64x128xf32>
      %slice3A_644 = vector.extract_strided_slice %get3A_3 {offsets = [0, 4992], sizes = [64, 128], strides = [1, 1]} : vector<64x8192xf32> to vector<64x128xf32>
      %slice3A_645 = vector.extract_strided_slice %get3A_6 {offsets = [0, 4992], sizes = [64, 128], strides = [1, 1]} : vector<64x8192xf32> to vector<64x128xf32>
      %gt3A_646 = arith.constant 0.000000e+00 : f32
      %gt3A_647 = vector.broadcast %gt3A_646 : f32 to vector<64x128xf32>
      %gt3A_648 = arith.cmpf ogt, %slice3A_645, %gt3A_647 : vector<64x128xf32>
      %jit3A_649 = arith.constant -1.000000e+30 : f32
      %broadcast_in_dim3A_650 = vector.broadcast %jit3A_649 : f32 to vector<64x128xf32>
      %select_n3A_651 = arith.select %gt3A_648, %broadcast_in_dim3A_650, %slice3A_644 : vector<64x128xi1>, vector<64x128xf32>
      %jit3A_652 = arith.constant 0.000000e+00 : f32
      %broadcast_in_dim3A_653 = vector.broadcast %jit3A_652 : f32 to vector<64x128xf32>
      %select_n3A_654 = arith.select %gt3A_648, %slice3A_644, %broadcast_in_dim3A_653 : vector<64x128xi1>, vector<64x128xf32>
      %min3A_655 = arith.minimumf %max3A_641, %select_n3A_651 : vector<64x128xf32>
      %max3A_656 = arith.maximumf %max3A_640, %min3A_655 : vector<64x128xf32>
      %max3A_657 = arith.maximumf %max3A_641, %select_n3A_651 : vector<64x128xf32>
      %add3A_658 = arith.addf %add3A_642, %select_n3A_654 : vector<64x128xf32>
      %add3A_659 = arith.addf %add3A_643, %slice3A_645 : vector<64x128xf32>
      %slice3A_660 = vector.extract_strided_slice %get3A_3 {offsets = [0, 5120], sizes = [64, 128], strides = [1, 1]} : vector<64x8192xf32> to vector<64x128xf32>
      %slice3A_661 = vector.extract_strided_slice %get3A_6 {offsets = [0, 5120], sizes = [64, 128], strides = [1, 1]} : vector<64x8192xf32> to vector<64x128xf32>
      %gt3A_662 = arith.constant 0.000000e+00 : f32
      %gt3A_663 = vector.broadcast %gt3A_662 : f32 to vector<64x128xf32>
      %gt3A_664 = arith.cmpf ogt, %slice3A_661, %gt3A_663 : vector<64x128xf32>
      %jit3A_665 = arith.constant -1.000000e+30 : f32
      %broadcast_in_dim3A_666 = vector.broadcast %jit3A_665 : f32 to vector<64x128xf32>
      %select_n3A_667 = arith.select %gt3A_664, %broadcast_in_dim3A_666, %slice3A_660 : vector<64x128xi1>, vector<64x128xf32>
      %jit3A_668 = arith.constant 0.000000e+00 : f32
      %broadcast_in_dim3A_669 = vector.broadcast %jit3A_668 : f32 to vector<64x128xf32>
      %select_n3A_670 = arith.select %gt3A_664, %slice3A_660, %broadcast_in_dim3A_669 : vector<64x128xi1>, vector<64x128xf32>
      %min3A_671 = arith.minimumf %max3A_657, %select_n3A_667 : vector<64x128xf32>
      %max3A_672 = arith.maximumf %max3A_656, %min3A_671 : vector<64x128xf32>
      %max3A_673 = arith.maximumf %max3A_657, %select_n3A_667 : vector<64x128xf32>
      %add3A_674 = arith.addf %add3A_658, %select_n3A_670 : vector<64x128xf32>
      %add3A_675 = arith.addf %add3A_659, %slice3A_661 : vector<64x128xf32>
      %slice3A_676 = vector.extract_strided_slice %get3A_3 {offsets = [0, 5248], sizes = [64, 128], strides = [1, 1]} : vector<64x8192xf32> to vector<64x128xf32>
      %slice3A_677 = vector.extract_strided_slice %get3A_6 {offsets = [0, 5248], sizes = [64, 128], strides = [1, 1]} : vector<64x8192xf32> to vector<64x128xf32>
      %gt3A_678 = arith.constant 0.000000e+00 : f32
      %gt3A_679 = vector.broadcast %gt3A_678 : f32 to vector<64x128xf32>
      %gt3A_680 = arith.cmpf ogt, %slice3A_677, %gt3A_679 : vector<64x128xf32>
      %jit3A_681 = arith.constant -1.000000e+30 : f32
      %broadcast_in_dim3A_682 = vector.broadcast %jit3A_681 : f32 to vector<64x128xf32>
      %select_n3A_683 = arith.select %gt3A_680, %broadcast_in_dim3A_682, %slice3A_676 : vector<64x128xi1>, vector<64x128xf32>
      %jit3A_684 = arith.constant 0.000000e+00 : f32
      %broadcast_in_dim3A_685 = vector.broadcast %jit3A_684 : f32 to vector<64x128xf32>
      %select_n3A_686 = arith.select %gt3A_680, %slice3A_676, %broadcast_in_dim3A_685 : vector<64x128xi1>, vector<64x128xf32>
      %min3A_687 = arith.minimumf %max3A_673, %select_n3A_683 : vector<64x128xf32>
      %max3A_688 = arith.maximumf %max3A_672, %min3A_687 : vector<64x128xf32>
      %max3A_689 = arith.maximumf %max3A_673, %select_n3A_683 : vector<64x128xf32>
      %add3A_690 = arith.addf %add3A_674, %select_n3A_686 : vector<64x128xf32>
      %add3A_691 = arith.addf %add3A_675, %slice3A_677 : vector<64x128xf32>
      %slice3A_692 = vector.extract_strided_slice %get3A_3 {offsets = [0, 5376], sizes = [64, 128], strides = [1, 1]} : vector<64x8192xf32> to vector<64x128xf32>
      %slice3A_693 = vector.extract_strided_slice %get3A_6 {offsets = [0, 5376], sizes = [64, 128], strides = [1, 1]} : vector<64x8192xf32> to vector<64x128xf32>
      %gt3A_694 = arith.constant 0.000000e+00 : f32
      %gt3A_695 = vector.broadcast %gt3A_694 : f32 to vector<64x128xf32>
      %gt3A_696 = arith.cmpf ogt, %slice3A_693, %gt3A_695 : vector<64x128xf32>
      %jit3A_697 = arith.constant -1.000000e+30 : f32
      %broadcast_in_dim3A_698 = vector.broadcast %jit3A_697 : f32 to vector<64x128xf32>
      %select_n3A_699 = arith.select %gt3A_696, %broadcast_in_dim3A_698, %slice3A_692 : vector<64x128xi1>, vector<64x128xf32>
      %jit3A_700 = arith.constant 0.000000e+00 : f32
      %broadcast_in_dim3A_701 = vector.broadcast %jit3A_700 : f32 to vector<64x128xf32>
      %select_n3A_702 = arith.select %gt3A_696, %slice3A_692, %broadcast_in_dim3A_701 : vector<64x128xi1>, vector<64x128xf32>
      %min3A_703 = arith.minimumf %max3A_689, %select_n3A_699 : vector<64x128xf32>
      %max3A_704 = arith.maximumf %max3A_688, %min3A_703 : vector<64x128xf32>
      %max3A_705 = arith.maximumf %max3A_689, %select_n3A_699 : vector<64x128xf32>
      %add3A_706 = arith.addf %add3A_690, %select_n3A_702 : vector<64x128xf32>
      %add3A_707 = arith.addf %add3A_691, %slice3A_693 : vector<64x128xf32>
      %slice3A_708 = vector.extract_strided_slice %get3A_3 {offsets = [0, 5504], sizes = [64, 128], strides = [1, 1]} : vector<64x8192xf32> to vector<64x128xf32>
      %slice3A_709 = vector.extract_strided_slice %get3A_6 {offsets = [0, 5504], sizes = [64, 128], strides = [1, 1]} : vector<64x8192xf32> to vector<64x128xf32>
      %gt3A_710 = arith.constant 0.000000e+00 : f32
      %gt3A_711 = vector.broadcast %gt3A_710 : f32 to vector<64x128xf32>
      %gt3A_712 = arith.cmpf ogt, %slice3A_709, %gt3A_711 : vector<64x128xf32>
      %jit3A_713 = arith.constant -1.000000e+30 : f32
      %broadcast_in_dim3A_714 = vector.broadcast %jit3A_713 : f32 to vector<64x128xf32>
      %select_n3A_715 = arith.select %gt3A_712, %broadcast_in_dim3A_714, %slice3A_708 : vector<64x128xi1>, vector<64x128xf32>
      %jit3A_716 = arith.constant 0.000000e+00 : f32
      %broadcast_in_dim3A_717 = vector.broadcast %jit3A_716 : f32 to vector<64x128xf32>
      %select_n3A_718 = arith.select %gt3A_712, %slice3A_708, %broadcast_in_dim3A_717 : vector<64x128xi1>, vector<64x128xf32>
      %min3A_719 = arith.minimumf %max3A_705, %select_n3A_715 : vector<64x128xf32>
      %max3A_720 = arith.maximumf %max3A_704, %min3A_719 : vector<64x128xf32>
      %max3A_721 = arith.maximumf %max3A_705, %select_n3A_715 : vector<64x128xf32>
      %add3A_722 = arith.addf %add3A_706, %select_n3A_718 : vector<64x128xf32>
      %add3A_723 = arith.addf %add3A_707, %slice3A_709 : vector<64x128xf32>
      %slice3A_724 = vector.extract_strided_slice %get3A_3 {offsets = [0, 5632], sizes = [64, 128], strides = [1, 1]} : vector<64x8192xf32> to vector<64x128xf32>
      %slice3A_725 = vector.extract_strided_slice %get3A_6 {offsets = [0, 5632], sizes = [64, 128], strides = [1, 1]} : vector<64x8192xf32> to vector<64x128xf32>
      %gt3A_726 = arith.constant 0.000000e+00 : f32
      %gt3A_727 = vector.broadcast %gt3A_726 : f32 to vector<64x128xf32>
      %gt3A_728 = arith.cmpf ogt, %slice3A_725, %gt3A_727 : vector<64x128xf32>
      %jit3A_729 = arith.constant -1.000000e+30 : f32
      %broadcast_in_dim3A_730 = vector.broadcast %jit3A_729 : f32 to vector<64x128xf32>
      %select_n3A_731 = arith.select %gt3A_728, %broadcast_in_dim3A_730, %slice3A_724 : vector<64x128xi1>, vector<64x128xf32>
      %jit3A_732 = arith.constant 0.000000e+00 : f32
      %broadcast_in_dim3A_733 = vector.broadcast %jit3A_732 : f32 to vector<64x128xf32>
      %select_n3A_734 = arith.select %gt3A_728, %slice3A_724, %broadcast_in_dim3A_733 : vector<64x128xi1>, vector<64x128xf32>
      %min3A_735 = arith.minimumf %max3A_721, %select_n3A_731 : vector<64x128xf32>
      %max3A_736 = arith.maximumf %max3A_720, %min3A_735 : vector<64x128xf32>
      %max3A_737 = arith.maximumf %max3A_721, %select_n3A_731 : vector<64x128xf32>
      %add3A_738 = arith.addf %add3A_722, %select_n3A_734 : vector<64x128xf32>
      %add3A_739 = arith.addf %add3A_723, %slice3A_725 : vector<64x128xf32>
      %slice3A_740 = vector.extract_strided_slice %get3A_3 {offsets = [0, 5760], sizes = [64, 128], strides = [1, 1]} : vector<64x8192xf32> to vector<64x128xf32>
      %slice3A_741 = vector.extract_strided_slice %get3A_6 {offsets = [0, 5760], sizes = [64, 128], strides = [1, 1]} : vector<64x8192xf32> to vector<64x128xf32>
      %gt3A_742 = arith.constant 0.000000e+00 : f32
      %gt3A_743 = vector.broadcast %gt3A_742 : f32 to vector<64x128xf32>
      %gt3A_744 = arith.cmpf ogt, %slice3A_741, %gt3A_743 : vector<64x128xf32>
      %jit3A_745 = arith.constant -1.000000e+30 : f32
      %broadcast_in_dim3A_746 = vector.broadcast %jit3A_745 : f32 to vector<64x128xf32>
      %select_n3A_747 = arith.select %gt3A_744, %broadcast_in_dim3A_746, %slice3A_740 : vector<64x128xi1>, vector<64x128xf32>
      %jit3A_748 = arith.constant 0.000000e+00 : f32
      %broadcast_in_dim3A_749 = vector.broadcast %jit3A_748 : f32 to vector<64x128xf32>
      %select_n3A_750 = arith.select %gt3A_744, %slice3A_740, %broadcast_in_dim3A_749 : vector<64x128xi1>, vector<64x128xf32>
      %min3A_751 = arith.minimumf %max3A_737, %select_n3A_747 : vector<64x128xf32>
      %max3A_752 = arith.maximumf %max3A_736, %min3A_751 : vector<64x128xf32>
      %max3A_753 = arith.maximumf %max3A_737, %select_n3A_747 : vector<64x128xf32>
      %add3A_754 = arith.addf %add3A_738, %select_n3A_750 : vector<64x128xf32>
      %add3A_755 = arith.addf %add3A_739, %slice3A_741 : vector<64x128xf32>
      %slice3A_756 = vector.extract_strided_slice %get3A_3 {offsets = [0, 5888], sizes = [64, 128], strides = [1, 1]} : vector<64x8192xf32> to vector<64x128xf32>
      %slice3A_757 = vector.extract_strided_slice %get3A_6 {offsets = [0, 5888], sizes = [64, 128], strides = [1, 1]} : vector<64x8192xf32> to vector<64x128xf32>
      %gt3A_758 = arith.constant 0.000000e+00 : f32
      %gt3A_759 = vector.broadcast %gt3A_758 : f32 to vector<64x128xf32>
      %gt3A_760 = arith.cmpf ogt, %slice3A_757, %gt3A_759 : vector<64x128xf32>
      %jit3A_761 = arith.constant -1.000000e+30 : f32
      %broadcast_in_dim3A_762 = vector.broadcast %jit3A_761 : f32 to vector<64x128xf32>
      %select_n3A_763 = arith.select %gt3A_760, %broadcast_in_dim3A_762, %slice3A_756 : vector<64x128xi1>, vector<64x128xf32>
      %jit3A_764 = arith.constant 0.000000e+00 : f32
      %broadcast_in_dim3A_765 = vector.broadcast %jit3A_764 : f32 to vector<64x128xf32>
      %select_n3A_766 = arith.select %gt3A_760, %slice3A_756, %broadcast_in_dim3A_765 : vector<64x128xi1>, vector<64x128xf32>
      %min3A_767 = arith.minimumf %max3A_753, %select_n3A_763 : vector<64x128xf32>
      %max3A_768 = arith.maximumf %max3A_752, %min3A_767 : vector<64x128xf32>
      %max3A_769 = arith.maximumf %max3A_753, %select_n3A_763 : vector<64x128xf32>
      %add3A_770 = arith.addf %add3A_754, %select_n3A_766 : vector<64x128xf32>
      %add3A_771 = arith.addf %add3A_755, %slice3A_757 : vector<64x128xf32>
      %slice3A_772 = vector.extract_strided_slice %get3A_3 {offsets = [0, 6016], sizes = [64, 128], strides = [1, 1]} : vector<64x8192xf32> to vector<64x128xf32>
      %slice3A_773 = vector.extract_strided_slice %get3A_6 {offsets = [0, 6016], sizes = [64, 128], strides = [1, 1]} : vector<64x8192xf32> to vector<64x128xf32>
      %gt3A_774 = arith.constant 0.000000e+00 : f32
      %gt3A_775 = vector.broadcast %gt3A_774 : f32 to vector<64x128xf32>
      %gt3A_776 = arith.cmpf ogt, %slice3A_773, %gt3A_775 : vector<64x128xf32>
      %jit3A_777 = arith.constant -1.000000e+30 : f32
      %broadcast_in_dim3A_778 = vector.broadcast %jit3A_777 : f32 to vector<64x128xf32>
      %select_n3A_779 = arith.select %gt3A_776, %broadcast_in_dim3A_778, %slice3A_772 : vector<64x128xi1>, vector<64x128xf32>
      %jit3A_780 = arith.constant 0.000000e+00 : f32
      %broadcast_in_dim3A_781 = vector.broadcast %jit3A_780 : f32 to vector<64x128xf32>
      %select_n3A_782 = arith.select %gt3A_776, %slice3A_772, %broadcast_in_dim3A_781 : vector<64x128xi1>, vector<64x128xf32>
      %min3A_783 = arith.minimumf %max3A_769, %select_n3A_779 : vector<64x128xf32>
      %max3A_784 = arith.maximumf %max3A_768, %min3A_783 : vector<64x128xf32>
      %max3A_785 = arith.maximumf %max3A_769, %select_n3A_779 : vector<64x128xf32>
      %add3A_786 = arith.addf %add3A_770, %select_n3A_782 : vector<64x128xf32>
      %add3A_787 = arith.addf %add3A_771, %slice3A_773 : vector<64x128xf32>
      %slice3A_788 = vector.extract_strided_slice %get3A_3 {offsets = [0, 6144], sizes = [64, 128], strides = [1, 1]} : vector<64x8192xf32> to vector<64x128xf32>
      %slice3A_789 = vector.extract_strided_slice %get3A_6 {offsets = [0, 6144], sizes = [64, 128], strides = [1, 1]} : vector<64x8192xf32> to vector<64x128xf32>
      %gt3A_790 = arith.constant 0.000000e+00 : f32
      %gt3A_791 = vector.broadcast %gt3A_790 : f32 to vector<64x128xf32>
      %gt3A_792 = arith.cmpf ogt, %slice3A_789, %gt3A_791 : vector<64x128xf32>
      %jit3A_793 = arith.constant -1.000000e+30 : f32
      %broadcast_in_dim3A_794 = vector.broadcast %jit3A_793 : f32 to vector<64x128xf32>
      %select_n3A_795 = arith.select %gt3A_792, %broadcast_in_dim3A_794, %slice3A_788 : vector<64x128xi1>, vector<64x128xf32>
      %jit3A_796 = arith.constant 0.000000e+00 : f32
      %broadcast_in_dim3A_797 = vector.broadcast %jit3A_796 : f32 to vector<64x128xf32>
      %select_n3A_798 = arith.select %gt3A_792, %slice3A_788, %broadcast_in_dim3A_797 : vector<64x128xi1>, vector<64x128xf32>
      %min3A_799 = arith.minimumf %max3A_785, %select_n3A_795 : vector<64x128xf32>
      %max3A_800 = arith.maximumf %max3A_784, %min3A_799 : vector<64x128xf32>
      %max3A_801 = arith.maximumf %max3A_785, %select_n3A_795 : vector<64x128xf32>
      %add3A_802 = arith.addf %add3A_786, %select_n3A_798 : vector<64x128xf32>
      %add3A_803 = arith.addf %add3A_787, %slice3A_789 : vector<64x128xf32>
      %slice3A_804 = vector.extract_strided_slice %get3A_3 {offsets = [0, 6272], sizes = [64, 128], strides = [1, 1]} : vector<64x8192xf32> to vector<64x128xf32>
      %slice3A_805 = vector.extract_strided_slice %get3A_6 {offsets = [0, 6272], sizes = [64, 128], strides = [1, 1]} : vector<64x8192xf32> to vector<64x128xf32>
      %gt3A_806 = arith.constant 0.000000e+00 : f32
      %gt3A_807 = vector.broadcast %gt3A_806 : f32 to vector<64x128xf32>
      %gt3A_808 = arith.cmpf ogt, %slice3A_805, %gt3A_807 : vector<64x128xf32>
      %jit3A_809 = arith.constant -1.000000e+30 : f32
      %broadcast_in_dim3A_810 = vector.broadcast %jit3A_809 : f32 to vector<64x128xf32>
      %select_n3A_811 = arith.select %gt3A_808, %broadcast_in_dim3A_810, %slice3A_804 : vector<64x128xi1>, vector<64x128xf32>
      %jit3A_812 = arith.constant 0.000000e+00 : f32
      %broadcast_in_dim3A_813 = vector.broadcast %jit3A_812 : f32 to vector<64x128xf32>
      %select_n3A_814 = arith.select %gt3A_808, %slice3A_804, %broadcast_in_dim3A_813 : vector<64x128xi1>, vector<64x128xf32>
      %min3A_815 = arith.minimumf %max3A_801, %select_n3A_811 : vector<64x128xf32>
      %max3A_816 = arith.maximumf %max3A_800, %min3A_815 : vector<64x128xf32>
      %max3A_817 = arith.maximumf %max3A_801, %select_n3A_811 : vector<64x128xf32>
      %add3A_818 = arith.addf %add3A_802, %select_n3A_814 : vector<64x128xf32>
      %add3A_819 = arith.addf %add3A_803, %slice3A_805 : vector<64x128xf32>
      %slice3A_820 = vector.extract_strided_slice %get3A_3 {offsets = [0, 6400], sizes = [64, 128], strides = [1, 1]} : vector<64x8192xf32> to vector<64x128xf32>
      %slice3A_821 = vector.extract_strided_slice %get3A_6 {offsets = [0, 6400], sizes = [64, 128], strides = [1, 1]} : vector<64x8192xf32> to vector<64x128xf32>
      %gt3A_822 = arith.constant 0.000000e+00 : f32
      %gt3A_823 = vector.broadcast %gt3A_822 : f32 to vector<64x128xf32>
      %gt3A_824 = arith.cmpf ogt, %slice3A_821, %gt3A_823 : vector<64x128xf32>
      %jit3A_825 = arith.constant -1.000000e+30 : f32
      %broadcast_in_dim3A_826 = vector.broadcast %jit3A_825 : f32 to vector<64x128xf32>
      %select_n3A_827 = arith.select %gt3A_824, %broadcast_in_dim3A_826, %slice3A_820 : vector<64x128xi1>, vector<64x128xf32>
      %jit3A_828 = arith.constant 0.000000e+00 : f32
      %broadcast_in_dim3A_829 = vector.broadcast %jit3A_828 : f32 to vector<64x128xf32>
      %select_n3A_830 = arith.select %gt3A_824, %slice3A_820, %broadcast_in_dim3A_829 : vector<64x128xi1>, vector<64x128xf32>
      %min3A_831 = arith.minimumf %max3A_817, %select_n3A_827 : vector<64x128xf32>
      %max3A_832 = arith.maximumf %max3A_816, %min3A_831 : vector<64x128xf32>
      %max3A_833 = arith.maximumf %max3A_817, %select_n3A_827 : vector<64x128xf32>
      %add3A_834 = arith.addf %add3A_818, %select_n3A_830 : vector<64x128xf32>
      %add3A_835 = arith.addf %add3A_819, %slice3A_821 : vector<64x128xf32>
      %slice3A_836 = vector.extract_strided_slice %get3A_3 {offsets = [0, 6528], sizes = [64, 128], strides = [1, 1]} : vector<64x8192xf32> to vector<64x128xf32>
      %slice3A_837 = vector.extract_strided_slice %get3A_6 {offsets = [0, 6528], sizes = [64, 128], strides = [1, 1]} : vector<64x8192xf32> to vector<64x128xf32>
      %gt3A_838 = arith.constant 0.000000e+00 : f32
      %gt3A_839 = vector.broadcast %gt3A_838 : f32 to vector<64x128xf32>
      %gt3A_840 = arith.cmpf ogt, %slice3A_837, %gt3A_839 : vector<64x128xf32>
      %jit3A_841 = arith.constant -1.000000e+30 : f32
      %broadcast_in_dim3A_842 = vector.broadcast %jit3A_841 : f32 to vector<64x128xf32>
      %select_n3A_843 = arith.select %gt3A_840, %broadcast_in_dim3A_842, %slice3A_836 : vector<64x128xi1>, vector<64x128xf32>
      %jit3A_844 = arith.constant 0.000000e+00 : f32
      %broadcast_in_dim3A_845 = vector.broadcast %jit3A_844 : f32 to vector<64x128xf32>
      %select_n3A_846 = arith.select %gt3A_840, %slice3A_836, %broadcast_in_dim3A_845 : vector<64x128xi1>, vector<64x128xf32>
      %min3A_847 = arith.minimumf %max3A_833, %select_n3A_843 : vector<64x128xf32>
      %max3A_848 = arith.maximumf %max3A_832, %min3A_847 : vector<64x128xf32>
      %max3A_849 = arith.maximumf %max3A_833, %select_n3A_843 : vector<64x128xf32>
      %add3A_850 = arith.addf %add3A_834, %select_n3A_846 : vector<64x128xf32>
      %add3A_851 = arith.addf %add3A_835, %slice3A_837 : vector<64x128xf32>
      %slice3A_852 = vector.extract_strided_slice %get3A_3 {offsets = [0, 6656], sizes = [64, 128], strides = [1, 1]} : vector<64x8192xf32> to vector<64x128xf32>
      %slice3A_853 = vector.extract_strided_slice %get3A_6 {offsets = [0, 6656], sizes = [64, 128], strides = [1, 1]} : vector<64x8192xf32> to vector<64x128xf32>
      %gt3A_854 = arith.constant 0.000000e+00 : f32
      %gt3A_855 = vector.broadcast %gt3A_854 : f32 to vector<64x128xf32>
      %gt3A_856 = arith.cmpf ogt, %slice3A_853, %gt3A_855 : vector<64x128xf32>
      %jit3A_857 = arith.constant -1.000000e+30 : f32
      %broadcast_in_dim3A_858 = vector.broadcast %jit3A_857 : f32 to vector<64x128xf32>
      %select_n3A_859 = arith.select %gt3A_856, %broadcast_in_dim3A_858, %slice3A_852 : vector<64x128xi1>, vector<64x128xf32>
      %jit3A_860 = arith.constant 0.000000e+00 : f32
      %broadcast_in_dim3A_861 = vector.broadcast %jit3A_860 : f32 to vector<64x128xf32>
      %select_n3A_862 = arith.select %gt3A_856, %slice3A_852, %broadcast_in_dim3A_861 : vector<64x128xi1>, vector<64x128xf32>
      %min3A_863 = arith.minimumf %max3A_849, %select_n3A_859 : vector<64x128xf32>
      %max3A_864 = arith.maximumf %max3A_848, %min3A_863 : vector<64x128xf32>
      %max3A_865 = arith.maximumf %max3A_849, %select_n3A_859 : vector<64x128xf32>
      %add3A_866 = arith.addf %add3A_850, %select_n3A_862 : vector<64x128xf32>
      %add3A_867 = arith.addf %add3A_851, %slice3A_853 : vector<64x128xf32>
      %slice3A_868 = vector.extract_strided_slice %get3A_3 {offsets = [0, 6784], sizes = [64, 128], strides = [1, 1]} : vector<64x8192xf32> to vector<64x128xf32>
      %slice3A_869 = vector.extract_strided_slice %get3A_6 {offsets = [0, 6784], sizes = [64, 128], strides = [1, 1]} : vector<64x8192xf32> to vector<64x128xf32>
      %gt3A_870 = arith.constant 0.000000e+00 : f32
      %gt3A_871 = vector.broadcast %gt3A_870 : f32 to vector<64x128xf32>
      %gt3A_872 = arith.cmpf ogt, %slice3A_869, %gt3A_871 : vector<64x128xf32>
      %jit3A_873 = arith.constant -1.000000e+30 : f32
      %broadcast_in_dim3A_874 = vector.broadcast %jit3A_873 : f32 to vector<64x128xf32>
      %select_n3A_875 = arith.select %gt3A_872, %broadcast_in_dim3A_874, %slice3A_868 : vector<64x128xi1>, vector<64x128xf32>
      %jit3A_876 = arith.constant 0.000000e+00 : f32
      %broadcast_in_dim3A_877 = vector.broadcast %jit3A_876 : f32 to vector<64x128xf32>
      %select_n3A_878 = arith.select %gt3A_872, %slice3A_868, %broadcast_in_dim3A_877 : vector<64x128xi1>, vector<64x128xf32>
      %min3A_879 = arith.minimumf %max3A_865, %select_n3A_875 : vector<64x128xf32>
      %max3A_880 = arith.maximumf %max3A_864, %min3A_879 : vector<64x128xf32>
      %max3A_881 = arith.maximumf %max3A_865, %select_n3A_875 : vector<64x128xf32>
      %add3A_882 = arith.addf %add3A_866, %select_n3A_878 : vector<64x128xf32>
      %add3A_883 = arith.addf %add3A_867, %slice3A_869 : vector<64x128xf32>
      %slice3A_884 = vector.extract_strided_slice %get3A_3 {offsets = [0, 6912], sizes = [64, 128], strides = [1, 1]} : vector<64x8192xf32> to vector<64x128xf32>
      %slice3A_885 = vector.extract_strided_slice %get3A_6 {offsets = [0, 6912], sizes = [64, 128], strides = [1, 1]} : vector<64x8192xf32> to vector<64x128xf32>
      %gt3A_886 = arith.constant 0.000000e+00 : f32
      %gt3A_887 = vector.broadcast %gt3A_886 : f32 to vector<64x128xf32>
      %gt3A_888 = arith.cmpf ogt, %slice3A_885, %gt3A_887 : vector<64x128xf32>
      %jit3A_889 = arith.constant -1.000000e+30 : f32
      %broadcast_in_dim3A_890 = vector.broadcast %jit3A_889 : f32 to vector<64x128xf32>
      %select_n3A_891 = arith.select %gt3A_888, %broadcast_in_dim3A_890, %slice3A_884 : vector<64x128xi1>, vector<64x128xf32>
      %jit3A_892 = arith.constant 0.000000e+00 : f32
      %broadcast_in_dim3A_893 = vector.broadcast %jit3A_892 : f32 to vector<64x128xf32>
      %select_n3A_894 = arith.select %gt3A_888, %slice3A_884, %broadcast_in_dim3A_893 : vector<64x128xi1>, vector<64x128xf32>
      %min3A_895 = arith.minimumf %max3A_881, %select_n3A_891 : vector<64x128xf32>
      %max3A_896 = arith.maximumf %max3A_880, %min3A_895 : vector<64x128xf32>
      %max3A_897 = arith.maximumf %max3A_881, %select_n3A_891 : vector<64x128xf32>
      %add3A_898 = arith.addf %add3A_882, %select_n3A_894 : vector<64x128xf32>
      %add3A_899 = arith.addf %add3A_883, %slice3A_885 : vector<64x128xf32>
      %slice3A_900 = vector.extract_strided_slice %get3A_3 {offsets = [0, 7040], sizes = [64, 128], strides = [1, 1]} : vector<64x8192xf32> to vector<64x128xf32>
      %slice3A_901 = vector.extract_strided_slice %get3A_6 {offsets = [0, 7040], sizes = [64, 128], strides = [1, 1]} : vector<64x8192xf32> to vector<64x128xf32>
      %gt3A_902 = arith.constant 0.000000e+00 : f32
      %gt3A_903 = vector.broadcast %gt3A_902 : f32 to vector<64x128xf32>
      %gt3A_904 = arith.cmpf ogt, %slice3A_901, %gt3A_903 : vector<64x128xf32>
      %jit3A_905 = arith.constant -1.000000e+30 : f32
      %broadcast_in_dim3A_906 = vector.broadcast %jit3A_905 : f32 to vector<64x128xf32>
      %select_n3A_907 = arith.select %gt3A_904, %broadcast_in_dim3A_906, %slice3A_900 : vector<64x128xi1>, vector<64x128xf32>
      %jit3A_908 = arith.constant 0.000000e+00 : f32
      %broadcast_in_dim3A_909 = vector.broadcast %jit3A_908 : f32 to vector<64x128xf32>
      %select_n3A_910 = arith.select %gt3A_904, %slice3A_900, %broadcast_in_dim3A_909 : vector<64x128xi1>, vector<64x128xf32>
      %min3A_911 = arith.minimumf %max3A_897, %select_n3A_907 : vector<64x128xf32>
      %max3A_912 = arith.maximumf %max3A_896, %min3A_911 : vector<64x128xf32>
      %max3A_913 = arith.maximumf %max3A_897, %select_n3A_907 : vector<64x128xf32>
      %add3A_914 = arith.addf %add3A_898, %select_n3A_910 : vector<64x128xf32>
      %add3A_915 = arith.addf %add3A_899, %slice3A_901 : vector<64x128xf32>
      %slice3A_916 = vector.extract_strided_slice %get3A_3 {offsets = [0, 7168], sizes = [64, 128], strides = [1, 1]} : vector<64x8192xf32> to vector<64x128xf32>
      %slice3A_917 = vector.extract_strided_slice %get3A_6 {offsets = [0, 7168], sizes = [64, 128], strides = [1, 1]} : vector<64x8192xf32> to vector<64x128xf32>
      %gt3A_918 = arith.constant 0.000000e+00 : f32
      %gt3A_919 = vector.broadcast %gt3A_918 : f32 to vector<64x128xf32>
      %gt3A_920 = arith.cmpf ogt, %slice3A_917, %gt3A_919 : vector<64x128xf32>
      %jit3A_921 = arith.constant -1.000000e+30 : f32
      %broadcast_in_dim3A_922 = vector.broadcast %jit3A_921 : f32 to vector<64x128xf32>
      %select_n3A_923 = arith.select %gt3A_920, %broadcast_in_dim3A_922, %slice3A_916 : vector<64x128xi1>, vector<64x128xf32>
      %jit3A_924 = arith.constant 0.000000e+00 : f32
      %broadcast_in_dim3A_925 = vector.broadcast %jit3A_924 : f32 to vector<64x128xf32>
      %select_n3A_926 = arith.select %gt3A_920, %slice3A_916, %broadcast_in_dim3A_925 : vector<64x128xi1>, vector<64x128xf32>
      %min3A_927 = arith.minimumf %max3A_913, %select_n3A_923 : vector<64x128xf32>
      %max3A_928 = arith.maximumf %max3A_912, %min3A_927 : vector<64x128xf32>
      %max3A_929 = arith.maximumf %max3A_913, %select_n3A_923 : vector<64x128xf32>
      %add3A_930 = arith.addf %add3A_914, %select_n3A_926 : vector<64x128xf32>
      %add3A_931 = arith.addf %add3A_915, %slice3A_917 : vector<64x128xf32>
      %slice3A_932 = vector.extract_strided_slice %get3A_3 {offsets = [0, 7296], sizes = [64, 128], strides = [1, 1]} : vector<64x8192xf32> to vector<64x128xf32>
      %slice3A_933 = vector.extract_strided_slice %get3A_6 {offsets = [0, 7296], sizes = [64, 128], strides = [1, 1]} : vector<64x8192xf32> to vector<64x128xf32>
      %gt3A_934 = arith.constant 0.000000e+00 : f32
      %gt3A_935 = vector.broadcast %gt3A_934 : f32 to vector<64x128xf32>
      %gt3A_936 = arith.cmpf ogt, %slice3A_933, %gt3A_935 : vector<64x128xf32>
      %jit3A_937 = arith.constant -1.000000e+30 : f32
      %broadcast_in_dim3A_938 = vector.broadcast %jit3A_937 : f32 to vector<64x128xf32>
      %select_n3A_939 = arith.select %gt3A_936, %broadcast_in_dim3A_938, %slice3A_932 : vector<64x128xi1>, vector<64x128xf32>
      %jit3A_940 = arith.constant 0.000000e+00 : f32
      %broadcast_in_dim3A_941 = vector.broadcast %jit3A_940 : f32 to vector<64x128xf32>
      %select_n3A_942 = arith.select %gt3A_936, %slice3A_932, %broadcast_in_dim3A_941 : vector<64x128xi1>, vector<64x128xf32>
      %min3A_943 = arith.minimumf %max3A_929, %select_n3A_939 : vector<64x128xf32>
      %max3A_944 = arith.maximumf %max3A_928, %min3A_943 : vector<64x128xf32>
      %max3A_945 = arith.maximumf %max3A_929, %select_n3A_939 : vector<64x128xf32>
      %add3A_946 = arith.addf %add3A_930, %select_n3A_942 : vector<64x128xf32>
      %add3A_947 = arith.addf %add3A_931, %slice3A_933 : vector<64x128xf32>
      %slice3A_948 = vector.extract_strided_slice %get3A_3 {offsets = [0, 7424], sizes = [64, 128], strides = [1, 1]} : vector<64x8192xf32> to vector<64x128xf32>
      %slice3A_949 = vector.extract_strided_slice %get3A_6 {offsets = [0, 7424], sizes = [64, 128], strides = [1, 1]} : vector<64x8192xf32> to vector<64x128xf32>
      %gt3A_950 = arith.constant 0.000000e+00 : f32
      %gt3A_951 = vector.broadcast %gt3A_950 : f32 to vector<64x128xf32>
      %gt3A_952 = arith.cmpf ogt, %slice3A_949, %gt3A_951 : vector<64x128xf32>
      %jit3A_953 = arith.constant -1.000000e+30 : f32
      %broadcast_in_dim3A_954 = vector.broadcast %jit3A_953 : f32 to vector<64x128xf32>
      %select_n3A_955 = arith.select %gt3A_952, %broadcast_in_dim3A_954, %slice3A_948 : vector<64x128xi1>, vector<64x128xf32>
      %jit3A_956 = arith.constant 0.000000e+00 : f32
      %broadcast_in_dim3A_957 = vector.broadcast %jit3A_956 : f32 to vector<64x128xf32>
      %select_n3A_958 = arith.select %gt3A_952, %slice3A_948, %broadcast_in_dim3A_957 : vector<64x128xi1>, vector<64x128xf32>
      %min3A_959 = arith.minimumf %max3A_945, %select_n3A_955 : vector<64x128xf32>
      %max3A_960 = arith.maximumf %max3A_944, %min3A_959 : vector<64x128xf32>
      %max3A_961 = arith.maximumf %max3A_945, %select_n3A_955 : vector<64x128xf32>
      %add3A_962 = arith.addf %add3A_946, %select_n3A_958 : vector<64x128xf32>
      %add3A_963 = arith.addf %add3A_947, %slice3A_949 : vector<64x128xf32>
      %slice3A_964 = vector.extract_strided_slice %get3A_3 {offsets = [0, 7552], sizes = [64, 128], strides = [1, 1]} : vector<64x8192xf32> to vector<64x128xf32>
      %slice3A_965 = vector.extract_strided_slice %get3A_6 {offsets = [0, 7552], sizes = [64, 128], strides = [1, 1]} : vector<64x8192xf32> to vector<64x128xf32>
      %gt3A_966 = arith.constant 0.000000e+00 : f32
      %gt3A_967 = vector.broadcast %gt3A_966 : f32 to vector<64x128xf32>
      %gt3A_968 = arith.cmpf ogt, %slice3A_965, %gt3A_967 : vector<64x128xf32>
      %jit3A_969 = arith.constant -1.000000e+30 : f32
      %broadcast_in_dim3A_970 = vector.broadcast %jit3A_969 : f32 to vector<64x128xf32>
      %select_n3A_971 = arith.select %gt3A_968, %broadcast_in_dim3A_970, %slice3A_964 : vector<64x128xi1>, vector<64x128xf32>
      %jit3A_972 = arith.constant 0.000000e+00 : f32
      %broadcast_in_dim3A_973 = vector.broadcast %jit3A_972 : f32 to vector<64x128xf32>
      %select_n3A_974 = arith.select %gt3A_968, %slice3A_964, %broadcast_in_dim3A_973 : vector<64x128xi1>, vector<64x128xf32>
      %min3A_975 = arith.minimumf %max3A_961, %select_n3A_971 : vector<64x128xf32>
      %max3A_976 = arith.maximumf %max3A_960, %min3A_975 : vector<64x128xf32>
      %max3A_977 = arith.maximumf %max3A_961, %select_n3A_971 : vector<64x128xf32>
      %add3A_978 = arith.addf %add3A_962, %select_n3A_974 : vector<64x128xf32>
      %add3A_979 = arith.addf %add3A_963, %slice3A_965 : vector<64x128xf32>
      %slice3A_980 = vector.extract_strided_slice %get3A_3 {offsets = [0, 7680], sizes = [64, 128], strides = [1, 1]} : vector<64x8192xf32> to vector<64x128xf32>
      %slice3A_981 = vector.extract_strided_slice %get3A_6 {offsets = [0, 7680], sizes = [64, 128], strides = [1, 1]} : vector<64x8192xf32> to vector<64x128xf32>
      %gt3A_982 = arith.constant 0.000000e+00 : f32
      %gt3A_983 = vector.broadcast %gt3A_982 : f32 to vector<64x128xf32>
      %gt3A_984 = arith.cmpf ogt, %slice3A_981, %gt3A_983 : vector<64x128xf32>
      %jit3A_985 = arith.constant -1.000000e+30 : f32
      %broadcast_in_dim3A_986 = vector.broadcast %jit3A_985 : f32 to vector<64x128xf32>
      %select_n3A_987 = arith.select %gt3A_984, %broadcast_in_dim3A_986, %slice3A_980 : vector<64x128xi1>, vector<64x128xf32>
      %jit3A_988 = arith.constant 0.000000e+00 : f32
      %broadcast_in_dim3A_989 = vector.broadcast %jit3A_988 : f32 to vector<64x128xf32>
      %select_n3A_990 = arith.select %gt3A_984, %slice3A_980, %broadcast_in_dim3A_989 : vector<64x128xi1>, vector<64x128xf32>
      %min3A_991 = arith.minimumf %max3A_977, %select_n3A_987 : vector<64x128xf32>
      %max3A_992 = arith.maximumf %max3A_976, %min3A_991 : vector<64x128xf32>
      %max3A_993 = arith.maximumf %max3A_977, %select_n3A_987 : vector<64x128xf32>
      %add3A_994 = arith.addf %add3A_978, %select_n3A_990 : vector<64x128xf32>
      %add3A_995 = arith.addf %add3A_979, %slice3A_981 : vector<64x128xf32>
      %slice3A_996 = vector.extract_strided_slice %get3A_3 {offsets = [0, 7808], sizes = [64, 128], strides = [1, 1]} : vector<64x8192xf32> to vector<64x128xf32>
      %slice3A_997 = vector.extract_strided_slice %get3A_6 {offsets = [0, 7808], sizes = [64, 128], strides = [1, 1]} : vector<64x8192xf32> to vector<64x128xf32>
      %gt3A_998 = arith.constant 0.000000e+00 : f32
      %gt3A_999 = vector.broadcast %gt3A_998 : f32 to vector<64x128xf32>
      %gt3A_1000 = arith.cmpf ogt, %slice3A_997, %gt3A_999 : vector<64x128xf32>
      %jit3A_1001 = arith.constant -1.000000e+30 : f32
      %broadcast_in_dim3A_1002 = vector.broadcast %jit3A_1001 : f32 to vector<64x128xf32>
      %select_n3A_1003 = arith.select %gt3A_1000, %broadcast_in_dim3A_1002, %slice3A_996 : vector<64x128xi1>, vector<64x128xf32>
      %jit3A_1004 = arith.constant 0.000000e+00 : f32
      %broadcast_in_dim3A_1005 = vector.broadcast %jit3A_1004 : f32 to vector<64x128xf32>
      %select_n3A_1006 = arith.select %gt3A_1000, %slice3A_996, %broadcast_in_dim3A_1005 : vector<64x128xi1>, vector<64x128xf32>
      %min3A_1007 = arith.minimumf %max3A_993, %select_n3A_1003 : vector<64x128xf32>
      %max3A_1008 = arith.maximumf %max3A_992, %min3A_1007 : vector<64x128xf32>
      %max3A_1009 = arith.maximumf %max3A_993, %select_n3A_1003 : vector<64x128xf32>
      %add3A_1010 = arith.addf %add3A_994, %select_n3A_1006 : vector<64x128xf32>
      %add3A_1011 = arith.addf %add3A_995, %slice3A_997 : vector<64x128xf32>
      %slice3A_1012 = vector.extract_strided_slice %get3A_3 {offsets = [0, 7936], sizes = [64, 128], strides = [1, 1]} : vector<64x8192xf32> to vector<64x128xf32>
      %slice3A_1013 = vector.extract_strided_slice %get3A_6 {offsets = [0, 7936], sizes = [64, 128], strides = [1, 1]} : vector<64x8192xf32> to vector<64x128xf32>
      %gt3A_1014 = arith.constant 0.000000e+00 : f32
      %gt3A_1015 = vector.broadcast %gt3A_1014 : f32 to vector<64x128xf32>
      %gt3A_1016 = arith.cmpf ogt, %slice3A_1013, %gt3A_1015 : vector<64x128xf32>
      %jit3A_1017 = arith.constant -1.000000e+30 : f32
      %broadcast_in_dim3A_1018 = vector.broadcast %jit3A_1017 : f32 to vector<64x128xf32>
      %select_n3A_1019 = arith.select %gt3A_1016, %broadcast_in_dim3A_1018, %slice3A_1012 : vector<64x128xi1>, vector<64x128xf32>
      %jit3A_1020 = arith.constant 0.000000e+00 : f32
      %broadcast_in_dim3A_1021 = vector.broadcast %jit3A_1020 : f32 to vector<64x128xf32>
      %select_n3A_1022 = arith.select %gt3A_1016, %slice3A_1012, %broadcast_in_dim3A_1021 : vector<64x128xi1>, vector<64x128xf32>
      %min3A_1023 = arith.minimumf %max3A_1009, %select_n3A_1019 : vector<64x128xf32>
      %max3A_1024 = arith.maximumf %max3A_1008, %min3A_1023 : vector<64x128xf32>
      %max3A_1025 = arith.maximumf %max3A_1009, %select_n3A_1019 : vector<64x128xf32>
      %add3A_1026 = arith.addf %add3A_1010, %select_n3A_1022 : vector<64x128xf32>
      %add3A_1027 = arith.addf %add3A_1011, %slice3A_1013 : vector<64x128xf32>
      %slice3A_1028 = vector.extract_strided_slice %get3A_3 {offsets = [0, 8064], sizes = [64, 128], strides = [1, 1]} : vector<64x8192xf32> to vector<64x128xf32>
      %slice3A_1029 = vector.extract_strided_slice %get3A_6 {offsets = [0, 8064], sizes = [64, 128], strides = [1, 1]} : vector<64x8192xf32> to vector<64x128xf32>
      %gt3A_1030 = arith.constant 0.000000e+00 : f32
      %gt3A_1031 = vector.broadcast %gt3A_1030 : f32 to vector<64x128xf32>
      %gt3A_1032 = arith.cmpf ogt, %slice3A_1029, %gt3A_1031 : vector<64x128xf32>
      %jit3A_1033 = arith.constant -1.000000e+30 : f32
      %broadcast_in_dim3A_1034 = vector.broadcast %jit3A_1033 : f32 to vector<64x128xf32>
      %select_n3A_1035 = arith.select %gt3A_1032, %broadcast_in_dim3A_1034, %slice3A_1028 : vector<64x128xi1>, vector<64x128xf32>
      %jit3A_1036 = arith.constant 0.000000e+00 : f32
      %broadcast_in_dim3A_1037 = vector.broadcast %jit3A_1036 : f32 to vector<64x128xf32>
      %select_n3A_1038 = arith.select %gt3A_1032, %slice3A_1028, %broadcast_in_dim3A_1037 : vector<64x128xi1>, vector<64x128xf32>
      %min3A_1039 = arith.minimumf %max3A_1025, %select_n3A_1035 : vector<64x128xf32>
      %max3A_1040 = arith.maximumf %max3A_1024, %min3A_1039 : vector<64x128xf32>
      %max3A_1041 = arith.maximumf %max3A_1025, %select_n3A_1035 : vector<64x128xf32>
      %add3A_1042 = arith.addf %add3A_1026, %select_n3A_1038 : vector<64x128xf32>
      %add3A_1043 = arith.addf %add3A_1027, %slice3A_1029 : vector<64x128xf32>
      %swap3A = arith.constant 0 : index
      %swap3A_1044 = arith.constant 0 : index
      %swap3A_1045 = vector.load %arg4[%swap3A, %swap3A_1044] : memref<64x128xf32, #tpu.memory_space<vmem>>, vector<64x128xf32>
      tpu.vector_store %arg4[%swap3A, %swap3A_1044], %max3A_1041 {strides = array<i32>} : memref<64x128xf32, #tpu.memory_space<vmem>>, vector<64x128xf32>,
      %swap3A_1046 = arith.constant 0 : index
      %swap3A_1047 = arith.constant 0 : index
      %swap3A_1048 = vector.load %arg5[%swap3A_1046, %swap3A_1047] : memref<64x128xf32, #tpu.memory_space<vmem>>, vector<64x128xf32>
      tpu.vector_store %arg5[%swap3A_1046, %swap3A_1047], %max3A_1040 {strides = array<i32>} : memref<64x128xf32, #tpu.memory_space<vmem>>, vector<64x128xf32>,
      %swap3A_1049 = arith.constant 0 : index
      %swap3A_1050 = arith.constant 0 : index
      %swap3A_1051 = vector.load %arg6[%swap3A_1049, %swap3A_1050] : memref<64x128xf32, #tpu.memory_space<vmem>>, vector<64x128xf32>
      tpu.vector_store %arg6[%swap3A_1049, %swap3A_1050], %add3A_1042 {strides = array<i32>} : memref<64x128xf32, #tpu.memory_space<vmem>>, vector<64x128xf32>,
      %swap3A_1052 = arith.constant 0 : index
      %swap3A_1053 = arith.constant 0 : index
      %swap3A_1054 = vector.load %arg7[%swap3A_1052, %swap3A_1053] : memref<64x128xf32, #tpu.memory_space<vmem>>, vector<64x128xf32>
      tpu.vector_store %arg7[%swap3A_1052, %swap3A_1053], %add3A_1043 {strides = array<i32>} : memref<64x128xf32, #tpu.memory_space<vmem>>, vector<64x128xf32>,
    } else {
    }
    %eq3A_11 = arith.constant 8 : i32
    %eq3A_12 = arith.cmpi eq, %arg0, %eq3A_11 : i32
    %convert_element_type3A_13 = arith.extui %eq3A_12 : i1 to i32
    %cond3A_14 = arith.constant 0 : i32
    %cond3A_15 = arith.cmpi ne, %convert_element_type3A_13, %cond3A_14 : i32
    scf.if %cond3A_15 {
      %iota3A = tpu.iota {dimensions = array<i32: 1>} : vector<64x128xi32>
      %get3A_16 = arith.constant 0 : index
      %get3A_17 = arith.constant 0 : index
      %get3A_18 = vector.load %arg4[%get3A_16, %get3A_17] : memref<64x128xf32, #tpu.memory_space<vmem>>, vector<64x128xf32>
      %get3A_19 = arith.constant 0 : index
      %get3A_20 = arith.constant 0 : index
      %get3A_21 = vector.load %arg5[%get3A_19, %get3A_20] : memref<64x128xf32, #tpu.memory_space<vmem>>, vector<64x128xf32>
      %get3A_22 = arith.constant 0 : index
      %get3A_23 = arith.constant 0 : index
      %get3A_24 = vector.load %arg6[%get3A_22, %get3A_23] : memref<64x128xf32, #tpu.memory_space<vmem>>, vector<64x128xf32>
      %get3A_25 = arith.constant 0 : index
      %get3A_26 = arith.constant 0 : index
      %get3A_27 = vector.load %arg7[%get3A_25, %get3A_26] : memref<64x128xf32, #tpu.memory_space<vmem>>, vector<64x128xf32>
      %slice3A = vector.extract_strided_slice %get3A_3 {offsets = [0, 0], sizes = [64, 128], strides = [1, 1]} : vector<64x8192xf32> to vector<64x128xf32>
      %slice3A_28 = vector.extract_strided_slice %get3A_6 {offsets = [0, 0], sizes = [64, 128], strides = [1, 1]} : vector<64x8192xf32> to vector<64x128xf32>
      %mul3A = arith.constant 8192 : i32
      %mul3A_29 = arith.muli %arg0, %mul3A : i32
      %add3A = arith.constant 32768 : i32
      %add3A_30 = arith.addi %add3A, %mul3A_29 : i32
      %add3A_31 = arith.constant 0 : i32
      %add3A_32 = arith.addi %add3A_30, %add3A_31 : i32
      %add3A_33 = vector.broadcast %add3A_32 : i32 to vector<64x128xi32>
      %add3A_34 = arith.addi %add3A_33, %iota3A : vector<64x128xi32>
      %lt3A_35 = arith.constant 100000 : i32
      %lt3A_36 = vector.broadcast %lt3A_35 : i32 to vector<64x128xi32>
      %lt3A_37 = arith.cmpi slt, %add3A_34, %lt3A_36 : vector<64x128xi32>
      %gt3A = arith.constant 0.000000e+00 : f32
      %gt3A_38 = vector.broadcast %gt3A : f32 to vector<64x128xf32>
      %gt3A_39 = arith.cmpf ogt, %slice3A_28, %gt3A_38 : vector<64x128xf32>
      %and3A = arith.andi %lt3A_37, %gt3A_39 : vector<64x128xi1>
      %not3A = arith.constant dense<true> : vector<64x128xi1>
      %not3A_40 = arith.xori %lt3A_37, %not3A : vector<64x128xi1>
      %or3A = arith.ori %and3A, %not3A_40 : vector<64x128xi1>
      %jit3A = arith.constant -1.000000e+30 : f32
      %broadcast_in_dim3A = vector.broadcast %jit3A : f32 to vector<64x128xf32>
      %select_n3A = arith.select %or3A, %broadcast_in_dim3A, %slice3A : vector<64x128xi1>, vector<64x128xf32>
      %jit3A_41 = arith.constant 0.000000e+00 : f32
      %broadcast_in_dim3A_42 = vector.broadcast %jit3A_41 : f32 to vector<64x128xf32>
      %select_n3A_43 = arith.select %and3A, %slice3A, %broadcast_in_dim3A_42 : vector<64x128xi1>, vector<64x128xf32>
      %jit3A_44 = arith.constant 0.000000e+00 : f32
      %broadcast_in_dim3A_45 = vector.broadcast %jit3A_44 : f32 to vector<64x128xf32>
      %select_n3A_46 = arith.select %lt3A_37, %slice3A_28, %broadcast_in_dim3A_45 : vector<64x128xi1>, vector<64x128xf32>
      %min3A = arith.minimumf %get3A_18, %select_n3A : vector<64x128xf32>
      %max3A = arith.maximumf %get3A_21, %min3A : vector<64x128xf32>
      %max3A_47 = arith.maximumf %get3A_18, %select_n3A : vector<64x128xf32>
      %add3A_48 = arith.addf %get3A_24, %select_n3A_43 : vector<64x128xf32>
      %add3A_49 = arith.addf %get3A_27, %select_n3A_46 : vector<64x128xf32>
      %slice3A_50 = vector.extract_strided_slice %get3A_3 {offsets = [0, 128], sizes = [64, 128], strides = [1, 1]} : vector<64x8192xf32> to vector<64x128xf32>
      %slice3A_51 = vector.extract_strided_slice %get3A_6 {offsets = [0, 128], sizes = [64, 128], strides = [1, 1]} : vector<64x8192xf32> to vector<64x128xf32>
      %mul3A_52 = arith.constant 8192 : i32
      %mul3A_53 = arith.muli %arg0, %mul3A_52 : i32
      %add3A_54 = arith.constant 32768 : i32
      %add3A_55 = arith.addi %add3A_54, %mul3A_53 : i32
      %add3A_56 = arith.constant 128 : i32
      %add3A_57 = arith.addi %add3A_55, %add3A_56 : i32
      %add3A_58 = vector.broadcast %add3A_57 : i32 to vector<64x128xi32>
      %add3A_59 = arith.addi %add3A_58, %iota3A : vector<64x128xi32>
      %lt3A_60 = arith.constant 100000 : i32
      %lt3A_61 = vector.broadcast %lt3A_60 : i32 to vector<64x128xi32>
      %lt3A_62 = arith.cmpi slt, %add3A_59, %lt3A_61 : vector<64x128xi32>
      %gt3A_63 = arith.constant 0.000000e+00 : f32
      %gt3A_64 = vector.broadcast %gt3A_63 : f32 to vector<64x128xf32>
      %gt3A_65 = arith.cmpf ogt, %slice3A_51, %gt3A_64 : vector<64x128xf32>
      %and3A_66 = arith.andi %lt3A_62, %gt3A_65 : vector<64x128xi1>
      %not3A_67 = arith.constant dense<true> : vector<64x128xi1>
      %not3A_68 = arith.xori %lt3A_62, %not3A_67 : vector<64x128xi1>
      %or3A_69 = arith.ori %and3A_66, %not3A_68 : vector<64x128xi1>
      %jit3A_70 = arith.constant -1.000000e+30 : f32
      %broadcast_in_dim3A_71 = vector.broadcast %jit3A_70 : f32 to vector<64x128xf32>
      %select_n3A_72 = arith.select %or3A_69, %broadcast_in_dim3A_71, %slice3A_50 : vector<64x128xi1>, vector<64x128xf32>
      %jit3A_73 = arith.constant 0.000000e+00 : f32
      %broadcast_in_dim3A_74 = vector.broadcast %jit3A_73 : f32 to vector<64x128xf32>
      %select_n3A_75 = arith.select %and3A_66, %slice3A_50, %broadcast_in_dim3A_74 : vector<64x128xi1>, vector<64x128xf32>
      %jit3A_76 = arith.constant 0.000000e+00 : f32
      %broadcast_in_dim3A_77 = vector.broadcast %jit3A_76 : f32 to vector<64x128xf32>
      %select_n3A_78 = arith.select %lt3A_62, %slice3A_51, %broadcast_in_dim3A_77 : vector<64x128xi1>, vector<64x128xf32>
      %min3A_79 = arith.minimumf %max3A_47, %select_n3A_72 : vector<64x128xf32>
      %max3A_80 = arith.maximumf %max3A, %min3A_79 : vector<64x128xf32>
      %max3A_81 = arith.maximumf %max3A_47, %select_n3A_72 : vector<64x128xf32>
      %add3A_82 = arith.addf %add3A_48, %select_n3A_75 : vector<64x128xf32>
      %add3A_83 = arith.addf %add3A_49, %select_n3A_78 : vector<64x128xf32>
      %slice3A_84 = vector.extract_strided_slice %get3A_3 {offsets = [0, 256], sizes = [64, 128], strides = [1, 1]} : vector<64x8192xf32> to vector<64x128xf32>
      %slice3A_85 = vector.extract_strided_slice %get3A_6 {offsets = [0, 256], sizes = [64, 128], strides = [1, 1]} : vector<64x8192xf32> to vector<64x128xf32>
      %mul3A_86 = arith.constant 8192 : i32
      %mul3A_87 = arith.muli %arg0, %mul3A_86 : i32
      %add3A_88 = arith.constant 32768 : i32
      %add3A_89 = arith.addi %add3A_88, %mul3A_87 : i32
      %add3A_90 = arith.constant 256 : i32
      %add3A_91 = arith.addi %add3A_89, %add3A_90 : i32
      %add3A_92 = vector.broadcast %add3A_91 : i32 to vector<64x128xi32>
      %add3A_93 = arith.addi %add3A_92, %iota3A : vector<64x128xi32>
      %lt3A_94 = arith.constant 100000 : i32
      %lt3A_95 = vector.broadcast %lt3A_94 : i32 to vector<64x128xi32>
      %lt3A_96 = arith.cmpi slt, %add3A_93, %lt3A_95 : vector<64x128xi32>
      %gt3A_97 = arith.constant 0.000000e+00 : f32
      %gt3A_98 = vector.broadcast %gt3A_97 : f32 to vector<64x128xf32>
      %gt3A_99 = arith.cmpf ogt, %slice3A_85, %gt3A_98 : vector<64x128xf32>
      %and3A_100 = arith.andi %lt3A_96, %gt3A_99 : vector<64x128xi1>
      %not3A_101 = arith.constant dense<true> : vector<64x128xi1>
      %not3A_102 = arith.xori %lt3A_96, %not3A_101 : vector<64x128xi1>
      %or3A_103 = arith.ori %and3A_100, %not3A_102 : vector<64x128xi1>
      %jit3A_104 = arith.constant -1.000000e+30 : f32
      %broadcast_in_dim3A_105 = vector.broadcast %jit3A_104 : f32 to vector<64x128xf32>
      %select_n3A_106 = arith.select %or3A_103, %broadcast_in_dim3A_105, %slice3A_84 : vector<64x128xi1>, vector<64x128xf32>
      %jit3A_107 = arith.constant 0.000000e+00 : f32
      %broadcast_in_dim3A_108 = vector.broadcast %jit3A_107 : f32 to vector<64x128xf32>
      %select_n3A_109 = arith.select %and3A_100, %slice3A_84, %broadcast_in_dim3A_108 : vector<64x128xi1>, vector<64x128xf32>
      %jit3A_110 = arith.constant 0.000000e+00 : f32
      %broadcast_in_dim3A_111 = vector.broadcast %jit3A_110 : f32 to vector<64x128xf32>
      %select_n3A_112 = arith.select %lt3A_96, %slice3A_85, %broadcast_in_dim3A_111 : vector<64x128xi1>, vector<64x128xf32>
      %min3A_113 = arith.minimumf %max3A_81, %select_n3A_106 : vector<64x128xf32>
      %max3A_114 = arith.maximumf %max3A_80, %min3A_113 : vector<64x128xf32>
      %max3A_115 = arith.maximumf %max3A_81, %select_n3A_106 : vector<64x128xf32>
      %add3A_116 = arith.addf %add3A_82, %select_n3A_109 : vector<64x128xf32>
      %add3A_117 = arith.addf %add3A_83, %select_n3A_112 : vector<64x128xf32>
      %slice3A_118 = vector.extract_strided_slice %get3A_3 {offsets = [0, 384], sizes = [64, 128], strides = [1, 1]} : vector<64x8192xf32> to vector<64x128xf32>
      %slice3A_119 = vector.extract_strided_slice %get3A_6 {offsets = [0, 384], sizes = [64, 128], strides = [1, 1]} : vector<64x8192xf32> to vector<64x128xf32>
      %mul3A_120 = arith.constant 8192 : i32
      %mul3A_121 = arith.muli %arg0, %mul3A_120 : i32
      %add3A_122 = arith.constant 32768 : i32
      %add3A_123 = arith.addi %add3A_122, %mul3A_121 : i32
      %add3A_124 = arith.constant 384 : i32
      %add3A_125 = arith.addi %add3A_123, %add3A_124 : i32
      %add3A_126 = vector.broadcast %add3A_125 : i32 to vector<64x128xi32>
      %add3A_127 = arith.addi %add3A_126, %iota3A : vector<64x128xi32>
      %lt3A_128 = arith.constant 100000 : i32
      %lt3A_129 = vector.broadcast %lt3A_128 : i32 to vector<64x128xi32>
      %lt3A_130 = arith.cmpi slt, %add3A_127, %lt3A_129 : vector<64x128xi32>
      %gt3A_131 = arith.constant 0.000000e+00 : f32
      %gt3A_132 = vector.broadcast %gt3A_131 : f32 to vector<64x128xf32>
      %gt3A_133 = arith.cmpf ogt, %slice3A_119, %gt3A_132 : vector<64x128xf32>
      %and3A_134 = arith.andi %lt3A_130, %gt3A_133 : vector<64x128xi1>
      %not3A_135 = arith.constant dense<true> : vector<64x128xi1>
      %not3A_136 = arith.xori %lt3A_130, %not3A_135 : vector<64x128xi1>
      %or3A_137 = arith.ori %and3A_134, %not3A_136 : vector<64x128xi1>
      %jit3A_138 = arith.constant -1.000000e+30 : f32
      %broadcast_in_dim3A_139 = vector.broadcast %jit3A_138 : f32 to vector<64x128xf32>
      %select_n3A_140 = arith.select %or3A_137, %broadcast_in_dim3A_139, %slice3A_118 : vector<64x128xi1>, vector<64x128xf32>
      %jit3A_141 = arith.constant 0.000000e+00 : f32
      %broadcast_in_dim3A_142 = vector.broadcast %jit3A_141 : f32 to vector<64x128xf32>
      %select_n3A_143 = arith.select %and3A_134, %slice3A_118, %broadcast_in_dim3A_142 : vector<64x128xi1>, vector<64x128xf32>
      %jit3A_144 = arith.constant 0.000000e+00 : f32
      %broadcast_in_dim3A_145 = vector.broadcast %jit3A_144 : f32 to vector<64x128xf32>
      %select_n3A_146 = arith.select %lt3A_130, %slice3A_119, %broadcast_in_dim3A_145 : vector<64x128xi1>, vector<64x128xf32>
      %min3A_147 = arith.minimumf %max3A_115, %select_n3A_140 : vector<64x128xf32>
      %max3A_148 = arith.maximumf %max3A_114, %min3A_147 : vector<64x128xf32>
      %max3A_149 = arith.maximumf %max3A_115, %select_n3A_140 : vector<64x128xf32>
      %add3A_150 = arith.addf %add3A_116, %select_n3A_143 : vector<64x128xf32>
      %add3A_151 = arith.addf %add3A_117, %select_n3A_146 : vector<64x128xf32>
      %slice3A_152 = vector.extract_strided_slice %get3A_3 {offsets = [0, 512], sizes = [64, 128], strides = [1, 1]} : vector<64x8192xf32> to vector<64x128xf32>
      %slice3A_153 = vector.extract_strided_slice %get3A_6 {offsets = [0, 512], sizes = [64, 128], strides = [1, 1]} : vector<64x8192xf32> to vector<64x128xf32>
      %mul3A_154 = arith.constant 8192 : i32
      %mul3A_155 = arith.muli %arg0, %mul3A_154 : i32
      %add3A_156 = arith.constant 32768 : i32
      %add3A_157 = arith.addi %add3A_156, %mul3A_155 : i32
      %add3A_158 = arith.constant 512 : i32
      %add3A_159 = arith.addi %add3A_157, %add3A_158 : i32
      %add3A_160 = vector.broadcast %add3A_159 : i32 to vector<64x128xi32>
      %add3A_161 = arith.addi %add3A_160, %iota3A : vector<64x128xi32>
      %lt3A_162 = arith.constant 100000 : i32
      %lt3A_163 = vector.broadcast %lt3A_162 : i32 to vector<64x128xi32>
      %lt3A_164 = arith.cmpi slt, %add3A_161, %lt3A_163 : vector<64x128xi32>
      %gt3A_165 = arith.constant 0.000000e+00 : f32
      %gt3A_166 = vector.broadcast %gt3A_165 : f32 to vector<64x128xf32>
      %gt3A_167 = arith.cmpf ogt, %slice3A_153, %gt3A_166 : vector<64x128xf32>
      %and3A_168 = arith.andi %lt3A_164, %gt3A_167 : vector<64x128xi1>
      %not3A_169 = arith.constant dense<true> : vector<64x128xi1>
      %not3A_170 = arith.xori %lt3A_164, %not3A_169 : vector<64x128xi1>
      %or3A_171 = arith.ori %and3A_168, %not3A_170 : vector<64x128xi1>
      %jit3A_172 = arith.constant -1.000000e+30 : f32
      %broadcast_in_dim3A_173 = vector.broadcast %jit3A_172 : f32 to vector<64x128xf32>
      %select_n3A_174 = arith.select %or3A_171, %broadcast_in_dim3A_173, %slice3A_152 : vector<64x128xi1>, vector<64x128xf32>
      %jit3A_175 = arith.constant 0.000000e+00 : f32
      %broadcast_in_dim3A_176 = vector.broadcast %jit3A_175 : f32 to vector<64x128xf32>
      %select_n3A_177 = arith.select %and3A_168, %slice3A_152, %broadcast_in_dim3A_176 : vector<64x128xi1>, vector<64x128xf32>
      %jit3A_178 = arith.constant 0.000000e+00 : f32
      %broadcast_in_dim3A_179 = vector.broadcast %jit3A_178 : f32 to vector<64x128xf32>
      %select_n3A_180 = arith.select %lt3A_164, %slice3A_153, %broadcast_in_dim3A_179 : vector<64x128xi1>, vector<64x128xf32>
      %min3A_181 = arith.minimumf %max3A_149, %select_n3A_174 : vector<64x128xf32>
      %max3A_182 = arith.maximumf %max3A_148, %min3A_181 : vector<64x128xf32>
      %max3A_183 = arith.maximumf %max3A_149, %select_n3A_174 : vector<64x128xf32>
      %add3A_184 = arith.addf %add3A_150, %select_n3A_177 : vector<64x128xf32>
      %add3A_185 = arith.addf %add3A_151, %select_n3A_180 : vector<64x128xf32>
      %slice3A_186 = vector.extract_strided_slice %get3A_3 {offsets = [0, 640], sizes = [64, 128], strides = [1, 1]} : vector<64x8192xf32> to vector<64x128xf32>
      %slice3A_187 = vector.extract_strided_slice %get3A_6 {offsets = [0, 640], sizes = [64, 128], strides = [1, 1]} : vector<64x8192xf32> to vector<64x128xf32>
      %mul3A_188 = arith.constant 8192 : i32
      %mul3A_189 = arith.muli %arg0, %mul3A_188 : i32
      %add3A_190 = arith.constant 32768 : i32
      %add3A_191 = arith.addi %add3A_190, %mul3A_189 : i32
      %add3A_192 = arith.constant 640 : i32
      %add3A_193 = arith.addi %add3A_191, %add3A_192 : i32
      %add3A_194 = vector.broadcast %add3A_193 : i32 to vector<64x128xi32>
      %add3A_195 = arith.addi %add3A_194, %iota3A : vector<64x128xi32>
      %lt3A_196 = arith.constant 100000 : i32
      %lt3A_197 = vector.broadcast %lt3A_196 : i32 to vector<64x128xi32>
      %lt3A_198 = arith.cmpi slt, %add3A_195, %lt3A_197 : vector<64x128xi32>
      %gt3A_199 = arith.constant 0.000000e+00 : f32
      %gt3A_200 = vector.broadcast %gt3A_199 : f32 to vector<64x128xf32>
      %gt3A_201 = arith.cmpf ogt, %slice3A_187, %gt3A_200 : vector<64x128xf32>
      %and3A_202 = arith.andi %lt3A_198, %gt3A_201 : vector<64x128xi1>
      %not3A_203 = arith.constant dense<true> : vector<64x128xi1>
      %not3A_204 = arith.xori %lt3A_198, %not3A_203 : vector<64x128xi1>
      %or3A_205 = arith.ori %and3A_202, %not3A_204 : vector<64x128xi1>
      %jit3A_206 = arith.constant -1.000000e+30 : f32
      %broadcast_in_dim3A_207 = vector.broadcast %jit3A_206 : f32 to vector<64x128xf32>
      %select_n3A_208 = arith.select %or3A_205, %broadcast_in_dim3A_207, %slice3A_186 : vector<64x128xi1>, vector<64x128xf32>
      %jit3A_209 = arith.constant 0.000000e+00 : f32
      %broadcast_in_dim3A_210 = vector.broadcast %jit3A_209 : f32 to vector<64x128xf32>
      %select_n3A_211 = arith.select %and3A_202, %slice3A_186, %broadcast_in_dim3A_210 : vector<64x128xi1>, vector<64x128xf32>
      %jit3A_212 = arith.constant 0.000000e+00 : f32
      %broadcast_in_dim3A_213 = vector.broadcast %jit3A_212 : f32 to vector<64x128xf32>
      %select_n3A_214 = arith.select %lt3A_198, %slice3A_187, %broadcast_in_dim3A_213 : vector<64x128xi1>, vector<64x128xf32>
      %min3A_215 = arith.minimumf %max3A_183, %select_n3A_208 : vector<64x128xf32>
      %max3A_216 = arith.maximumf %max3A_182, %min3A_215 : vector<64x128xf32>
      %max3A_217 = arith.maximumf %max3A_183, %select_n3A_208 : vector<64x128xf32>
      %add3A_218 = arith.addf %add3A_184, %select_n3A_211 : vector<64x128xf32>
      %add3A_219 = arith.addf %add3A_185, %select_n3A_214 : vector<64x128xf32>
      %slice3A_220 = vector.extract_strided_slice %get3A_3 {offsets = [0, 768], sizes = [64, 128], strides = [1, 1]} : vector<64x8192xf32> to vector<64x128xf32>
      %slice3A_221 = vector.extract_strided_slice %get3A_6 {offsets = [0, 768], sizes = [64, 128], strides = [1, 1]} : vector<64x8192xf32> to vector<64x128xf32>
      %mul3A_222 = arith.constant 8192 : i32
      %mul3A_223 = arith.muli %arg0, %mul3A_222 : i32
      %add3A_224 = arith.constant 32768 : i32
      %add3A_225 = arith.addi %add3A_224, %mul3A_223 : i32
      %add3A_226 = arith.constant 768 : i32
      %add3A_227 = arith.addi %add3A_225, %add3A_226 : i32
      %add3A_228 = vector.broadcast %add3A_227 : i32 to vector<64x128xi32>
      %add3A_229 = arith.addi %add3A_228, %iota3A : vector<64x128xi32>
      %lt3A_230 = arith.constant 100000 : i32
      %lt3A_231 = vector.broadcast %lt3A_230 : i32 to vector<64x128xi32>
      %lt3A_232 = arith.cmpi slt, %add3A_229, %lt3A_231 : vector<64x128xi32>
      %gt3A_233 = arith.constant 0.000000e+00 : f32
      %gt3A_234 = vector.broadcast %gt3A_233 : f32 to vector<64x128xf32>
      %gt3A_235 = arith.cmpf ogt, %slice3A_221, %gt3A_234 : vector<64x128xf32>
      %and3A_236 = arith.andi %lt3A_232, %gt3A_235 : vector<64x128xi1>
      %not3A_237 = arith.constant dense<true> : vector<64x128xi1>
      %not3A_238 = arith.xori %lt3A_232, %not3A_237 : vector<64x128xi1>
      %or3A_239 = arith.ori %and3A_236, %not3A_238 : vector<64x128xi1>
      %jit3A_240 = arith.constant -1.000000e+30 : f32
      %broadcast_in_dim3A_241 = vector.broadcast %jit3A_240 : f32 to vector<64x128xf32>
      %select_n3A_242 = arith.select %or3A_239, %broadcast_in_dim3A_241, %slice3A_220 : vector<64x128xi1>, vector<64x128xf32>
      %jit3A_243 = arith.constant 0.000000e+00 : f32
      %broadcast_in_dim3A_244 = vector.broadcast %jit3A_243 : f32 to vector<64x128xf32>
      %select_n3A_245 = arith.select %and3A_236, %slice3A_220, %broadcast_in_dim3A_244 : vector<64x128xi1>, vector<64x128xf32>
      %jit3A_246 = arith.constant 0.000000e+00 : f32
      %broadcast_in_dim3A_247 = vector.broadcast %jit3A_246 : f32 to vector<64x128xf32>
      %select_n3A_248 = arith.select %lt3A_232, %slice3A_221, %broadcast_in_dim3A_247 : vector<64x128xi1>, vector<64x128xf32>
      %min3A_249 = arith.minimumf %max3A_217, %select_n3A_242 : vector<64x128xf32>
      %max3A_250 = arith.maximumf %max3A_216, %min3A_249 : vector<64x128xf32>
      %max3A_251 = arith.maximumf %max3A_217, %select_n3A_242 : vector<64x128xf32>
      %add3A_252 = arith.addf %add3A_218, %select_n3A_245 : vector<64x128xf32>
      %add3A_253 = arith.addf %add3A_219, %select_n3A_248 : vector<64x128xf32>
      %slice3A_254 = vector.extract_strided_slice %get3A_3 {offsets = [0, 896], sizes = [64, 128], strides = [1, 1]} : vector<64x8192xf32> to vector<64x128xf32>
      %slice3A_255 = vector.extract_strided_slice %get3A_6 {offsets = [0, 896], sizes = [64, 128], strides = [1, 1]} : vector<64x8192xf32> to vector<64x128xf32>
      %mul3A_256 = arith.constant 8192 : i32
      %mul3A_257 = arith.muli %arg0, %mul3A_256 : i32
      %add3A_258 = arith.constant 32768 : i32
      %add3A_259 = arith.addi %add3A_258, %mul3A_257 : i32
      %add3A_260 = arith.constant 896 : i32
      %add3A_261 = arith.addi %add3A_259, %add3A_260 : i32
      %add3A_262 = vector.broadcast %add3A_261 : i32 to vector<64x128xi32>
      %add3A_263 = arith.addi %add3A_262, %iota3A : vector<64x128xi32>
      %lt3A_264 = arith.constant 100000 : i32
      %lt3A_265 = vector.broadcast %lt3A_264 : i32 to vector<64x128xi32>
      %lt3A_266 = arith.cmpi slt, %add3A_263, %lt3A_265 : vector<64x128xi32>
      %gt3A_267 = arith.constant 0.000000e+00 : f32
      %gt3A_268 = vector.broadcast %gt3A_267 : f32 to vector<64x128xf32>
      %gt3A_269 = arith.cmpf ogt, %slice3A_255, %gt3A_268 : vector<64x128xf32>
      %and3A_270 = arith.andi %lt3A_266, %gt3A_269 : vector<64x128xi1>
      %not3A_271 = arith.constant dense<true> : vector<64x128xi1>
      %not3A_272 = arith.xori %lt3A_266, %not3A_271 : vector<64x128xi1>
      %or3A_273 = arith.ori %and3A_270, %not3A_272 : vector<64x128xi1>
      %jit3A_274 = arith.constant -1.000000e+30 : f32
      %broadcast_in_dim3A_275 = vector.broadcast %jit3A_274 : f32 to vector<64x128xf32>
      %select_n3A_276 = arith.select %or3A_273, %broadcast_in_dim3A_275, %slice3A_254 : vector<64x128xi1>, vector<64x128xf32>
      %jit3A_277 = arith.constant 0.000000e+00 : f32
      %broadcast_in_dim3A_278 = vector.broadcast %jit3A_277 : f32 to vector<64x128xf32>
      %select_n3A_279 = arith.select %and3A_270, %slice3A_254, %broadcast_in_dim3A_278 : vector<64x128xi1>, vector<64x128xf32>
      %jit3A_280 = arith.constant 0.000000e+00 : f32
      %broadcast_in_dim3A_281 = vector.broadcast %jit3A_280 : f32 to vector<64x128xf32>
      %select_n3A_282 = arith.select %lt3A_266, %slice3A_255, %broadcast_in_dim3A_281 : vector<64x128xi1>, vector<64x128xf32>
      %min3A_283 = arith.minimumf %max3A_251, %select_n3A_276 : vector<64x128xf32>
      %max3A_284 = arith.maximumf %max3A_250, %min3A_283 : vector<64x128xf32>
      %max3A_285 = arith.maximumf %max3A_251, %select_n3A_276 : vector<64x128xf32>
      %add3A_286 = arith.addf %add3A_252, %select_n3A_279 : vector<64x128xf32>
      %add3A_287 = arith.addf %add3A_253, %select_n3A_282 : vector<64x128xf32>
      %slice3A_288 = vector.extract_strided_slice %get3A_3 {offsets = [0, 1024], sizes = [64, 128], strides = [1, 1]} : vector<64x8192xf32> to vector<64x128xf32>
      %slice3A_289 = vector.extract_strided_slice %get3A_6 {offsets = [0, 1024], sizes = [64, 128], strides = [1, 1]} : vector<64x8192xf32> to vector<64x128xf32>
      %mul3A_290 = arith.constant 8192 : i32
      %mul3A_291 = arith.muli %arg0, %mul3A_290 : i32
      %add3A_292 = arith.constant 32768 : i32
      %add3A_293 = arith.addi %add3A_292, %mul3A_291 : i32
      %add3A_294 = arith.constant 1024 : i32
      %add3A_295 = arith.addi %add3A_293, %add3A_294 : i32
      %add3A_296 = vector.broadcast %add3A_295 : i32 to vector<64x128xi32>
      %add3A_297 = arith.addi %add3A_296, %iota3A : vector<64x128xi32>
      %lt3A_298 = arith.constant 100000 : i32
      %lt3A_299 = vector.broadcast %lt3A_298 : i32 to vector<64x128xi32>
      %lt3A_300 = arith.cmpi slt, %add3A_297, %lt3A_299 : vector<64x128xi32>
      %gt3A_301 = arith.constant 0.000000e+00 : f32
      %gt3A_302 = vector.broadcast %gt3A_301 : f32 to vector<64x128xf32>
      %gt3A_303 = arith.cmpf ogt, %slice3A_289, %gt3A_302 : vector<64x128xf32>
      %and3A_304 = arith.andi %lt3A_300, %gt3A_303 : vector<64x128xi1>
      %not3A_305 = arith.constant dense<true> : vector<64x128xi1>
      %not3A_306 = arith.xori %lt3A_300, %not3A_305 : vector<64x128xi1>
      %or3A_307 = arith.ori %and3A_304, %not3A_306 : vector<64x128xi1>
      %jit3A_308 = arith.constant -1.000000e+30 : f32
      %broadcast_in_dim3A_309 = vector.broadcast %jit3A_308 : f32 to vector<64x128xf32>
      %select_n3A_310 = arith.select %or3A_307, %broadcast_in_dim3A_309, %slice3A_288 : vector<64x128xi1>, vector<64x128xf32>
      %jit3A_311 = arith.constant 0.000000e+00 : f32
      %broadcast_in_dim3A_312 = vector.broadcast %jit3A_311 : f32 to vector<64x128xf32>
      %select_n3A_313 = arith.select %and3A_304, %slice3A_288, %broadcast_in_dim3A_312 : vector<64x128xi1>, vector<64x128xf32>
      %jit3A_314 = arith.constant 0.000000e+00 : f32
      %broadcast_in_dim3A_315 = vector.broadcast %jit3A_314 : f32 to vector<64x128xf32>
      %select_n3A_316 = arith.select %lt3A_300, %slice3A_289, %broadcast_in_dim3A_315 : vector<64x128xi1>, vector<64x128xf32>
      %min3A_317 = arith.minimumf %max3A_285, %select_n3A_310 : vector<64x128xf32>
      %max3A_318 = arith.maximumf %max3A_284, %min3A_317 : vector<64x128xf32>
      %max3A_319 = arith.maximumf %max3A_285, %select_n3A_310 : vector<64x128xf32>
      %add3A_320 = arith.addf %add3A_286, %select_n3A_313 : vector<64x128xf32>
      %add3A_321 = arith.addf %add3A_287, %select_n3A_316 : vector<64x128xf32>
      %slice3A_322 = vector.extract_strided_slice %get3A_3 {offsets = [0, 1152], sizes = [64, 128], strides = [1, 1]} : vector<64x8192xf32> to vector<64x128xf32>
      %slice3A_323 = vector.extract_strided_slice %get3A_6 {offsets = [0, 1152], sizes = [64, 128], strides = [1, 1]} : vector<64x8192xf32> to vector<64x128xf32>
      %mul3A_324 = arith.constant 8192 : i32
      %mul3A_325 = arith.muli %arg0, %mul3A_324 : i32
      %add3A_326 = arith.constant 32768 : i32
      %add3A_327 = arith.addi %add3A_326, %mul3A_325 : i32
      %add3A_328 = arith.constant 1152 : i32
      %add3A_329 = arith.addi %add3A_327, %add3A_328 : i32
      %add3A_330 = vector.broadcast %add3A_329 : i32 to vector<64x128xi32>
      %add3A_331 = arith.addi %add3A_330, %iota3A : vector<64x128xi32>
      %lt3A_332 = arith.constant 100000 : i32
      %lt3A_333 = vector.broadcast %lt3A_332 : i32 to vector<64x128xi32>
      %lt3A_334 = arith.cmpi slt, %add3A_331, %lt3A_333 : vector<64x128xi32>
      %gt3A_335 = arith.constant 0.000000e+00 : f32
      %gt3A_336 = vector.broadcast %gt3A_335 : f32 to vector<64x128xf32>
      %gt3A_337 = arith.cmpf ogt, %slice3A_323, %gt3A_336 : vector<64x128xf32>
      %and3A_338 = arith.andi %lt3A_334, %gt3A_337 : vector<64x128xi1>
      %not3A_339 = arith.constant dense<true> : vector<64x128xi1>
      %not3A_340 = arith.xori %lt3A_334, %not3A_339 : vector<64x128xi1>
      %or3A_341 = arith.ori %and3A_338, %not3A_340 : vector<64x128xi1>
      %jit3A_342 = arith.constant -1.000000e+30 : f32
      %broadcast_in_dim3A_343 = vector.broadcast %jit3A_342 : f32 to vector<64x128xf32>
      %select_n3A_344 = arith.select %or3A_341, %broadcast_in_dim3A_343, %slice3A_322 : vector<64x128xi1>, vector<64x128xf32>
      %jit3A_345 = arith.constant 0.000000e+00 : f32
      %broadcast_in_dim3A_346 = vector.broadcast %jit3A_345 : f32 to vector<64x128xf32>
      %select_n3A_347 = arith.select %and3A_338, %slice3A_322, %broadcast_in_dim3A_346 : vector<64x128xi1>, vector<64x128xf32>
      %jit3A_348 = arith.constant 0.000000e+00 : f32
      %broadcast_in_dim3A_349 = vector.broadcast %jit3A_348 : f32 to vector<64x128xf32>
      %select_n3A_350 = arith.select %lt3A_334, %slice3A_323, %broadcast_in_dim3A_349 : vector<64x128xi1>, vector<64x128xf32>
      %min3A_351 = arith.minimumf %max3A_319, %select_n3A_344 : vector<64x128xf32>
      %max3A_352 = arith.maximumf %max3A_318, %min3A_351 : vector<64x128xf32>
      %max3A_353 = arith.maximumf %max3A_319, %select_n3A_344 : vector<64x128xf32>
      %add3A_354 = arith.addf %add3A_320, %select_n3A_347 : vector<64x128xf32>
      %add3A_355 = arith.addf %add3A_321, %select_n3A_350 : vector<64x128xf32>
      %slice3A_356 = vector.extract_strided_slice %get3A_3 {offsets = [0, 1280], sizes = [64, 128], strides = [1, 1]} : vector<64x8192xf32> to vector<64x128xf32>
      %slice3A_357 = vector.extract_strided_slice %get3A_6 {offsets = [0, 1280], sizes = [64, 128], strides = [1, 1]} : vector<64x8192xf32> to vector<64x128xf32>
      %mul3A_358 = arith.constant 8192 : i32
      %mul3A_359 = arith.muli %arg0, %mul3A_358 : i32
      %add3A_360 = arith.constant 32768 : i32
      %add3A_361 = arith.addi %add3A_360, %mul3A_359 : i32
      %add3A_362 = arith.constant 1280 : i32
      %add3A_363 = arith.addi %add3A_361, %add3A_362 : i32
      %add3A_364 = vector.broadcast %add3A_363 : i32 to vector<64x128xi32>
      %add3A_365 = arith.addi %add3A_364, %iota3A : vector<64x128xi32>
      %lt3A_366 = arith.constant 100000 : i32
      %lt3A_367 = vector.broadcast %lt3A_366 : i32 to vector<64x128xi32>
      %lt3A_368 = arith.cmpi slt, %add3A_365, %lt3A_367 : vector<64x128xi32>
      %gt3A_369 = arith.constant 0.000000e+00 : f32
      %gt3A_370 = vector.broadcast %gt3A_369 : f32 to vector<64x128xf32>
      %gt3A_371 = arith.cmpf ogt, %slice3A_357, %gt3A_370 : vector<64x128xf32>
      %and3A_372 = arith.andi %lt3A_368, %gt3A_371 : vector<64x128xi1>
      %not3A_373 = arith.constant dense<true> : vector<64x128xi1>
      %not3A_374 = arith.xori %lt3A_368, %not3A_373 : vector<64x128xi1>
      %or3A_375 = arith.ori %and3A_372, %not3A_374 : vector<64x128xi1>
      %jit3A_376 = arith.constant -1.000000e+30 : f32
      %broadcast_in_dim3A_377 = vector.broadcast %jit3A_376 : f32 to vector<64x128xf32>
      %select_n3A_378 = arith.select %or3A_375, %broadcast_in_dim3A_377, %slice3A_356 : vector<64x128xi1>, vector<64x128xf32>
      %jit3A_379 = arith.constant 0.000000e+00 : f32
      %broadcast_in_dim3A_380 = vector.broadcast %jit3A_379 : f32 to vector<64x128xf32>
      %select_n3A_381 = arith.select %and3A_372, %slice3A_356, %broadcast_in_dim3A_380 : vector<64x128xi1>, vector<64x128xf32>
      %jit3A_382 = arith.constant 0.000000e+00 : f32
      %broadcast_in_dim3A_383 = vector.broadcast %jit3A_382 : f32 to vector<64x128xf32>
      %select_n3A_384 = arith.select %lt3A_368, %slice3A_357, %broadcast_in_dim3A_383 : vector<64x128xi1>, vector<64x128xf32>
      %min3A_385 = arith.minimumf %max3A_353, %select_n3A_378 : vector<64x128xf32>
      %max3A_386 = arith.maximumf %max3A_352, %min3A_385 : vector<64x128xf32>
      %max3A_387 = arith.maximumf %max3A_353, %select_n3A_378 : vector<64x128xf32>
      %add3A_388 = arith.addf %add3A_354, %select_n3A_381 : vector<64x128xf32>
      %add3A_389 = arith.addf %add3A_355, %select_n3A_384 : vector<64x128xf32>
      %slice3A_390 = vector.extract_strided_slice %get3A_3 {offsets = [0, 1408], sizes = [64, 128], strides = [1, 1]} : vector<64x8192xf32> to vector<64x128xf32>
      %slice3A_391 = vector.extract_strided_slice %get3A_6 {offsets = [0, 1408], sizes = [64, 128], strides = [1, 1]} : vector<64x8192xf32> to vector<64x128xf32>
      %mul3A_392 = arith.constant 8192 : i32
      %mul3A_393 = arith.muli %arg0, %mul3A_392 : i32
      %add3A_394 = arith.constant 32768 : i32
      %add3A_395 = arith.addi %add3A_394, %mul3A_393 : i32
      %add3A_396 = arith.constant 1408 : i32
      %add3A_397 = arith.addi %add3A_395, %add3A_396 : i32
      %add3A_398 = vector.broadcast %add3A_397 : i32 to vector<64x128xi32>
      %add3A_399 = arith.addi %add3A_398, %iota3A : vector<64x128xi32>
      %lt3A_400 = arith.constant 100000 : i32
      %lt3A_401 = vector.broadcast %lt3A_400 : i32 to vector<64x128xi32>
      %lt3A_402 = arith.cmpi slt, %add3A_399, %lt3A_401 : vector<64x128xi32>
      %gt3A_403 = arith.constant 0.000000e+00 : f32
      %gt3A_404 = vector.broadcast %gt3A_403 : f32 to vector<64x128xf32>
      %gt3A_405 = arith.cmpf ogt, %slice3A_391, %gt3A_404 : vector<64x128xf32>
      %and3A_406 = arith.andi %lt3A_402, %gt3A_405 : vector<64x128xi1>
      %not3A_407 = arith.constant dense<true> : vector<64x128xi1>
      %not3A_408 = arith.xori %lt3A_402, %not3A_407 : vector<64x128xi1>
      %or3A_409 = arith.ori %and3A_406, %not3A_408 : vector<64x128xi1>
      %jit3A_410 = arith.constant -1.000000e+30 : f32
      %broadcast_in_dim3A_411 = vector.broadcast %jit3A_410 : f32 to vector<64x128xf32>
      %select_n3A_412 = arith.select %or3A_409, %broadcast_in_dim3A_411, %slice3A_390 : vector<64x128xi1>, vector<64x128xf32>
      %jit3A_413 = arith.constant 0.000000e+00 : f32
      %broadcast_in_dim3A_414 = vector.broadcast %jit3A_413 : f32 to vector<64x128xf32>
      %select_n3A_415 = arith.select %and3A_406, %slice3A_390, %broadcast_in_dim3A_414 : vector<64x128xi1>, vector<64x128xf32>
      %jit3A_416 = arith.constant 0.000000e+00 : f32
      %broadcast_in_dim3A_417 = vector.broadcast %jit3A_416 : f32 to vector<64x128xf32>
      %select_n3A_418 = arith.select %lt3A_402, %slice3A_391, %broadcast_in_dim3A_417 : vector<64x128xi1>, vector<64x128xf32>
      %min3A_419 = arith.minimumf %max3A_387, %select_n3A_412 : vector<64x128xf32>
      %max3A_420 = arith.maximumf %max3A_386, %min3A_419 : vector<64x128xf32>
      %max3A_421 = arith.maximumf %max3A_387, %select_n3A_412 : vector<64x128xf32>
      %add3A_422 = arith.addf %add3A_388, %select_n3A_415 : vector<64x128xf32>
      %add3A_423 = arith.addf %add3A_389, %select_n3A_418 : vector<64x128xf32>
      %slice3A_424 = vector.extract_strided_slice %get3A_3 {offsets = [0, 1536], sizes = [64, 128], strides = [1, 1]} : vector<64x8192xf32> to vector<64x128xf32>
      %slice3A_425 = vector.extract_strided_slice %get3A_6 {offsets = [0, 1536], sizes = [64, 128], strides = [1, 1]} : vector<64x8192xf32> to vector<64x128xf32>
      %mul3A_426 = arith.constant 8192 : i32
      %mul3A_427 = arith.muli %arg0, %mul3A_426 : i32
      %add3A_428 = arith.constant 32768 : i32
      %add3A_429 = arith.addi %add3A_428, %mul3A_427 : i32
      %add3A_430 = arith.constant 1536 : i32
      %add3A_431 = arith.addi %add3A_429, %add3A_430 : i32
      %add3A_432 = vector.broadcast %add3A_431 : i32 to vector<64x128xi32>
      %add3A_433 = arith.addi %add3A_432, %iota3A : vector<64x128xi32>
      %lt3A_434 = arith.constant 100000 : i32
      %lt3A_435 = vector.broadcast %lt3A_434 : i32 to vector<64x128xi32>
      %lt3A_436 = arith.cmpi slt, %add3A_433, %lt3A_435 : vector<64x128xi32>
      %gt3A_437 = arith.constant 0.000000e+00 : f32
      %gt3A_438 = vector.broadcast %gt3A_437 : f32 to vector<64x128xf32>
      %gt3A_439 = arith.cmpf ogt, %slice3A_425, %gt3A_438 : vector<64x128xf32>
      %and3A_440 = arith.andi %lt3A_436, %gt3A_439 : vector<64x128xi1>
      %not3A_441 = arith.constant dense<true> : vector<64x128xi1>
      %not3A_442 = arith.xori %lt3A_436, %not3A_441 : vector<64x128xi1>
      %or3A_443 = arith.ori %and3A_440, %not3A_442 : vector<64x128xi1>
      %jit3A_444 = arith.constant -1.000000e+30 : f32
      %broadcast_in_dim3A_445 = vector.broadcast %jit3A_444 : f32 to vector<64x128xf32>
      %select_n3A_446 = arith.select %or3A_443, %broadcast_in_dim3A_445, %slice3A_424 : vector<64x128xi1>, vector<64x128xf32>
      %jit3A_447 = arith.constant 0.000000e+00 : f32
      %broadcast_in_dim3A_448 = vector.broadcast %jit3A_447 : f32 to vector<64x128xf32>
      %select_n3A_449 = arith.select %and3A_440, %slice3A_424, %broadcast_in_dim3A_448 : vector<64x128xi1>, vector<64x128xf32>
      %jit3A_450 = arith.constant 0.000000e+00 : f32
      %broadcast_in_dim3A_451 = vector.broadcast %jit3A_450 : f32 to vector<64x128xf32>
      %select_n3A_452 = arith.select %lt3A_436, %slice3A_425, %broadcast_in_dim3A_451 : vector<64x128xi1>, vector<64x128xf32>
      %min3A_453 = arith.minimumf %max3A_421, %select_n3A_446 : vector<64x128xf32>
      %max3A_454 = arith.maximumf %max3A_420, %min3A_453 : vector<64x128xf32>
      %max3A_455 = arith.maximumf %max3A_421, %select_n3A_446 : vector<64x128xf32>
      %add3A_456 = arith.addf %add3A_422, %select_n3A_449 : vector<64x128xf32>
      %add3A_457 = arith.addf %add3A_423, %select_n3A_452 : vector<64x128xf32>
      %slice3A_458 = vector.extract_strided_slice %get3A_3 {offsets = [0, 1664], sizes = [64, 128], strides = [1, 1]} : vector<64x8192xf32> to vector<64x128xf32>
      %slice3A_459 = vector.extract_strided_slice %get3A_6 {offsets = [0, 1664], sizes = [64, 128], strides = [1, 1]} : vector<64x8192xf32> to vector<64x128xf32>
      %mul3A_460 = arith.constant 8192 : i32
      %mul3A_461 = arith.muli %arg0, %mul3A_460 : i32
      %add3A_462 = arith.constant 32768 : i32
      %add3A_463 = arith.addi %add3A_462, %mul3A_461 : i32
      %add3A_464 = arith.constant 1664 : i32
      %add3A_465 = arith.addi %add3A_463, %add3A_464 : i32
      %add3A_466 = vector.broadcast %add3A_465 : i32 to vector<64x128xi32>
      %add3A_467 = arith.addi %add3A_466, %iota3A : vector<64x128xi32>
      %lt3A_468 = arith.constant 100000 : i32
      %lt3A_469 = vector.broadcast %lt3A_468 : i32 to vector<64x128xi32>
      %lt3A_470 = arith.cmpi slt, %add3A_467, %lt3A_469 : vector<64x128xi32>
      %gt3A_471 = arith.constant 0.000000e+00 : f32
      %gt3A_472 = vector.broadcast %gt3A_471 : f32 to vector<64x128xf32>
      %gt3A_473 = arith.cmpf ogt, %slice3A_459, %gt3A_472 : vector<64x128xf32>
      %and3A_474 = arith.andi %lt3A_470, %gt3A_473 : vector<64x128xi1>
      %not3A_475 = arith.constant dense<true> : vector<64x128xi1>
      %not3A_476 = arith.xori %lt3A_470, %not3A_475 : vector<64x128xi1>
      %or3A_477 = arith.ori %and3A_474, %not3A_476 : vector<64x128xi1>
      %jit3A_478 = arith.constant -1.000000e+30 : f32
      %broadcast_in_dim3A_479 = vector.broadcast %jit3A_478 : f32 to vector<64x128xf32>
      %select_n3A_480 = arith.select %or3A_477, %broadcast_in_dim3A_479, %slice3A_458 : vector<64x128xi1>, vector<64x128xf32>
      %jit3A_481 = arith.constant 0.000000e+00 : f32
      %broadcast_in_dim3A_482 = vector.broadcast %jit3A_481 : f32 to vector<64x128xf32>
      %select_n3A_483 = arith.select %and3A_474, %slice3A_458, %broadcast_in_dim3A_482 : vector<64x128xi1>, vector<64x128xf32>
      %jit3A_484 = arith.constant 0.000000e+00 : f32
      %broadcast_in_dim3A_485 = vector.broadcast %jit3A_484 : f32 to vector<64x128xf32>
      %select_n3A_486 = arith.select %lt3A_470, %slice3A_459, %broadcast_in_dim3A_485 : vector<64x128xi1>, vector<64x128xf32>
      %min3A_487 = arith.minimumf %max3A_455, %select_n3A_480 : vector<64x128xf32>
      %max3A_488 = arith.maximumf %max3A_454, %min3A_487 : vector<64x128xf32>
      %max3A_489 = arith.maximumf %max3A_455, %select_n3A_480 : vector<64x128xf32>
      %add3A_490 = arith.addf %add3A_456, %select_n3A_483 : vector<64x128xf32>
      %add3A_491 = arith.addf %add3A_457, %select_n3A_486 : vector<64x128xf32>
      %slice3A_492 = vector.extract_strided_slice %get3A_3 {offsets = [0, 1792], sizes = [64, 128], strides = [1, 1]} : vector<64x8192xf32> to vector<64x128xf32>
      %slice3A_493 = vector.extract_strided_slice %get3A_6 {offsets = [0, 1792], sizes = [64, 128], strides = [1, 1]} : vector<64x8192xf32> to vector<64x128xf32>
      %mul3A_494 = arith.constant 8192 : i32
      %mul3A_495 = arith.muli %arg0, %mul3A_494 : i32
      %add3A_496 = arith.constant 32768 : i32
      %add3A_497 = arith.addi %add3A_496, %mul3A_495 : i32
      %add3A_498 = arith.constant 1792 : i32
      %add3A_499 = arith.addi %add3A_497, %add3A_498 : i32
      %add3A_500 = vector.broadcast %add3A_499 : i32 to vector<64x128xi32>
      %add3A_501 = arith.addi %add3A_500, %iota3A : vector<64x128xi32>
      %lt3A_502 = arith.constant 100000 : i32
      %lt3A_503 = vector.broadcast %lt3A_502 : i32 to vector<64x128xi32>
      %lt3A_504 = arith.cmpi slt, %add3A_501, %lt3A_503 : vector<64x128xi32>
      %gt3A_505 = arith.constant 0.000000e+00 : f32
      %gt3A_506 = vector.broadcast %gt3A_505 : f32 to vector<64x128xf32>
      %gt3A_507 = arith.cmpf ogt, %slice3A_493, %gt3A_506 : vector<64x128xf32>
      %and3A_508 = arith.andi %lt3A_504, %gt3A_507 : vector<64x128xi1>
      %not3A_509 = arith.constant dense<true> : vector<64x128xi1>
      %not3A_510 = arith.xori %lt3A_504, %not3A_509 : vector<64x128xi1>
      %or3A_511 = arith.ori %and3A_508, %not3A_510 : vector<64x128xi1>
      %jit3A_512 = arith.constant -1.000000e+30 : f32
      %broadcast_in_dim3A_513 = vector.broadcast %jit3A_512 : f32 to vector<64x128xf32>
      %select_n3A_514 = arith.select %or3A_511, %broadcast_in_dim3A_513, %slice3A_492 : vector<64x128xi1>, vector<64x128xf32>
      %jit3A_515 = arith.constant 0.000000e+00 : f32
      %broadcast_in_dim3A_516 = vector.broadcast %jit3A_515 : f32 to vector<64x128xf32>
      %select_n3A_517 = arith.select %and3A_508, %slice3A_492, %broadcast_in_dim3A_516 : vector<64x128xi1>, vector<64x128xf32>
      %jit3A_518 = arith.constant 0.000000e+00 : f32
      %broadcast_in_dim3A_519 = vector.broadcast %jit3A_518 : f32 to vector<64x128xf32>
      %select_n3A_520 = arith.select %lt3A_504, %slice3A_493, %broadcast_in_dim3A_519 : vector<64x128xi1>, vector<64x128xf32>
      %min3A_521 = arith.minimumf %max3A_489, %select_n3A_514 : vector<64x128xf32>
      %max3A_522 = arith.maximumf %max3A_488, %min3A_521 : vector<64x128xf32>
      %max3A_523 = arith.maximumf %max3A_489, %select_n3A_514 : vector<64x128xf32>
      %add3A_524 = arith.addf %add3A_490, %select_n3A_517 : vector<64x128xf32>
      %add3A_525 = arith.addf %add3A_491, %select_n3A_520 : vector<64x128xf32>
      %slice3A_526 = vector.extract_strided_slice %get3A_3 {offsets = [0, 1920], sizes = [64, 128], strides = [1, 1]} : vector<64x8192xf32> to vector<64x128xf32>
      %slice3A_527 = vector.extract_strided_slice %get3A_6 {offsets = [0, 1920], sizes = [64, 128], strides = [1, 1]} : vector<64x8192xf32> to vector<64x128xf32>
      %mul3A_528 = arith.constant 8192 : i32
      %mul3A_529 = arith.muli %arg0, %mul3A_528 : i32
      %add3A_530 = arith.constant 32768 : i32
      %add3A_531 = arith.addi %add3A_530, %mul3A_529 : i32
      %add3A_532 = arith.constant 1920 : i32
      %add3A_533 = arith.addi %add3A_531, %add3A_532 : i32
      %add3A_534 = vector.broadcast %add3A_533 : i32 to vector<64x128xi32>
      %add3A_535 = arith.addi %add3A_534, %iota3A : vector<64x128xi32>
      %lt3A_536 = arith.constant 100000 : i32
      %lt3A_537 = vector.broadcast %lt3A_536 : i32 to vector<64x128xi32>
      %lt3A_538 = arith.cmpi slt, %add3A_535, %lt3A_537 : vector<64x128xi32>
      %gt3A_539 = arith.constant 0.000000e+00 : f32
      %gt3A_540 = vector.broadcast %gt3A_539 : f32 to vector<64x128xf32>
      %gt3A_541 = arith.cmpf ogt, %slice3A_527, %gt3A_540 : vector<64x128xf32>
      %and3A_542 = arith.andi %lt3A_538, %gt3A_541 : vector<64x128xi1>
      %not3A_543 = arith.constant dense<true> : vector<64x128xi1>
      %not3A_544 = arith.xori %lt3A_538, %not3A_543 : vector<64x128xi1>
      %or3A_545 = arith.ori %and3A_542, %not3A_544 : vector<64x128xi1>
      %jit3A_546 = arith.constant -1.000000e+30 : f32
      %broadcast_in_dim3A_547 = vector.broadcast %jit3A_546 : f32 to vector<64x128xf32>
      %select_n3A_548 = arith.select %or3A_545, %broadcast_in_dim3A_547, %slice3A_526 : vector<64x128xi1>, vector<64x128xf32>
      %jit3A_549 = arith.constant 0.000000e+00 : f32
      %broadcast_in_dim3A_550 = vector.broadcast %jit3A_549 : f32 to vector<64x128xf32>
      %select_n3A_551 = arith.select %and3A_542, %slice3A_526, %broadcast_in_dim3A_550 : vector<64x128xi1>, vector<64x128xf32>
      %jit3A_552 = arith.constant 0.000000e+00 : f32
      %broadcast_in_dim3A_553 = vector.broadcast %jit3A_552 : f32 to vector<64x128xf32>
      %select_n3A_554 = arith.select %lt3A_538, %slice3A_527, %broadcast_in_dim3A_553 : vector<64x128xi1>, vector<64x128xf32>
      %min3A_555 = arith.minimumf %max3A_523, %select_n3A_548 : vector<64x128xf32>
      %max3A_556 = arith.maximumf %max3A_522, %min3A_555 : vector<64x128xf32>
      %max3A_557 = arith.maximumf %max3A_523, %select_n3A_548 : vector<64x128xf32>
      %add3A_558 = arith.addf %add3A_524, %select_n3A_551 : vector<64x128xf32>
      %add3A_559 = arith.addf %add3A_525, %select_n3A_554 : vector<64x128xf32>
      %slice3A_560 = vector.extract_strided_slice %get3A_3 {offsets = [0, 2048], sizes = [64, 128], strides = [1, 1]} : vector<64x8192xf32> to vector<64x128xf32>
      %slice3A_561 = vector.extract_strided_slice %get3A_6 {offsets = [0, 2048], sizes = [64, 128], strides = [1, 1]} : vector<64x8192xf32> to vector<64x128xf32>
      %mul3A_562 = arith.constant 8192 : i32
      %mul3A_563 = arith.muli %arg0, %mul3A_562 : i32
      %add3A_564 = arith.constant 32768 : i32
      %add3A_565 = arith.addi %add3A_564, %mul3A_563 : i32
      %add3A_566 = arith.constant 2048 : i32
      %add3A_567 = arith.addi %add3A_565, %add3A_566 : i32
      %add3A_568 = vector.broadcast %add3A_567 : i32 to vector<64x128xi32>
      %add3A_569 = arith.addi %add3A_568, %iota3A : vector<64x128xi32>
      %lt3A_570 = arith.constant 100000 : i32
      %lt3A_571 = vector.broadcast %lt3A_570 : i32 to vector<64x128xi32>
      %lt3A_572 = arith.cmpi slt, %add3A_569, %lt3A_571 : vector<64x128xi32>
      %gt3A_573 = arith.constant 0.000000e+00 : f32
      %gt3A_574 = vector.broadcast %gt3A_573 : f32 to vector<64x128xf32>
      %gt3A_575 = arith.cmpf ogt, %slice3A_561, %gt3A_574 : vector<64x128xf32>
      %and3A_576 = arith.andi %lt3A_572, %gt3A_575 : vector<64x128xi1>
      %not3A_577 = arith.constant dense<true> : vector<64x128xi1>
      %not3A_578 = arith.xori %lt3A_572, %not3A_577 : vector<64x128xi1>
      %or3A_579 = arith.ori %and3A_576, %not3A_578 : vector<64x128xi1>
      %jit3A_580 = arith.constant -1.000000e+30 : f32
      %broadcast_in_dim3A_581 = vector.broadcast %jit3A_580 : f32 to vector<64x128xf32>
      %select_n3A_582 = arith.select %or3A_579, %broadcast_in_dim3A_581, %slice3A_560 : vector<64x128xi1>, vector<64x128xf32>
      %jit3A_583 = arith.constant 0.000000e+00 : f32
      %broadcast_in_dim3A_584 = vector.broadcast %jit3A_583 : f32 to vector<64x128xf32>
      %select_n3A_585 = arith.select %and3A_576, %slice3A_560, %broadcast_in_dim3A_584 : vector<64x128xi1>, vector<64x128xf32>
      %jit3A_586 = arith.constant 0.000000e+00 : f32
      %broadcast_in_dim3A_587 = vector.broadcast %jit3A_586 : f32 to vector<64x128xf32>
      %select_n3A_588 = arith.select %lt3A_572, %slice3A_561, %broadcast_in_dim3A_587 : vector<64x128xi1>, vector<64x128xf32>
      %min3A_589 = arith.minimumf %max3A_557, %select_n3A_582 : vector<64x128xf32>
      %max3A_590 = arith.maximumf %max3A_556, %min3A_589 : vector<64x128xf32>
      %max3A_591 = arith.maximumf %max3A_557, %select_n3A_582 : vector<64x128xf32>
      %add3A_592 = arith.addf %add3A_558, %select_n3A_585 : vector<64x128xf32>
      %add3A_593 = arith.addf %add3A_559, %select_n3A_588 : vector<64x128xf32>
      %slice3A_594 = vector.extract_strided_slice %get3A_3 {offsets = [0, 2176], sizes = [64, 128], strides = [1, 1]} : vector<64x8192xf32> to vector<64x128xf32>
      %slice3A_595 = vector.extract_strided_slice %get3A_6 {offsets = [0, 2176], sizes = [64, 128], strides = [1, 1]} : vector<64x8192xf32> to vector<64x128xf32>
      %mul3A_596 = arith.constant 8192 : i32
      %mul3A_597 = arith.muli %arg0, %mul3A_596 : i32
      %add3A_598 = arith.constant 32768 : i32
      %add3A_599 = arith.addi %add3A_598, %mul3A_597 : i32
      %add3A_600 = arith.constant 2176 : i32
      %add3A_601 = arith.addi %add3A_599, %add3A_600 : i32
      %add3A_602 = vector.broadcast %add3A_601 : i32 to vector<64x128xi32>
      %add3A_603 = arith.addi %add3A_602, %iota3A : vector<64x128xi32>
      %lt3A_604 = arith.constant 100000 : i32
      %lt3A_605 = vector.broadcast %lt3A_604 : i32 to vector<64x128xi32>
      %lt3A_606 = arith.cmpi slt, %add3A_603, %lt3A_605 : vector<64x128xi32>
      %gt3A_607 = arith.constant 0.000000e+00 : f32
      %gt3A_608 = vector.broadcast %gt3A_607 : f32 to vector<64x128xf32>
      %gt3A_609 = arith.cmpf ogt, %slice3A_595, %gt3A_608 : vector<64x128xf32>
      %and3A_610 = arith.andi %lt3A_606, %gt3A_609 : vector<64x128xi1>
      %not3A_611 = arith.constant dense<true> : vector<64x128xi1>
      %not3A_612 = arith.xori %lt3A_606, %not3A_611 : vector<64x128xi1>
      %or3A_613 = arith.ori %and3A_610, %not3A_612 : vector<64x128xi1>
      %jit3A_614 = arith.constant -1.000000e+30 : f32
      %broadcast_in_dim3A_615 = vector.broadcast %jit3A_614 : f32 to vector<64x128xf32>
      %select_n3A_616 = arith.select %or3A_613, %broadcast_in_dim3A_615, %slice3A_594 : vector<64x128xi1>, vector<64x128xf32>
      %jit3A_617 = arith.constant 0.000000e+00 : f32
      %broadcast_in_dim3A_618 = vector.broadcast %jit3A_617 : f32 to vector<64x128xf32>
      %select_n3A_619 = arith.select %and3A_610, %slice3A_594, %broadcast_in_dim3A_618 : vector<64x128xi1>, vector<64x128xf32>
      %jit3A_620 = arith.constant 0.000000e+00 : f32
      %broadcast_in_dim3A_621 = vector.broadcast %jit3A_620 : f32 to vector<64x128xf32>
      %select_n3A_622 = arith.select %lt3A_606, %slice3A_595, %broadcast_in_dim3A_621 : vector<64x128xi1>, vector<64x128xf32>
      %min3A_623 = arith.minimumf %max3A_591, %select_n3A_616 : vector<64x128xf32>
      %max3A_624 = arith.maximumf %max3A_590, %min3A_623 : vector<64x128xf32>
      %max3A_625 = arith.maximumf %max3A_591, %select_n3A_616 : vector<64x128xf32>
      %add3A_626 = arith.addf %add3A_592, %select_n3A_619 : vector<64x128xf32>
      %add3A_627 = arith.addf %add3A_593, %select_n3A_622 : vector<64x128xf32>
      %slice3A_628 = vector.extract_strided_slice %get3A_3 {offsets = [0, 2304], sizes = [64, 128], strides = [1, 1]} : vector<64x8192xf32> to vector<64x128xf32>
      %slice3A_629 = vector.extract_strided_slice %get3A_6 {offsets = [0, 2304], sizes = [64, 128], strides = [1, 1]} : vector<64x8192xf32> to vector<64x128xf32>
      %mul3A_630 = arith.constant 8192 : i32
      %mul3A_631 = arith.muli %arg0, %mul3A_630 : i32
      %add3A_632 = arith.constant 32768 : i32
      %add3A_633 = arith.addi %add3A_632, %mul3A_631 : i32
      %add3A_634 = arith.constant 2304 : i32
      %add3A_635 = arith.addi %add3A_633, %add3A_634 : i32
      %add3A_636 = vector.broadcast %add3A_635 : i32 to vector<64x128xi32>
      %add3A_637 = arith.addi %add3A_636, %iota3A : vector<64x128xi32>
      %lt3A_638 = arith.constant 100000 : i32
      %lt3A_639 = vector.broadcast %lt3A_638 : i32 to vector<64x128xi32>
      %lt3A_640 = arith.cmpi slt, %add3A_637, %lt3A_639 : vector<64x128xi32>
      %gt3A_641 = arith.constant 0.000000e+00 : f32
      %gt3A_642 = vector.broadcast %gt3A_641 : f32 to vector<64x128xf32>
      %gt3A_643 = arith.cmpf ogt, %slice3A_629, %gt3A_642 : vector<64x128xf32>
      %and3A_644 = arith.andi %lt3A_640, %gt3A_643 : vector<64x128xi1>
      %not3A_645 = arith.constant dense<true> : vector<64x128xi1>
      %not3A_646 = arith.xori %lt3A_640, %not3A_645 : vector<64x128xi1>
      %or3A_647 = arith.ori %and3A_644, %not3A_646 : vector<64x128xi1>
      %jit3A_648 = arith.constant -1.000000e+30 : f32
      %broadcast_in_dim3A_649 = vector.broadcast %jit3A_648 : f32 to vector<64x128xf32>
      %select_n3A_650 = arith.select %or3A_647, %broadcast_in_dim3A_649, %slice3A_628 : vector<64x128xi1>, vector<64x128xf32>
      %jit3A_651 = arith.constant 0.000000e+00 : f32
      %broadcast_in_dim3A_652 = vector.broadcast %jit3A_651 : f32 to vector<64x128xf32>
      %select_n3A_653 = arith.select %and3A_644, %slice3A_628, %broadcast_in_dim3A_652 : vector<64x128xi1>, vector<64x128xf32>
      %jit3A_654 = arith.constant 0.000000e+00 : f32
      %broadcast_in_dim3A_655 = vector.broadcast %jit3A_654 : f32 to vector<64x128xf32>
      %select_n3A_656 = arith.select %lt3A_640, %slice3A_629, %broadcast_in_dim3A_655 : vector<64x128xi1>, vector<64x128xf32>
      %min3A_657 = arith.minimumf %max3A_625, %select_n3A_650 : vector<64x128xf32>
      %max3A_658 = arith.maximumf %max3A_624, %min3A_657 : vector<64x128xf32>
      %max3A_659 = arith.maximumf %max3A_625, %select_n3A_650 : vector<64x128xf32>
      %add3A_660 = arith.addf %add3A_626, %select_n3A_653 : vector<64x128xf32>
      %add3A_661 = arith.addf %add3A_627, %select_n3A_656 : vector<64x128xf32>
      %slice3A_662 = vector.extract_strided_slice %get3A_3 {offsets = [0, 2432], sizes = [64, 128], strides = [1, 1]} : vector<64x8192xf32> to vector<64x128xf32>
      %slice3A_663 = vector.extract_strided_slice %get3A_6 {offsets = [0, 2432], sizes = [64, 128], strides = [1, 1]} : vector<64x8192xf32> to vector<64x128xf32>
      %mul3A_664 = arith.constant 8192 : i32
      %mul3A_665 = arith.muli %arg0, %mul3A_664 : i32
      %add3A_666 = arith.constant 32768 : i32
      %add3A_667 = arith.addi %add3A_666, %mul3A_665 : i32
      %add3A_668 = arith.constant 2432 : i32
      %add3A_669 = arith.addi %add3A_667, %add3A_668 : i32
      %add3A_670 = vector.broadcast %add3A_669 : i32 to vector<64x128xi32>
      %add3A_671 = arith.addi %add3A_670, %iota3A : vector<64x128xi32>
      %lt3A_672 = arith.constant 100000 : i32
      %lt3A_673 = vector.broadcast %lt3A_672 : i32 to vector<64x128xi32>
      %lt3A_674 = arith.cmpi slt, %add3A_671, %lt3A_673 : vector<64x128xi32>
      %gt3A_675 = arith.constant 0.000000e+00 : f32
      %gt3A_676 = vector.broadcast %gt3A_675 : f32 to vector<64x128xf32>
      %gt3A_677 = arith.cmpf ogt, %slice3A_663, %gt3A_676 : vector<64x128xf32>
      %and3A_678 = arith.andi %lt3A_674, %gt3A_677 : vector<64x128xi1>
      %not3A_679 = arith.constant dense<true> : vector<64x128xi1>
      %not3A_680 = arith.xori %lt3A_674, %not3A_679 : vector<64x128xi1>
      %or3A_681 = arith.ori %and3A_678, %not3A_680 : vector<64x128xi1>
      %jit3A_682 = arith.constant -1.000000e+30 : f32
      %broadcast_in_dim3A_683 = vector.broadcast %jit3A_682 : f32 to vector<64x128xf32>
      %select_n3A_684 = arith.select %or3A_681, %broadcast_in_dim3A_683, %slice3A_662 : vector<64x128xi1>, vector<64x128xf32>
      %jit3A_685 = arith.constant 0.000000e+00 : f32
      %broadcast_in_dim3A_686 = vector.broadcast %jit3A_685 : f32 to vector<64x128xf32>
      %select_n3A_687 = arith.select %and3A_678, %slice3A_662, %broadcast_in_dim3A_686 : vector<64x128xi1>, vector<64x128xf32>
      %jit3A_688 = arith.constant 0.000000e+00 : f32
      %broadcast_in_dim3A_689 = vector.broadcast %jit3A_688 : f32 to vector<64x128xf32>
      %select_n3A_690 = arith.select %lt3A_674, %slice3A_663, %broadcast_in_dim3A_689 : vector<64x128xi1>, vector<64x128xf32>
      %min3A_691 = arith.minimumf %max3A_659, %select_n3A_684 : vector<64x128xf32>
      %max3A_692 = arith.maximumf %max3A_658, %min3A_691 : vector<64x128xf32>
      %max3A_693 = arith.maximumf %max3A_659, %select_n3A_684 : vector<64x128xf32>
      %add3A_694 = arith.addf %add3A_660, %select_n3A_687 : vector<64x128xf32>
      %add3A_695 = arith.addf %add3A_661, %select_n3A_690 : vector<64x128xf32>
      %slice3A_696 = vector.extract_strided_slice %get3A_3 {offsets = [0, 2560], sizes = [64, 128], strides = [1, 1]} : vector<64x8192xf32> to vector<64x128xf32>
      %slice3A_697 = vector.extract_strided_slice %get3A_6 {offsets = [0, 2560], sizes = [64, 128], strides = [1, 1]} : vector<64x8192xf32> to vector<64x128xf32>
      %mul3A_698 = arith.constant 8192 : i32
      %mul3A_699 = arith.muli %arg0, %mul3A_698 : i32
      %add3A_700 = arith.constant 32768 : i32
      %add3A_701 = arith.addi %add3A_700, %mul3A_699 : i32
      %add3A_702 = arith.constant 2560 : i32
      %add3A_703 = arith.addi %add3A_701, %add3A_702 : i32
      %add3A_704 = vector.broadcast %add3A_703 : i32 to vector<64x128xi32>
      %add3A_705 = arith.addi %add3A_704, %iota3A : vector<64x128xi32>
      %lt3A_706 = arith.constant 100000 : i32
      %lt3A_707 = vector.broadcast %lt3A_706 : i32 to vector<64x128xi32>
      %lt3A_708 = arith.cmpi slt, %add3A_705, %lt3A_707 : vector<64x128xi32>
      %gt3A_709 = arith.constant 0.000000e+00 : f32
      %gt3A_710 = vector.broadcast %gt3A_709 : f32 to vector<64x128xf32>
      %gt3A_711 = arith.cmpf ogt, %slice3A_697, %gt3A_710 : vector<64x128xf32>
      %and3A_712 = arith.andi %lt3A_708, %gt3A_711 : vector<64x128xi1>
      %not3A_713 = arith.constant dense<true> : vector<64x128xi1>
      %not3A_714 = arith.xori %lt3A_708, %not3A_713 : vector<64x128xi1>
      %or3A_715 = arith.ori %and3A_712, %not3A_714 : vector<64x128xi1>
      %jit3A_716 = arith.constant -1.000000e+30 : f32
      %broadcast_in_dim3A_717 = vector.broadcast %jit3A_716 : f32 to vector<64x128xf32>
      %select_n3A_718 = arith.select %or3A_715, %broadcast_in_dim3A_717, %slice3A_696 : vector<64x128xi1>, vector<64x128xf32>
      %jit3A_719 = arith.constant 0.000000e+00 : f32
      %broadcast_in_dim3A_720 = vector.broadcast %jit3A_719 : f32 to vector<64x128xf32>
      %select_n3A_721 = arith.select %and3A_712, %slice3A_696, %broadcast_in_dim3A_720 : vector<64x128xi1>, vector<64x128xf32>
      %jit3A_722 = arith.constant 0.000000e+00 : f32
      %broadcast_in_dim3A_723 = vector.broadcast %jit3A_722 : f32 to vector<64x128xf32>
      %select_n3A_724 = arith.select %lt3A_708, %slice3A_697, %broadcast_in_dim3A_723 : vector<64x128xi1>, vector<64x128xf32>
      %min3A_725 = arith.minimumf %max3A_693, %select_n3A_718 : vector<64x128xf32>
      %max3A_726 = arith.maximumf %max3A_692, %min3A_725 : vector<64x128xf32>
      %max3A_727 = arith.maximumf %max3A_693, %select_n3A_718 : vector<64x128xf32>
      %add3A_728 = arith.addf %add3A_694, %select_n3A_721 : vector<64x128xf32>
      %add3A_729 = arith.addf %add3A_695, %select_n3A_724 : vector<64x128xf32>
      %slice3A_730 = vector.extract_strided_slice %get3A_3 {offsets = [0, 2688], sizes = [64, 128], strides = [1, 1]} : vector<64x8192xf32> to vector<64x128xf32>
      %slice3A_731 = vector.extract_strided_slice %get3A_6 {offsets = [0, 2688], sizes = [64, 128], strides = [1, 1]} : vector<64x8192xf32> to vector<64x128xf32>
      %mul3A_732 = arith.constant 8192 : i32
      %mul3A_733 = arith.muli %arg0, %mul3A_732 : i32
      %add3A_734 = arith.constant 32768 : i32
      %add3A_735 = arith.addi %add3A_734, %mul3A_733 : i32
      %add3A_736 = arith.constant 2688 : i32
      %add3A_737 = arith.addi %add3A_735, %add3A_736 : i32
      %add3A_738 = vector.broadcast %add3A_737 : i32 to vector<64x128xi32>
      %add3A_739 = arith.addi %add3A_738, %iota3A : vector<64x128xi32>
      %lt3A_740 = arith.constant 100000 : i32
      %lt3A_741 = vector.broadcast %lt3A_740 : i32 to vector<64x128xi32>
      %lt3A_742 = arith.cmpi slt, %add3A_739, %lt3A_741 : vector<64x128xi32>
      %gt3A_743 = arith.constant 0.000000e+00 : f32
      %gt3A_744 = vector.broadcast %gt3A_743 : f32 to vector<64x128xf32>
      %gt3A_745 = arith.cmpf ogt, %slice3A_731, %gt3A_744 : vector<64x128xf32>
      %and3A_746 = arith.andi %lt3A_742, %gt3A_745 : vector<64x128xi1>
      %not3A_747 = arith.constant dense<true> : vector<64x128xi1>
      %not3A_748 = arith.xori %lt3A_742, %not3A_747 : vector<64x128xi1>
      %or3A_749 = arith.ori %and3A_746, %not3A_748 : vector<64x128xi1>
      %jit3A_750 = arith.constant -1.000000e+30 : f32
      %broadcast_in_dim3A_751 = vector.broadcast %jit3A_750 : f32 to vector<64x128xf32>
      %select_n3A_752 = arith.select %or3A_749, %broadcast_in_dim3A_751, %slice3A_730 : vector<64x128xi1>, vector<64x128xf32>
      %jit3A_753 = arith.constant 0.000000e+00 : f32
      %broadcast_in_dim3A_754 = vector.broadcast %jit3A_753 : f32 to vector<64x128xf32>
      %select_n3A_755 = arith.select %and3A_746, %slice3A_730, %broadcast_in_dim3A_754 : vector<64x128xi1>, vector<64x128xf32>
      %jit3A_756 = arith.constant 0.000000e+00 : f32
      %broadcast_in_dim3A_757 = vector.broadcast %jit3A_756 : f32 to vector<64x128xf32>
      %select_n3A_758 = arith.select %lt3A_742, %slice3A_731, %broadcast_in_dim3A_757 : vector<64x128xi1>, vector<64x128xf32>
      %min3A_759 = arith.minimumf %max3A_727, %select_n3A_752 : vector<64x128xf32>
      %max3A_760 = arith.maximumf %max3A_726, %min3A_759 : vector<64x128xf32>
      %max3A_761 = arith.maximumf %max3A_727, %select_n3A_752 : vector<64x128xf32>
      %add3A_762 = arith.addf %add3A_728, %select_n3A_755 : vector<64x128xf32>
      %add3A_763 = arith.addf %add3A_729, %select_n3A_758 : vector<64x128xf32>
      %slice3A_764 = vector.extract_strided_slice %get3A_3 {offsets = [0, 2816], sizes = [64, 128], strides = [1, 1]} : vector<64x8192xf32> to vector<64x128xf32>
      %slice3A_765 = vector.extract_strided_slice %get3A_6 {offsets = [0, 2816], sizes = [64, 128], strides = [1, 1]} : vector<64x8192xf32> to vector<64x128xf32>
      %mul3A_766 = arith.constant 8192 : i32
      %mul3A_767 = arith.muli %arg0, %mul3A_766 : i32
      %add3A_768 = arith.constant 32768 : i32
      %add3A_769 = arith.addi %add3A_768, %mul3A_767 : i32
      %add3A_770 = arith.constant 2816 : i32
      %add3A_771 = arith.addi %add3A_769, %add3A_770 : i32
      %add3A_772 = vector.broadcast %add3A_771 : i32 to vector<64x128xi32>
      %add3A_773 = arith.addi %add3A_772, %iota3A : vector<64x128xi32>
      %lt3A_774 = arith.constant 100000 : i32
      %lt3A_775 = vector.broadcast %lt3A_774 : i32 to vector<64x128xi32>
      %lt3A_776 = arith.cmpi slt, %add3A_773, %lt3A_775 : vector<64x128xi32>
      %gt3A_777 = arith.constant 0.000000e+00 : f32
      %gt3A_778 = vector.broadcast %gt3A_777 : f32 to vector<64x128xf32>
      %gt3A_779 = arith.cmpf ogt, %slice3A_765, %gt3A_778 : vector<64x128xf32>
      %and3A_780 = arith.andi %lt3A_776, %gt3A_779 : vector<64x128xi1>
      %not3A_781 = arith.constant dense<true> : vector<64x128xi1>
      %not3A_782 = arith.xori %lt3A_776, %not3A_781 : vector<64x128xi1>
      %or3A_783 = arith.ori %and3A_780, %not3A_782 : vector<64x128xi1>
      %jit3A_784 = arith.constant -1.000000e+30 : f32
      %broadcast_in_dim3A_785 = vector.broadcast %jit3A_784 : f32 to vector<64x128xf32>
      %select_n3A_786 = arith.select %or3A_783, %broadcast_in_dim3A_785, %slice3A_764 : vector<64x128xi1>, vector<64x128xf32>
      %jit3A_787 = arith.constant 0.000000e+00 : f32
      %broadcast_in_dim3A_788 = vector.broadcast %jit3A_787 : f32 to vector<64x128xf32>
      %select_n3A_789 = arith.select %and3A_780, %slice3A_764, %broadcast_in_dim3A_788 : vector<64x128xi1>, vector<64x128xf32>
      %jit3A_790 = arith.constant 0.000000e+00 : f32
      %broadcast_in_dim3A_791 = vector.broadcast %jit3A_790 : f32 to vector<64x128xf32>
      %select_n3A_792 = arith.select %lt3A_776, %slice3A_765, %broadcast_in_dim3A_791 : vector<64x128xi1>, vector<64x128xf32>
      %min3A_793 = arith.minimumf %max3A_761, %select_n3A_786 : vector<64x128xf32>
      %max3A_794 = arith.maximumf %max3A_760, %min3A_793 : vector<64x128xf32>
      %max3A_795 = arith.maximumf %max3A_761, %select_n3A_786 : vector<64x128xf32>
      %add3A_796 = arith.addf %add3A_762, %select_n3A_789 : vector<64x128xf32>
      %add3A_797 = arith.addf %add3A_763, %select_n3A_792 : vector<64x128xf32>
      %slice3A_798 = vector.extract_strided_slice %get3A_3 {offsets = [0, 2944], sizes = [64, 128], strides = [1, 1]} : vector<64x8192xf32> to vector<64x128xf32>
      %slice3A_799 = vector.extract_strided_slice %get3A_6 {offsets = [0, 2944], sizes = [64, 128], strides = [1, 1]} : vector<64x8192xf32> to vector<64x128xf32>
      %mul3A_800 = arith.constant 8192 : i32
      %mul3A_801 = arith.muli %arg0, %mul3A_800 : i32
      %add3A_802 = arith.constant 32768 : i32
      %add3A_803 = arith.addi %add3A_802, %mul3A_801 : i32
      %add3A_804 = arith.constant 2944 : i32
      %add3A_805 = arith.addi %add3A_803, %add3A_804 : i32
      %add3A_806 = vector.broadcast %add3A_805 : i32 to vector<64x128xi32>
      %add3A_807 = arith.addi %add3A_806, %iota3A : vector<64x128xi32>
      %lt3A_808 = arith.constant 100000 : i32
      %lt3A_809 = vector.broadcast %lt3A_808 : i32 to vector<64x128xi32>
      %lt3A_810 = arith.cmpi slt, %add3A_807, %lt3A_809 : vector<64x128xi32>
      %gt3A_811 = arith.constant 0.000000e+00 : f32
      %gt3A_812 = vector.broadcast %gt3A_811 : f32 to vector<64x128xf32>
      %gt3A_813 = arith.cmpf ogt, %slice3A_799, %gt3A_812 : vector<64x128xf32>
      %and3A_814 = arith.andi %lt3A_810, %gt3A_813 : vector<64x128xi1>
      %not3A_815 = arith.constant dense<true> : vector<64x128xi1>
      %not3A_816 = arith.xori %lt3A_810, %not3A_815 : vector<64x128xi1>
      %or3A_817 = arith.ori %and3A_814, %not3A_816 : vector<64x128xi1>
      %jit3A_818 = arith.constant -1.000000e+30 : f32
      %broadcast_in_dim3A_819 = vector.broadcast %jit3A_818 : f32 to vector<64x128xf32>
      %select_n3A_820 = arith.select %or3A_817, %broadcast_in_dim3A_819, %slice3A_798 : vector<64x128xi1>, vector<64x128xf32>
      %jit3A_821 = arith.constant 0.000000e+00 : f32
      %broadcast_in_dim3A_822 = vector.broadcast %jit3A_821 : f32 to vector<64x128xf32>
      %select_n3A_823 = arith.select %and3A_814, %slice3A_798, %broadcast_in_dim3A_822 : vector<64x128xi1>, vector<64x128xf32>
      %jit3A_824 = arith.constant 0.000000e+00 : f32
      %broadcast_in_dim3A_825 = vector.broadcast %jit3A_824 : f32 to vector<64x128xf32>
      %select_n3A_826 = arith.select %lt3A_810, %slice3A_799, %broadcast_in_dim3A_825 : vector<64x128xi1>, vector<64x128xf32>
      %min3A_827 = arith.minimumf %max3A_795, %select_n3A_820 : vector<64x128xf32>
      %max3A_828 = arith.maximumf %max3A_794, %min3A_827 : vector<64x128xf32>
      %max3A_829 = arith.maximumf %max3A_795, %select_n3A_820 : vector<64x128xf32>
      %add3A_830 = arith.addf %add3A_796, %select_n3A_823 : vector<64x128xf32>
      %add3A_831 = arith.addf %add3A_797, %select_n3A_826 : vector<64x128xf32>
      %slice3A_832 = vector.extract_strided_slice %get3A_3 {offsets = [0, 3072], sizes = [64, 128], strides = [1, 1]} : vector<64x8192xf32> to vector<64x128xf32>
      %slice3A_833 = vector.extract_strided_slice %get3A_6 {offsets = [0, 3072], sizes = [64, 128], strides = [1, 1]} : vector<64x8192xf32> to vector<64x128xf32>
      %mul3A_834 = arith.constant 8192 : i32
      %mul3A_835 = arith.muli %arg0, %mul3A_834 : i32
      %add3A_836 = arith.constant 32768 : i32
      %add3A_837 = arith.addi %add3A_836, %mul3A_835 : i32
      %add3A_838 = arith.constant 3072 : i32
      %add3A_839 = arith.addi %add3A_837, %add3A_838 : i32
      %add3A_840 = vector.broadcast %add3A_839 : i32 to vector<64x128xi32>
      %add3A_841 = arith.addi %add3A_840, %iota3A : vector<64x128xi32>
      %lt3A_842 = arith.constant 100000 : i32
      %lt3A_843 = vector.broadcast %lt3A_842 : i32 to vector<64x128xi32>
      %lt3A_844 = arith.cmpi slt, %add3A_841, %lt3A_843 : vector<64x128xi32>
      %gt3A_845 = arith.constant 0.000000e+00 : f32
      %gt3A_846 = vector.broadcast %gt3A_845 : f32 to vector<64x128xf32>
      %gt3A_847 = arith.cmpf ogt, %slice3A_833, %gt3A_846 : vector<64x128xf32>
      %and3A_848 = arith.andi %lt3A_844, %gt3A_847 : vector<64x128xi1>
      %not3A_849 = arith.constant dense<true> : vector<64x128xi1>
      %not3A_850 = arith.xori %lt3A_844, %not3A_849 : vector<64x128xi1>
      %or3A_851 = arith.ori %and3A_848, %not3A_850 : vector<64x128xi1>
      %jit3A_852 = arith.constant -1.000000e+30 : f32
      %broadcast_in_dim3A_853 = vector.broadcast %jit3A_852 : f32 to vector<64x128xf32>
      %select_n3A_854 = arith.select %or3A_851, %broadcast_in_dim3A_853, %slice3A_832 : vector<64x128xi1>, vector<64x128xf32>
      %jit3A_855 = arith.constant 0.000000e+00 : f32
      %broadcast_in_dim3A_856 = vector.broadcast %jit3A_855 : f32 to vector<64x128xf32>
      %select_n3A_857 = arith.select %and3A_848, %slice3A_832, %broadcast_in_dim3A_856 : vector<64x128xi1>, vector<64x128xf32>
      %jit3A_858 = arith.constant 0.000000e+00 : f32
      %broadcast_in_dim3A_859 = vector.broadcast %jit3A_858 : f32 to vector<64x128xf32>
      %select_n3A_860 = arith.select %lt3A_844, %slice3A_833, %broadcast_in_dim3A_859 : vector<64x128xi1>, vector<64x128xf32>
      %min3A_861 = arith.minimumf %max3A_829, %select_n3A_854 : vector<64x128xf32>
      %max3A_862 = arith.maximumf %max3A_828, %min3A_861 : vector<64x128xf32>
      %max3A_863 = arith.maximumf %max3A_829, %select_n3A_854 : vector<64x128xf32>
      %add3A_864 = arith.addf %add3A_830, %select_n3A_857 : vector<64x128xf32>
      %add3A_865 = arith.addf %add3A_831, %select_n3A_860 : vector<64x128xf32>
      %slice3A_866 = vector.extract_strided_slice %get3A_3 {offsets = [0, 3200], sizes = [64, 128], strides = [1, 1]} : vector<64x8192xf32> to vector<64x128xf32>
      %slice3A_867 = vector.extract_strided_slice %get3A_6 {offsets = [0, 3200], sizes = [64, 128], strides = [1, 1]} : vector<64x8192xf32> to vector<64x128xf32>
      %mul3A_868 = arith.constant 8192 : i32
      %mul3A_869 = arith.muli %arg0, %mul3A_868 : i32
      %add3A_870 = arith.constant 32768 : i32
      %add3A_871 = arith.addi %add3A_870, %mul3A_869 : i32
      %add3A_872 = arith.constant 3200 : i32
      %add3A_873 = arith.addi %add3A_871, %add3A_872 : i32
      %add3A_874 = vector.broadcast %add3A_873 : i32 to vector<64x128xi32>
      %add3A_875 = arith.addi %add3A_874, %iota3A : vector<64x128xi32>
      %lt3A_876 = arith.constant 100000 : i32
      %lt3A_877 = vector.broadcast %lt3A_876 : i32 to vector<64x128xi32>
      %lt3A_878 = arith.cmpi slt, %add3A_875, %lt3A_877 : vector<64x128xi32>
      %gt3A_879 = arith.constant 0.000000e+00 : f32
      %gt3A_880 = vector.broadcast %gt3A_879 : f32 to vector<64x128xf32>
      %gt3A_881 = arith.cmpf ogt, %slice3A_867, %gt3A_880 : vector<64x128xf32>
      %and3A_882 = arith.andi %lt3A_878, %gt3A_881 : vector<64x128xi1>
      %not3A_883 = arith.constant dense<true> : vector<64x128xi1>
      %not3A_884 = arith.xori %lt3A_878, %not3A_883 : vector<64x128xi1>
      %or3A_885 = arith.ori %and3A_882, %not3A_884 : vector<64x128xi1>
      %jit3A_886 = arith.constant -1.000000e+30 : f32
      %broadcast_in_dim3A_887 = vector.broadcast %jit3A_886 : f32 to vector<64x128xf32>
      %select_n3A_888 = arith.select %or3A_885, %broadcast_in_dim3A_887, %slice3A_866 : vector<64x128xi1>, vector<64x128xf32>
      %jit3A_889 = arith.constant 0.000000e+00 : f32
      %broadcast_in_dim3A_890 = vector.broadcast %jit3A_889 : f32 to vector<64x128xf32>
      %select_n3A_891 = arith.select %and3A_882, %slice3A_866, %broadcast_in_dim3A_890 : vector<64x128xi1>, vector<64x128xf32>
      %jit3A_892 = arith.constant 0.000000e+00 : f32
      %broadcast_in_dim3A_893 = vector.broadcast %jit3A_892 : f32 to vector<64x128xf32>
      %select_n3A_894 = arith.select %lt3A_878, %slice3A_867, %broadcast_in_dim3A_893 : vector<64x128xi1>, vector<64x128xf32>
      %min3A_895 = arith.minimumf %max3A_863, %select_n3A_888 : vector<64x128xf32>
      %max3A_896 = arith.maximumf %max3A_862, %min3A_895 : vector<64x128xf32>
      %max3A_897 = arith.maximumf %max3A_863, %select_n3A_888 : vector<64x128xf32>
      %add3A_898 = arith.addf %add3A_864, %select_n3A_891 : vector<64x128xf32>
      %add3A_899 = arith.addf %add3A_865, %select_n3A_894 : vector<64x128xf32>
      %slice3A_900 = vector.extract_strided_slice %get3A_3 {offsets = [0, 3328], sizes = [64, 128], strides = [1, 1]} : vector<64x8192xf32> to vector<64x128xf32>
      %slice3A_901 = vector.extract_strided_slice %get3A_6 {offsets = [0, 3328], sizes = [64, 128], strides = [1, 1]} : vector<64x8192xf32> to vector<64x128xf32>
      %mul3A_902 = arith.constant 8192 : i32
      %mul3A_903 = arith.muli %arg0, %mul3A_902 : i32
      %add3A_904 = arith.constant 32768 : i32
      %add3A_905 = arith.addi %add3A_904, %mul3A_903 : i32
      %add3A_906 = arith.constant 3328 : i32
      %add3A_907 = arith.addi %add3A_905, %add3A_906 : i32
      %add3A_908 = vector.broadcast %add3A_907 : i32 to vector<64x128xi32>
      %add3A_909 = arith.addi %add3A_908, %iota3A : vector<64x128xi32>
      %lt3A_910 = arith.constant 100000 : i32
      %lt3A_911 = vector.broadcast %lt3A_910 : i32 to vector<64x128xi32>
      %lt3A_912 = arith.cmpi slt, %add3A_909, %lt3A_911 : vector<64x128xi32>
      %gt3A_913 = arith.constant 0.000000e+00 : f32
      %gt3A_914 = vector.broadcast %gt3A_913 : f32 to vector<64x128xf32>
      %gt3A_915 = arith.cmpf ogt, %slice3A_901, %gt3A_914 : vector<64x128xf32>
      %and3A_916 = arith.andi %lt3A_912, %gt3A_915 : vector<64x128xi1>
      %not3A_917 = arith.constant dense<true> : vector<64x128xi1>
      %not3A_918 = arith.xori %lt3A_912, %not3A_917 : vector<64x128xi1>
      %or3A_919 = arith.ori %and3A_916, %not3A_918 : vector<64x128xi1>
      %jit3A_920 = arith.constant -1.000000e+30 : f32
      %broadcast_in_dim3A_921 = vector.broadcast %jit3A_920 : f32 to vector<64x128xf32>
      %select_n3A_922 = arith.select %or3A_919, %broadcast_in_dim3A_921, %slice3A_900 : vector<64x128xi1>, vector<64x128xf32>
      %jit3A_923 = arith.constant 0.000000e+00 : f32
      %broadcast_in_dim3A_924 = vector.broadcast %jit3A_923 : f32 to vector<64x128xf32>
      %select_n3A_925 = arith.select %and3A_916, %slice3A_900, %broadcast_in_dim3A_924 : vector<64x128xi1>, vector<64x128xf32>
      %jit3A_926 = arith.constant 0.000000e+00 : f32
      %broadcast_in_dim3A_927 = vector.broadcast %jit3A_926 : f32 to vector<64x128xf32>
      %select_n3A_928 = arith.select %lt3A_912, %slice3A_901, %broadcast_in_dim3A_927 : vector<64x128xi1>, vector<64x128xf32>
      %min3A_929 = arith.minimumf %max3A_897, %select_n3A_922 : vector<64x128xf32>
      %max3A_930 = arith.maximumf %max3A_896, %min3A_929 : vector<64x128xf32>
      %max3A_931 = arith.maximumf %max3A_897, %select_n3A_922 : vector<64x128xf32>
      %add3A_932 = arith.addf %add3A_898, %select_n3A_925 : vector<64x128xf32>
      %add3A_933 = arith.addf %add3A_899, %select_n3A_928 : vector<64x128xf32>
      %slice3A_934 = vector.extract_strided_slice %get3A_3 {offsets = [0, 3456], sizes = [64, 128], strides = [1, 1]} : vector<64x8192xf32> to vector<64x128xf32>
      %slice3A_935 = vector.extract_strided_slice %get3A_6 {offsets = [0, 3456], sizes = [64, 128], strides = [1, 1]} : vector<64x8192xf32> to vector<64x128xf32>
      %mul3A_936 = arith.constant 8192 : i32
      %mul3A_937 = arith.muli %arg0, %mul3A_936 : i32
      %add3A_938 = arith.constant 32768 : i32
      %add3A_939 = arith.addi %add3A_938, %mul3A_937 : i32
      %add3A_940 = arith.constant 3456 : i32
      %add3A_941 = arith.addi %add3A_939, %add3A_940 : i32
      %add3A_942 = vector.broadcast %add3A_941 : i32 to vector<64x128xi32>
      %add3A_943 = arith.addi %add3A_942, %iota3A : vector<64x128xi32>
      %lt3A_944 = arith.constant 100000 : i32
      %lt3A_945 = vector.broadcast %lt3A_944 : i32 to vector<64x128xi32>
      %lt3A_946 = arith.cmpi slt, %add3A_943, %lt3A_945 : vector<64x128xi32>
      %gt3A_947 = arith.constant 0.000000e+00 : f32
      %gt3A_948 = vector.broadcast %gt3A_947 : f32 to vector<64x128xf32>
      %gt3A_949 = arith.cmpf ogt, %slice3A_935, %gt3A_948 : vector<64x128xf32>
      %and3A_950 = arith.andi %lt3A_946, %gt3A_949 : vector<64x128xi1>
      %not3A_951 = arith.constant dense<true> : vector<64x128xi1>
      %not3A_952 = arith.xori %lt3A_946, %not3A_951 : vector<64x128xi1>
      %or3A_953 = arith.ori %and3A_950, %not3A_952 : vector<64x128xi1>
      %jit3A_954 = arith.constant -1.000000e+30 : f32
      %broadcast_in_dim3A_955 = vector.broadcast %jit3A_954 : f32 to vector<64x128xf32>
      %select_n3A_956 = arith.select %or3A_953, %broadcast_in_dim3A_955, %slice3A_934 : vector<64x128xi1>, vector<64x128xf32>
      %jit3A_957 = arith.constant 0.000000e+00 : f32
      %broadcast_in_dim3A_958 = vector.broadcast %jit3A_957 : f32 to vector<64x128xf32>
      %select_n3A_959 = arith.select %and3A_950, %slice3A_934, %broadcast_in_dim3A_958 : vector<64x128xi1>, vector<64x128xf32>
      %jit3A_960 = arith.constant 0.000000e+00 : f32
      %broadcast_in_dim3A_961 = vector.broadcast %jit3A_960 : f32 to vector<64x128xf32>
      %select_n3A_962 = arith.select %lt3A_946, %slice3A_935, %broadcast_in_dim3A_961 : vector<64x128xi1>, vector<64x128xf32>
      %min3A_963 = arith.minimumf %max3A_931, %select_n3A_956 : vector<64x128xf32>
      %max3A_964 = arith.maximumf %max3A_930, %min3A_963 : vector<64x128xf32>
      %max3A_965 = arith.maximumf %max3A_931, %select_n3A_956 : vector<64x128xf32>
      %add3A_966 = arith.addf %add3A_932, %select_n3A_959 : vector<64x128xf32>
      %add3A_967 = arith.addf %add3A_933, %select_n3A_962 : vector<64x128xf32>
      %slice3A_968 = vector.extract_strided_slice %get3A_3 {offsets = [0, 3584], sizes = [64, 128], strides = [1, 1]} : vector<64x8192xf32> to vector<64x128xf32>
      %slice3A_969 = vector.extract_strided_slice %get3A_6 {offsets = [0, 3584], sizes = [64, 128], strides = [1, 1]} : vector<64x8192xf32> to vector<64x128xf32>
      %mul3A_970 = arith.constant 8192 : i32
      %mul3A_971 = arith.muli %arg0, %mul3A_970 : i32
      %add3A_972 = arith.constant 32768 : i32
      %add3A_973 = arith.addi %add3A_972, %mul3A_971 : i32
      %add3A_974 = arith.constant 3584 : i32
      %add3A_975 = arith.addi %add3A_973, %add3A_974 : i32
      %add3A_976 = vector.broadcast %add3A_975 : i32 to vector<64x128xi32>
      %add3A_977 = arith.addi %add3A_976, %iota3A : vector<64x128xi32>
      %lt3A_978 = arith.constant 100000 : i32
      %lt3A_979 = vector.broadcast %lt3A_978 : i32 to vector<64x128xi32>
      %lt3A_980 = arith.cmpi slt, %add3A_977, %lt3A_979 : vector<64x128xi32>
      %gt3A_981 = arith.constant 0.000000e+00 : f32
      %gt3A_982 = vector.broadcast %gt3A_981 : f32 to vector<64x128xf32>
      %gt3A_983 = arith.cmpf ogt, %slice3A_969, %gt3A_982 : vector<64x128xf32>
      %and3A_984 = arith.andi %lt3A_980, %gt3A_983 : vector<64x128xi1>
      %not3A_985 = arith.constant dense<true> : vector<64x128xi1>
      %not3A_986 = arith.xori %lt3A_980, %not3A_985 : vector<64x128xi1>
      %or3A_987 = arith.ori %and3A_984, %not3A_986 : vector<64x128xi1>
      %jit3A_988 = arith.constant -1.000000e+30 : f32
      %broadcast_in_dim3A_989 = vector.broadcast %jit3A_988 : f32 to vector<64x128xf32>
      %select_n3A_990 = arith.select %or3A_987, %broadcast_in_dim3A_989, %slice3A_968 : vector<64x128xi1>, vector<64x128xf32>
      %jit3A_991 = arith.constant 0.000000e+00 : f32
      %broadcast_in_dim3A_992 = vector.broadcast %jit3A_991 : f32 to vector<64x128xf32>
      %select_n3A_993 = arith.select %and3A_984, %slice3A_968, %broadcast_in_dim3A_992 : vector<64x128xi1>, vector<64x128xf32>
      %jit3A_994 = arith.constant 0.000000e+00 : f32
      %broadcast_in_dim3A_995 = vector.broadcast %jit3A_994 : f32 to vector<64x128xf32>
      %select_n3A_996 = arith.select %lt3A_980, %slice3A_969, %broadcast_in_dim3A_995 : vector<64x128xi1>, vector<64x128xf32>
      %min3A_997 = arith.minimumf %max3A_965, %select_n3A_990 : vector<64x128xf32>
      %max3A_998 = arith.maximumf %max3A_964, %min3A_997 : vector<64x128xf32>
      %max3A_999 = arith.maximumf %max3A_965, %select_n3A_990 : vector<64x128xf32>
      %add3A_1000 = arith.addf %add3A_966, %select_n3A_993 : vector<64x128xf32>
      %add3A_1001 = arith.addf %add3A_967, %select_n3A_996 : vector<64x128xf32>
      %slice3A_1002 = vector.extract_strided_slice %get3A_3 {offsets = [0, 3712], sizes = [64, 128], strides = [1, 1]} : vector<64x8192xf32> to vector<64x128xf32>
      %slice3A_1003 = vector.extract_strided_slice %get3A_6 {offsets = [0, 3712], sizes = [64, 128], strides = [1, 1]} : vector<64x8192xf32> to vector<64x128xf32>
      %mul3A_1004 = arith.constant 8192 : i32
      %mul3A_1005 = arith.muli %arg0, %mul3A_1004 : i32
      %add3A_1006 = arith.constant 32768 : i32
      %add3A_1007 = arith.addi %add3A_1006, %mul3A_1005 : i32
      %add3A_1008 = arith.constant 3712 : i32
      %add3A_1009 = arith.addi %add3A_1007, %add3A_1008 : i32
      %add3A_1010 = vector.broadcast %add3A_1009 : i32 to vector<64x128xi32>
      %add3A_1011 = arith.addi %add3A_1010, %iota3A : vector<64x128xi32>
      %lt3A_1012 = arith.constant 100000 : i32
      %lt3A_1013 = vector.broadcast %lt3A_1012 : i32 to vector<64x128xi32>
      %lt3A_1014 = arith.cmpi slt, %add3A_1011, %lt3A_1013 : vector<64x128xi32>
      %gt3A_1015 = arith.constant 0.000000e+00 : f32
      %gt3A_1016 = vector.broadcast %gt3A_1015 : f32 to vector<64x128xf32>
      %gt3A_1017 = arith.cmpf ogt, %slice3A_1003, %gt3A_1016 : vector<64x128xf32>
      %and3A_1018 = arith.andi %lt3A_1014, %gt3A_1017 : vector<64x128xi1>
      %not3A_1019 = arith.constant dense<true> : vector<64x128xi1>
      %not3A_1020 = arith.xori %lt3A_1014, %not3A_1019 : vector<64x128xi1>
      %or3A_1021 = arith.ori %and3A_1018, %not3A_1020 : vector<64x128xi1>
      %jit3A_1022 = arith.constant -1.000000e+30 : f32
      %broadcast_in_dim3A_1023 = vector.broadcast %jit3A_1022 : f32 to vector<64x128xf32>
      %select_n3A_1024 = arith.select %or3A_1021, %broadcast_in_dim3A_1023, %slice3A_1002 : vector<64x128xi1>, vector<64x128xf32>
      %jit3A_1025 = arith.constant 0.000000e+00 : f32
      %broadcast_in_dim3A_1026 = vector.broadcast %jit3A_1025 : f32 to vector<64x128xf32>
      %select_n3A_1027 = arith.select %and3A_1018, %slice3A_1002, %broadcast_in_dim3A_1026 : vector<64x128xi1>, vector<64x128xf32>
      %jit3A_1028 = arith.constant 0.000000e+00 : f32
      %broadcast_in_dim3A_1029 = vector.broadcast %jit3A_1028 : f32 to vector<64x128xf32>
      %select_n3A_1030 = arith.select %lt3A_1014, %slice3A_1003, %broadcast_in_dim3A_1029 : vector<64x128xi1>, vector<64x128xf32>
      %min3A_1031 = arith.minimumf %max3A_999, %select_n3A_1024 : vector<64x128xf32>
      %max3A_1032 = arith.maximumf %max3A_998, %min3A_1031 : vector<64x128xf32>
      %max3A_1033 = arith.maximumf %max3A_999, %select_n3A_1024 : vector<64x128xf32>
      %add3A_1034 = arith.addf %add3A_1000, %select_n3A_1027 : vector<64x128xf32>
      %add3A_1035 = arith.addf %add3A_1001, %select_n3A_1030 : vector<64x128xf32>
      %slice3A_1036 = vector.extract_strided_slice %get3A_3 {offsets = [0, 3840], sizes = [64, 128], strides = [1, 1]} : vector<64x8192xf32> to vector<64x128xf32>
      %slice3A_1037 = vector.extract_strided_slice %get3A_6 {offsets = [0, 3840], sizes = [64, 128], strides = [1, 1]} : vector<64x8192xf32> to vector<64x128xf32>
      %mul3A_1038 = arith.constant 8192 : i32
      %mul3A_1039 = arith.muli %arg0, %mul3A_1038 : i32
      %add3A_1040 = arith.constant 32768 : i32
      %add3A_1041 = arith.addi %add3A_1040, %mul3A_1039 : i32
      %add3A_1042 = arith.constant 3840 : i32
      %add3A_1043 = arith.addi %add3A_1041, %add3A_1042 : i32
      %add3A_1044 = vector.broadcast %add3A_1043 : i32 to vector<64x128xi32>
      %add3A_1045 = arith.addi %add3A_1044, %iota3A : vector<64x128xi32>
      %lt3A_1046 = arith.constant 100000 : i32
      %lt3A_1047 = vector.broadcast %lt3A_1046 : i32 to vector<64x128xi32>
      %lt3A_1048 = arith.cmpi slt, %add3A_1045, %lt3A_1047 : vector<64x128xi32>
      %gt3A_1049 = arith.constant 0.000000e+00 : f32
      %gt3A_1050 = vector.broadcast %gt3A_1049 : f32 to vector<64x128xf32>
      %gt3A_1051 = arith.cmpf ogt, %slice3A_1037, %gt3A_1050 : vector<64x128xf32>
      %and3A_1052 = arith.andi %lt3A_1048, %gt3A_1051 : vector<64x128xi1>
      %not3A_1053 = arith.constant dense<true> : vector<64x128xi1>
      %not3A_1054 = arith.xori %lt3A_1048, %not3A_1053 : vector<64x128xi1>
      %or3A_1055 = arith.ori %and3A_1052, %not3A_1054 : vector<64x128xi1>
      %jit3A_1056 = arith.constant -1.000000e+30 : f32
      %broadcast_in_dim3A_1057 = vector.broadcast %jit3A_1056 : f32 to vector<64x128xf32>
      %select_n3A_1058 = arith.select %or3A_1055, %broadcast_in_dim3A_1057, %slice3A_1036 : vector<64x128xi1>, vector<64x128xf32>
      %jit3A_1059 = arith.constant 0.000000e+00 : f32
      %broadcast_in_dim3A_1060 = vector.broadcast %jit3A_1059 : f32 to vector<64x128xf32>
      %select_n3A_1061 = arith.select %and3A_1052, %slice3A_1036, %broadcast_in_dim3A_1060 : vector<64x128xi1>, vector<64x128xf32>
      %jit3A_1062 = arith.constant 0.000000e+00 : f32
      %broadcast_in_dim3A_1063 = vector.broadcast %jit3A_1062 : f32 to vector<64x128xf32>
      %select_n3A_1064 = arith.select %lt3A_1048, %slice3A_1037, %broadcast_in_dim3A_1063 : vector<64x128xi1>, vector<64x128xf32>
      %min3A_1065 = arith.minimumf %max3A_1033, %select_n3A_1058 : vector<64x128xf32>
      %max3A_1066 = arith.maximumf %max3A_1032, %min3A_1065 : vector<64x128xf32>
      %max3A_1067 = arith.maximumf %max3A_1033, %select_n3A_1058 : vector<64x128xf32>
      %add3A_1068 = arith.addf %add3A_1034, %select_n3A_1061 : vector<64x128xf32>
      %add3A_1069 = arith.addf %add3A_1035, %select_n3A_1064 : vector<64x128xf32>
      %slice3A_1070 = vector.extract_strided_slice %get3A_3 {offsets = [0, 3968], sizes = [64, 128], strides = [1, 1]} : vector<64x8192xf32> to vector<64x128xf32>
      %slice3A_1071 = vector.extract_strided_slice %get3A_6 {offsets = [0, 3968], sizes = [64, 128], strides = [1, 1]} : vector<64x8192xf32> to vector<64x128xf32>
      %mul3A_1072 = arith.constant 8192 : i32
      %mul3A_1073 = arith.muli %arg0, %mul3A_1072 : i32
      %add3A_1074 = arith.constant 32768 : i32
      %add3A_1075 = arith.addi %add3A_1074, %mul3A_1073 : i32
      %add3A_1076 = arith.constant 3968 : i32
      %add3A_1077 = arith.addi %add3A_1075, %add3A_1076 : i32
      %add3A_1078 = vector.broadcast %add3A_1077 : i32 to vector<64x128xi32>
      %add3A_1079 = arith.addi %add3A_1078, %iota3A : vector<64x128xi32>
      %lt3A_1080 = arith.constant 100000 : i32
      %lt3A_1081 = vector.broadcast %lt3A_1080 : i32 to vector<64x128xi32>
      %lt3A_1082 = arith.cmpi slt, %add3A_1079, %lt3A_1081 : vector<64x128xi32>
      %gt3A_1083 = arith.constant 0.000000e+00 : f32
      %gt3A_1084 = vector.broadcast %gt3A_1083 : f32 to vector<64x128xf32>
      %gt3A_1085 = arith.cmpf ogt, %slice3A_1071, %gt3A_1084 : vector<64x128xf32>
      %and3A_1086 = arith.andi %lt3A_1082, %gt3A_1085 : vector<64x128xi1>
      %not3A_1087 = arith.constant dense<true> : vector<64x128xi1>
      %not3A_1088 = arith.xori %lt3A_1082, %not3A_1087 : vector<64x128xi1>
      %or3A_1089 = arith.ori %and3A_1086, %not3A_1088 : vector<64x128xi1>
      %jit3A_1090 = arith.constant -1.000000e+30 : f32
      %broadcast_in_dim3A_1091 = vector.broadcast %jit3A_1090 : f32 to vector<64x128xf32>
      %select_n3A_1092 = arith.select %or3A_1089, %broadcast_in_dim3A_1091, %slice3A_1070 : vector<64x128xi1>, vector<64x128xf32>
      %jit3A_1093 = arith.constant 0.000000e+00 : f32
      %broadcast_in_dim3A_1094 = vector.broadcast %jit3A_1093 : f32 to vector<64x128xf32>
      %select_n3A_1095 = arith.select %and3A_1086, %slice3A_1070, %broadcast_in_dim3A_1094 : vector<64x128xi1>, vector<64x128xf32>
      %jit3A_1096 = arith.constant 0.000000e+00 : f32
      %broadcast_in_dim3A_1097 = vector.broadcast %jit3A_1096 : f32 to vector<64x128xf32>
      %select_n3A_1098 = arith.select %lt3A_1082, %slice3A_1071, %broadcast_in_dim3A_1097 : vector<64x128xi1>, vector<64x128xf32>
      %min3A_1099 = arith.minimumf %max3A_1067, %select_n3A_1092 : vector<64x128xf32>
      %max3A_1100 = arith.maximumf %max3A_1066, %min3A_1099 : vector<64x128xf32>
      %max3A_1101 = arith.maximumf %max3A_1067, %select_n3A_1092 : vector<64x128xf32>
      %add3A_1102 = arith.addf %add3A_1068, %select_n3A_1095 : vector<64x128xf32>
      %add3A_1103 = arith.addf %add3A_1069, %select_n3A_1098 : vector<64x128xf32>
      %slice3A_1104 = vector.extract_strided_slice %get3A_3 {offsets = [0, 4096], sizes = [64, 128], strides = [1, 1]} : vector<64x8192xf32> to vector<64x128xf32>
      %slice3A_1105 = vector.extract_strided_slice %get3A_6 {offsets = [0, 4096], sizes = [64, 128], strides = [1, 1]} : vector<64x8192xf32> to vector<64x128xf32>
      %mul3A_1106 = arith.constant 8192 : i32
      %mul3A_1107 = arith.muli %arg0, %mul3A_1106 : i32
      %add3A_1108 = arith.constant 32768 : i32
      %add3A_1109 = arith.addi %add3A_1108, %mul3A_1107 : i32
      %add3A_1110 = arith.constant 4096 : i32
      %add3A_1111 = arith.addi %add3A_1109, %add3A_1110 : i32
      %add3A_1112 = vector.broadcast %add3A_1111 : i32 to vector<64x128xi32>
      %add3A_1113 = arith.addi %add3A_1112, %iota3A : vector<64x128xi32>
      %lt3A_1114 = arith.constant 100000 : i32
      %lt3A_1115 = vector.broadcast %lt3A_1114 : i32 to vector<64x128xi32>
      %lt3A_1116 = arith.cmpi slt, %add3A_1113, %lt3A_1115 : vector<64x128xi32>
      %gt3A_1117 = arith.constant 0.000000e+00 : f32
      %gt3A_1118 = vector.broadcast %gt3A_1117 : f32 to vector<64x128xf32>
      %gt3A_1119 = arith.cmpf ogt, %slice3A_1105, %gt3A_1118 : vector<64x128xf32>
      %and3A_1120 = arith.andi %lt3A_1116, %gt3A_1119 : vector<64x128xi1>
      %not3A_1121 = arith.constant dense<true> : vector<64x128xi1>
      %not3A_1122 = arith.xori %lt3A_1116, %not3A_1121 : vector<64x128xi1>
      %or3A_1123 = arith.ori %and3A_1120, %not3A_1122 : vector<64x128xi1>
      %jit3A_1124 = arith.constant -1.000000e+30 : f32
      %broadcast_in_dim3A_1125 = vector.broadcast %jit3A_1124 : f32 to vector<64x128xf32>
      %select_n3A_1126 = arith.select %or3A_1123, %broadcast_in_dim3A_1125, %slice3A_1104 : vector<64x128xi1>, vector<64x128xf32>
      %jit3A_1127 = arith.constant 0.000000e+00 : f32
      %broadcast_in_dim3A_1128 = vector.broadcast %jit3A_1127 : f32 to vector<64x128xf32>
      %select_n3A_1129 = arith.select %and3A_1120, %slice3A_1104, %broadcast_in_dim3A_1128 : vector<64x128xi1>, vector<64x128xf32>
      %jit3A_1130 = arith.constant 0.000000e+00 : f32
      %broadcast_in_dim3A_1131 = vector.broadcast %jit3A_1130 : f32 to vector<64x128xf32>
      %select_n3A_1132 = arith.select %lt3A_1116, %slice3A_1105, %broadcast_in_dim3A_1131 : vector<64x128xi1>, vector<64x128xf32>
      %min3A_1133 = arith.minimumf %max3A_1101, %select_n3A_1126 : vector<64x128xf32>
      %max3A_1134 = arith.maximumf %max3A_1100, %min3A_1133 : vector<64x128xf32>
      %max3A_1135 = arith.maximumf %max3A_1101, %select_n3A_1126 : vector<64x128xf32>
      %add3A_1136 = arith.addf %add3A_1102, %select_n3A_1129 : vector<64x128xf32>
      %add3A_1137 = arith.addf %add3A_1103, %select_n3A_1132 : vector<64x128xf32>
      %slice3A_1138 = vector.extract_strided_slice %get3A_3 {offsets = [0, 4224], sizes = [64, 128], strides = [1, 1]} : vector<64x8192xf32> to vector<64x128xf32>
      %slice3A_1139 = vector.extract_strided_slice %get3A_6 {offsets = [0, 4224], sizes = [64, 128], strides = [1, 1]} : vector<64x8192xf32> to vector<64x128xf32>
      %mul3A_1140 = arith.constant 8192 : i32
      %mul3A_1141 = arith.muli %arg0, %mul3A_1140 : i32
      %add3A_1142 = arith.constant 32768 : i32
      %add3A_1143 = arith.addi %add3A_1142, %mul3A_1141 : i32
      %add3A_1144 = arith.constant 4224 : i32
      %add3A_1145 = arith.addi %add3A_1143, %add3A_1144 : i32
      %add3A_1146 = vector.broadcast %add3A_1145 : i32 to vector<64x128xi32>
      %add3A_1147 = arith.addi %add3A_1146, %iota3A : vector<64x128xi32>
      %lt3A_1148 = arith.constant 100000 : i32
      %lt3A_1149 = vector.broadcast %lt3A_1148 : i32 to vector<64x128xi32>
      %lt3A_1150 = arith.cmpi slt, %add3A_1147, %lt3A_1149 : vector<64x128xi32>
      %gt3A_1151 = arith.constant 0.000000e+00 : f32
      %gt3A_1152 = vector.broadcast %gt3A_1151 : f32 to vector<64x128xf32>
      %gt3A_1153 = arith.cmpf ogt, %slice3A_1139, %gt3A_1152 : vector<64x128xf32>
      %and3A_1154 = arith.andi %lt3A_1150, %gt3A_1153 : vector<64x128xi1>
      %not3A_1155 = arith.constant dense<true> : vector<64x128xi1>
      %not3A_1156 = arith.xori %lt3A_1150, %not3A_1155 : vector<64x128xi1>
      %or3A_1157 = arith.ori %and3A_1154, %not3A_1156 : vector<64x128xi1>
      %jit3A_1158 = arith.constant -1.000000e+30 : f32
      %broadcast_in_dim3A_1159 = vector.broadcast %jit3A_1158 : f32 to vector<64x128xf32>
      %select_n3A_1160 = arith.select %or3A_1157, %broadcast_in_dim3A_1159, %slice3A_1138 : vector<64x128xi1>, vector<64x128xf32>
      %jit3A_1161 = arith.constant 0.000000e+00 : f32
      %broadcast_in_dim3A_1162 = vector.broadcast %jit3A_1161 : f32 to vector<64x128xf32>
      %select_n3A_1163 = arith.select %and3A_1154, %slice3A_1138, %broadcast_in_dim3A_1162 : vector<64x128xi1>, vector<64x128xf32>
      %jit3A_1164 = arith.constant 0.000000e+00 : f32
      %broadcast_in_dim3A_1165 = vector.broadcast %jit3A_1164 : f32 to vector<64x128xf32>
      %select_n3A_1166 = arith.select %lt3A_1150, %slice3A_1139, %broadcast_in_dim3A_1165 : vector<64x128xi1>, vector<64x128xf32>
      %min3A_1167 = arith.minimumf %max3A_1135, %select_n3A_1160 : vector<64x128xf32>
      %max3A_1168 = arith.maximumf %max3A_1134, %min3A_1167 : vector<64x128xf32>
      %max3A_1169 = arith.maximumf %max3A_1135, %select_n3A_1160 : vector<64x128xf32>
      %add3A_1170 = arith.addf %add3A_1136, %select_n3A_1163 : vector<64x128xf32>
      %add3A_1171 = arith.addf %add3A_1137, %select_n3A_1166 : vector<64x128xf32>
      %slice3A_1172 = vector.extract_strided_slice %get3A_3 {offsets = [0, 4352], sizes = [64, 128], strides = [1, 1]} : vector<64x8192xf32> to vector<64x128xf32>
      %slice3A_1173 = vector.extract_strided_slice %get3A_6 {offsets = [0, 4352], sizes = [64, 128], strides = [1, 1]} : vector<64x8192xf32> to vector<64x128xf32>
      %mul3A_1174 = arith.constant 8192 : i32
      %mul3A_1175 = arith.muli %arg0, %mul3A_1174 : i32
      %add3A_1176 = arith.constant 32768 : i32
      %add3A_1177 = arith.addi %add3A_1176, %mul3A_1175 : i32
      %add3A_1178 = arith.constant 4352 : i32
      %add3A_1179 = arith.addi %add3A_1177, %add3A_1178 : i32
      %add3A_1180 = vector.broadcast %add3A_1179 : i32 to vector<64x128xi32>
      %add3A_1181 = arith.addi %add3A_1180, %iota3A : vector<64x128xi32>
      %lt3A_1182 = arith.constant 100000 : i32
      %lt3A_1183 = vector.broadcast %lt3A_1182 : i32 to vector<64x128xi32>
      %lt3A_1184 = arith.cmpi slt, %add3A_1181, %lt3A_1183 : vector<64x128xi32>
      %gt3A_1185 = arith.constant 0.000000e+00 : f32
      %gt3A_1186 = vector.broadcast %gt3A_1185 : f32 to vector<64x128xf32>
      %gt3A_1187 = arith.cmpf ogt, %slice3A_1173, %gt3A_1186 : vector<64x128xf32>
      %and3A_1188 = arith.andi %lt3A_1184, %gt3A_1187 : vector<64x128xi1>
      %not3A_1189 = arith.constant dense<true> : vector<64x128xi1>
      %not3A_1190 = arith.xori %lt3A_1184, %not3A_1189 : vector<64x128xi1>
      %or3A_1191 = arith.ori %and3A_1188, %not3A_1190 : vector<64x128xi1>
      %jit3A_1192 = arith.constant -1.000000e+30 : f32
      %broadcast_in_dim3A_1193 = vector.broadcast %jit3A_1192 : f32 to vector<64x128xf32>
      %select_n3A_1194 = arith.select %or3A_1191, %broadcast_in_dim3A_1193, %slice3A_1172 : vector<64x128xi1>, vector<64x128xf32>
      %jit3A_1195 = arith.constant 0.000000e+00 : f32
      %broadcast_in_dim3A_1196 = vector.broadcast %jit3A_1195 : f32 to vector<64x128xf32>
      %select_n3A_1197 = arith.select %and3A_1188, %slice3A_1172, %broadcast_in_dim3A_1196 : vector<64x128xi1>, vector<64x128xf32>
      %jit3A_1198 = arith.constant 0.000000e+00 : f32
      %broadcast_in_dim3A_1199 = vector.broadcast %jit3A_1198 : f32 to vector<64x128xf32>
      %select_n3A_1200 = arith.select %lt3A_1184, %slice3A_1173, %broadcast_in_dim3A_1199 : vector<64x128xi1>, vector<64x128xf32>
      %min3A_1201 = arith.minimumf %max3A_1169, %select_n3A_1194 : vector<64x128xf32>
      %max3A_1202 = arith.maximumf %max3A_1168, %min3A_1201 : vector<64x128xf32>
      %max3A_1203 = arith.maximumf %max3A_1169, %select_n3A_1194 : vector<64x128xf32>
      %add3A_1204 = arith.addf %add3A_1170, %select_n3A_1197 : vector<64x128xf32>
      %add3A_1205 = arith.addf %add3A_1171, %select_n3A_1200 : vector<64x128xf32>
      %slice3A_1206 = vector.extract_strided_slice %get3A_3 {offsets = [0, 4480], sizes = [64, 128], strides = [1, 1]} : vector<64x8192xf32> to vector<64x128xf32>
      %slice3A_1207 = vector.extract_strided_slice %get3A_6 {offsets = [0, 4480], sizes = [64, 128], strides = [1, 1]} : vector<64x8192xf32> to vector<64x128xf32>
      %mul3A_1208 = arith.constant 8192 : i32
      %mul3A_1209 = arith.muli %arg0, %mul3A_1208 : i32
      %add3A_1210 = arith.constant 32768 : i32
      %add3A_1211 = arith.addi %add3A_1210, %mul3A_1209 : i32
      %add3A_1212 = arith.constant 4480 : i32
      %add3A_1213 = arith.addi %add3A_1211, %add3A_1212 : i32
      %add3A_1214 = vector.broadcast %add3A_1213 : i32 to vector<64x128xi32>
      %add3A_1215 = arith.addi %add3A_1214, %iota3A : vector<64x128xi32>
      %lt3A_1216 = arith.constant 100000 : i32
      %lt3A_1217 = vector.broadcast %lt3A_1216 : i32 to vector<64x128xi32>
      %lt3A_1218 = arith.cmpi slt, %add3A_1215, %lt3A_1217 : vector<64x128xi32>
      %gt3A_1219 = arith.constant 0.000000e+00 : f32
      %gt3A_1220 = vector.broadcast %gt3A_1219 : f32 to vector<64x128xf32>
      %gt3A_1221 = arith.cmpf ogt, %slice3A_1207, %gt3A_1220 : vector<64x128xf32>
      %and3A_1222 = arith.andi %lt3A_1218, %gt3A_1221 : vector<64x128xi1>
      %not3A_1223 = arith.constant dense<true> : vector<64x128xi1>
      %not3A_1224 = arith.xori %lt3A_1218, %not3A_1223 : vector<64x128xi1>
      %or3A_1225 = arith.ori %and3A_1222, %not3A_1224 : vector<64x128xi1>
      %jit3A_1226 = arith.constant -1.000000e+30 : f32
      %broadcast_in_dim3A_1227 = vector.broadcast %jit3A_1226 : f32 to vector<64x128xf32>
      %select_n3A_1228 = arith.select %or3A_1225, %broadcast_in_dim3A_1227, %slice3A_1206 : vector<64x128xi1>, vector<64x128xf32>
      %jit3A_1229 = arith.constant 0.000000e+00 : f32
      %broadcast_in_dim3A_1230 = vector.broadcast %jit3A_1229 : f32 to vector<64x128xf32>
      %select_n3A_1231 = arith.select %and3A_1222, %slice3A_1206, %broadcast_in_dim3A_1230 : vector<64x128xi1>, vector<64x128xf32>
      %jit3A_1232 = arith.constant 0.000000e+00 : f32
      %broadcast_in_dim3A_1233 = vector.broadcast %jit3A_1232 : f32 to vector<64x128xf32>
      %select_n3A_1234 = arith.select %lt3A_1218, %slice3A_1207, %broadcast_in_dim3A_1233 : vector<64x128xi1>, vector<64x128xf32>
      %min3A_1235 = arith.minimumf %max3A_1203, %select_n3A_1228 : vector<64x128xf32>
      %max3A_1236 = arith.maximumf %max3A_1202, %min3A_1235 : vector<64x128xf32>
      %max3A_1237 = arith.maximumf %max3A_1203, %select_n3A_1228 : vector<64x128xf32>
      %add3A_1238 = arith.addf %add3A_1204, %select_n3A_1231 : vector<64x128xf32>
      %add3A_1239 = arith.addf %add3A_1205, %select_n3A_1234 : vector<64x128xf32>
      %slice3A_1240 = vector.extract_strided_slice %get3A_3 {offsets = [0, 4608], sizes = [64, 128], strides = [1, 1]} : vector<64x8192xf32> to vector<64x128xf32>
      %slice3A_1241 = vector.extract_strided_slice %get3A_6 {offsets = [0, 4608], sizes = [64, 128], strides = [1, 1]} : vector<64x8192xf32> to vector<64x128xf32>
      %mul3A_1242 = arith.constant 8192 : i32
      %mul3A_1243 = arith.muli %arg0, %mul3A_1242 : i32
      %add3A_1244 = arith.constant 32768 : i32
      %add3A_1245 = arith.addi %add3A_1244, %mul3A_1243 : i32
      %add3A_1246 = arith.constant 4608 : i32
      %add3A_1247 = arith.addi %add3A_1245, %add3A_1246 : i32
      %add3A_1248 = vector.broadcast %add3A_1247 : i32 to vector<64x128xi32>
      %add3A_1249 = arith.addi %add3A_1248, %iota3A : vector<64x128xi32>
      %lt3A_1250 = arith.constant 100000 : i32
      %lt3A_1251 = vector.broadcast %lt3A_1250 : i32 to vector<64x128xi32>
      %lt3A_1252 = arith.cmpi slt, %add3A_1249, %lt3A_1251 : vector<64x128xi32>
      %gt3A_1253 = arith.constant 0.000000e+00 : f32
      %gt3A_1254 = vector.broadcast %gt3A_1253 : f32 to vector<64x128xf32>
      %gt3A_1255 = arith.cmpf ogt, %slice3A_1241, %gt3A_1254 : vector<64x128xf32>
      %and3A_1256 = arith.andi %lt3A_1252, %gt3A_1255 : vector<64x128xi1>
      %not3A_1257 = arith.constant dense<true> : vector<64x128xi1>
      %not3A_1258 = arith.xori %lt3A_1252, %not3A_1257 : vector<64x128xi1>
      %or3A_1259 = arith.ori %and3A_1256, %not3A_1258 : vector<64x128xi1>
      %jit3A_1260 = arith.constant -1.000000e+30 : f32
      %broadcast_in_dim3A_1261 = vector.broadcast %jit3A_1260 : f32 to vector<64x128xf32>
      %select_n3A_1262 = arith.select %or3A_1259, %broadcast_in_dim3A_1261, %slice3A_1240 : vector<64x128xi1>, vector<64x128xf32>
      %jit3A_1263 = arith.constant 0.000000e+00 : f32
      %broadcast_in_dim3A_1264 = vector.broadcast %jit3A_1263 : f32 to vector<64x128xf32>
      %select_n3A_1265 = arith.select %and3A_1256, %slice3A_1240, %broadcast_in_dim3A_1264 : vector<64x128xi1>, vector<64x128xf32>
      %jit3A_1266 = arith.constant 0.000000e+00 : f32
      %broadcast_in_dim3A_1267 = vector.broadcast %jit3A_1266 : f32 to vector<64x128xf32>
      %select_n3A_1268 = arith.select %lt3A_1252, %slice3A_1241, %broadcast_in_dim3A_1267 : vector<64x128xi1>, vector<64x128xf32>
      %min3A_1269 = arith.minimumf %max3A_1237, %select_n3A_1262 : vector<64x128xf32>
      %max3A_1270 = arith.maximumf %max3A_1236, %min3A_1269 : vector<64x128xf32>
      %max3A_1271 = arith.maximumf %max3A_1237, %select_n3A_1262 : vector<64x128xf32>
      %add3A_1272 = arith.addf %add3A_1238, %select_n3A_1265 : vector<64x128xf32>
      %add3A_1273 = arith.addf %add3A_1239, %select_n3A_1268 : vector<64x128xf32>
      %slice3A_1274 = vector.extract_strided_slice %get3A_3 {offsets = [0, 4736], sizes = [64, 128], strides = [1, 1]} : vector<64x8192xf32> to vector<64x128xf32>
      %slice3A_1275 = vector.extract_strided_slice %get3A_6 {offsets = [0, 4736], sizes = [64, 128], strides = [1, 1]} : vector<64x8192xf32> to vector<64x128xf32>
      %mul3A_1276 = arith.constant 8192 : i32
      %mul3A_1277 = arith.muli %arg0, %mul3A_1276 : i32
      %add3A_1278 = arith.constant 32768 : i32
      %add3A_1279 = arith.addi %add3A_1278, %mul3A_1277 : i32
      %add3A_1280 = arith.constant 4736 : i32
      %add3A_1281 = arith.addi %add3A_1279, %add3A_1280 : i32
      %add3A_1282 = vector.broadcast %add3A_1281 : i32 to vector<64x128xi32>
      %add3A_1283 = arith.addi %add3A_1282, %iota3A : vector<64x128xi32>
      %lt3A_1284 = arith.constant 100000 : i32
      %lt3A_1285 = vector.broadcast %lt3A_1284 : i32 to vector<64x128xi32>
      %lt3A_1286 = arith.cmpi slt, %add3A_1283, %lt3A_1285 : vector<64x128xi32>
      %gt3A_1287 = arith.constant 0.000000e+00 : f32
      %gt3A_1288 = vector.broadcast %gt3A_1287 : f32 to vector<64x128xf32>
      %gt3A_1289 = arith.cmpf ogt, %slice3A_1275, %gt3A_1288 : vector<64x128xf32>
      %and3A_1290 = arith.andi %lt3A_1286, %gt3A_1289 : vector<64x128xi1>
      %not3A_1291 = arith.constant dense<true> : vector<64x128xi1>
      %not3A_1292 = arith.xori %lt3A_1286, %not3A_1291 : vector<64x128xi1>
      %or3A_1293 = arith.ori %and3A_1290, %not3A_1292 : vector<64x128xi1>
      %jit3A_1294 = arith.constant -1.000000e+30 : f32
      %broadcast_in_dim3A_1295 = vector.broadcast %jit3A_1294 : f32 to vector<64x128xf32>
      %select_n3A_1296 = arith.select %or3A_1293, %broadcast_in_dim3A_1295, %slice3A_1274 : vector<64x128xi1>, vector<64x128xf32>
      %jit3A_1297 = arith.constant 0.000000e+00 : f32
      %broadcast_in_dim3A_1298 = vector.broadcast %jit3A_1297 : f32 to vector<64x128xf32>
      %select_n3A_1299 = arith.select %and3A_1290, %slice3A_1274, %broadcast_in_dim3A_1298 : vector<64x128xi1>, vector<64x128xf32>
      %jit3A_1300 = arith.constant 0.000000e+00 : f32
      %broadcast_in_dim3A_1301 = vector.broadcast %jit3A_1300 : f32 to vector<64x128xf32>
      %select_n3A_1302 = arith.select %lt3A_1286, %slice3A_1275, %broadcast_in_dim3A_1301 : vector<64x128xi1>, vector<64x128xf32>
      %min3A_1303 = arith.minimumf %max3A_1271, %select_n3A_1296 : vector<64x128xf32>
      %max3A_1304 = arith.maximumf %max3A_1270, %min3A_1303 : vector<64x128xf32>
      %max3A_1305 = arith.maximumf %max3A_1271, %select_n3A_1296 : vector<64x128xf32>
      %add3A_1306 = arith.addf %add3A_1272, %select_n3A_1299 : vector<64x128xf32>
      %add3A_1307 = arith.addf %add3A_1273, %select_n3A_1302 : vector<64x128xf32>
      %slice3A_1308 = vector.extract_strided_slice %get3A_3 {offsets = [0, 4864], sizes = [64, 128], strides = [1, 1]} : vector<64x8192xf32> to vector<64x128xf32>
      %slice3A_1309 = vector.extract_strided_slice %get3A_6 {offsets = [0, 4864], sizes = [64, 128], strides = [1, 1]} : vector<64x8192xf32> to vector<64x128xf32>
      %mul3A_1310 = arith.constant 8192 : i32
      %mul3A_1311 = arith.muli %arg0, %mul3A_1310 : i32
      %add3A_1312 = arith.constant 32768 : i32
      %add3A_1313 = arith.addi %add3A_1312, %mul3A_1311 : i32
      %add3A_1314 = arith.constant 4864 : i32
      %add3A_1315 = arith.addi %add3A_1313, %add3A_1314 : i32
      %add3A_1316 = vector.broadcast %add3A_1315 : i32 to vector<64x128xi32>
      %add3A_1317 = arith.addi %add3A_1316, %iota3A : vector<64x128xi32>
      %lt3A_1318 = arith.constant 100000 : i32
      %lt3A_1319 = vector.broadcast %lt3A_1318 : i32 to vector<64x128xi32>
      %lt3A_1320 = arith.cmpi slt, %add3A_1317, %lt3A_1319 : vector<64x128xi32>
      %gt3A_1321 = arith.constant 0.000000e+00 : f32
      %gt3A_1322 = vector.broadcast %gt3A_1321 : f32 to vector<64x128xf32>
      %gt3A_1323 = arith.cmpf ogt, %slice3A_1309, %gt3A_1322 : vector<64x128xf32>
      %and3A_1324 = arith.andi %lt3A_1320, %gt3A_1323 : vector<64x128xi1>
      %not3A_1325 = arith.constant dense<true> : vector<64x128xi1>
      %not3A_1326 = arith.xori %lt3A_1320, %not3A_1325 : vector<64x128xi1>
      %or3A_1327 = arith.ori %and3A_1324, %not3A_1326 : vector<64x128xi1>
      %jit3A_1328 = arith.constant -1.000000e+30 : f32
      %broadcast_in_dim3A_1329 = vector.broadcast %jit3A_1328 : f32 to vector<64x128xf32>
      %select_n3A_1330 = arith.select %or3A_1327, %broadcast_in_dim3A_1329, %slice3A_1308 : vector<64x128xi1>, vector<64x128xf32>
      %jit3A_1331 = arith.constant 0.000000e+00 : f32
      %broadcast_in_dim3A_1332 = vector.broadcast %jit3A_1331 : f32 to vector<64x128xf32>
      %select_n3A_1333 = arith.select %and3A_1324, %slice3A_1308, %broadcast_in_dim3A_1332 : vector<64x128xi1>, vector<64x128xf32>
      %jit3A_1334 = arith.constant 0.000000e+00 : f32
      %broadcast_in_dim3A_1335 = vector.broadcast %jit3A_1334 : f32 to vector<64x128xf32>
      %select_n3A_1336 = arith.select %lt3A_1320, %slice3A_1309, %broadcast_in_dim3A_1335 : vector<64x128xi1>, vector<64x128xf32>
      %min3A_1337 = arith.minimumf %max3A_1305, %select_n3A_1330 : vector<64x128xf32>
      %max3A_1338 = arith.maximumf %max3A_1304, %min3A_1337 : vector<64x128xf32>
      %max3A_1339 = arith.maximumf %max3A_1305, %select_n3A_1330 : vector<64x128xf32>
      %add3A_1340 = arith.addf %add3A_1306, %select_n3A_1333 : vector<64x128xf32>
      %add3A_1341 = arith.addf %add3A_1307, %select_n3A_1336 : vector<64x128xf32>
      %slice3A_1342 = vector.extract_strided_slice %get3A_3 {offsets = [0, 4992], sizes = [64, 128], strides = [1, 1]} : vector<64x8192xf32> to vector<64x128xf32>
      %slice3A_1343 = vector.extract_strided_slice %get3A_6 {offsets = [0, 4992], sizes = [64, 128], strides = [1, 1]} : vector<64x8192xf32> to vector<64x128xf32>
      %mul3A_1344 = arith.constant 8192 : i32
      %mul3A_1345 = arith.muli %arg0, %mul3A_1344 : i32
      %add3A_1346 = arith.constant 32768 : i32
      %add3A_1347 = arith.addi %add3A_1346, %mul3A_1345 : i32
      %add3A_1348 = arith.constant 4992 : i32
      %add3A_1349 = arith.addi %add3A_1347, %add3A_1348 : i32
      %add3A_1350 = vector.broadcast %add3A_1349 : i32 to vector<64x128xi32>
      %add3A_1351 = arith.addi %add3A_1350, %iota3A : vector<64x128xi32>
      %lt3A_1352 = arith.constant 100000 : i32
      %lt3A_1353 = vector.broadcast %lt3A_1352 : i32 to vector<64x128xi32>
      %lt3A_1354 = arith.cmpi slt, %add3A_1351, %lt3A_1353 : vector<64x128xi32>
      %gt3A_1355 = arith.constant 0.000000e+00 : f32
      %gt3A_1356 = vector.broadcast %gt3A_1355 : f32 to vector<64x128xf32>
      %gt3A_1357 = arith.cmpf ogt, %slice3A_1343, %gt3A_1356 : vector<64x128xf32>
      %and3A_1358 = arith.andi %lt3A_1354, %gt3A_1357 : vector<64x128xi1>
      %not3A_1359 = arith.constant dense<true> : vector<64x128xi1>
      %not3A_1360 = arith.xori %lt3A_1354, %not3A_1359 : vector<64x128xi1>
      %or3A_1361 = arith.ori %and3A_1358, %not3A_1360 : vector<64x128xi1>
      %jit3A_1362 = arith.constant -1.000000e+30 : f32
      %broadcast_in_dim3A_1363 = vector.broadcast %jit3A_1362 : f32 to vector<64x128xf32>
      %select_n3A_1364 = arith.select %or3A_1361, %broadcast_in_dim3A_1363, %slice3A_1342 : vector<64x128xi1>, vector<64x128xf32>
      %jit3A_1365 = arith.constant 0.000000e+00 : f32
      %broadcast_in_dim3A_1366 = vector.broadcast %jit3A_1365 : f32 to vector<64x128xf32>
      %select_n3A_1367 = arith.select %and3A_1358, %slice3A_1342, %broadcast_in_dim3A_1366 : vector<64x128xi1>, vector<64x128xf32>
      %jit3A_1368 = arith.constant 0.000000e+00 : f32
      %broadcast_in_dim3A_1369 = vector.broadcast %jit3A_1368 : f32 to vector<64x128xf32>
      %select_n3A_1370 = arith.select %lt3A_1354, %slice3A_1343, %broadcast_in_dim3A_1369 : vector<64x128xi1>, vector<64x128xf32>
      %min3A_1371 = arith.minimumf %max3A_1339, %select_n3A_1364 : vector<64x128xf32>
      %max3A_1372 = arith.maximumf %max3A_1338, %min3A_1371 : vector<64x128xf32>
      %max3A_1373 = arith.maximumf %max3A_1339, %select_n3A_1364 : vector<64x128xf32>
      %add3A_1374 = arith.addf %add3A_1340, %select_n3A_1367 : vector<64x128xf32>
      %add3A_1375 = arith.addf %add3A_1341, %select_n3A_1370 : vector<64x128xf32>
      %slice3A_1376 = vector.extract_strided_slice %get3A_3 {offsets = [0, 5120], sizes = [64, 128], strides = [1, 1]} : vector<64x8192xf32> to vector<64x128xf32>
      %slice3A_1377 = vector.extract_strided_slice %get3A_6 {offsets = [0, 5120], sizes = [64, 128], strides = [1, 1]} : vector<64x8192xf32> to vector<64x128xf32>
      %mul3A_1378 = arith.constant 8192 : i32
      %mul3A_1379 = arith.muli %arg0, %mul3A_1378 : i32
      %add3A_1380 = arith.constant 32768 : i32
      %add3A_1381 = arith.addi %add3A_1380, %mul3A_1379 : i32
      %add3A_1382 = arith.constant 5120 : i32
      %add3A_1383 = arith.addi %add3A_1381, %add3A_1382 : i32
      %add3A_1384 = vector.broadcast %add3A_1383 : i32 to vector<64x128xi32>
      %add3A_1385 = arith.addi %add3A_1384, %iota3A : vector<64x128xi32>
      %lt3A_1386 = arith.constant 100000 : i32
      %lt3A_1387 = vector.broadcast %lt3A_1386 : i32 to vector<64x128xi32>
      %lt3A_1388 = arith.cmpi slt, %add3A_1385, %lt3A_1387 : vector<64x128xi32>
      %gt3A_1389 = arith.constant 0.000000e+00 : f32
      %gt3A_1390 = vector.broadcast %gt3A_1389 : f32 to vector<64x128xf32>
      %gt3A_1391 = arith.cmpf ogt, %slice3A_1377, %gt3A_1390 : vector<64x128xf32>
      %and3A_1392 = arith.andi %lt3A_1388, %gt3A_1391 : vector<64x128xi1>
      %not3A_1393 = arith.constant dense<true> : vector<64x128xi1>
      %not3A_1394 = arith.xori %lt3A_1388, %not3A_1393 : vector<64x128xi1>
      %or3A_1395 = arith.ori %and3A_1392, %not3A_1394 : vector<64x128xi1>
      %jit3A_1396 = arith.constant -1.000000e+30 : f32
      %broadcast_in_dim3A_1397 = vector.broadcast %jit3A_1396 : f32 to vector<64x128xf32>
      %select_n3A_1398 = arith.select %or3A_1395, %broadcast_in_dim3A_1397, %slice3A_1376 : vector<64x128xi1>, vector<64x128xf32>
      %jit3A_1399 = arith.constant 0.000000e+00 : f32
      %broadcast_in_dim3A_1400 = vector.broadcast %jit3A_1399 : f32 to vector<64x128xf32>
      %select_n3A_1401 = arith.select %and3A_1392, %slice3A_1376, %broadcast_in_dim3A_1400 : vector<64x128xi1>, vector<64x128xf32>
      %jit3A_1402 = arith.constant 0.000000e+00 : f32
      %broadcast_in_dim3A_1403 = vector.broadcast %jit3A_1402 : f32 to vector<64x128xf32>
      %select_n3A_1404 = arith.select %lt3A_1388, %slice3A_1377, %broadcast_in_dim3A_1403 : vector<64x128xi1>, vector<64x128xf32>
      %min3A_1405 = arith.minimumf %max3A_1373, %select_n3A_1398 : vector<64x128xf32>
      %max3A_1406 = arith.maximumf %max3A_1372, %min3A_1405 : vector<64x128xf32>
      %max3A_1407 = arith.maximumf %max3A_1373, %select_n3A_1398 : vector<64x128xf32>
      %add3A_1408 = arith.addf %add3A_1374, %select_n3A_1401 : vector<64x128xf32>
      %add3A_1409 = arith.addf %add3A_1375, %select_n3A_1404 : vector<64x128xf32>
      %slice3A_1410 = vector.extract_strided_slice %get3A_3 {offsets = [0, 5248], sizes = [64, 128], strides = [1, 1]} : vector<64x8192xf32> to vector<64x128xf32>
      %slice3A_1411 = vector.extract_strided_slice %get3A_6 {offsets = [0, 5248], sizes = [64, 128], strides = [1, 1]} : vector<64x8192xf32> to vector<64x128xf32>
      %mul3A_1412 = arith.constant 8192 : i32
      %mul3A_1413 = arith.muli %arg0, %mul3A_1412 : i32
      %add3A_1414 = arith.constant 32768 : i32
      %add3A_1415 = arith.addi %add3A_1414, %mul3A_1413 : i32
      %add3A_1416 = arith.constant 5248 : i32
      %add3A_1417 = arith.addi %add3A_1415, %add3A_1416 : i32
      %add3A_1418 = vector.broadcast %add3A_1417 : i32 to vector<64x128xi32>
      %add3A_1419 = arith.addi %add3A_1418, %iota3A : vector<64x128xi32>
      %lt3A_1420 = arith.constant 100000 : i32
      %lt3A_1421 = vector.broadcast %lt3A_1420 : i32 to vector<64x128xi32>
      %lt3A_1422 = arith.cmpi slt, %add3A_1419, %lt3A_1421 : vector<64x128xi32>
      %gt3A_1423 = arith.constant 0.000000e+00 : f32
      %gt3A_1424 = vector.broadcast %gt3A_1423 : f32 to vector<64x128xf32>
      %gt3A_1425 = arith.cmpf ogt, %slice3A_1411, %gt3A_1424 : vector<64x128xf32>
      %and3A_1426 = arith.andi %lt3A_1422, %gt3A_1425 : vector<64x128xi1>
      %not3A_1427 = arith.constant dense<true> : vector<64x128xi1>
      %not3A_1428 = arith.xori %lt3A_1422, %not3A_1427 : vector<64x128xi1>
      %or3A_1429 = arith.ori %and3A_1426, %not3A_1428 : vector<64x128xi1>
      %jit3A_1430 = arith.constant -1.000000e+30 : f32
      %broadcast_in_dim3A_1431 = vector.broadcast %jit3A_1430 : f32 to vector<64x128xf32>
      %select_n3A_1432 = arith.select %or3A_1429, %broadcast_in_dim3A_1431, %slice3A_1410 : vector<64x128xi1>, vector<64x128xf32>
      %jit3A_1433 = arith.constant 0.000000e+00 : f32
      %broadcast_in_dim3A_1434 = vector.broadcast %jit3A_1433 : f32 to vector<64x128xf32>
      %select_n3A_1435 = arith.select %and3A_1426, %slice3A_1410, %broadcast_in_dim3A_1434 : vector<64x128xi1>, vector<64x128xf32>
      %jit3A_1436 = arith.constant 0.000000e+00 : f32
      %broadcast_in_dim3A_1437 = vector.broadcast %jit3A_1436 : f32 to vector<64x128xf32>
      %select_n3A_1438 = arith.select %lt3A_1422, %slice3A_1411, %broadcast_in_dim3A_1437 : vector<64x128xi1>, vector<64x128xf32>
      %min3A_1439 = arith.minimumf %max3A_1407, %select_n3A_1432 : vector<64x128xf32>
      %max3A_1440 = arith.maximumf %max3A_1406, %min3A_1439 : vector<64x128xf32>
      %max3A_1441 = arith.maximumf %max3A_1407, %select_n3A_1432 : vector<64x128xf32>
      %add3A_1442 = arith.addf %add3A_1408, %select_n3A_1435 : vector<64x128xf32>
      %add3A_1443 = arith.addf %add3A_1409, %select_n3A_1438 : vector<64x128xf32>
      %slice3A_1444 = vector.extract_strided_slice %get3A_3 {offsets = [0, 5376], sizes = [64, 128], strides = [1, 1]} : vector<64x8192xf32> to vector<64x128xf32>
      %slice3A_1445 = vector.extract_strided_slice %get3A_6 {offsets = [0, 5376], sizes = [64, 128], strides = [1, 1]} : vector<64x8192xf32> to vector<64x128xf32>
      %mul3A_1446 = arith.constant 8192 : i32
      %mul3A_1447 = arith.muli %arg0, %mul3A_1446 : i32
      %add3A_1448 = arith.constant 32768 : i32
      %add3A_1449 = arith.addi %add3A_1448, %mul3A_1447 : i32
      %add3A_1450 = arith.constant 5376 : i32
      %add3A_1451 = arith.addi %add3A_1449, %add3A_1450 : i32
      %add3A_1452 = vector.broadcast %add3A_1451 : i32 to vector<64x128xi32>
      %add3A_1453 = arith.addi %add3A_1452, %iota3A : vector<64x128xi32>
      %lt3A_1454 = arith.constant 100000 : i32
      %lt3A_1455 = vector.broadcast %lt3A_1454 : i32 to vector<64x128xi32>
      %lt3A_1456 = arith.cmpi slt, %add3A_1453, %lt3A_1455 : vector<64x128xi32>
      %gt3A_1457 = arith.constant 0.000000e+00 : f32
      %gt3A_1458 = vector.broadcast %gt3A_1457 : f32 to vector<64x128xf32>
      %gt3A_1459 = arith.cmpf ogt, %slice3A_1445, %gt3A_1458 : vector<64x128xf32>
      %and3A_1460 = arith.andi %lt3A_1456, %gt3A_1459 : vector<64x128xi1>
      %not3A_1461 = arith.constant dense<true> : vector<64x128xi1>
      %not3A_1462 = arith.xori %lt3A_1456, %not3A_1461 : vector<64x128xi1>
      %or3A_1463 = arith.ori %and3A_1460, %not3A_1462 : vector<64x128xi1>
      %jit3A_1464 = arith.constant -1.000000e+30 : f32
      %broadcast_in_dim3A_1465 = vector.broadcast %jit3A_1464 : f32 to vector<64x128xf32>
      %select_n3A_1466 = arith.select %or3A_1463, %broadcast_in_dim3A_1465, %slice3A_1444 : vector<64x128xi1>, vector<64x128xf32>
      %jit3A_1467 = arith.constant 0.000000e+00 : f32
      %broadcast_in_dim3A_1468 = vector.broadcast %jit3A_1467 : f32 to vector<64x128xf32>
      %select_n3A_1469 = arith.select %and3A_1460, %slice3A_1444, %broadcast_in_dim3A_1468 : vector<64x128xi1>, vector<64x128xf32>
      %jit3A_1470 = arith.constant 0.000000e+00 : f32
      %broadcast_in_dim3A_1471 = vector.broadcast %jit3A_1470 : f32 to vector<64x128xf32>
      %select_n3A_1472 = arith.select %lt3A_1456, %slice3A_1445, %broadcast_in_dim3A_1471 : vector<64x128xi1>, vector<64x128xf32>
      %min3A_1473 = arith.minimumf %max3A_1441, %select_n3A_1466 : vector<64x128xf32>
      %max3A_1474 = arith.maximumf %max3A_1440, %min3A_1473 : vector<64x128xf32>
      %max3A_1475 = arith.maximumf %max3A_1441, %select_n3A_1466 : vector<64x128xf32>
      %add3A_1476 = arith.addf %add3A_1442, %select_n3A_1469 : vector<64x128xf32>
      %add3A_1477 = arith.addf %add3A_1443, %select_n3A_1472 : vector<64x128xf32>
      %slice3A_1478 = vector.extract_strided_slice %get3A_3 {offsets = [0, 5504], sizes = [64, 128], strides = [1, 1]} : vector<64x8192xf32> to vector<64x128xf32>
      %slice3A_1479 = vector.extract_strided_slice %get3A_6 {offsets = [0, 5504], sizes = [64, 128], strides = [1, 1]} : vector<64x8192xf32> to vector<64x128xf32>
      %mul3A_1480 = arith.constant 8192 : i32
      %mul3A_1481 = arith.muli %arg0, %mul3A_1480 : i32
      %add3A_1482 = arith.constant 32768 : i32
      %add3A_1483 = arith.addi %add3A_1482, %mul3A_1481 : i32
      %add3A_1484 = arith.constant 5504 : i32
      %add3A_1485 = arith.addi %add3A_1483, %add3A_1484 : i32
      %add3A_1486 = vector.broadcast %add3A_1485 : i32 to vector<64x128xi32>
      %add3A_1487 = arith.addi %add3A_1486, %iota3A : vector<64x128xi32>
      %lt3A_1488 = arith.constant 100000 : i32
      %lt3A_1489 = vector.broadcast %lt3A_1488 : i32 to vector<64x128xi32>
      %lt3A_1490 = arith.cmpi slt, %add3A_1487, %lt3A_1489 : vector<64x128xi32>
      %gt3A_1491 = arith.constant 0.000000e+00 : f32
      %gt3A_1492 = vector.broadcast %gt3A_1491 : f32 to vector<64x128xf32>
      %gt3A_1493 = arith.cmpf ogt, %slice3A_1479, %gt3A_1492 : vector<64x128xf32>
      %and3A_1494 = arith.andi %lt3A_1490, %gt3A_1493 : vector<64x128xi1>
      %not3A_1495 = arith.constant dense<true> : vector<64x128xi1>
      %not3A_1496 = arith.xori %lt3A_1490, %not3A_1495 : vector<64x128xi1>
      %or3A_1497 = arith.ori %and3A_1494, %not3A_1496 : vector<64x128xi1>
      %jit3A_1498 = arith.constant -1.000000e+30 : f32
      %broadcast_in_dim3A_1499 = vector.broadcast %jit3A_1498 : f32 to vector<64x128xf32>
      %select_n3A_1500 = arith.select %or3A_1497, %broadcast_in_dim3A_1499, %slice3A_1478 : vector<64x128xi1>, vector<64x128xf32>
      %jit3A_1501 = arith.constant 0.000000e+00 : f32
      %broadcast_in_dim3A_1502 = vector.broadcast %jit3A_1501 : f32 to vector<64x128xf32>
      %select_n3A_1503 = arith.select %and3A_1494, %slice3A_1478, %broadcast_in_dim3A_1502 : vector<64x128xi1>, vector<64x128xf32>
      %jit3A_1504 = arith.constant 0.000000e+00 : f32
      %broadcast_in_dim3A_1505 = vector.broadcast %jit3A_1504 : f32 to vector<64x128xf32>
      %select_n3A_1506 = arith.select %lt3A_1490, %slice3A_1479, %broadcast_in_dim3A_1505 : vector<64x128xi1>, vector<64x128xf32>
      %min3A_1507 = arith.minimumf %max3A_1475, %select_n3A_1500 : vector<64x128xf32>
      %max3A_1508 = arith.maximumf %max3A_1474, %min3A_1507 : vector<64x128xf32>
      %max3A_1509 = arith.maximumf %max3A_1475, %select_n3A_1500 : vector<64x128xf32>
      %add3A_1510 = arith.addf %add3A_1476, %select_n3A_1503 : vector<64x128xf32>
      %add3A_1511 = arith.addf %add3A_1477, %select_n3A_1506 : vector<64x128xf32>
      %slice3A_1512 = vector.extract_strided_slice %get3A_3 {offsets = [0, 5632], sizes = [64, 128], strides = [1, 1]} : vector<64x8192xf32> to vector<64x128xf32>
      %slice3A_1513 = vector.extract_strided_slice %get3A_6 {offsets = [0, 5632], sizes = [64, 128], strides = [1, 1]} : vector<64x8192xf32> to vector<64x128xf32>
      %mul3A_1514 = arith.constant 8192 : i32
      %mul3A_1515 = arith.muli %arg0, %mul3A_1514 : i32
      %add3A_1516 = arith.constant 32768 : i32
      %add3A_1517 = arith.addi %add3A_1516, %mul3A_1515 : i32
      %add3A_1518 = arith.constant 5632 : i32
      %add3A_1519 = arith.addi %add3A_1517, %add3A_1518 : i32
      %add3A_1520 = vector.broadcast %add3A_1519 : i32 to vector<64x128xi32>
      %add3A_1521 = arith.addi %add3A_1520, %iota3A : vector<64x128xi32>
      %lt3A_1522 = arith.constant 100000 : i32
      %lt3A_1523 = vector.broadcast %lt3A_1522 : i32 to vector<64x128xi32>
      %lt3A_1524 = arith.cmpi slt, %add3A_1521, %lt3A_1523 : vector<64x128xi32>
      %gt3A_1525 = arith.constant 0.000000e+00 : f32
      %gt3A_1526 = vector.broadcast %gt3A_1525 : f32 to vector<64x128xf32>
      %gt3A_1527 = arith.cmpf ogt, %slice3A_1513, %gt3A_1526 : vector<64x128xf32>
      %and3A_1528 = arith.andi %lt3A_1524, %gt3A_1527 : vector<64x128xi1>
      %not3A_1529 = arith.constant dense<true> : vector<64x128xi1>
      %not3A_1530 = arith.xori %lt3A_1524, %not3A_1529 : vector<64x128xi1>
      %or3A_1531 = arith.ori %and3A_1528, %not3A_1530 : vector<64x128xi1>
      %jit3A_1532 = arith.constant -1.000000e+30 : f32
      %broadcast_in_dim3A_1533 = vector.broadcast %jit3A_1532 : f32 to vector<64x128xf32>
      %select_n3A_1534 = arith.select %or3A_1531, %broadcast_in_dim3A_1533, %slice3A_1512 : vector<64x128xi1>, vector<64x128xf32>
      %jit3A_1535 = arith.constant 0.000000e+00 : f32
      %broadcast_in_dim3A_1536 = vector.broadcast %jit3A_1535 : f32 to vector<64x128xf32>
      %select_n3A_1537 = arith.select %and3A_1528, %slice3A_1512, %broadcast_in_dim3A_1536 : vector<64x128xi1>, vector<64x128xf32>
      %jit3A_1538 = arith.constant 0.000000e+00 : f32
      %broadcast_in_dim3A_1539 = vector.broadcast %jit3A_1538 : f32 to vector<64x128xf32>
      %select_n3A_1540 = arith.select %lt3A_1524, %slice3A_1513, %broadcast_in_dim3A_1539 : vector<64x128xi1>, vector<64x128xf32>
      %min3A_1541 = arith.minimumf %max3A_1509, %select_n3A_1534 : vector<64x128xf32>
      %max3A_1542 = arith.maximumf %max3A_1508, %min3A_1541 : vector<64x128xf32>
      %max3A_1543 = arith.maximumf %max3A_1509, %select_n3A_1534 : vector<64x128xf32>
      %add3A_1544 = arith.addf %add3A_1510, %select_n3A_1537 : vector<64x128xf32>
      %add3A_1545 = arith.addf %add3A_1511, %select_n3A_1540 : vector<64x128xf32>
      %slice3A_1546 = vector.extract_strided_slice %get3A_3 {offsets = [0, 5760], sizes = [64, 128], strides = [1, 1]} : vector<64x8192xf32> to vector<64x128xf32>
      %slice3A_1547 = vector.extract_strided_slice %get3A_6 {offsets = [0, 5760], sizes = [64, 128], strides = [1, 1]} : vector<64x8192xf32> to vector<64x128xf32>
      %mul3A_1548 = arith.constant 8192 : i32
      %mul3A_1549 = arith.muli %arg0, %mul3A_1548 : i32
      %add3A_1550 = arith.constant 32768 : i32
      %add3A_1551 = arith.addi %add3A_1550, %mul3A_1549 : i32
      %add3A_1552 = arith.constant 5760 : i32
      %add3A_1553 = arith.addi %add3A_1551, %add3A_1552 : i32
      %add3A_1554 = vector.broadcast %add3A_1553 : i32 to vector<64x128xi32>
      %add3A_1555 = arith.addi %add3A_1554, %iota3A : vector<64x128xi32>
      %lt3A_1556 = arith.constant 100000 : i32
      %lt3A_1557 = vector.broadcast %lt3A_1556 : i32 to vector<64x128xi32>
      %lt3A_1558 = arith.cmpi slt, %add3A_1555, %lt3A_1557 : vector<64x128xi32>
      %gt3A_1559 = arith.constant 0.000000e+00 : f32
      %gt3A_1560 = vector.broadcast %gt3A_1559 : f32 to vector<64x128xf32>
      %gt3A_1561 = arith.cmpf ogt, %slice3A_1547, %gt3A_1560 : vector<64x128xf32>
      %and3A_1562 = arith.andi %lt3A_1558, %gt3A_1561 : vector<64x128xi1>
      %not3A_1563 = arith.constant dense<true> : vector<64x128xi1>
      %not3A_1564 = arith.xori %lt3A_1558, %not3A_1563 : vector<64x128xi1>
      %or3A_1565 = arith.ori %and3A_1562, %not3A_1564 : vector<64x128xi1>
      %jit3A_1566 = arith.constant -1.000000e+30 : f32
      %broadcast_in_dim3A_1567 = vector.broadcast %jit3A_1566 : f32 to vector<64x128xf32>
      %select_n3A_1568 = arith.select %or3A_1565, %broadcast_in_dim3A_1567, %slice3A_1546 : vector<64x128xi1>, vector<64x128xf32>
      %jit3A_1569 = arith.constant 0.000000e+00 : f32
      %broadcast_in_dim3A_1570 = vector.broadcast %jit3A_1569 : f32 to vector<64x128xf32>
      %select_n3A_1571 = arith.select %and3A_1562, %slice3A_1546, %broadcast_in_dim3A_1570 : vector<64x128xi1>, vector<64x128xf32>
      %jit3A_1572 = arith.constant 0.000000e+00 : f32
      %broadcast_in_dim3A_1573 = vector.broadcast %jit3A_1572 : f32 to vector<64x128xf32>
      %select_n3A_1574 = arith.select %lt3A_1558, %slice3A_1547, %broadcast_in_dim3A_1573 : vector<64x128xi1>, vector<64x128xf32>
      %min3A_1575 = arith.minimumf %max3A_1543, %select_n3A_1568 : vector<64x128xf32>
      %max3A_1576 = arith.maximumf %max3A_1542, %min3A_1575 : vector<64x128xf32>
      %max3A_1577 = arith.maximumf %max3A_1543, %select_n3A_1568 : vector<64x128xf32>
      %add3A_1578 = arith.addf %add3A_1544, %select_n3A_1571 : vector<64x128xf32>
      %add3A_1579 = arith.addf %add3A_1545, %select_n3A_1574 : vector<64x128xf32>
      %slice3A_1580 = vector.extract_strided_slice %get3A_3 {offsets = [0, 5888], sizes = [64, 128], strides = [1, 1]} : vector<64x8192xf32> to vector<64x128xf32>
      %slice3A_1581 = vector.extract_strided_slice %get3A_6 {offsets = [0, 5888], sizes = [64, 128], strides = [1, 1]} : vector<64x8192xf32> to vector<64x128xf32>
      %mul3A_1582 = arith.constant 8192 : i32
      %mul3A_1583 = arith.muli %arg0, %mul3A_1582 : i32
      %add3A_1584 = arith.constant 32768 : i32
      %add3A_1585 = arith.addi %add3A_1584, %mul3A_1583 : i32
      %add3A_1586 = arith.constant 5888 : i32
      %add3A_1587 = arith.addi %add3A_1585, %add3A_1586 : i32
      %add3A_1588 = vector.broadcast %add3A_1587 : i32 to vector<64x128xi32>
      %add3A_1589 = arith.addi %add3A_1588, %iota3A : vector<64x128xi32>
      %lt3A_1590 = arith.constant 100000 : i32
      %lt3A_1591 = vector.broadcast %lt3A_1590 : i32 to vector<64x128xi32>
      %lt3A_1592 = arith.cmpi slt, %add3A_1589, %lt3A_1591 : vector<64x128xi32>
      %gt3A_1593 = arith.constant 0.000000e+00 : f32
      %gt3A_1594 = vector.broadcast %gt3A_1593 : f32 to vector<64x128xf32>
      %gt3A_1595 = arith.cmpf ogt, %slice3A_1581, %gt3A_1594 : vector<64x128xf32>
      %and3A_1596 = arith.andi %lt3A_1592, %gt3A_1595 : vector<64x128xi1>
      %not3A_1597 = arith.constant dense<true> : vector<64x128xi1>
      %not3A_1598 = arith.xori %lt3A_1592, %not3A_1597 : vector<64x128xi1>
      %or3A_1599 = arith.ori %and3A_1596, %not3A_1598 : vector<64x128xi1>
      %jit3A_1600 = arith.constant -1.000000e+30 : f32
      %broadcast_in_dim3A_1601 = vector.broadcast %jit3A_1600 : f32 to vector<64x128xf32>
      %select_n3A_1602 = arith.select %or3A_1599, %broadcast_in_dim3A_1601, %slice3A_1580 : vector<64x128xi1>, vector<64x128xf32>
      %jit3A_1603 = arith.constant 0.000000e+00 : f32
      %broadcast_in_dim3A_1604 = vector.broadcast %jit3A_1603 : f32 to vector<64x128xf32>
      %select_n3A_1605 = arith.select %and3A_1596, %slice3A_1580, %broadcast_in_dim3A_1604 : vector<64x128xi1>, vector<64x128xf32>
      %jit3A_1606 = arith.constant 0.000000e+00 : f32
      %broadcast_in_dim3A_1607 = vector.broadcast %jit3A_1606 : f32 to vector<64x128xf32>
      %select_n3A_1608 = arith.select %lt3A_1592, %slice3A_1581, %broadcast_in_dim3A_1607 : vector<64x128xi1>, vector<64x128xf32>
      %min3A_1609 = arith.minimumf %max3A_1577, %select_n3A_1602 : vector<64x128xf32>
      %max3A_1610 = arith.maximumf %max3A_1576, %min3A_1609 : vector<64x128xf32>
      %max3A_1611 = arith.maximumf %max3A_1577, %select_n3A_1602 : vector<64x128xf32>
      %add3A_1612 = arith.addf %add3A_1578, %select_n3A_1605 : vector<64x128xf32>
      %add3A_1613 = arith.addf %add3A_1579, %select_n3A_1608 : vector<64x128xf32>
      %slice3A_1614 = vector.extract_strided_slice %get3A_3 {offsets = [0, 6016], sizes = [64, 128], strides = [1, 1]} : vector<64x8192xf32> to vector<64x128xf32>
      %slice3A_1615 = vector.extract_strided_slice %get3A_6 {offsets = [0, 6016], sizes = [64, 128], strides = [1, 1]} : vector<64x8192xf32> to vector<64x128xf32>
      %mul3A_1616 = arith.constant 8192 : i32
      %mul3A_1617 = arith.muli %arg0, %mul3A_1616 : i32
      %add3A_1618 = arith.constant 32768 : i32
      %add3A_1619 = arith.addi %add3A_1618, %mul3A_1617 : i32
      %add3A_1620 = arith.constant 6016 : i32
      %add3A_1621 = arith.addi %add3A_1619, %add3A_1620 : i32
      %add3A_1622 = vector.broadcast %add3A_1621 : i32 to vector<64x128xi32>
      %add3A_1623 = arith.addi %add3A_1622, %iota3A : vector<64x128xi32>
      %lt3A_1624 = arith.constant 100000 : i32
      %lt3A_1625 = vector.broadcast %lt3A_1624 : i32 to vector<64x128xi32>
      %lt3A_1626 = arith.cmpi slt, %add3A_1623, %lt3A_1625 : vector<64x128xi32>
      %gt3A_1627 = arith.constant 0.000000e+00 : f32
      %gt3A_1628 = vector.broadcast %gt3A_1627 : f32 to vector<64x128xf32>
      %gt3A_1629 = arith.cmpf ogt, %slice3A_1615, %gt3A_1628 : vector<64x128xf32>
      %and3A_1630 = arith.andi %lt3A_1626, %gt3A_1629 : vector<64x128xi1>
      %not3A_1631 = arith.constant dense<true> : vector<64x128xi1>
      %not3A_1632 = arith.xori %lt3A_1626, %not3A_1631 : vector<64x128xi1>
      %or3A_1633 = arith.ori %and3A_1630, %not3A_1632 : vector<64x128xi1>
      %jit3A_1634 = arith.constant -1.000000e+30 : f32
      %broadcast_in_dim3A_1635 = vector.broadcast %jit3A_1634 : f32 to vector<64x128xf32>
      %select_n3A_1636 = arith.select %or3A_1633, %broadcast_in_dim3A_1635, %slice3A_1614 : vector<64x128xi1>, vector<64x128xf32>
      %jit3A_1637 = arith.constant 0.000000e+00 : f32
      %broadcast_in_dim3A_1638 = vector.broadcast %jit3A_1637 : f32 to vector<64x128xf32>
      %select_n3A_1639 = arith.select %and3A_1630, %slice3A_1614, %broadcast_in_dim3A_1638 : vector<64x128xi1>, vector<64x128xf32>
      %jit3A_1640 = arith.constant 0.000000e+00 : f32
      %broadcast_in_dim3A_1641 = vector.broadcast %jit3A_1640 : f32 to vector<64x128xf32>
      %select_n3A_1642 = arith.select %lt3A_1626, %slice3A_1615, %broadcast_in_dim3A_1641 : vector<64x128xi1>, vector<64x128xf32>
      %min3A_1643 = arith.minimumf %max3A_1611, %select_n3A_1636 : vector<64x128xf32>
      %max3A_1644 = arith.maximumf %max3A_1610, %min3A_1643 : vector<64x128xf32>
      %max3A_1645 = arith.maximumf %max3A_1611, %select_n3A_1636 : vector<64x128xf32>
      %add3A_1646 = arith.addf %add3A_1612, %select_n3A_1639 : vector<64x128xf32>
      %add3A_1647 = arith.addf %add3A_1613, %select_n3A_1642 : vector<64x128xf32>
      %slice3A_1648 = vector.extract_strided_slice %get3A_3 {offsets = [0, 6144], sizes = [64, 128], strides = [1, 1]} : vector<64x8192xf32> to vector<64x128xf32>
      %slice3A_1649 = vector.extract_strided_slice %get3A_6 {offsets = [0, 6144], sizes = [64, 128], strides = [1, 1]} : vector<64x8192xf32> to vector<64x128xf32>
      %mul3A_1650 = arith.constant 8192 : i32
      %mul3A_1651 = arith.muli %arg0, %mul3A_1650 : i32
      %add3A_1652 = arith.constant 32768 : i32
      %add3A_1653 = arith.addi %add3A_1652, %mul3A_1651 : i32
      %add3A_1654 = arith.constant 6144 : i32
      %add3A_1655 = arith.addi %add3A_1653, %add3A_1654 : i32
      %add3A_1656 = vector.broadcast %add3A_1655 : i32 to vector<64x128xi32>
      %add3A_1657 = arith.addi %add3A_1656, %iota3A : vector<64x128xi32>
      %lt3A_1658 = arith.constant 100000 : i32
      %lt3A_1659 = vector.broadcast %lt3A_1658 : i32 to vector<64x128xi32>
      %lt3A_1660 = arith.cmpi slt, %add3A_1657, %lt3A_1659 : vector<64x128xi32>
      %gt3A_1661 = arith.constant 0.000000e+00 : f32
      %gt3A_1662 = vector.broadcast %gt3A_1661 : f32 to vector<64x128xf32>
      %gt3A_1663 = arith.cmpf ogt, %slice3A_1649, %gt3A_1662 : vector<64x128xf32>
      %and3A_1664 = arith.andi %lt3A_1660, %gt3A_1663 : vector<64x128xi1>
      %not3A_1665 = arith.constant dense<true> : vector<64x128xi1>
      %not3A_1666 = arith.xori %lt3A_1660, %not3A_1665 : vector<64x128xi1>
      %or3A_1667 = arith.ori %and3A_1664, %not3A_1666 : vector<64x128xi1>
      %jit3A_1668 = arith.constant -1.000000e+30 : f32
      %broadcast_in_dim3A_1669 = vector.broadcast %jit3A_1668 : f32 to vector<64x128xf32>
      %select_n3A_1670 = arith.select %or3A_1667, %broadcast_in_dim3A_1669, %slice3A_1648 : vector<64x128xi1>, vector<64x128xf32>
      %jit3A_1671 = arith.constant 0.000000e+00 : f32
      %broadcast_in_dim3A_1672 = vector.broadcast %jit3A_1671 : f32 to vector<64x128xf32>
      %select_n3A_1673 = arith.select %and3A_1664, %slice3A_1648, %broadcast_in_dim3A_1672 : vector<64x128xi1>, vector<64x128xf32>
      %jit3A_1674 = arith.constant 0.000000e+00 : f32
      %broadcast_in_dim3A_1675 = vector.broadcast %jit3A_1674 : f32 to vector<64x128xf32>
      %select_n3A_1676 = arith.select %lt3A_1660, %slice3A_1649, %broadcast_in_dim3A_1675 : vector<64x128xi1>, vector<64x128xf32>
      %min3A_1677 = arith.minimumf %max3A_1645, %select_n3A_1670 : vector<64x128xf32>
      %max3A_1678 = arith.maximumf %max3A_1644, %min3A_1677 : vector<64x128xf32>
      %max3A_1679 = arith.maximumf %max3A_1645, %select_n3A_1670 : vector<64x128xf32>
      %add3A_1680 = arith.addf %add3A_1646, %select_n3A_1673 : vector<64x128xf32>
      %add3A_1681 = arith.addf %add3A_1647, %select_n3A_1676 : vector<64x128xf32>
      %slice3A_1682 = vector.extract_strided_slice %get3A_3 {offsets = [0, 6272], sizes = [64, 128], strides = [1, 1]} : vector<64x8192xf32> to vector<64x128xf32>
      %slice3A_1683 = vector.extract_strided_slice %get3A_6 {offsets = [0, 6272], sizes = [64, 128], strides = [1, 1]} : vector<64x8192xf32> to vector<64x128xf32>
      %mul3A_1684 = arith.constant 8192 : i32
      %mul3A_1685 = arith.muli %arg0, %mul3A_1684 : i32
      %add3A_1686 = arith.constant 32768 : i32
      %add3A_1687 = arith.addi %add3A_1686, %mul3A_1685 : i32
      %add3A_1688 = arith.constant 6272 : i32
      %add3A_1689 = arith.addi %add3A_1687, %add3A_1688 : i32
      %add3A_1690 = vector.broadcast %add3A_1689 : i32 to vector<64x128xi32>
      %add3A_1691 = arith.addi %add3A_1690, %iota3A : vector<64x128xi32>
      %lt3A_1692 = arith.constant 100000 : i32
      %lt3A_1693 = vector.broadcast %lt3A_1692 : i32 to vector<64x128xi32>
      %lt3A_1694 = arith.cmpi slt, %add3A_1691, %lt3A_1693 : vector<64x128xi32>
      %gt3A_1695 = arith.constant 0.000000e+00 : f32
      %gt3A_1696 = vector.broadcast %gt3A_1695 : f32 to vector<64x128xf32>
      %gt3A_1697 = arith.cmpf ogt, %slice3A_1683, %gt3A_1696 : vector<64x128xf32>
      %and3A_1698 = arith.andi %lt3A_1694, %gt3A_1697 : vector<64x128xi1>
      %not3A_1699 = arith.constant dense<true> : vector<64x128xi1>
      %not3A_1700 = arith.xori %lt3A_1694, %not3A_1699 : vector<64x128xi1>
      %or3A_1701 = arith.ori %and3A_1698, %not3A_1700 : vector<64x128xi1>
      %jit3A_1702 = arith.constant -1.000000e+30 : f32
      %broadcast_in_dim3A_1703 = vector.broadcast %jit3A_1702 : f32 to vector<64x128xf32>
      %select_n3A_1704 = arith.select %or3A_1701, %broadcast_in_dim3A_1703, %slice3A_1682 : vector<64x128xi1>, vector<64x128xf32>
      %jit3A_1705 = arith.constant 0.000000e+00 : f32
      %broadcast_in_dim3A_1706 = vector.broadcast %jit3A_1705 : f32 to vector<64x128xf32>
      %select_n3A_1707 = arith.select %and3A_1698, %slice3A_1682, %broadcast_in_dim3A_1706 : vector<64x128xi1>, vector<64x128xf32>
      %jit3A_1708 = arith.constant 0.000000e+00 : f32
      %broadcast_in_dim3A_1709 = vector.broadcast %jit3A_1708 : f32 to vector<64x128xf32>
      %select_n3A_1710 = arith.select %lt3A_1694, %slice3A_1683, %broadcast_in_dim3A_1709 : vector<64x128xi1>, vector<64x128xf32>
      %min3A_1711 = arith.minimumf %max3A_1679, %select_n3A_1704 : vector<64x128xf32>
      %max3A_1712 = arith.maximumf %max3A_1678, %min3A_1711 : vector<64x128xf32>
      %max3A_1713 = arith.maximumf %max3A_1679, %select_n3A_1704 : vector<64x128xf32>
      %add3A_1714 = arith.addf %add3A_1680, %select_n3A_1707 : vector<64x128xf32>
      %add3A_1715 = arith.addf %add3A_1681, %select_n3A_1710 : vector<64x128xf32>
      %slice3A_1716 = vector.extract_strided_slice %get3A_3 {offsets = [0, 6400], sizes = [64, 128], strides = [1, 1]} : vector<64x8192xf32> to vector<64x128xf32>
      %slice3A_1717 = vector.extract_strided_slice %get3A_6 {offsets = [0, 6400], sizes = [64, 128], strides = [1, 1]} : vector<64x8192xf32> to vector<64x128xf32>
      %mul3A_1718 = arith.constant 8192 : i32
      %mul3A_1719 = arith.muli %arg0, %mul3A_1718 : i32
      %add3A_1720 = arith.constant 32768 : i32
      %add3A_1721 = arith.addi %add3A_1720, %mul3A_1719 : i32
      %add3A_1722 = arith.constant 6400 : i32
      %add3A_1723 = arith.addi %add3A_1721, %add3A_1722 : i32
      %add3A_1724 = vector.broadcast %add3A_1723 : i32 to vector<64x128xi32>
      %add3A_1725 = arith.addi %add3A_1724, %iota3A : vector<64x128xi32>
      %lt3A_1726 = arith.constant 100000 : i32
      %lt3A_1727 = vector.broadcast %lt3A_1726 : i32 to vector<64x128xi32>
      %lt3A_1728 = arith.cmpi slt, %add3A_1725, %lt3A_1727 : vector<64x128xi32>
      %gt3A_1729 = arith.constant 0.000000e+00 : f32
      %gt3A_1730 = vector.broadcast %gt3A_1729 : f32 to vector<64x128xf32>
      %gt3A_1731 = arith.cmpf ogt, %slice3A_1717, %gt3A_1730 : vector<64x128xf32>
      %and3A_1732 = arith.andi %lt3A_1728, %gt3A_1731 : vector<64x128xi1>
      %not3A_1733 = arith.constant dense<true> : vector<64x128xi1>
      %not3A_1734 = arith.xori %lt3A_1728, %not3A_1733 : vector<64x128xi1>
      %or3A_1735 = arith.ori %and3A_1732, %not3A_1734 : vector<64x128xi1>
      %jit3A_1736 = arith.constant -1.000000e+30 : f32
      %broadcast_in_dim3A_1737 = vector.broadcast %jit3A_1736 : f32 to vector<64x128xf32>
      %select_n3A_1738 = arith.select %or3A_1735, %broadcast_in_dim3A_1737, %slice3A_1716 : vector<64x128xi1>, vector<64x128xf32>
      %jit3A_1739 = arith.constant 0.000000e+00 : f32
      %broadcast_in_dim3A_1740 = vector.broadcast %jit3A_1739 : f32 to vector<64x128xf32>
      %select_n3A_1741 = arith.select %and3A_1732, %slice3A_1716, %broadcast_in_dim3A_1740 : vector<64x128xi1>, vector<64x128xf32>
      %jit3A_1742 = arith.constant 0.000000e+00 : f32
      %broadcast_in_dim3A_1743 = vector.broadcast %jit3A_1742 : f32 to vector<64x128xf32>
      %select_n3A_1744 = arith.select %lt3A_1728, %slice3A_1717, %broadcast_in_dim3A_1743 : vector<64x128xi1>, vector<64x128xf32>
      %min3A_1745 = arith.minimumf %max3A_1713, %select_n3A_1738 : vector<64x128xf32>
      %max3A_1746 = arith.maximumf %max3A_1712, %min3A_1745 : vector<64x128xf32>
      %max3A_1747 = arith.maximumf %max3A_1713, %select_n3A_1738 : vector<64x128xf32>
      %add3A_1748 = arith.addf %add3A_1714, %select_n3A_1741 : vector<64x128xf32>
      %add3A_1749 = arith.addf %add3A_1715, %select_n3A_1744 : vector<64x128xf32>
      %slice3A_1750 = vector.extract_strided_slice %get3A_3 {offsets = [0, 6528], sizes = [64, 128], strides = [1, 1]} : vector<64x8192xf32> to vector<64x128xf32>
      %slice3A_1751 = vector.extract_strided_slice %get3A_6 {offsets = [0, 6528], sizes = [64, 128], strides = [1, 1]} : vector<64x8192xf32> to vector<64x128xf32>
      %mul3A_1752 = arith.constant 8192 : i32
      %mul3A_1753 = arith.muli %arg0, %mul3A_1752 : i32
      %add3A_1754 = arith.constant 32768 : i32
      %add3A_1755 = arith.addi %add3A_1754, %mul3A_1753 : i32
      %add3A_1756 = arith.constant 6528 : i32
      %add3A_1757 = arith.addi %add3A_1755, %add3A_1756 : i32
      %add3A_1758 = vector.broadcast %add3A_1757 : i32 to vector<64x128xi32>
      %add3A_1759 = arith.addi %add3A_1758, %iota3A : vector<64x128xi32>
      %lt3A_1760 = arith.constant 100000 : i32
      %lt3A_1761 = vector.broadcast %lt3A_1760 : i32 to vector<64x128xi32>
      %lt3A_1762 = arith.cmpi slt, %add3A_1759, %lt3A_1761 : vector<64x128xi32>
      %gt3A_1763 = arith.constant 0.000000e+00 : f32
      %gt3A_1764 = vector.broadcast %gt3A_1763 : f32 to vector<64x128xf32>
      %gt3A_1765 = arith.cmpf ogt, %slice3A_1751, %gt3A_1764 : vector<64x128xf32>
      %and3A_1766 = arith.andi %lt3A_1762, %gt3A_1765 : vector<64x128xi1>
      %not3A_1767 = arith.constant dense<true> : vector<64x128xi1>
      %not3A_1768 = arith.xori %lt3A_1762, %not3A_1767 : vector<64x128xi1>
      %or3A_1769 = arith.ori %and3A_1766, %not3A_1768 : vector<64x128xi1>
      %jit3A_1770 = arith.constant -1.000000e+30 : f32
      %broadcast_in_dim3A_1771 = vector.broadcast %jit3A_1770 : f32 to vector<64x128xf32>
      %select_n3A_1772 = arith.select %or3A_1769, %broadcast_in_dim3A_1771, %slice3A_1750 : vector<64x128xi1>, vector<64x128xf32>
      %jit3A_1773 = arith.constant 0.000000e+00 : f32
      %broadcast_in_dim3A_1774 = vector.broadcast %jit3A_1773 : f32 to vector<64x128xf32>
      %select_n3A_1775 = arith.select %and3A_1766, %slice3A_1750, %broadcast_in_dim3A_1774 : vector<64x128xi1>, vector<64x128xf32>
      %jit3A_1776 = arith.constant 0.000000e+00 : f32
      %broadcast_in_dim3A_1777 = vector.broadcast %jit3A_1776 : f32 to vector<64x128xf32>
      %select_n3A_1778 = arith.select %lt3A_1762, %slice3A_1751, %broadcast_in_dim3A_1777 : vector<64x128xi1>, vector<64x128xf32>
      %min3A_1779 = arith.minimumf %max3A_1747, %select_n3A_1772 : vector<64x128xf32>
      %max3A_1780 = arith.maximumf %max3A_1746, %min3A_1779 : vector<64x128xf32>
      %max3A_1781 = arith.maximumf %max3A_1747, %select_n3A_1772 : vector<64x128xf32>
      %add3A_1782 = arith.addf %add3A_1748, %select_n3A_1775 : vector<64x128xf32>
      %add3A_1783 = arith.addf %add3A_1749, %select_n3A_1778 : vector<64x128xf32>
      %slice3A_1784 = vector.extract_strided_slice %get3A_3 {offsets = [0, 6656], sizes = [64, 128], strides = [1, 1]} : vector<64x8192xf32> to vector<64x128xf32>
      %slice3A_1785 = vector.extract_strided_slice %get3A_6 {offsets = [0, 6656], sizes = [64, 128], strides = [1, 1]} : vector<64x8192xf32> to vector<64x128xf32>
      %mul3A_1786 = arith.constant 8192 : i32
      %mul3A_1787 = arith.muli %arg0, %mul3A_1786 : i32
      %add3A_1788 = arith.constant 32768 : i32
      %add3A_1789 = arith.addi %add3A_1788, %mul3A_1787 : i32
      %add3A_1790 = arith.constant 6656 : i32
      %add3A_1791 = arith.addi %add3A_1789, %add3A_1790 : i32
      %add3A_1792 = vector.broadcast %add3A_1791 : i32 to vector<64x128xi32>
      %add3A_1793 = arith.addi %add3A_1792, %iota3A : vector<64x128xi32>
      %lt3A_1794 = arith.constant 100000 : i32
      %lt3A_1795 = vector.broadcast %lt3A_1794 : i32 to vector<64x128xi32>
      %lt3A_1796 = arith.cmpi slt, %add3A_1793, %lt3A_1795 : vector<64x128xi32>
      %gt3A_1797 = arith.constant 0.000000e+00 : f32
      %gt3A_1798 = vector.broadcast %gt3A_1797 : f32 to vector<64x128xf32>
      %gt3A_1799 = arith.cmpf ogt, %slice3A_1785, %gt3A_1798 : vector<64x128xf32>
      %and3A_1800 = arith.andi %lt3A_1796, %gt3A_1799 : vector<64x128xi1>
      %not3A_1801 = arith.constant dense<true> : vector<64x128xi1>
      %not3A_1802 = arith.xori %lt3A_1796, %not3A_1801 : vector<64x128xi1>
      %or3A_1803 = arith.ori %and3A_1800, %not3A_1802 : vector<64x128xi1>
      %jit3A_1804 = arith.constant -1.000000e+30 : f32
      %broadcast_in_dim3A_1805 = vector.broadcast %jit3A_1804 : f32 to vector<64x128xf32>
      %select_n3A_1806 = arith.select %or3A_1803, %broadcast_in_dim3A_1805, %slice3A_1784 : vector<64x128xi1>, vector<64x128xf32>
      %jit3A_1807 = arith.constant 0.000000e+00 : f32
      %broadcast_in_dim3A_1808 = vector.broadcast %jit3A_1807 : f32 to vector<64x128xf32>
      %select_n3A_1809 = arith.select %and3A_1800, %slice3A_1784, %broadcast_in_dim3A_1808 : vector<64x128xi1>, vector<64x128xf32>
      %jit3A_1810 = arith.constant 0.000000e+00 : f32
      %broadcast_in_dim3A_1811 = vector.broadcast %jit3A_1810 : f32 to vector<64x128xf32>
      %select_n3A_1812 = arith.select %lt3A_1796, %slice3A_1785, %broadcast_in_dim3A_1811 : vector<64x128xi1>, vector<64x128xf32>
      %min3A_1813 = arith.minimumf %max3A_1781, %select_n3A_1806 : vector<64x128xf32>
      %max3A_1814 = arith.maximumf %max3A_1780, %min3A_1813 : vector<64x128xf32>
      %max3A_1815 = arith.maximumf %max3A_1781, %select_n3A_1806 : vector<64x128xf32>
      %add3A_1816 = arith.addf %add3A_1782, %select_n3A_1809 : vector<64x128xf32>
      %add3A_1817 = arith.addf %add3A_1783, %select_n3A_1812 : vector<64x128xf32>
      %slice3A_1818 = vector.extract_strided_slice %get3A_3 {offsets = [0, 6784], sizes = [64, 128], strides = [1, 1]} : vector<64x8192xf32> to vector<64x128xf32>
      %slice3A_1819 = vector.extract_strided_slice %get3A_6 {offsets = [0, 6784], sizes = [64, 128], strides = [1, 1]} : vector<64x8192xf32> to vector<64x128xf32>
      %mul3A_1820 = arith.constant 8192 : i32
      %mul3A_1821 = arith.muli %arg0, %mul3A_1820 : i32
      %add3A_1822 = arith.constant 32768 : i32
      %add3A_1823 = arith.addi %add3A_1822, %mul3A_1821 : i32
      %add3A_1824 = arith.constant 6784 : i32
      %add3A_1825 = arith.addi %add3A_1823, %add3A_1824 : i32
      %add3A_1826 = vector.broadcast %add3A_1825 : i32 to vector<64x128xi32>
      %add3A_1827 = arith.addi %add3A_1826, %iota3A : vector<64x128xi32>
      %lt3A_1828 = arith.constant 100000 : i32
      %lt3A_1829 = vector.broadcast %lt3A_1828 : i32 to vector<64x128xi32>
      %lt3A_1830 = arith.cmpi slt, %add3A_1827, %lt3A_1829 : vector<64x128xi32>
      %gt3A_1831 = arith.constant 0.000000e+00 : f32
      %gt3A_1832 = vector.broadcast %gt3A_1831 : f32 to vector<64x128xf32>
      %gt3A_1833 = arith.cmpf ogt, %slice3A_1819, %gt3A_1832 : vector<64x128xf32>
      %and3A_1834 = arith.andi %lt3A_1830, %gt3A_1833 : vector<64x128xi1>
      %not3A_1835 = arith.constant dense<true> : vector<64x128xi1>
      %not3A_1836 = arith.xori %lt3A_1830, %not3A_1835 : vector<64x128xi1>
      %or3A_1837 = arith.ori %and3A_1834, %not3A_1836 : vector<64x128xi1>
      %jit3A_1838 = arith.constant -1.000000e+30 : f32
      %broadcast_in_dim3A_1839 = vector.broadcast %jit3A_1838 : f32 to vector<64x128xf32>
      %select_n3A_1840 = arith.select %or3A_1837, %broadcast_in_dim3A_1839, %slice3A_1818 : vector<64x128xi1>, vector<64x128xf32>
      %jit3A_1841 = arith.constant 0.000000e+00 : f32
      %broadcast_in_dim3A_1842 = vector.broadcast %jit3A_1841 : f32 to vector<64x128xf32>
      %select_n3A_1843 = arith.select %and3A_1834, %slice3A_1818, %broadcast_in_dim3A_1842 : vector<64x128xi1>, vector<64x128xf32>
      %jit3A_1844 = arith.constant 0.000000e+00 : f32
      %broadcast_in_dim3A_1845 = vector.broadcast %jit3A_1844 : f32 to vector<64x128xf32>
      %select_n3A_1846 = arith.select %lt3A_1830, %slice3A_1819, %broadcast_in_dim3A_1845 : vector<64x128xi1>, vector<64x128xf32>
      %min3A_1847 = arith.minimumf %max3A_1815, %select_n3A_1840 : vector<64x128xf32>
      %max3A_1848 = arith.maximumf %max3A_1814, %min3A_1847 : vector<64x128xf32>
      %max3A_1849 = arith.maximumf %max3A_1815, %select_n3A_1840 : vector<64x128xf32>
      %add3A_1850 = arith.addf %add3A_1816, %select_n3A_1843 : vector<64x128xf32>
      %add3A_1851 = arith.addf %add3A_1817, %select_n3A_1846 : vector<64x128xf32>
      %slice3A_1852 = vector.extract_strided_slice %get3A_3 {offsets = [0, 6912], sizes = [64, 128], strides = [1, 1]} : vector<64x8192xf32> to vector<64x128xf32>
      %slice3A_1853 = vector.extract_strided_slice %get3A_6 {offsets = [0, 6912], sizes = [64, 128], strides = [1, 1]} : vector<64x8192xf32> to vector<64x128xf32>
      %mul3A_1854 = arith.constant 8192 : i32
      %mul3A_1855 = arith.muli %arg0, %mul3A_1854 : i32
      %add3A_1856 = arith.constant 32768 : i32
      %add3A_1857 = arith.addi %add3A_1856, %mul3A_1855 : i32
      %add3A_1858 = arith.constant 6912 : i32
      %add3A_1859 = arith.addi %add3A_1857, %add3A_1858 : i32
      %add3A_1860 = vector.broadcast %add3A_1859 : i32 to vector<64x128xi32>
      %add3A_1861 = arith.addi %add3A_1860, %iota3A : vector<64x128xi32>
      %lt3A_1862 = arith.constant 100000 : i32
      %lt3A_1863 = vector.broadcast %lt3A_1862 : i32 to vector<64x128xi32>
      %lt3A_1864 = arith.cmpi slt, %add3A_1861, %lt3A_1863 : vector<64x128xi32>
      %gt3A_1865 = arith.constant 0.000000e+00 : f32
      %gt3A_1866 = vector.broadcast %gt3A_1865 : f32 to vector<64x128xf32>
      %gt3A_1867 = arith.cmpf ogt, %slice3A_1853, %gt3A_1866 : vector<64x128xf32>
      %and3A_1868 = arith.andi %lt3A_1864, %gt3A_1867 : vector<64x128xi1>
      %not3A_1869 = arith.constant dense<true> : vector<64x128xi1>
      %not3A_1870 = arith.xori %lt3A_1864, %not3A_1869 : vector<64x128xi1>
      %or3A_1871 = arith.ori %and3A_1868, %not3A_1870 : vector<64x128xi1>
      %jit3A_1872 = arith.constant -1.000000e+30 : f32
      %broadcast_in_dim3A_1873 = vector.broadcast %jit3A_1872 : f32 to vector<64x128xf32>
      %select_n3A_1874 = arith.select %or3A_1871, %broadcast_in_dim3A_1873, %slice3A_1852 : vector<64x128xi1>, vector<64x128xf32>
      %jit3A_1875 = arith.constant 0.000000e+00 : f32
      %broadcast_in_dim3A_1876 = vector.broadcast %jit3A_1875 : f32 to vector<64x128xf32>
      %select_n3A_1877 = arith.select %and3A_1868, %slice3A_1852, %broadcast_in_dim3A_1876 : vector<64x128xi1>, vector<64x128xf32>
      %jit3A_1878 = arith.constant 0.000000e+00 : f32
      %broadcast_in_dim3A_1879 = vector.broadcast %jit3A_1878 : f32 to vector<64x128xf32>
      %select_n3A_1880 = arith.select %lt3A_1864, %slice3A_1853, %broadcast_in_dim3A_1879 : vector<64x128xi1>, vector<64x128xf32>
      %min3A_1881 = arith.minimumf %max3A_1849, %select_n3A_1874 : vector<64x128xf32>
      %max3A_1882 = arith.maximumf %max3A_1848, %min3A_1881 : vector<64x128xf32>
      %max3A_1883 = arith.maximumf %max3A_1849, %select_n3A_1874 : vector<64x128xf32>
      %add3A_1884 = arith.addf %add3A_1850, %select_n3A_1877 : vector<64x128xf32>
      %add3A_1885 = arith.addf %add3A_1851, %select_n3A_1880 : vector<64x128xf32>
      %slice3A_1886 = vector.extract_strided_slice %get3A_3 {offsets = [0, 7040], sizes = [64, 128], strides = [1, 1]} : vector<64x8192xf32> to vector<64x128xf32>
      %slice3A_1887 = vector.extract_strided_slice %get3A_6 {offsets = [0, 7040], sizes = [64, 128], strides = [1, 1]} : vector<64x8192xf32> to vector<64x128xf32>
      %mul3A_1888 = arith.constant 8192 : i32
      %mul3A_1889 = arith.muli %arg0, %mul3A_1888 : i32
      %add3A_1890 = arith.constant 32768 : i32
      %add3A_1891 = arith.addi %add3A_1890, %mul3A_1889 : i32
      %add3A_1892 = arith.constant 7040 : i32
      %add3A_1893 = arith.addi %add3A_1891, %add3A_1892 : i32
      %add3A_1894 = vector.broadcast %add3A_1893 : i32 to vector<64x128xi32>
      %add3A_1895 = arith.addi %add3A_1894, %iota3A : vector<64x128xi32>
      %lt3A_1896 = arith.constant 100000 : i32
      %lt3A_1897 = vector.broadcast %lt3A_1896 : i32 to vector<64x128xi32>
      %lt3A_1898 = arith.cmpi slt, %add3A_1895, %lt3A_1897 : vector<64x128xi32>
      %gt3A_1899 = arith.constant 0.000000e+00 : f32
      %gt3A_1900 = vector.broadcast %gt3A_1899 : f32 to vector<64x128xf32>
      %gt3A_1901 = arith.cmpf ogt, %slice3A_1887, %gt3A_1900 : vector<64x128xf32>
      %and3A_1902 = arith.andi %lt3A_1898, %gt3A_1901 : vector<64x128xi1>
      %not3A_1903 = arith.constant dense<true> : vector<64x128xi1>
      %not3A_1904 = arith.xori %lt3A_1898, %not3A_1903 : vector<64x128xi1>
      %or3A_1905 = arith.ori %and3A_1902, %not3A_1904 : vector<64x128xi1>
      %jit3A_1906 = arith.constant -1.000000e+30 : f32
      %broadcast_in_dim3A_1907 = vector.broadcast %jit3A_1906 : f32 to vector<64x128xf32>
      %select_n3A_1908 = arith.select %or3A_1905, %broadcast_in_dim3A_1907, %slice3A_1886 : vector<64x128xi1>, vector<64x128xf32>
      %jit3A_1909 = arith.constant 0.000000e+00 : f32
      %broadcast_in_dim3A_1910 = vector.broadcast %jit3A_1909 : f32 to vector<64x128xf32>
      %select_n3A_1911 = arith.select %and3A_1902, %slice3A_1886, %broadcast_in_dim3A_1910 : vector<64x128xi1>, vector<64x128xf32>
      %jit3A_1912 = arith.constant 0.000000e+00 : f32
      %broadcast_in_dim3A_1913 = vector.broadcast %jit3A_1912 : f32 to vector<64x128xf32>
      %select_n3A_1914 = arith.select %lt3A_1898, %slice3A_1887, %broadcast_in_dim3A_1913 : vector<64x128xi1>, vector<64x128xf32>
      %min3A_1915 = arith.minimumf %max3A_1883, %select_n3A_1908 : vector<64x128xf32>
      %max3A_1916 = arith.maximumf %max3A_1882, %min3A_1915 : vector<64x128xf32>
      %max3A_1917 = arith.maximumf %max3A_1883, %select_n3A_1908 : vector<64x128xf32>
      %add3A_1918 = arith.addf %add3A_1884, %select_n3A_1911 : vector<64x128xf32>
      %add3A_1919 = arith.addf %add3A_1885, %select_n3A_1914 : vector<64x128xf32>
      %slice3A_1920 = vector.extract_strided_slice %get3A_3 {offsets = [0, 7168], sizes = [64, 128], strides = [1, 1]} : vector<64x8192xf32> to vector<64x128xf32>
      %slice3A_1921 = vector.extract_strided_slice %get3A_6 {offsets = [0, 7168], sizes = [64, 128], strides = [1, 1]} : vector<64x8192xf32> to vector<64x128xf32>
      %mul3A_1922 = arith.constant 8192 : i32
      %mul3A_1923 = arith.muli %arg0, %mul3A_1922 : i32
      %add3A_1924 = arith.constant 32768 : i32
      %add3A_1925 = arith.addi %add3A_1924, %mul3A_1923 : i32
      %add3A_1926 = arith.constant 7168 : i32
      %add3A_1927 = arith.addi %add3A_1925, %add3A_1926 : i32
      %add3A_1928 = vector.broadcast %add3A_1927 : i32 to vector<64x128xi32>
      %add3A_1929 = arith.addi %add3A_1928, %iota3A : vector<64x128xi32>
      %lt3A_1930 = arith.constant 100000 : i32
      %lt3A_1931 = vector.broadcast %lt3A_1930 : i32 to vector<64x128xi32>
      %lt3A_1932 = arith.cmpi slt, %add3A_1929, %lt3A_1931 : vector<64x128xi32>
      %gt3A_1933 = arith.constant 0.000000e+00 : f32
      %gt3A_1934 = vector.broadcast %gt3A_1933 : f32 to vector<64x128xf32>
      %gt3A_1935 = arith.cmpf ogt, %slice3A_1921, %gt3A_1934 : vector<64x128xf32>
      %and3A_1936 = arith.andi %lt3A_1932, %gt3A_1935 : vector<64x128xi1>
      %not3A_1937 = arith.constant dense<true> : vector<64x128xi1>
      %not3A_1938 = arith.xori %lt3A_1932, %not3A_1937 : vector<64x128xi1>
      %or3A_1939 = arith.ori %and3A_1936, %not3A_1938 : vector<64x128xi1>
      %jit3A_1940 = arith.constant -1.000000e+30 : f32
      %broadcast_in_dim3A_1941 = vector.broadcast %jit3A_1940 : f32 to vector<64x128xf32>
      %select_n3A_1942 = arith.select %or3A_1939, %broadcast_in_dim3A_1941, %slice3A_1920 : vector<64x128xi1>, vector<64x128xf32>
      %jit3A_1943 = arith.constant 0.000000e+00 : f32
      %broadcast_in_dim3A_1944 = vector.broadcast %jit3A_1943 : f32 to vector<64x128xf32>
      %select_n3A_1945 = arith.select %and3A_1936, %slice3A_1920, %broadcast_in_dim3A_1944 : vector<64x128xi1>, vector<64x128xf32>
      %jit3A_1946 = arith.constant 0.000000e+00 : f32
      %broadcast_in_dim3A_1947 = vector.broadcast %jit3A_1946 : f32 to vector<64x128xf32>
      %select_n3A_1948 = arith.select %lt3A_1932, %slice3A_1921, %broadcast_in_dim3A_1947 : vector<64x128xi1>, vector<64x128xf32>
      %min3A_1949 = arith.minimumf %max3A_1917, %select_n3A_1942 : vector<64x128xf32>
      %max3A_1950 = arith.maximumf %max3A_1916, %min3A_1949 : vector<64x128xf32>
      %max3A_1951 = arith.maximumf %max3A_1917, %select_n3A_1942 : vector<64x128xf32>
      %add3A_1952 = arith.addf %add3A_1918, %select_n3A_1945 : vector<64x128xf32>
      %add3A_1953 = arith.addf %add3A_1919, %select_n3A_1948 : vector<64x128xf32>
      %slice3A_1954 = vector.extract_strided_slice %get3A_3 {offsets = [0, 7296], sizes = [64, 128], strides = [1, 1]} : vector<64x8192xf32> to vector<64x128xf32>
      %slice3A_1955 = vector.extract_strided_slice %get3A_6 {offsets = [0, 7296], sizes = [64, 128], strides = [1, 1]} : vector<64x8192xf32> to vector<64x128xf32>
      %mul3A_1956 = arith.constant 8192 : i32
      %mul3A_1957 = arith.muli %arg0, %mul3A_1956 : i32
      %add3A_1958 = arith.constant 32768 : i32
      %add3A_1959 = arith.addi %add3A_1958, %mul3A_1957 : i32
      %add3A_1960 = arith.constant 7296 : i32
      %add3A_1961 = arith.addi %add3A_1959, %add3A_1960 : i32
      %add3A_1962 = vector.broadcast %add3A_1961 : i32 to vector<64x128xi32>
      %add3A_1963 = arith.addi %add3A_1962, %iota3A : vector<64x128xi32>
      %lt3A_1964 = arith.constant 100000 : i32
      %lt3A_1965 = vector.broadcast %lt3A_1964 : i32 to vector<64x128xi32>
      %lt3A_1966 = arith.cmpi slt, %add3A_1963, %lt3A_1965 : vector<64x128xi32>
      %gt3A_1967 = arith.constant 0.000000e+00 : f32
      %gt3A_1968 = vector.broadcast %gt3A_1967 : f32 to vector<64x128xf32>
      %gt3A_1969 = arith.cmpf ogt, %slice3A_1955, %gt3A_1968 : vector<64x128xf32>
      %and3A_1970 = arith.andi %lt3A_1966, %gt3A_1969 : vector<64x128xi1>
      %not3A_1971 = arith.constant dense<true> : vector<64x128xi1>
      %not3A_1972 = arith.xori %lt3A_1966, %not3A_1971 : vector<64x128xi1>
      %or3A_1973 = arith.ori %and3A_1970, %not3A_1972 : vector<64x128xi1>
      %jit3A_1974 = arith.constant -1.000000e+30 : f32
      %broadcast_in_dim3A_1975 = vector.broadcast %jit3A_1974 : f32 to vector<64x128xf32>
      %select_n3A_1976 = arith.select %or3A_1973, %broadcast_in_dim3A_1975, %slice3A_1954 : vector<64x128xi1>, vector<64x128xf32>
      %jit3A_1977 = arith.constant 0.000000e+00 : f32
      %broadcast_in_dim3A_1978 = vector.broadcast %jit3A_1977 : f32 to vector<64x128xf32>
      %select_n3A_1979 = arith.select %and3A_1970, %slice3A_1954, %broadcast_in_dim3A_1978 : vector<64x128xi1>, vector<64x128xf32>
      %jit3A_1980 = arith.constant 0.000000e+00 : f32
      %broadcast_in_dim3A_1981 = vector.broadcast %jit3A_1980 : f32 to vector<64x128xf32>
      %select_n3A_1982 = arith.select %lt3A_1966, %slice3A_1955, %broadcast_in_dim3A_1981 : vector<64x128xi1>, vector<64x128xf32>
      %min3A_1983 = arith.minimumf %max3A_1951, %select_n3A_1976 : vector<64x128xf32>
      %max3A_1984 = arith.maximumf %max3A_1950, %min3A_1983 : vector<64x128xf32>
      %max3A_1985 = arith.maximumf %max3A_1951, %select_n3A_1976 : vector<64x128xf32>
      %add3A_1986 = arith.addf %add3A_1952, %select_n3A_1979 : vector<64x128xf32>
      %add3A_1987 = arith.addf %add3A_1953, %select_n3A_1982 : vector<64x128xf32>
      %slice3A_1988 = vector.extract_strided_slice %get3A_3 {offsets = [0, 7424], sizes = [64, 128], strides = [1, 1]} : vector<64x8192xf32> to vector<64x128xf32>
      %slice3A_1989 = vector.extract_strided_slice %get3A_6 {offsets = [0, 7424], sizes = [64, 128], strides = [1, 1]} : vector<64x8192xf32> to vector<64x128xf32>
      %mul3A_1990 = arith.constant 8192 : i32
      %mul3A_1991 = arith.muli %arg0, %mul3A_1990 : i32
      %add3A_1992 = arith.constant 32768 : i32
      %add3A_1993 = arith.addi %add3A_1992, %mul3A_1991 : i32
      %add3A_1994 = arith.constant 7424 : i32
      %add3A_1995 = arith.addi %add3A_1993, %add3A_1994 : i32
      %add3A_1996 = vector.broadcast %add3A_1995 : i32 to vector<64x128xi32>
      %add3A_1997 = arith.addi %add3A_1996, %iota3A : vector<64x128xi32>
      %lt3A_1998 = arith.constant 100000 : i32
      %lt3A_1999 = vector.broadcast %lt3A_1998 : i32 to vector<64x128xi32>
      %lt3A_2000 = arith.cmpi slt, %add3A_1997, %lt3A_1999 : vector<64x128xi32>
      %gt3A_2001 = arith.constant 0.000000e+00 : f32
      %gt3A_2002 = vector.broadcast %gt3A_2001 : f32 to vector<64x128xf32>
      %gt3A_2003 = arith.cmpf ogt, %slice3A_1989, %gt3A_2002 : vector<64x128xf32>
      %and3A_2004 = arith.andi %lt3A_2000, %gt3A_2003 : vector<64x128xi1>
      %not3A_2005 = arith.constant dense<true> : vector<64x128xi1>
      %not3A_2006 = arith.xori %lt3A_2000, %not3A_2005 : vector<64x128xi1>
      %or3A_2007 = arith.ori %and3A_2004, %not3A_2006 : vector<64x128xi1>
      %jit3A_2008 = arith.constant -1.000000e+30 : f32
      %broadcast_in_dim3A_2009 = vector.broadcast %jit3A_2008 : f32 to vector<64x128xf32>
      %select_n3A_2010 = arith.select %or3A_2007, %broadcast_in_dim3A_2009, %slice3A_1988 : vector<64x128xi1>, vector<64x128xf32>
      %jit3A_2011 = arith.constant 0.000000e+00 : f32
      %broadcast_in_dim3A_2012 = vector.broadcast %jit3A_2011 : f32 to vector<64x128xf32>
      %select_n3A_2013 = arith.select %and3A_2004, %slice3A_1988, %broadcast_in_dim3A_2012 : vector<64x128xi1>, vector<64x128xf32>
      %jit3A_2014 = arith.constant 0.000000e+00 : f32
      %broadcast_in_dim3A_2015 = vector.broadcast %jit3A_2014 : f32 to vector<64x128xf32>
      %select_n3A_2016 = arith.select %lt3A_2000, %slice3A_1989, %broadcast_in_dim3A_2015 : vector<64x128xi1>, vector<64x128xf32>
      %min3A_2017 = arith.minimumf %max3A_1985, %select_n3A_2010 : vector<64x128xf32>
      %max3A_2018 = arith.maximumf %max3A_1984, %min3A_2017 : vector<64x128xf32>
      %max3A_2019 = arith.maximumf %max3A_1985, %select_n3A_2010 : vector<64x128xf32>
      %add3A_2020 = arith.addf %add3A_1986, %select_n3A_2013 : vector<64x128xf32>
      %add3A_2021 = arith.addf %add3A_1987, %select_n3A_2016 : vector<64x128xf32>
      %slice3A_2022 = vector.extract_strided_slice %get3A_3 {offsets = [0, 7552], sizes = [64, 128], strides = [1, 1]} : vector<64x8192xf32> to vector<64x128xf32>
      %slice3A_2023 = vector.extract_strided_slice %get3A_6 {offsets = [0, 7552], sizes = [64, 128], strides = [1, 1]} : vector<64x8192xf32> to vector<64x128xf32>
      %mul3A_2024 = arith.constant 8192 : i32
      %mul3A_2025 = arith.muli %arg0, %mul3A_2024 : i32
      %add3A_2026 = arith.constant 32768 : i32
      %add3A_2027 = arith.addi %add3A_2026, %mul3A_2025 : i32
      %add3A_2028 = arith.constant 7552 : i32
      %add3A_2029 = arith.addi %add3A_2027, %add3A_2028 : i32
      %add3A_2030 = vector.broadcast %add3A_2029 : i32 to vector<64x128xi32>
      %add3A_2031 = arith.addi %add3A_2030, %iota3A : vector<64x128xi32>
      %lt3A_2032 = arith.constant 100000 : i32
      %lt3A_2033 = vector.broadcast %lt3A_2032 : i32 to vector<64x128xi32>
      %lt3A_2034 = arith.cmpi slt, %add3A_2031, %lt3A_2033 : vector<64x128xi32>
      %gt3A_2035 = arith.constant 0.000000e+00 : f32
      %gt3A_2036 = vector.broadcast %gt3A_2035 : f32 to vector<64x128xf32>
      %gt3A_2037 = arith.cmpf ogt, %slice3A_2023, %gt3A_2036 : vector<64x128xf32>
      %and3A_2038 = arith.andi %lt3A_2034, %gt3A_2037 : vector<64x128xi1>
      %not3A_2039 = arith.constant dense<true> : vector<64x128xi1>
      %not3A_2040 = arith.xori %lt3A_2034, %not3A_2039 : vector<64x128xi1>
      %or3A_2041 = arith.ori %and3A_2038, %not3A_2040 : vector<64x128xi1>
      %jit3A_2042 = arith.constant -1.000000e+30 : f32
      %broadcast_in_dim3A_2043 = vector.broadcast %jit3A_2042 : f32 to vector<64x128xf32>
      %select_n3A_2044 = arith.select %or3A_2041, %broadcast_in_dim3A_2043, %slice3A_2022 : vector<64x128xi1>, vector<64x128xf32>
      %jit3A_2045 = arith.constant 0.000000e+00 : f32
      %broadcast_in_dim3A_2046 = vector.broadcast %jit3A_2045 : f32 to vector<64x128xf32>
      %select_n3A_2047 = arith.select %and3A_2038, %slice3A_2022, %broadcast_in_dim3A_2046 : vector<64x128xi1>, vector<64x128xf32>
      %jit3A_2048 = arith.constant 0.000000e+00 : f32
      %broadcast_in_dim3A_2049 = vector.broadcast %jit3A_2048 : f32 to vector<64x128xf32>
      %select_n3A_2050 = arith.select %lt3A_2034, %slice3A_2023, %broadcast_in_dim3A_2049 : vector<64x128xi1>, vector<64x128xf32>
      %min3A_2051 = arith.minimumf %max3A_2019, %select_n3A_2044 : vector<64x128xf32>
      %max3A_2052 = arith.maximumf %max3A_2018, %min3A_2051 : vector<64x128xf32>
      %max3A_2053 = arith.maximumf %max3A_2019, %select_n3A_2044 : vector<64x128xf32>
      %add3A_2054 = arith.addf %add3A_2020, %select_n3A_2047 : vector<64x128xf32>
      %add3A_2055 = arith.addf %add3A_2021, %select_n3A_2050 : vector<64x128xf32>
      %slice3A_2056 = vector.extract_strided_slice %get3A_3 {offsets = [0, 7680], sizes = [64, 128], strides = [1, 1]} : vector<64x8192xf32> to vector<64x128xf32>
      %slice3A_2057 = vector.extract_strided_slice %get3A_6 {offsets = [0, 7680], sizes = [64, 128], strides = [1, 1]} : vector<64x8192xf32> to vector<64x128xf32>
      %mul3A_2058 = arith.constant 8192 : i32
      %mul3A_2059 = arith.muli %arg0, %mul3A_2058 : i32
      %add3A_2060 = arith.constant 32768 : i32
      %add3A_2061 = arith.addi %add3A_2060, %mul3A_2059 : i32
      %add3A_2062 = arith.constant 7680 : i32
      %add3A_2063 = arith.addi %add3A_2061, %add3A_2062 : i32
      %add3A_2064 = vector.broadcast %add3A_2063 : i32 to vector<64x128xi32>
      %add3A_2065 = arith.addi %add3A_2064, %iota3A : vector<64x128xi32>
      %lt3A_2066 = arith.constant 100000 : i32
      %lt3A_2067 = vector.broadcast %lt3A_2066 : i32 to vector<64x128xi32>
      %lt3A_2068 = arith.cmpi slt, %add3A_2065, %lt3A_2067 : vector<64x128xi32>
      %gt3A_2069 = arith.constant 0.000000e+00 : f32
      %gt3A_2070 = vector.broadcast %gt3A_2069 : f32 to vector<64x128xf32>
      %gt3A_2071 = arith.cmpf ogt, %slice3A_2057, %gt3A_2070 : vector<64x128xf32>
      %and3A_2072 = arith.andi %lt3A_2068, %gt3A_2071 : vector<64x128xi1>
      %not3A_2073 = arith.constant dense<true> : vector<64x128xi1>
      %not3A_2074 = arith.xori %lt3A_2068, %not3A_2073 : vector<64x128xi1>
      %or3A_2075 = arith.ori %and3A_2072, %not3A_2074 : vector<64x128xi1>
      %jit3A_2076 = arith.constant -1.000000e+30 : f32
      %broadcast_in_dim3A_2077 = vector.broadcast %jit3A_2076 : f32 to vector<64x128xf32>
      %select_n3A_2078 = arith.select %or3A_2075, %broadcast_in_dim3A_2077, %slice3A_2056 : vector<64x128xi1>, vector<64x128xf32>
      %jit3A_2079 = arith.constant 0.000000e+00 : f32
      %broadcast_in_dim3A_2080 = vector.broadcast %jit3A_2079 : f32 to vector<64x128xf32>
      %select_n3A_2081 = arith.select %and3A_2072, %slice3A_2056, %broadcast_in_dim3A_2080 : vector<64x128xi1>, vector<64x128xf32>
      %jit3A_2082 = arith.constant 0.000000e+00 : f32
      %broadcast_in_dim3A_2083 = vector.broadcast %jit3A_2082 : f32 to vector<64x128xf32>
      %select_n3A_2084 = arith.select %lt3A_2068, %slice3A_2057, %broadcast_in_dim3A_2083 : vector<64x128xi1>, vector<64x128xf32>
      %min3A_2085 = arith.minimumf %max3A_2053, %select_n3A_2078 : vector<64x128xf32>
      %max3A_2086 = arith.maximumf %max3A_2052, %min3A_2085 : vector<64x128xf32>
      %max3A_2087 = arith.maximumf %max3A_2053, %select_n3A_2078 : vector<64x128xf32>
      %add3A_2088 = arith.addf %add3A_2054, %select_n3A_2081 : vector<64x128xf32>
      %add3A_2089 = arith.addf %add3A_2055, %select_n3A_2084 : vector<64x128xf32>
      %slice3A_2090 = vector.extract_strided_slice %get3A_3 {offsets = [0, 7808], sizes = [64, 128], strides = [1, 1]} : vector<64x8192xf32> to vector<64x128xf32>
      %slice3A_2091 = vector.extract_strided_slice %get3A_6 {offsets = [0, 7808], sizes = [64, 128], strides = [1, 1]} : vector<64x8192xf32> to vector<64x128xf32>
      %mul3A_2092 = arith.constant 8192 : i32
      %mul3A_2093 = arith.muli %arg0, %mul3A_2092 : i32
      %add3A_2094 = arith.constant 32768 : i32
      %add3A_2095 = arith.addi %add3A_2094, %mul3A_2093 : i32
      %add3A_2096 = arith.constant 7808 : i32
      %add3A_2097 = arith.addi %add3A_2095, %add3A_2096 : i32
      %add3A_2098 = vector.broadcast %add3A_2097 : i32 to vector<64x128xi32>
      %add3A_2099 = arith.addi %add3A_2098, %iota3A : vector<64x128xi32>
      %lt3A_2100 = arith.constant 100000 : i32
      %lt3A_2101 = vector.broadcast %lt3A_2100 : i32 to vector<64x128xi32>
      %lt3A_2102 = arith.cmpi slt, %add3A_2099, %lt3A_2101 : vector<64x128xi32>
      %gt3A_2103 = arith.constant 0.000000e+00 : f32
      %gt3A_2104 = vector.broadcast %gt3A_2103 : f32 to vector<64x128xf32>
      %gt3A_2105 = arith.cmpf ogt, %slice3A_2091, %gt3A_2104 : vector<64x128xf32>
      %and3A_2106 = arith.andi %lt3A_2102, %gt3A_2105 : vector<64x128xi1>
      %not3A_2107 = arith.constant dense<true> : vector<64x128xi1>
      %not3A_2108 = arith.xori %lt3A_2102, %not3A_2107 : vector<64x128xi1>
      %or3A_2109 = arith.ori %and3A_2106, %not3A_2108 : vector<64x128xi1>
      %jit3A_2110 = arith.constant -1.000000e+30 : f32
      %broadcast_in_dim3A_2111 = vector.broadcast %jit3A_2110 : f32 to vector<64x128xf32>
      %select_n3A_2112 = arith.select %or3A_2109, %broadcast_in_dim3A_2111, %slice3A_2090 : vector<64x128xi1>, vector<64x128xf32>
      %jit3A_2113 = arith.constant 0.000000e+00 : f32
      %broadcast_in_dim3A_2114 = vector.broadcast %jit3A_2113 : f32 to vector<64x128xf32>
      %select_n3A_2115 = arith.select %and3A_2106, %slice3A_2090, %broadcast_in_dim3A_2114 : vector<64x128xi1>, vector<64x128xf32>
      %jit3A_2116 = arith.constant 0.000000e+00 : f32
      %broadcast_in_dim3A_2117 = vector.broadcast %jit3A_2116 : f32 to vector<64x128xf32>
      %select_n3A_2118 = arith.select %lt3A_2102, %slice3A_2091, %broadcast_in_dim3A_2117 : vector<64x128xi1>, vector<64x128xf32>
      %min3A_2119 = arith.minimumf %max3A_2087, %select_n3A_2112 : vector<64x128xf32>
      %max3A_2120 = arith.maximumf %max3A_2086, %min3A_2119 : vector<64x128xf32>
      %max3A_2121 = arith.maximumf %max3A_2087, %select_n3A_2112 : vector<64x128xf32>
      %add3A_2122 = arith.addf %add3A_2088, %select_n3A_2115 : vector<64x128xf32>
      %add3A_2123 = arith.addf %add3A_2089, %select_n3A_2118 : vector<64x128xf32>
      %slice3A_2124 = vector.extract_strided_slice %get3A_3 {offsets = [0, 7936], sizes = [64, 128], strides = [1, 1]} : vector<64x8192xf32> to vector<64x128xf32>
      %slice3A_2125 = vector.extract_strided_slice %get3A_6 {offsets = [0, 7936], sizes = [64, 128], strides = [1, 1]} : vector<64x8192xf32> to vector<64x128xf32>
      %mul3A_2126 = arith.constant 8192 : i32
      %mul3A_2127 = arith.muli %arg0, %mul3A_2126 : i32
      %add3A_2128 = arith.constant 32768 : i32
      %add3A_2129 = arith.addi %add3A_2128, %mul3A_2127 : i32
      %add3A_2130 = arith.constant 7936 : i32
      %add3A_2131 = arith.addi %add3A_2129, %add3A_2130 : i32
      %add3A_2132 = vector.broadcast %add3A_2131 : i32 to vector<64x128xi32>
      %add3A_2133 = arith.addi %add3A_2132, %iota3A : vector<64x128xi32>
      %lt3A_2134 = arith.constant 100000 : i32
      %lt3A_2135 = vector.broadcast %lt3A_2134 : i32 to vector<64x128xi32>
      %lt3A_2136 = arith.cmpi slt, %add3A_2133, %lt3A_2135 : vector<64x128xi32>
      %gt3A_2137 = arith.constant 0.000000e+00 : f32
      %gt3A_2138 = vector.broadcast %gt3A_2137 : f32 to vector<64x128xf32>
      %gt3A_2139 = arith.cmpf ogt, %slice3A_2125, %gt3A_2138 : vector<64x128xf32>
      %and3A_2140 = arith.andi %lt3A_2136, %gt3A_2139 : vector<64x128xi1>
      %not3A_2141 = arith.constant dense<true> : vector<64x128xi1>
      %not3A_2142 = arith.xori %lt3A_2136, %not3A_2141 : vector<64x128xi1>
      %or3A_2143 = arith.ori %and3A_2140, %not3A_2142 : vector<64x128xi1>
      %jit3A_2144 = arith.constant -1.000000e+30 : f32
      %broadcast_in_dim3A_2145 = vector.broadcast %jit3A_2144 : f32 to vector<64x128xf32>
      %select_n3A_2146 = arith.select %or3A_2143, %broadcast_in_dim3A_2145, %slice3A_2124 : vector<64x128xi1>, vector<64x128xf32>
      %jit3A_2147 = arith.constant 0.000000e+00 : f32
      %broadcast_in_dim3A_2148 = vector.broadcast %jit3A_2147 : f32 to vector<64x128xf32>
      %select_n3A_2149 = arith.select %and3A_2140, %slice3A_2124, %broadcast_in_dim3A_2148 : vector<64x128xi1>, vector<64x128xf32>
      %jit3A_2150 = arith.constant 0.000000e+00 : f32
      %broadcast_in_dim3A_2151 = vector.broadcast %jit3A_2150 : f32 to vector<64x128xf32>
      %select_n3A_2152 = arith.select %lt3A_2136, %slice3A_2125, %broadcast_in_dim3A_2151 : vector<64x128xi1>, vector<64x128xf32>
      %min3A_2153 = arith.minimumf %max3A_2121, %select_n3A_2146 : vector<64x128xf32>
      %max3A_2154 = arith.maximumf %max3A_2120, %min3A_2153 : vector<64x128xf32>
      %max3A_2155 = arith.maximumf %max3A_2121, %select_n3A_2146 : vector<64x128xf32>
      %add3A_2156 = arith.addf %add3A_2122, %select_n3A_2149 : vector<64x128xf32>
      %add3A_2157 = arith.addf %add3A_2123, %select_n3A_2152 : vector<64x128xf32>
      %slice3A_2158 = vector.extract_strided_slice %get3A_3 {offsets = [0, 8064], sizes = [64, 128], strides = [1, 1]} : vector<64x8192xf32> to vector<64x128xf32>
      %slice3A_2159 = vector.extract_strided_slice %get3A_6 {offsets = [0, 8064], sizes = [64, 128], strides = [1, 1]} : vector<64x8192xf32> to vector<64x128xf32>
      %mul3A_2160 = arith.constant 8192 : i32
      %mul3A_2161 = arith.muli %arg0, %mul3A_2160 : i32
      %add3A_2162 = arith.constant 32768 : i32
      %add3A_2163 = arith.addi %add3A_2162, %mul3A_2161 : i32
      %add3A_2164 = arith.constant 8064 : i32
      %add3A_2165 = arith.addi %add3A_2163, %add3A_2164 : i32
      %add3A_2166 = vector.broadcast %add3A_2165 : i32 to vector<64x128xi32>
      %add3A_2167 = arith.addi %add3A_2166, %iota3A : vector<64x128xi32>
      %lt3A_2168 = arith.constant 100000 : i32
      %lt3A_2169 = vector.broadcast %lt3A_2168 : i32 to vector<64x128xi32>
      %lt3A_2170 = arith.cmpi slt, %add3A_2167, %lt3A_2169 : vector<64x128xi32>
      %gt3A_2171 = arith.constant 0.000000e+00 : f32
      %gt3A_2172 = vector.broadcast %gt3A_2171 : f32 to vector<64x128xf32>
      %gt3A_2173 = arith.cmpf ogt, %slice3A_2159, %gt3A_2172 : vector<64x128xf32>
      %and3A_2174 = arith.andi %lt3A_2170, %gt3A_2173 : vector<64x128xi1>
      %not3A_2175 = arith.constant dense<true> : vector<64x128xi1>
      %not3A_2176 = arith.xori %lt3A_2170, %not3A_2175 : vector<64x128xi1>
      %or3A_2177 = arith.ori %and3A_2174, %not3A_2176 : vector<64x128xi1>
      %jit3A_2178 = arith.constant -1.000000e+30 : f32
      %broadcast_in_dim3A_2179 = vector.broadcast %jit3A_2178 : f32 to vector<64x128xf32>
      %select_n3A_2180 = arith.select %or3A_2177, %broadcast_in_dim3A_2179, %slice3A_2158 : vector<64x128xi1>, vector<64x128xf32>
      %jit3A_2181 = arith.constant 0.000000e+00 : f32
      %broadcast_in_dim3A_2182 = vector.broadcast %jit3A_2181 : f32 to vector<64x128xf32>
      %select_n3A_2183 = arith.select %and3A_2174, %slice3A_2158, %broadcast_in_dim3A_2182 : vector<64x128xi1>, vector<64x128xf32>
      %jit3A_2184 = arith.constant 0.000000e+00 : f32
      %broadcast_in_dim3A_2185 = vector.broadcast %jit3A_2184 : f32 to vector<64x128xf32>
      %select_n3A_2186 = arith.select %lt3A_2170, %slice3A_2159, %broadcast_in_dim3A_2185 : vector<64x128xi1>, vector<64x128xf32>
      %min3A_2187 = arith.minimumf %max3A_2155, %select_n3A_2180 : vector<64x128xf32>
      %max3A_2188 = arith.maximumf %max3A_2154, %min3A_2187 : vector<64x128xf32>
      %max3A_2189 = arith.maximumf %max3A_2155, %select_n3A_2180 : vector<64x128xf32>
      %add3A_2190 = arith.addf %add3A_2156, %select_n3A_2183 : vector<64x128xf32>
      %add3A_2191 = arith.addf %add3A_2157, %select_n3A_2186 : vector<64x128xf32>
      %swap3A = arith.constant 0 : index
      %swap3A_2192 = arith.constant 0 : index
      %swap3A_2193 = vector.load %arg4[%swap3A, %swap3A_2192] : memref<64x128xf32, #tpu.memory_space<vmem>>, vector<64x128xf32>
      tpu.vector_store %arg4[%swap3A, %swap3A_2192], %max3A_2189 {strides = array<i32>} : memref<64x128xf32, #tpu.memory_space<vmem>>, vector<64x128xf32>,
      %swap3A_2194 = arith.constant 0 : index
      %swap3A_2195 = arith.constant 0 : index
      %swap3A_2196 = vector.load %arg5[%swap3A_2194, %swap3A_2195] : memref<64x128xf32, #tpu.memory_space<vmem>>, vector<64x128xf32>
      tpu.vector_store %arg5[%swap3A_2194, %swap3A_2195], %max3A_2188 {strides = array<i32>} : memref<64x128xf32, #tpu.memory_space<vmem>>, vector<64x128xf32>,
      %swap3A_2197 = arith.constant 0 : index
      %swap3A_2198 = arith.constant 0 : index
      %swap3A_2199 = vector.load %arg6[%swap3A_2197, %swap3A_2198] : memref<64x128xf32, #tpu.memory_space<vmem>>, vector<64x128xf32>
      tpu.vector_store %arg6[%swap3A_2197, %swap3A_2198], %add3A_2190 {strides = array<i32>} : memref<64x128xf32, #tpu.memory_space<vmem>>, vector<64x128xf32>,
      %swap3A_2200 = arith.constant 0 : index
      %swap3A_2201 = arith.constant 0 : index
      %swap3A_2202 = vector.load %arg7[%swap3A_2200, %swap3A_2201] : memref<64x128xf32, #tpu.memory_space<vmem>>, vector<64x128xf32>
      tpu.vector_store %arg7[%swap3A_2200, %swap3A_2201], %add3A_2191 {strides = array<i32>} : memref<64x128xf32, #tpu.memory_space<vmem>>, vector<64x128xf32>,
      %get3A_2203 = arith.constant 0 : index
      %get3A_2204 = arith.constant 0 : index
      %get3A_2205 = vector.load %arg4[%get3A_2203, %get3A_2204] : memref<64x128xf32, #tpu.memory_space<vmem>>, vector<64x128xf32>
      %swap3A_2206 = arith.constant 0 : index
      %swap3A_2207 = arith.constant 0 : index
      %swap3A_2208 = vector.load %arg3[%swap3A_2206, %swap3A_2207] : memref<64x512xf32, #tpu.memory_space<vmem>>, vector<64x128xf32>
      tpu.vector_store %arg3[%swap3A_2206, %swap3A_2207], %get3A_2205 {strides = array<i32>} : memref<64x512xf32, #tpu.memory_space<vmem>>, vector<64x128xf32>,
      %get3A_2209 = arith.constant 0 : index
      %get3A_2210 = arith.constant 0 : index
      %get3A_2211 = vector.load %arg5[%get3A_2209, %get3A_2210] : memref<64x128xf32, #tpu.memory_space<vmem>>, vector<64x128xf32>
      %swap3A_2212 = arith.constant 0 : index
      %swap3A_2213 = arith.constant 128 : index
      %swap3A_2214 = vector.load %arg3[%swap3A_2212, %swap3A_2213] : memref<64x512xf32, #tpu.memory_space<vmem>>, vector<64x128xf32>
      tpu.vector_store %arg3[%swap3A_2212, %swap3A_2213], %get3A_2211 {strides = array<i32>} : memref<64x512xf32, #tpu.memory_space<vmem>>, vector<64x128xf32>,
      %get3A_2215 = arith.constant 0 : index
      %get3A_2216 = arith.constant 0 : index
      %get3A_2217 = vector.load %arg6[%get3A_2215, %get3A_2216] : memref<64x128xf32, #tpu.memory_space<vmem>>, vector<64x128xf32>
      %swap3A_2218 = arith.constant 0 : index
      %swap3A_2219 = arith.constant 256 : index
      %swap3A_2220 = vector.load %arg3[%swap3A_2218, %swap3A_2219] : memref<64x512xf32, #tpu.memory_space<vmem>>, vector<64x128xf32>
      tpu.vector_store %arg3[%swap3A_2218, %swap3A_2219], %get3A_2217 {strides = array<i32>} : memref<64x512xf32, #tpu.memory_space<vmem>>, vector<64x128xf32>,
      %get3A_2221 = arith.constant 0 : index
      %get3A_2222 = arith.constant 0 : index
      %get3A_2223 = vector.load %arg7[%get3A_2221, %get3A_2222] : memref<64x128xf32, #tpu.memory_space<vmem>>, vector<64x128xf32>
      %swap3A_2224 = arith.constant 0 : index
      %swap3A_2225 = arith.constant 384 : index
      %swap3A_2226 = vector.load %arg3[%swap3A_2224, %swap3A_2225] : memref<64x512xf32, #tpu.memory_space<vmem>>, vector<64x128xf32>
      tpu.vector_store %arg3[%swap3A_2224, %swap3A_2225], %get3A_2223 {strides = array<i32>} : memref<64x512xf32, #tpu.memory_space<vmem>>, vector<64x128xf32>,
    } else {
    }
    return
  }
  func.func @transform_0(%arg0: i32) -> (i32, i32) {
    %add3A = arith.constant 4 : i32
    %add3A_0 = arith.addi %add3A, %arg0 : i32
    %c0_i32 = arith.constant 0 : i32
    %c0_i32_1 = arith.constant 0 : i32
    return %c0_i32, %add3A_0 : i32, i32
  }
  func.func @transform_1(%arg0: i32) -> (i32, i32) {
    %add3A = arith.constant 4 : i32
    %add3A_0 = arith.addi %add3A, %arg0 : i32
    %c0_i32 = arith.constant 0 : i32
    %c0_i32_1 = arith.constant 0 : i32
    return %c0_i32, %add3A_0 : i32, i32
  }
  func.func @transform_2(%arg0: i32) -> (i32, i32) {
    %c0_i32 = arith.constant 0 : i32
    %c0_i32_0 = arith.constant 0 : i32
    %c0_i32_1 = arith.constant 0 : i32
    return %c0_i32, %c0_i32_0 : i32, i32
  }
}

</mosaic_0001>

<sc_bundles>
// kernel: kernel.5.cloned.1.call-start
scs
__scs_entry_jumppad:
0x0: {  	(pc) =	sbr.rel $0x88, $3  }
0x1: {  	(tag) =	ssettag $0x0;
	lr =	simm.s32 $0x1  }
0x2: {  	[smem:$0x3F9F] =	sst lr;
	_ =	strace $0xD0000000  }
0x3: {  	_ = 	snop  }
0x4: {  	_ = 	snop  }
0x5: {  	_ = 	snop  }
0x6: {  	_ = 	snop  }
0x7: {  	_ = 	snop  }
__scs_overlays_trampoline_lowered:
0x8: {  	[smem:$0x3FAE] =	sst s0  }
0x9: {  	[smem:$0x3FAF] =	sst s1  }
0xa: {  	[smem:$0x3FB0] =	sst s2  }
0xb: {  	[smem:$0x3FB1] =	sst s3  }
0xc: {  	[smem:$0x3FB2] =	sst s4  }
0xd: {  	[smem:$0x3FB3] =	sst s5  }
0xe: {  	[smem:$0x3FB4] =	sst s6  }
0xf: {  	[smem:$0x3FB5] =	sst s7  }
0x10: {  	[smem:$0x3FB6] =	sst s8  }
0x11: {  	[smem:$0x3FB7] =	sst s9;
	s0 =	simm.s32 @!p0 $0x0  }
0x12: {  	s1 =	sld [smem:$0x3F9D];
	s0 =	simm.s32 @p0 $0x1  }
0x13: {  	[smem:$0x3FB8] =	sst s0;
	s0 =	simm.s32 @!p1 $0x0  }
0x14: {  	s2 =	sld [smem:$0x3F9C];
	s0 =	simm.s32 @p1 $0x1  }
0x15: {  	[smem:$0x3FB9] =	sst s0;
	s0 =	simm.s32 @!p2 $0x0  }
0x16: {  	s3 =	sld [smem:$0x3FDB];
	s0 =	simm.s32 @p2 $0x1  }
0x17: {  	s4 =	simm.s32 $0x1BF5;
	[smem:$0x3FBB] =	sst s0  }
0x18: {  	s0 =	sld [smem:$0x3F9E];
	_ =	swait.ge [sflag:s4], $0x0  }
0x19: {  	s7 =	sld [smem:$0x3F9F]  }
0x1a: {  	s8 =	sadd.s32 $0xFFFFE003, lr  }
0x1b: {  	s9 =	sadd.s32 $0xFFFFFEF7, lr;
	s5 =	simm.s32 $0xFFFFFFFF;
	p2 =	slt.u32 s8, $0xFFFFF086  }
0x1c: {  	p1 =	slt.u32 s9, $0xF7A;
	s5 =	simm.s32 @!p2 $0x0  }
0x1d: {  	s5 =	simm.s32 @p1 $0x1;
	p0 =	seq.s32 s7, s2  }
0x1e: {  	s7 =	smul.u32 @!p0 $0xF7A, s2;
	p2 =	seq.s32 @!p0 s5, $0x0  }
0x1f: {  	s9 =	smul.u32 $0xF7A, s1;
	s8 =	simm.s32 @!p0 $0x1BF5;
	p2 =	por !p2, p0  }
0x20: {  	[sflag:s8] =	ssyncset.s32 @!p0 $0xFFFFF086;
	s6 =	sadd.s32 @!p0 s3, s7;
	s7 =	simm.s32 @!p0 $0x108  }
0x21: {  	s3 =	sadd.s32 s3, s9;
	s6 =	sadd.s32 @!p0 $0x88, s6;
	s7 =	simm.s32 @p2 $0x1082  }
0x22: {  	[simem:s7], [sflag:s8] =	dma.local @!p0 [hbm:s6], $0xF7A  }
0x23: {  	s9 =	sor.u32 $0xD0000000, s2;
	s6 =	simm.s32 $0x108;
	_ =	swait.ge @!p0 [sflag:s8], $0x0  }
0x24: {  	s3 =	sadd.s32 $0x88, s3;
	s6 =	simm.s32 @!p1 $0x1082;
	[sflag:s4] =	ssyncset.s32 $0xFFFFF086  }
0x25: {  	[simem:s6], [sflag:s4] =	dma.local [hbm:s3], $0xF7A  }
0x26: {  	[smem:$0x3F9F] =	sst s1;
	(tag) =	ssettag s2;
	_ =	strace s9  }
0x27: {  	s1 =	sld [smem:$0x3FAF]  }
0x28: {  	s2 =	sld [smem:$0x3FB0]  }
0x29: {  	s4 =	sld [smem:$0x3FB2]  }
0x2a: {  	p0 =	seq.s32 s5, $0x0;
	s5 =	sld [smem:$0x3FB3]  }
0x2b: {  	s6 =	sld [smem:$0x3FB4]  }
0x2c: {  	s7 =	sld [smem:$0x3FB5]  }
0x2d: {  	s3 =	simm.s32 $0x108;
	s8 =	sld [smem:$0x3FB6]  }
0x2e: {  	s3 =	simm.s32 @!p0 $0x1082;
	s9 =	sld [smem:$0x3FB7]  }
0x2f: {  	lr =	sadd.s32 s0, s3;
	s0 =	sld [smem:$0x3FAE]  }
0x30: {  	s3 =	sld [smem:$0x3FB1]  }
0x31: {  	[smem:$0x3FBA] =	sst s10  }
0x32: {  	s10 =	sld [smem:$0x3FB8];
	_ =	sdelay $0x3  }
0x33: {  	p0 =	seq.s32 s10, $0x1;
	s10 =	sld [smem:$0x3FBA];
	_ =	sdelay $0x3  }
0x34: {  	[smem:$0x3FBA] =	sst s10  }
0x35: {  	s10 =	sld [smem:$0x3FB9];
	_ =	sdelay $0x3  }
0x36: {  	p1 =	seq.s32 s10, $0x1;
	s10 =	sld [smem:$0x3FBA];
	_ =	sdelay $0x3  }
0x37: {  	[smem:$0x3FBA] =	sst s10  }
0x38: {  	s10 =	sld [smem:$0x3FBB]  }
0x39: {  	_ = 	snop;
	(pc) =	sbr.ind lr, $3  }
0x3a: {  	_ = 	snop  }
0x3b: {  	_ = 	snop  }
0x3c: {  	p2 =	seq.s32 s10, $0x1;
	s10 =	sld [smem:$0x3FBA]  }
0x3d: {  	_ =	shalt  }
0x3e: {  	_ =	shalt  }
0x3f: {  	_ =	shalt  }
0x40: {  	_ =	shalt  }
0x41: {  	_ =	shalt  }
0x42: {  	_ =	shalt  }
0x43: {  	_ =	shalt  }
0x44: {  	_ =	shalt  }
0x45: {  	_ =	shalt  }
0x46: {  	_ =	shalt  }
0x47: {  	_ =	shalt  }
0x48: {  	_ =	shalt  }
0x49: {  	_ =	shalt  }
0x4a: {  	_ =	shalt  }
0x4b: {  	_ =	shalt  }
0x4c: {  	_ =	shalt  }
0x4d: {  	_ =	shalt  }
0x4e: {  	_ =	shalt  }
0x4f: {  	_ =	shalt  }
0x50: {  	_ =	shalt  }
0x51: {  	_ =	shalt  }
0x52: {  	_ =	shalt  }
0x53: {  	_ =	shalt  }
0x54: {  	_ =	shalt  }
0x55: {  	_ =	shalt  }
0x56: {  	_ =	shalt  }
0x57: {  	_ =	shalt  }
0x58: {  	_ =	shalt  }
0x59: {  	_ =	shalt  }
0x5a: {  	_ =	shalt  }
0x5b: {  	_ =	shalt  }
0x5c: {  	_ =	shalt  }
0x5d: {  	_ =	shalt  }
0x5e: {  	_ =	shalt  }
0x5f: {  	_ =	shalt  }
0x60: {  	_ =	shalt  }
0x61: {  	_ =	shalt  }
0x62: {  	_ =	shalt  }
0x63: {  	_ =	shalt  }
0x64: {  	_ =	shalt  }
0x65: {  	_ =	shalt  }
0x66: {  	_ =	shalt  }
0x67: {  	_ =	shalt  }
0x68: {  	_ =	shalt  }
0x69: {  	_ =	shalt  }
0x6a: {  	_ =	shalt  }
0x6b: {  	_ =	shalt  }
0x6c: {  	_ =	shalt  }
0x6d: {  	_ =	shalt  }
0x6e: {  	_ =	shalt  }
0x6f: {  	_ =	shalt  }
0x70: {  	_ =	shalt  }
0x71: {  	_ =	shalt  }
0x72: {  	_ =	shalt  }
0x73: {  	_ =	shalt  }
0x74: {  	_ =	shalt  }
0x75: {  	_ =	shalt  }
0x76: {  	_ =	shalt  }
0x77: {  	_ =	shalt  }
0x78: {  	_ =	shalt  }
0x79: {  	_ =	shalt  }
0x7a: {  	_ =	shalt  }
0x7b: {  	_ =	shalt  }
0x7c: {  	_ =	shalt  }
0x7d: {  	_ =	shalt  }
0x7e: {  	_ =	shalt  }
0x7f: {  	_ =	shalt  }
0x80: {  	_ =	shalt  }
0x81: {  	_ =	shalt  }
0x82: {  	_ =	shalt  }
0x83: {  	_ =	shalt  }
0x84: {  	_ =	shalt  }
0x85: {  	_ =	shalt  }
0x86: {  	_ =	shalt  }
0x87: {  	_ =	shalt  }
.Lfunc_end0:
.L_simem_size_0:
called_computation_lowered:
.L_overlay_start_0:
0x88: {  	s2 =	sld [smem:$0x3FD9]  }
0x89: {  	s3 =	sld [smem:$0x3FFE];
	_ =	sdelay $0x1  }
0x8a: {  	s1 =	srdreg.scid  }
0x8b: {  	s0 =	sand.u32 $0x1, s1  }
0x8c: {  	s17 =	sshll.u32 s0, $0xA;
	s2 =	sadd.s32 s3, s2  }
0x8d: {  	s2 =	sadd.s32 s2, s17  }
0x8e: {  	[smem:$0x3FC6] =	sst s2  }
0x8f: {  	_ = 	snop  }
0x90: {  	s2 =	sld [smem:$0x3FC9]  }
0x91: {  	s18 =	sld [smem:$0x3FC8];
	(tm) =	ssettm $0x1  }
0x92: {  	s4 =	sld [smem:$0x3FFB];
	_ =	sdelay $0x3  }
0x93: {  	_ =	strace s4  }
0x94: {  	s4 =	sld [smem:$0x3FFC];
	_ =	sdelay $0x3  }
0x95: {  	_ =	strace s4  }
0x96: {  	s4 =	sld [smem:$0x3FFD];
	_ =	sdelay $0x3  }
0x97: {  	_ =	strace s4  }
0x98: {  	_ =	strace $0x8FFFFFFF  }
0x99: {  	s19 =	sld [smem:$0x3FDB];
	_ =	sdelay $0x1  }
0x9a: {  	s5 =	simm.s32 $_scs_section_size  }
0x9b: {  	s6 =	simm.s32 $_size__tile_overlayer_lowered;
	s7 =	simm.s32 $_tile_overlayer_lowered  }
0x9c: {  	s22 =	simm.s32 $0x1BFF;
	s21 =	sshll.u32 s7, $0x1;
	s4 =	sadd.s32 s5, s19  }
0x9d: {  	s8 =	simm.s32 $0x0;
	s20 =	sshll.u32 s6, $0x1;
	s6 =	sadd.s32 s21, s4  }
0x9e: {  	[timem:s8], [sflag:s22] =	dma.local [hbm:s6], s20  }
0x9f: {  	_ =	swait.ge [sflag:s22], s20  }
0xa0: {  	s5 =	ssub.s32 $0x0, s20;
	[sflag:s22] =	ssyncset.done $0x0  }
0xa1: {  	[sflag:s22] =	ssyncadd.s32 s5;
	_ =	sdelay $0x1  }
0xa2: {  	s23 =	simm.s32 $0x1B8B  }
0xa3: {  	_ =	swait.ge [sflag:s23], $0x1  }
0xa4: {  	[sflag:s23] =	ssyncset.done $0x0  }
0xa5: {  	s25 =	simm.s32 $0x1B8E;
	s24 =	sld [smem:$0x3FFE];
	[sflag:s23] =	ssyncadd.s32 $0xFFFFFFFF  }
0xa6: {  	s26 =	simm.s32 $execute0_lowered;
	[smem:$0x3FD2] =	sst s25  }
0xa7: {  	s6 =	sshll.u32 s26, $0x1;
	_ =	strace $0x80000046;
	[dreg:$0x1] =	wrdreg $0xFFFFFFFF  }
0xa8: {  	s28 =	simm.s32 $_size_execute0_lowered;
	s4 =	sadd.s32 s4, s6;
	[dreg:$0x0] =	wrdreg $0x0  }
0xa9: {  	s6 =	sshll.u32 s28, $0x1;
	[dreg:$0x2] =	wrdreg s4  }
0xaa: {  	[dreg:$0x3] =	wrdreg s6  }
0xab: {  	[dreg:$0x4] =	wrdreg $0xC0  }
0xac: {  	_ =	task [dreg:s8], $0x5FFFF  }
0xad: {  	[dreg:$0x1] =	wrdreg $0xFFFFFFFF  }
0xae: {  	[dreg:$0x0] =	wrdreg $0x60  }
0xaf: {  	[dreg:$0x2] =	wrdreg s2  }
0xb0: {  	[dreg:$0x3] =	wrdreg s18  }
0xb1: {  	[dreg:$0x4] =	wrdreg s24  }
0xb2: {  	[dreg:$0x5] =	wrdreg $0x9  }
0xb3: {  	_ =	task.clear_ibuf [dreg:s8], $0x6FFFF;
	_ =	strace $0x90000046  }
0xb4: {  	s29 =	simm.s32 $0x9;
	_ =	strace $0x80000048  }
0xb5: {  	_ =	swait.ge [sflag:s29], $0x1  }
0xb6: {  	[sflag:s29] =	ssyncadd.s32 $0xFFFFFFFF  }
0xb7: {  	_ =	strace $0x90000048  }
0xb8: {  	_ =	sfence  }
0xb9: {  	s30 =	sld [smem:$0x0];
	_ =	sdelay $0x2  }
0xba: {  	s31 =	sshll.u32 s1, $0xD;
	s1 =	sshrl.u32 s1, $0x2  }
0xbb: {  	s3 =	sand.u32 $0x4000, s31;
	s1 =	sadd.s32 s1, s30  }
0xbc: {  	s0 =	sor.u32 s3, s0;
	s1 =	sshll.u32 s1, $0x11  }
0xbd: {  	s0 =	sor.u32 s1, s0  }
0xbe: {  	s0 =	sadd.s32 $0x8F2B, s0  }
0xbf: {  	[sflag:s0] =	ssyncadd.remote.s32 $0x1  }
0xc0: {  	_ =	sfence.sel $0xFFFF  }
0xc1: {  	[dreg:$0x0] =	wrdreg $0xFFFFFFFF;
	(pc) =	sbr.abs _section_cstart, $3  }
0xc2: {  	[dreg:$0x1] =	wrdreg $0xFFFFFFFF  }
0xc3: {  	_ =	task.clear_ibuf [dreg:s8], $0x2FFFF;
	_ =	strace $0x9FFFFFFF  }
0xc4: {  	(tm) =	ssettm $0x7FFFFFFF  }
0xc5: {  	_ =	shalt  }
tec
execute0_lowered:
.L_overlay_start_1:
0x0: {  	(tag) =	ssettag $0x1  }
0x1: {  	s9 =	rddreg [dreg:$0x0]  }
0x2: {  	s10 =	rddreg [dreg:$0x1]  }
0x3: {  	s3 =	rddreg [dreg:$0x2]  }
0x4: {  	s0 =	rddreg [dreg:$0x3]  }
0x5: {  	s1 =	stileid.u32;
	s2 =	simm.s32 $0x0;
	s4 =	srdreg.scid  }
0x6: {  	s16 =	simm.s32 $0x1;
	s17 =	simm.s32 $0x2;
	s18 =	simm.s32 $0x10000  }
0x7: {  	s19 =	simm.s32 $0x3;
	s20 =	simm.s32 $0x0;
	s5 =	sshll.u32 s1, $0x1  }
0x8: {  	s6 =	sshrl.u32 s1, $0x1;
	s4 =	sand.u32 $0x1, s4;
	[smem:$0x7FF] =	sst s2  }
0x9: {  	s5 =	sand.u32 $0x2, s5;
	s29 =	smul.u32 $0xC3800, s6;
	_ =	strace $0x80000047  }
0xa: {  	s6 =	sshll.u32 s6, $0x8;
	s8 =	sor.u32 s4, s5;
	s4 =	ssub.s32 $0x2, s4  }
0xb: {  	s11 =	sadd.s32 s6, s3;
	s7 =	sshll.u32 s8, $0x10;
	s30 =	sshrl.u32 s4, $0x1  }
0xc: {  	s15 =	sshll.u32 s8, $0xB;
	s5 =	sadd.s32 s29, s7;
	s13 =	ssub.s32 s4, s30  }
0xd: {  	s11 =	sadd.s32 s15, s11;
	s15 =	simm.s32 $0xC000;
	s12 =	sshrl.u32 s5, $0x3  }
0xe: {  	s11 =	sadd.s32 $0x600, s11;
	s3 =	sadd.s32 s9, s12;
	s31 =	sadd.s32 $0x800, s12  }
0xf: {  	s4 =	sadd.s32 s10, s12;
	s14 =	sadd.s32 $0x1000, s12;
	s12 =	sadd.s32 $0x1800, s12  }
0x10: {  	s5 =	sadd.s32 s9, s31;
	s6 =	sadd.s32 s10, s31;
	s7 =	sadd.s32 s9, s14  }
0x11: {  	s8 =	sadd.s32 s10, s14;
	s9 =	sadd.s32 s9, s12;
	s10 =	sadd.s32 s10, s12  }
0x12: {  	s12 =	smax.u32 s13, $0x1;
	s13 =	simm.s32 $0x8000;
	s14 =	simm.s32 $0x4000  }
.LBB2_1:
0x13: {  	[tilespmem:s2], [sflag:$0x1] =	stream.linear.gather [hbm4b:s3+s2], $0x4000, $0x38;
	[tilespmem:$0x10800] =	vst v63  }
0x14: {  	_ = 	snop  }
0x15: {  	[tilespmem:s13], [sflag:$0x1] =	stream.linear.gather [hbm4b:s4+s2], $0x4000, $0x38;
	[tilespmem:$0x10800] =	vst v63  }
0x16: {  	_ = 	snop  }
0x17: {  	[tilespmem:s14], [sflag:$0x2] =	stream.linear.gather [hbm4b:s5+s2], $0x4000, $0x38;
	[tilespmem:$0x10800] =	vst v63  }
0x18: {  	_ = 	snop  }
0x19: {  	[tilespmem:s15], [sflag:$0x2] =	stream.linear.gather [hbm4b:s6+s2], $0x4000, $0x38;
	[tilespmem:$0x10800] =	vst v63  }
0x1a: {  	_ =	swait.ge [sflag:s16], $0x4000  }
0x1b: {  	[sflag:s16] =	ssyncset.done $0x0  }
0x1c: {  	[sflag:s16] =	ssyncadd.s32 $0xFFFFC000  }
0x1d: {  	_ =	swait.ge [sflag:s16], $0x4000  }
0x1e: {  	s21 =	sand.u32 $0x70, s2;
	s22 =	sand.u32 $0x3C00, s2;
	[sflag:s16] =	ssyncset.done $0x0  }
0x1f: {  	s22 =	sor.u32 s21, s22;
	[sflag:s16] =	ssyncadd.s32 $0xFFFFC000  }
0x20: {  	v0 =	vld [tilespmem:s22+$0x8180]  }
0x21: {  	v1 =	vld [tilespmem:s22+$0x180]  }
0x22: {  	v10 =	vimm.f32 $0.0e+00;
	v15 =	vld [tilespmem:s22+$0x8000]  }
0x23: {  	v11 =	vimm.f32 $-1.000000020e+30;
	v21 =	vimm.f32 $-1.000000020e+30;
	v19 =	vimm.f32 $-1.000000020e+30;
	v8 =	vld [tilespmem:s22+$0x8080]  }
0x24: {  	v18 =	vimm.f32 $-1.000000020e+30;
	v23 =	vimm.f32 $-1.000000020e+30;
	v13 =	vimm.f32 $-1.000000020e+30;
	v7 =	vld [tilespmem:s22+$0x8100]  }
0x25: {  	v9 =	vimm.f32 $-1.000000020e+30;
	v12 =	vimm.f32 $-1.000000020e+30;
	v24 =	vimm.f32 $-1.000000020e+30  }
0x26: {  	v16 =	vimm.f32 $0.0e+00;
	v17 =	vimm.f32 $0.0e+00;
	v22 =	vimm.f32 $-1.000000020e+30  }
0x27: {  	v20 =	vimm.f32 $0.0e+00;
	v14 =	vimm.f32 $-1.000000020e+30;
	v25 =	vld [tilespmem:s22+$0x0];
	vm0 =	vgt.f32 v0, $0.0e+00  }
0x28: {  	v26 =	vld [tilespmem:s22+$0x80];
	v6 =	vadd.f32 v0, v10;
	v0 =	vmul.f32 v0, v1;
	vm1 =	vgt.f32 v15, $0.0e+00  }
0x29: {  	v27 =	vld [tilespmem:s22+$0x100];
	v3 =	vadd.f32 v8, v10;
	vm2 =	vgt.f32 v7, $0.0e+00;
	v5 =	vsel vm0, $0xF149F2CA, v1  }
0x2a: {  	s23 =	simm.s32 $0x10;
	s21 =	simm.s32 $0x80;
	v1 =	vadd.f32 v15, v10;
	vm0 =	vgt.f32 v8, $0.0e+00;
	v2 =	vmin.f32 v11, v5  }
0x2b: {  	s23 =	sand.u32 $0x70, s23;
	s24 =	sand.u32 $0x3C00, s21;
	s22 =	simm.s32 $0x20;
	v4 =	vmax.f32 v11, v2;
	v2 =	vadd.f32 v0, v10;
	v0 =	vadd.f32 v7, v10  }
.LBB2_2:
0x2c: {  	p0 =	sne.s32 s22, $0x7F0;
	s23 =	sor.u32 s23, s24;
	v28 =	vsel vm1, $0xF149F2CA, v25;
	v25 =	vmul.f32 v15, v25  }
0x2d: {  	v29 =	vld [tilespmem:s23+$0x8180];
	v21 =	vmax.f32 v21, v28;
	v30 =	vsel vm0, $0xF149F2CA, v26;
	v26 =	vmul.f32 v8, v26  }
0x2e: {  	v31 =	vld [tilespmem:s23+$0x180];
	v19 =	vmax.f32 v19, v30;
	v32 =	vsel vm2, $0xF149F2CA, v27;
	v27 =	vmul.f32 v7, v27  }
0x2f: {  	v7 =	vmin.f32 v18, v28;
	v28 =	vmin.f32 v23, v30;
	v18 =	vmovc v21;
	v15 =	vld [tilespmem:s23+$0x8000];
	v13 =	vmax.f32 v13, v32  }
0x30: {  	v9 =	vmax.f32 v9, v7;
	v12 =	vmax.f32 v12, v28;
	v28 =	vmin.f32 v24, v32;
	v23 =	vmovc v19;
	v8 =	vld [tilespmem:s23+$0x8080]  }
0x31: {  	v16 =	vadd.f32 v25, v16;
	v17 =	vadd.f32 v26, v17;
	v22 =	vmax.f32 v22, v28;
	v24 =	vmovc v13;
	v7 =	vld [tilespmem:s23+$0x8100]  }
.Ltmp0:
0x32: {  	v20 =	vadd.f32 v27, v20;
	v25 =	vld [tilespmem:s23+$0x0];
	vm0 =	vgt.f32 v29, $0.0e+00;
	v6 =	vadd.f32 v29, v6;
	(pc) =	sbr.rel @p0 .LBB2_2-.Ltmp0, $4  }
0x33: {  	v14 =	vmax.f32 v14, v5;
	v26 =	vld [tilespmem:s23+$0x80];
	v28 =	vmul.f32 v29, v31;
	v5 =	vsel vm0, $0xF149F2CA, v31  }
0x34: {  	vm1 =	vgt.f32 v15, $0.0e+00;
	v1 =	vadd.f32 v15, v1;
	v27 =	vld [tilespmem:s23+$0x100];
	v29 =	vmin.f32 v14, v5  }
0x35: {  	s21 =	sadd.s32 $0x80, s21;
	vm0 =	vgt.f32 v8, $0.0e+00;
	v4 =	vmax.f32 v4, v29;
	v2 =	vadd.f32 v28, v2  }
0x36: {  	s24 =	sand.u32 $0x3C00, s21;
	s23 =	sand.u32 $0x70, s22;
	s22 =	sadd.s32 $0x10, s22;
	v3 =	vadd.f32 v8, v3;
	vm2 =	vgt.f32 v7, $0.0e+00;
	v0 =	vadd.f32 v7, v0  }
0x37: {  	s22 =	sor.u32 s23, s24;
	v28 =	vsel vm1, $0xF149F2CA, v25  }
0x38: {  	v15 =	vmul.f32 v15, v25;
	v14 =	vmax.f32 v14, v5;
	v33 =	vimm.f32 $0.0e+00;
	v29 =	vld [tilespmem:s22+$0x8180]  }
0x39: {  	v34 =	vimm.f32 $-1.000000020e+30;
	v25 =	vsel vm0, $0xF149F2CA, v26;
	v8 =	vmul.f32 v8, v26;
	v26 =	vld [tilespmem:s22+$0x180]  }
0x3a: {  	v35 =	vimm.f32 $-1.000000020e+30;
	v37 =	vimm.f32 $-1.000000020e+30;
	v21 =	vmax.f32 v21, v28;
	v31 =	vld [tilespmem:s22+$0x8000]  }
0x3b: {  	v18 =	vmin.f32 v18, v28;
	v32 =	vld [tilespmem:s22+$0x8080];
	v19 =	vmax.f32 v19, v25;
	v30 =	vsel vm2, $0xF149F2CA, v27  }
0x3c: {  	v7 =	vmul.f32 v7, v27;
	v23 =	vmin.f32 v23, v25;
	v9 =	vmax.f32 v9, v18  }
0x3d: {  	v15 =	vadd.f32 v15, v16;
	v12 =	vmax.f32 v12, v23;
	v18 =	vmin.f32 v24, v30;
	v23 =	vld [tilespmem:s22+$0x8100]  }
0x3e: {  	v13 =	vmax.f32 v13, v30;
	v16 =	vadd.f32 v8, v17;
	v8 =	vld [tilespmem:s22+$0x0];
	v17 =	vmax.f32 v22, v18  }
0x3f: {  	v18 =	vadd.f32 v7, v20;
	vm0 =	vgt.f32 v29, $0.0e+00;
	v25 =	vadd.f32 v29, v6  }
0x40: {  	v7 =	vld [tilespmem:s22+$0x100];
	v5 =	vmul.f32 v29, v26;
	v29 =	vadd.f32 v31, v1;
	vm1 =	vgt.f32 v32, $0.0e+00  }
0x41: {  	v6 =	vld [tilespmem:s22+$0x80];
	v24 =	vadd.f32 v32, v3;
	v20 =	vsel vm0, $0xF149F2CA, v26;
	vm0 =	vgt.f32 v31, $0.0e+00  }
0x42: {  	s21 =	simm.s32 $0x0;
	v22 =	vmin.f32 v14, v20;
	v28 =	vadd.f32 v5, v2;
	vm2 =	vgt.f32 v23, $0.0e+00  }
0x43: {  	s29 =	sand.u32 $0x7, s21;
	v26 =	vadd.f32 v23, v0;
	v0 =	vsel vm0, $0xF149F2CA, v8;
	v1 =	vmul.f32 v31, v8  }
0x44: {  	s22 =	sshll.u32 s29, $0x4;
	v27 =	vmax.f32 v4, v22;
	v2 =	vmax.f32 v21, v0;
	v0 =	vmin.f32 v21, v0  }
0x45: {  	s22 =	sadd.s32 $0x0, s22;
	v30 =	vmul.f32 v23, v7;
	v21 =	vimm.f32 $0.0e+00;
	v8 =	vmax.f32 v9, v0  }
0x46: {  	s22 =	sor.u32 $0x380, s22;
	v4 =	vsel vm1, $0xF149F2CA, v6;
	v5 =	vmul.f32 v32, v6;
	v6 =	vsel vm2, $0xF149F2CA, v7  }
0x47: {  	s30 =	sand.u32 $0x70, s21;
	s31 =	sand.u32 $0x3C00, s21;
	v22 =	vld [tilespmem:s22+$0x8000];
	v32 =	vimm.f32 $-1.000000020e+30;
	v3 =	vmax.f32 v19, v4;
	v4 =	vmin.f32 v19, v4  }
0x48: {  	s26 =	sor.u32 s30, s31;
	v31 =	vld [tilespmem:s22+$0x0];
	v7 =	vmax.f32 v13, v6;
	v0 =	vmin.f32 v13, v6;
	v19 =	vimm.f32 $-1.000000020e+30  }
0x49: {  	v23 =	vld [tilespmem:s26+$0x8200];
	v9 =	vmax.f32 v12, v4;
	v4 =	vadd.f32 v1, v15;
	v5 =	vadd.f32 v5, v16  }
0x4a: {  	v6 =	vmax.f32 v17, v0;
	v1 =	vadd.f32 v30, v18;
	v0 =	vmax.f32 v14, v20  }
0x4b: {  	v38 =	vld [tilespmem:s26+$0x8280];
	v15 =	vimm.f32 $0.0e+00;
	v30 =	vimm.f32 $-1.000000020e+30;
	v16 =	vimm.f32 $-1.000000020e+30  }
0x4c: {  	v36 =	vld [tilespmem:s26+$0x8300];
	v17 =	vimm.f32 $-1.000000020e+30;
	v18 =	vimm.f32 $-1.000000020e+30;
	v20 =	vimm.f32 $0.0e+00  }
0x4d: {  	v40 =	vld [tilespmem:s26+$0x200];
	vm0 =	vgt.f32 v22, $0.0e+00;
	v14 =	vadd.f32 v22, v10;
	v42 =	vmul.f32 v22, v31  }
0x4e: {  	v39 =	vld [tilespmem:s26+$0x280];
	s22 =	simm.s32 $0x1;
	v12 =	vadd.f32 v23, v10;
	v22 =	vimm.f32 $0.0e+00;
	v13 =	vsel vm0, $0xF149F2CA, v31  }
0x4f: {  	s24 =	simm.s32 $0x10;
	s23 =	simm.s32 $0x20;
	v41 =	vld [tilespmem:s26+$0x300];
	s25 =	sand.u32 $0x7, s22;
	vm0 =	vgt.f32 v23, $0.0e+00;
	v31 =	vimm.f32 $-1.000000020e+30;
	v43 =	vmin.f32 v11, v13  }
.LBB2_4:
0x50: {  	p0 =	sne.s32 s23, $0x7F0;
	s25 =	sshll.u32 s25, $0x4;
	vm1 =	vgt.f32 v38, $0.0e+00;
	v11 =	vmax.f32 v11, v43;
	v10 =	vadd.f32 v42, v10;
	s21 =	sadd.s32 $0x80, s21  }
0x51: {  	s24 =	sand.u32 $0x70, s24;
	v33 =	vadd.f32 v38, v33;
	s25 =	sadd.s32 s25, s21;
	s26 =	sand.u32 $0x3C00, s21;
	vm2 =	vgt.f32 v36, $0.0e+00;
	v15 =	vadd.f32 v36, v15  }
0x52: {  	s26 =	sor.u32 s24, s26;
	s25 =	sor.u32 $0x380, s25;
	v42 =	vsel vm0, $0xF149F2CA, v40;
	v40 =	vmul.f32 v23, v40;
	s24 =	smov.u32 s23  }
0x53: {  	v43 =	vld [tilespmem:s25+$0x8000];
	v34 =	vmax.f32 v34, v42;
	v44 =	vsel vm1, $0xF149F2CA, v39;
	v39 =	vmul.f32 v38, v39  }
0x54: {  	v45 =	vld [tilespmem:s25+$0x0];
	v30 =	vmax.f32 v30, v44;
	v46 =	vsel vm2, $0xF149F2CA, v41;
	v41 =	vmul.f32 v36, v41  }
0x55: {  	v36 =	vmin.f32 v35, v42;
	v42 =	vmin.f32 v37, v44;
	v35 =	vmovc v34;
	v23 =	vld [tilespmem:s26+$0x8200];
	v16 =	vmax.f32 v16, v46  }
.Ltmp1:
0x56: {  	v17 =	vmax.f32 v17, v36;
	v18 =	vmax.f32 v18, v42;
	v42 =	vmin.f32 v32, v46;
	v37 =	vmovc v30;
	v38 =	vld [tilespmem:s26+$0x8280];
	(pc) =	sbr.rel @p0 .LBB2_4-.Ltmp1, $4  }
0x57: {  	v20 =	vadd.f32 v40, v20;
	v21 =	vadd.f32 v39, v21;
	v31 =	vmax.f32 v31, v42;
	v32 =	vmovc v16;
	v36 =	vld [tilespmem:s26+$0x8300]  }
0x58: {  	v22 =	vadd.f32 v41, v22;
	v40 =	vld [tilespmem:s26+$0x200];
	vm0 =	vgt.f32 v43, $0.0e+00;
	v14 =	vadd.f32 v43, v14  }
0x59: {  	s22 =	sadd.s32 $0x1, s22;
	v19 =	vmax.f32 v19, v13;
	v39 =	vld [tilespmem:s26+$0x280];
	v42 =	vmul.f32 v43, v45;
	v13 =	vsel vm0, $0xF149F2CA, v45  }
0x5a: {  	s23 =	sadd.s32 $0x10, s23;
	s25 =	sand.u32 $0x7, s22;
	vm0 =	vgt.f32 v23, $0.0e+00;
	v12 =	vadd.f32 v23, v12;
	v41 =	vld [tilespmem:s26+$0x300];
	v43 =	vmin.f32 v19, v13  }
0x5b: {  	s22 =	sshll.u32 s25, $0x4;
	s21 =	sadd.s32 $0x80, s21  }
0x5c: {  	s22 =	sadd.s32 s22, s21  }
0x5d: {  	s23 =	sand.u32 $0x70, s24;
	s21 =	sand.u32 $0x3C00, s21;
	s22 =	sor.u32 $0x380, s22  }
0x5e: {  	s21 =	sor.u32 s23, s21;
	v44 =	vld [tilespmem:s22+$0x8000]  }
0x5f: {  	v46 =	vld [tilespmem:s21+$0x8200]  }
0x60: {  	v61 =	vld [tilespmem:s21+$0x8280]  }
0x61: {  	v11 =	vmax.f32 v11, v43;
	v47 =	vld [tilespmem:s21+$0x8300]  }
0x62: {  	vm1 =	vgt.f32 v38, $0.0e+00;
	v10 =	vadd.f32 v42, v10;
	v33 =	vadd.f32 v38, v33;
	v63 =	vld [tilespmem:s21+$0x200]  }
0x63: {  	v13 =	vmax.f32 v19, v13;
	v15 =	vadd.f32 v36, v15;
	v62 =	vsel vm0, $0xF149F2CA, v40;
	v54 =	vld [tilespmem:s21+$0x280]  }
0x64: {  	v23 =	vmul.f32 v23, v40;
	vm0 =	vgt.f32 v36, $0.0e+00;
	v34 =	vmax.f32 v34, v62;
	v55 =	vld [tilespmem:s21+$0x300];
	s21 =	simm.s32 $0x0  }
0x65: {  	v45 =	vld [tilespmem:s22+$0x0];
	v52 =	vmul.f32 v38, v39;
	v53 =	vsel vm1, $0xF149F2CA, v39;
	v35 =	vmin.f32 v35, v62;
	[tilespmem:s21], [sflag:$0x1] =	stream.linear.gather [hbm4b:s7+s21], $0x4000, $0x38  }
0x66: {  	v48 =	vmax.f32 v30, v53;
	v30 =	vmin.f32 v37, v53;
	v56 =	vmul.f32 v36, v41  }
0x67: {  	v57 =	vsel vm0, $0xF149F2CA, v41;
	v17 =	vmax.f32 v17, v35;
	v59 =	vadd.f32 v23, v20;
	[tilespmem:s13], [sflag:$0x1] =	stream.linear.gather [hbm4b:s8+s21], $0x4000, $0x38;
	[tilespmem:$0x10800] =	vst v63  }
0x68: {  	v58 =	vmax.f32 v18, v30;
	v41 =	vmax.f32 v16, v57;
	v16 =	vmin.f32 v32, v57;
	_ =	swait.ge [sflag:s17], $0x4000  }
0x69: {  	v38 =	vadd.f32 v52, v21;
	v39 =	vmax.f32 v31, v16;
	v49 =	vadd.f32 v56, v22;
	[sflag:s17] =	ssyncset.done $0x0  }
0x6a: {  	vm0 =	vgt.f32 v44, $0.0e+00;
	v30 =	vadd.f32 v44, v14;
	v14 =	vmul.f32 v44, v45;
	[sflag:s17] =	ssyncadd.s32 $0xFFFFC000  }
0x6b: {  	v31 =	vadd.f32 v46, v12;
	vm1 =	vgt.f32 v61, $0.0e+00;
	vm2 =	vgt.f32 v47, $0.0e+00;
	_ =	swait.ge [sflag:s17], $0x4000  }
0x6c: {  	s30 =	sand.u32 $0x70, s21;
	s23 =	sand.u32 $0x3C00, s21;
	v22 =	vmul.f32 v61, v54;
	v50 =	vsel vm0, $0xF149F2CA, v45;
	vm0 =	vgt.f32 v46, $0.0e+00;
	[sflag:s17] =	ssyncset.done $0x0  }
0x6d: {  	s31 =	sor.u32 s30, s23;
	v19 =	vsel vm1, $0xF149F2CA, v54;
	v21 =	vsel vm2, $0xF149F2CA, v55;
	v16 =	vmin.f32 v13, v50;
	[sflag:s17] =	ssyncadd.s32 $0xFFFFC000  }
0x6e: {  	v14 =	vadd.f32 v14, v10;
	v10 =	vadd.f32 v47, v15;
	v12 =	vsel vm0, $0xF149F2CA, v63;
	v60 =	vld [tilespmem:s31+$0xC180]  }
0x6f: {  	v15 =	vmul.f32 v46, v63;
	v18 =	vmax.f32 v48, v19;
	v63 =	vmin.f32 v48, v19;
	v62 =	vld [tilespmem:s31+$0x4180]  }
0x70: {  	v22 =	vadd.f32 v22, v38;
	v23 =	vmax.f32 v34, v12;
	v20 =	vmin.f32 v34, v12;
	v34 =	vld [tilespmem:s31+$0xC000]  }
0x71: {  	v13 =	vmax.f32 v13, v50;
	v16 =	vmax.f32 v11, v16;
	v11 =	vadd.f32 v61, v33;
	v35 =	vld [tilespmem:s31+$0xC080]  }
0x72: {  	v61 =	vmul.f32 v47, v55;
	v12 =	vmax.f32 v41, v21;
	v19 =	vmax.f32 v17, v20;
	v36 =	vld [tilespmem:s31+$0xC100]  }
0x73: {  	v20 =	vmax.f32 v58, v63;
	v17 =	vmin.f32 v41, v21;
	v21 =	vadd.f32 v15, v59  }
0x74: {  	v17 =	vmax.f32 v39, v17;
	v15 =	vadd.f32 v61, v49;
	v39 =	vld [tilespmem:s31+$0x4000];
	v37 =	vmul.f32 v60, v62  }
0x75: {  	v40 =	vld [tilespmem:s31+$0x4080];
	vm0 =	vgt.f32 v60, $0.0e+00;
	v33 =	vadd.f32 v60, v25;
	v25 =	vadd.f32 v34, v29  }
0x76: {  	v41 =	vld [tilespmem:s31+$0x4100];
	vm1 =	vgt.f32 v35, $0.0e+00;
	v24 =	vadd.f32 v35, v24;
	v32 =	vsel vm0, $0xF149F2CA, v62  }
0x77: {  	s24 =	simm.s32 $0x80;
	s22 =	simm.s32 $0x10;
	v38 =	vmovc v3;
	vm2 =	vgt.f32 v36, $0.0e+00;
	v29 =	vmin.f32 v0, v32;
	v28 =	vadd.f32 v37, v28  }
0x78: {  	s25 =	simm.s32 $0x20;
	s28 =	sand.u32 $0x3C00, s24;
	s26 =	sand.u32 $0x70, s22;
	vm0 =	vgt.f32 v34, $0.0e+00;
	v27 =	vmax.f32 v27, v29;
	v29 =	vadd.f32 v36, v26;
	v26 =	vmovc v2;
	v37 =	vmovc v7  }
.LBB2_6:
0x79: {  	p0 =	sne.s32 s25, $0x7F0;
	s26 =	sor.u32 s26, s28;
	v42 =	vsel vm0, $0xF149F2CA, v39;
	v39 =	vmul.f32 v34, v39  }
0x7a: {  	v43 =	vld [tilespmem:s26+$0xC180];
	v2 =	vmax.f32 v2, v42;
	v44 =	vsel vm1, $0xF149F2CA, v40;
	v40 =	vmul.f32 v35, v40  }
0x7b: {  	v45 =	vld [tilespmem:s26+$0x4180];
	v3 =	vmax.f32 v3, v44;
	v46 =	vsel vm2, $0xF149F2CA, v41;
	v41 =	vmul.f32 v36, v41  }
0x7c: {  	v36 =	vmin.f32 v26, v42;
	v42 =	vmin.f32 v38, v44;
	v26 =	vmovc v2;
	v34 =	vld [tilespmem:s26+$0xC000];
	v7 =	vmax.f32 v7, v46  }
0x7d: {  	v8 =	vmax.f32 v8, v36;
	v9 =	vmax.f32 v9, v42;
	v42 =	vmin.f32 v37, v46;
	v38 =	vmovc v3;
	v35 =	vld [tilespmem:s26+$0xC080]  }
0x7e: {  	v4 =	vadd.f32 v39, v4;
	v5 =	vadd.f32 v40, v5;
	v6 =	vmax.f32 v6, v42;
	v37 =	vmovc v7;
	v36 =	vld [tilespmem:s26+$0xC100]  }
.Ltmp2:
0x7f: {  	v1 =	vadd.f32 v41, v1;
	v39 =	vld [tilespmem:s26+$0x4000];
	vm0 =	vgt.f32 v43, $0.0e+00;
	v33 =	vadd.f32 v43, v33;
	(pc) =	sbr.rel @p0 .LBB2_6-.Ltmp2, $4  }
0x80: {  	v0 =	vmax.f32 v0, v32;
	v40 =	vld [tilespmem:s26+$0x4080];
	v42 =	vmul.f32 v43, v45;
	v32 =	vsel vm0, $0xF149F2CA, v45  }
0x81: {  	vm0 =	vgt.f32 v34, $0.0e+00;
	v25 =	vadd.f32 v34, v25;
	v41 =	vld [tilespmem:s26+$0x4100];
	v43 =	vmin.f32 v0, v32  }
0x82: {  	s24 =	sadd.s32 $0x80, s24;
	vm1 =	vgt.f32 v35, $0.0e+00;
	v27 =	vmax.f32 v27, v43;
	v28 =	vadd.f32 v42, v28  }
0x83: {  	s28 =	sand.u32 $0x3C00, s24;
	s26 =	sand.u32 $0x70, s25;
	s25 =	sadd.s32 $0x10, s25;
	v24 =	vadd.f32 v35, v24;
	vm2 =	vgt.f32 v36, $0.0e+00;
	v29 =	vadd.f32 v36, v29  }
0x84: {  	s24 =	sor.u32 s26, s28  }
0x85: {  	v42 =	vsel vm0, $0xF149F2CA, v39;
	v52 =	vld [tilespmem:s24+$0xC180]  }
0x86: {  	v34 =	vmul.f32 v34, v39;
	v0 =	vmax.f32 v0, v32;
	v2 =	vmax.f32 v2, v42;
	v53 =	vld [tilespmem:s24+$0x4180]  }
0x87: {  	v43 =	vsel vm1, $0xF149F2CA, v40;
	v35 =	vmul.f32 v35, v40;
	v54 =	vld [tilespmem:s24+$0xC000];
	v26 =	vmin.f32 v26, v42  }
0x88: {  	v55 =	vld [tilespmem:s24+$0xC080];
	v44 =	vmax.f32 v3, v43;
	v3 =	vsel vm2, $0xF149F2CA, v41;
	v36 =	vmul.f32 v36, v41  }
0x89: {  	v56 =	vld [tilespmem:s24+$0xC100];
	v38 =	vmin.f32 v38, v43;
	v8 =	vmax.f32 v8, v26;
	v57 =	vadd.f32 v34, v4  }
0x8a: {  	v4 =	vld [tilespmem:s24+$0x4080];
	v7 =	vmax.f32 v7, v3;
	v9 =	vmax.f32 v9, v38;
	v3 =	vmin.f32 v37, v3  }
0x8b: {  	v58 =	vadd.f32 v35, v5;
	v5 =	vld [tilespmem:s24+$0x4100];
	v45 =	vmax.f32 v6, v3;
	v46 =	vadd.f32 v36, v1  }
0x8c: {  	vm0 =	vgt.f32 v52, $0.0e+00;
	v26 =	vadd.f32 v52, v33;
	v1 =	vmul.f32 v52, v53  }
0x8d: {  	s30 =	sand.u32 $0x7, s21;
	v3 =	vld [tilespmem:s24+$0x4000];
	v34 =	vadd.f32 v54, v25;
	vm1 =	vgt.f32 v55, $0.0e+00;
	v24 =	vadd.f32 v55, v24  }
0x8e: {  	s25 =	sand.u32 $0x70, s21;
	s24 =	sshll.u32 s30, $0x4;
	vm2 =	vgt.f32 v56, $0.0e+00;
	v25 =	vadd.f32 v56, v29;
	v47 =	vsel vm0, $0xF149F2CA, v53  }
0x8f: {  	s31 =	sor.u32 s25, s23;
	s24 =	sadd.s32 $0x0, s24;
	vm0 =	vgt.f32 v54, $0.0e+00;
	v59 =	vsel vm1, $0xF149F2CA, v4;
	v60 =	vmul.f32 v55, v4  }
0x90: {  	v35 =	vld [tilespmem:s31+$0xC200];
	s24 =	sor.u32 $0x380, s24;
	v6 =	vmin.f32 v0, v47;
	v28 =	vadd.f32 v1, v28;
	v62 =	vsel vm2, $0xF149F2CA, v5  }
0x91: {  	v61 =	vld [tilespmem:s24+$0xC000];
	v37 =	vmul.f32 v56, v5;
	v0 =	vmax.f32 v0, v47;
	v27 =	vmax.f32 v27, v6  }
0x92: {  	v63 =	vld [tilespmem:s24+$0x4000];
	v6 =	vsel vm0, $0xF149F2CA, v3;
	v29 =	vmul.f32 v54, v3;
	v3 =	vmax.f32 v44, v59  }
0x93: {  	v1 =	vmax.f32 v2, v6;
	v2 =	vmin.f32 v2, v6;
	v6 =	vmin.f32 v44, v59  }
0x94: {  	v36 =	vld [tilespmem:s31+$0xC280];
	v4 =	vmax.f32 v7, v62;
	v5 =	vmax.f32 v8, v2;
	v6 =	vmax.f32 v9, v6  }
0x95: {  	v33 =	vld [tilespmem:s31+$0xC300];
	v2 =	vmin.f32 v7, v62;
	v7 =	vadd.f32 v29, v57;
	v8 =	vadd.f32 v60, v58  }
0x96: {  	v40 =	vld [tilespmem:s31+$0x4200];
	v29 =	vadd.f32 v35, v31;
	v9 =	vmax.f32 v45, v2;
	vm0 =	vgt.f32 v61, $0.0e+00  }
0x97: {  	s23 =	simm.s32 $0x1;
	v39 =	vld [tilespmem:s31+$0x4280];
	v38 =	vmovc v18;
	v32 =	vadd.f32 v61, v30;
	v42 =	vmul.f32 v61, v63;
	v30 =	vsel vm0, $0xF149F2CA, v63  }
0x98: {  	s25 =	sand.u32 $0x7, s23;
	v41 =	vld [tilespmem:s31+$0x4300];
	s24 =	simm.s32 $0x20;
	v31 =	vmovc v12;
	v2 =	vadd.f32 v37, v46;
	v37 =	vmovc v23;
	vm0 =	vgt.f32 v35, $0.0e+00;
	v43 =	vmin.f32 v13, v30  }
.LBB2_8:
0x99: {  	p0 =	sne.s32 s24, $0x7F0;
	s25 =	sshll.u32 s25, $0x4;
	vm1 =	vgt.f32 v36, $0.0e+00;
	v16 =	vmax.f32 v16, v43;
	v14 =	vadd.f32 v42, v14;
	s21 =	sadd.s32 $0x80, s21  }
0x9a: {  	s22 =	sand.u32 $0x70, s22;
	v11 =	vadd.f32 v36, v11;
	s25 =	sadd.s32 s25, s21;
	s26 =	sand.u32 $0x3C00, s21;
	vm2 =	vgt.f32 v33, $0.0e+00;
	v10 =	vadd.f32 v33, v10  }
0x9b: {  	s26 =	sor.u32 s22, s26;
	s25 =	sor.u32 $0x380, s25;
	v42 =	vsel vm0, $0xF149F2CA, v40;
	v40 =	vmul.f32 v35, v40;
	s22 =	smov.u32 s24  }
0x9c: {  	v43 =	vld [tilespmem:s25+$0xC000];
	v23 =	vmax.f32 v23, v42;
	v44 =	vsel vm1, $0xF149F2CA, v39;
	v39 =	vmul.f32 v36, v39  }
0x9d: {  	v45 =	vld [tilespmem:s25+$0x4000];
	v18 =	vmax.f32 v18, v44;
	v46 =	vsel vm2, $0xF149F2CA, v41;
	v41 =	vmul.f32 v33, v41  }
0x9e: {  	v33 =	vmin.f32 v37, v42;
	v42 =	vmin.f32 v38, v44;
	v37 =	vmovc v23;
	v35 =	vld [tilespmem:s26+$0xC200];
	v12 =	vmax.f32 v12, v46  }
.Ltmp3:
0x9f: {  	v19 =	vmax.f32 v19, v33;
	v20 =	vmax.f32 v20, v42;
	v42 =	vmin.f32 v31, v46;
	v38 =	vmovc v18;
	v36 =	vld [tilespmem:s26+$0xC280];
	(pc) =	sbr.rel @p0 .LBB2_8-.Ltmp3, $4  }
0xa0: {  	v21 =	vadd.f32 v40, v21;
	v22 =	vadd.f32 v39, v22;
	v17 =	vmax.f32 v17, v42;
	v31 =	vmovc v12;
	v33 =	vld [tilespmem:s26+$0xC300]  }
0xa1: {  	v15 =	vadd.f32 v41, v15;
	v40 =	vld [tilespmem:s26+$0x4200];
	vm0 =	vgt.f32 v43, $0.0e+00;
	v32 =	vadd.f32 v43, v32  }
0xa2: {  	s23 =	sadd.s32 $0x1, s23;
	v13 =	vmax.f32 v13, v30;
	v39 =	vld [tilespmem:s26+$0x4280];
	v42 =	vmul.f32 v43, v45;
	v30 =	vsel vm0, $0xF149F2CA, v45  }
0xa3: {  	s24 =	sadd.s32 $0x10, s24;
	s25 =	sand.u32 $0x7, s23;
	vm0 =	vgt.f32 v35, $0.0e+00;
	v29 =	vadd.f32 v35, v29;
	v41 =	vld [tilespmem:s26+$0x4300];
	v43 =	vmin.f32 v13, v30  }
0xa4: {  	s23 =	sshll.u32 s25, $0x4;
	s21 =	sadd.s32 $0x80, s21  }
0xa5: {  	s23 =	sadd.s32 s23, s21  }
0xa6: {  	s22 =	sand.u32 $0x70, s22;
	s21 =	sand.u32 $0x3C00, s21;
	s23 =	sor.u32 $0x380, s23  }
0xa7: {  	s21 =	sor.u32 s22, s21;
	v44 =	vld [tilespmem:s23+$0xC000]  }
0xa8: {  	v46 =	vld [tilespmem:s21+$0xC200]  }
0xa9: {  	v63 =	vld [tilespmem:s21+$0xC280]  }
0xaa: {  	v16 =	vmax.f32 v16, v43;
	v47 =	vld [tilespmem:s21+$0xC300]  }
0xab: {  	vm1 =	vgt.f32 v36, $0.0e+00;
	v14 =	vadd.f32 v42, v14;
	v11 =	vadd.f32 v36, v11;
	v48 =	vld [tilespmem:s21+$0x4200]  }
0xac: {  	v51 =	vmax.f32 v13, v30;
	v10 =	vadd.f32 v33, v10;
	v52 =	vsel vm0, $0xF149F2CA, v40;
	v55 =	vld [tilespmem:s21+$0x4280]  }
0xad: {  	v35 =	vmul.f32 v35, v40;
	vm0 =	vgt.f32 v33, $0.0e+00;
	v23 =	vmax.f32 v23, v52;
	v56 =	vld [tilespmem:s21+$0x4300];
	s21 =	simm.s32 $0x0  }
0xae: {  	v45 =	vld [tilespmem:s23+$0x4000];
	v53 =	vmul.f32 v36, v39;
	v54 =	vsel vm1, $0xF149F2CA, v39;
	v37 =	vmin.f32 v37, v52;
	[tilespmem:s14], [sflag:$0x2] =	stream.linear.gather [hbm4b:s9+s21], $0x4000, $0x38  }
0xaf: {  	v18 =	vmax.f32 v18, v54;
	v38 =	vmin.f32 v38, v54;
	v57 =	vmul.f32 v33, v41  }
0xb0: {  	v58 =	vsel vm0, $0xF149F2CA, v41;
	v19 =	vmax.f32 v19, v37;
	v59 =	vmax.f32 v20, v38;
	[tilespmem:s15], [sflag:$0x2] =	stream.linear.gather [hbm4b:s10+s21], $0x4000, $0x38;
	[tilespmem:$0x10800] =	vst v63  }
0xb1: {  	v12 =	vmax.f32 v12, v58;
	v20 =	vmin.f32 v31, v58;
	v31 =	vadd.f32 v35, v21;
	_ =	swait.ge [sflag:s16], $0x4000  }
0xb2: {  	v60 =	vadd.f32 v53, v22;
	v49 =	vmax.f32 v17, v20;
	v15 =	vadd.f32 v57, v15;
	[sflag:s16] =	ssyncset.done $0x0  }
0xb3: {  	vm0 =	vgt.f32 v44, $0.0e+00;
	v40 =	vadd.f32 v44, v32;
	v17 =	vmul.f32 v44, v45;
	[sflag:s16] =	ssyncadd.s32 $0xFFFFC000  }
0xb4: {  	v41 =	vadd.f32 v46, v29;
	vm1 =	vgt.f32 v63, $0.0e+00;
	v21 =	vadd.f32 v63, v11;
	_ =	swait.ge [sflag:s16], $0x4000  }
0xb5: {  	s30 =	sand.u32 $0x70, s21;
	s23 =	sand.u32 $0x3C00, s21;
	vm2 =	vgt.f32 v47, $0.0e+00;
	v10 =	vadd.f32 v47, v10;
	v29 =	vmul.f32 v63, v55;
	[sflag:s16] =	ssyncset.done $0x0  }
0xb6: {  	s31 =	sor.u32 s30, s23;
	v39 =	vmul.f32 v47, v56;
	v50 =	vsel vm0, $0xF149F2CA, v45;
	vm0 =	vgt.f32 v46, $0.0e+00;
	[sflag:s16] =	ssyncadd.s32 $0xFFFFC000  }
0xb7: {  	v22 =	vsel vm1, $0xF149F2CA, v55;
	v62 =	vsel vm2, $0xF149F2CA, v56;
	v13 =	vmin.f32 v51, v50;
	v61 =	vld [tilespmem:s31+$0x8180]  }
0xb8: {  	v20 =	vadd.f32 v17, v14;
	v14 =	vsel vm0, $0xF149F2CA, v48;
	v11 =	vmax.f32 v18, v22;
	v63 =	vld [tilespmem:s31+$0x180]  }
0xb9: {  	v18 =	vmin.f32 v18, v22;
	v22 =	vmax.f32 v12, v62;
	v12 =	vmin.f32 v12, v62;
	v35 =	vld [tilespmem:s31+$0x8000]  }
0xba: {  	v32 =	vadd.f32 v29, v60;
	v13 =	vmax.f32 v16, v13;
	v16 =	vmul.f32 v46, v48;
	v36 =	vld [tilespmem:s31+$0x8080]  }
0xbb: {  	v17 =	vmax.f32 v23, v14;
	v14 =	vmin.f32 v23, v14;
	v30 =	vmax.f32 v59, v18;
	v37 =	vld [tilespmem:s31+$0x8100]  }
0xbc: {  	v29 =	vmax.f32 v49, v12;
	v18 =	vadd.f32 v39, v15;
	v12 =	vmax.f32 v51, v50  }
0xbd: {  	v33 =	vmax.f32 v19, v14;
	v31 =	vadd.f32 v16, v31;
	v38 =	vld [tilespmem:s31+$0x0];
	vm0 =	vgt.f32 v61, $0.0e+00  }
0xbe: {  	v23 =	vadd.f32 v61, v26;
	v15 =	vmul.f32 v61, v63;
	v14 =	vadd.f32 v35, v34;
	v34 =	vld [tilespmem:s31+$0x80]  }
0xbf: {  	v39 =	vld [tilespmem:s31+$0x100];
	vm1 =	vgt.f32 v36, $0.0e+00;
	v26 =	vadd.f32 v36, v24;
	v16 =	vsel vm0, $0xF149F2CA, v63  }
0xc0: {  	s24 =	simm.s32 $0x80;
	s22 =	simm.s32 $0x10;
	vm2 =	vgt.f32 v37, $0.0e+00;
	v24 =	vadd.f32 v37, v25;
	v25 =	vmovc v1;
	v19 =	vmin.f32 v0, v16  }
0xc1: {  	s25 =	simm.s32 $0x20;
	s28 =	sand.u32 $0x3C00, s24;
	s26 =	sand.u32 $0x70, s22;
	vm0 =	vgt.f32 v35, $0.0e+00;
	v15 =	vadd.f32 v15, v28;
	v28 =	vmovc v3;
	v19 =	vmax.f32 v27, v19;
	v27 =	vmovc v4  }
.LBB2_10:
0xc2: {  	p0 =	sne.s32 s25, $0x7F0;
	s26 =	sor.u32 s26, s28;
	v42 =	vsel vm0, $0xF149F2CA, v38;
	v38 =	vmul.f32 v35, v38  }
0xc3: {  	v43 =	vld [tilespmem:s26+$0x8180];
	v1 =	vmax.f32 v1, v42;
	v44 =	vsel vm1, $0xF149F2CA, v34;
	v34 =	vmul.f32 v36, v34  }
0xc4: {  	v45 =	vld [tilespmem:s26+$0x180];
	v3 =	vmax.f32 v3, v44;
	v46 =	vsel vm2, $0xF149F2CA, v39;
	v39 =	vmul.f32 v37, v39  }
0xc5: {  	v37 =	vmin.f32 v25, v42;
	v42 =	vmin.f32 v28, v44;
	v25 =	vmovc v1;
	v35 =	vld [tilespmem:s26+$0x8000];
	v4 =	vmax.f32 v4, v46  }
0xc6: {  	v5 =	vmax.f32 v5, v37;
	v6 =	vmax.f32 v6, v42;
	v42 =	vmin.f32 v27, v46;
	v28 =	vmovc v3;
	v36 =	vld [tilespmem:s26+$0x8080]  }
0xc7: {  	v7 =	vadd.f32 v38, v7;
	v8 =	vadd.f32 v34, v8;
	v9 =	vmax.f32 v9, v42;
	v27 =	vmovc v4;
	v37 =	vld [tilespmem:s26+$0x8100]  }
.Ltmp4:
0xc8: {  	v2 =	vadd.f32 v39, v2;
	v38 =	vld [tilespmem:s26+$0x0];
	vm0 =	vgt.f32 v43, $0.0e+00;
	v23 =	vadd.f32 v43, v23;
	(pc) =	sbr.rel @p0 .LBB2_10-.Ltmp4, $4  }
0xc9: {  	v0 =	vmax.f32 v0, v16;
	v34 =	vld [tilespmem:s26+$0x80];
	v42 =	vmul.f32 v43, v45;
	v16 =	vsel vm0, $0xF149F2CA, v45  }
0xca: {  	vm0 =	vgt.f32 v35, $0.0e+00;
	v14 =	vadd.f32 v35, v14;
	v39 =	vld [tilespmem:s26+$0x100];
	v43 =	vmin.f32 v0, v16  }
0xcb: {  	s24 =	sadd.s32 $0x80, s24;
	vm1 =	vgt.f32 v36, $0.0e+00;
	v19 =	vmax.f32 v19, v43;
	v15 =	vadd.f32 v42, v15  }
0xcc: {  	s28 =	sand.u32 $0x3C00, s24;
	s26 =	sand.u32 $0x70, s25;
	s25 =	sadd.s32 $0x10, s25;
	v26 =	vadd.f32 v36, v26;
	vm2 =	vgt.f32 v37, $0.0e+00;
	v24 =	vadd.f32 v37, v24  }
0xcd: {  	s24 =	sor.u32 s26, s28  }
0xce: {  	v42 =	vsel vm0, $0xF149F2CA, v38;
	v56 =	vld [tilespmem:s24+$0x8180]  }
0xcf: {  	v35 =	vmul.f32 v35, v38;
	v0 =	vmax.f32 v0, v16;
	v1 =	vmax.f32 v1, v42;
	v44 =	vld [tilespmem:s24+$0x180]  }
0xd0: {  	v43 =	vsel vm1, $0xF149F2CA, v34;
	v57 =	vmul.f32 v36, v34;
	v45 =	vld [tilespmem:s24+$0x8000];
	v58 =	vsel vm2, $0xF149F2CA, v39  }
0xd1: {  	v25 =	vmin.f32 v25, v42;
	v37 =	vmul.f32 v37, v39;
	v59 =	vmax.f32 v4, v58;
	v4 =	vld [tilespmem:s24+$0x8080]  }
0xd2: {  	v28 =	vmin.f32 v28, v43;
	v5 =	vmax.f32 v5, v25;
	v25 =	vmin.f32 v27, v58;
	v27 =	vld [tilespmem:s24+$0x8100]  }
0xd3: {  	v3 =	vmax.f32 v3, v43;
	v7 =	vadd.f32 v35, v7;
	v6 =	vmax.f32 v6, v28;
	v28 =	vld [tilespmem:s24+$0x100]  }
0xd4: {  	v8 =	vadd.f32 v57, v8;
	v9 =	vmax.f32 v9, v25;
	v25 =	vld [tilespmem:s24+$0x0];
	v2 =	vadd.f32 v37, v2  }
0xd5: {  	vm0 =	vgt.f32 v56, $0.0e+00;
	v36 =	vadd.f32 v56, v23;
	v16 =	vmul.f32 v56, v44  }
0xd6: {  	s30 =	sand.u32 $0x7, s21;
	v23 =	vld [tilespmem:s24+$0x80];
	v39 =	vadd.f32 v45, v14;
	v60 =	vsel vm0, $0xF149F2CA, v44;
	vm0 =	vgt.f32 v45, $0.0e+00  }
0xd7: {  	s24 =	sshll.u32 s30, $0x4;
	v61 =	vmin.f32 v0, v60;
	vm1 =	vgt.f32 v4, $0.0e+00;
	v38 =	vadd.f32 v16, v15  }
0xd8: {  	s24 =	sadd.s32 $0x0, s24;
	v34 =	vadd.f32 v4, v26;
	vm2 =	vgt.f32 v27, $0.0e+00;
	v35 =	vadd.f32 v27, v24  }
0xd9: {  	s24 =	sor.u32 $0x380, s24;
	v46 =	vmul.f32 v27, v28;
	v37 =	vmax.f32 v19, v61;
	v14 =	vsel vm0, $0xF149F2CA, v25  }
0xda: {  	s25 =	sand.u32 $0x70, s21;
	v16 =	vmul.f32 v45, v25;
	v63 =	vld [tilespmem:s24+$0x8000];
	v26 =	vsel vm2, $0xF149F2CA, v28;
	v15 =	vmax.f32 v1, v14  }
0xdb: {  	s31 =	sor.u32 s25, s23;
	v47 =	vld [tilespmem:s24+$0x0];
	v1 =	vmin.f32 v1, v14;
	v14 =	vmax.f32 v0, v60;
	v24 =	vsel vm1, $0xF149F2CA, v23  }
0xdc: {  	v62 =	vmul.f32 v4, v23;
	v4 =	vld [tilespmem:s31+$0x8200];
	v19 =	vmax.f32 v3, v24;
	v3 =	vmin.f32 v3, v24  }
0xdd: {  	v23 =	vmax.f32 v59, v26;
	v24 =	vmax.f32 v5, v1;
	v25 =	vmax.f32 v6, v3;
	v3 =	vld [tilespmem:s31+$0x8280]  }
0xde: {  	v1 =	vmin.f32 v59, v26;
	v26 =	vadd.f32 v16, v7;
	v16 =	vadd.f32 v46, v2;
	v6 =	vld [tilespmem:s31+$0x8300]  }
0xdf: {  	v42 =	vld [tilespmem:s31+$0x200];
	v27 =	vadd.f32 v62, v8;
	v28 =	vmax.f32 v9, v1;
	vm0 =	vgt.f32 v63, $0.0e+00  }
0xe0: {  	s23 =	simm.s32 $0x1;
	v7 =	vmovc v17;
	v9 =	vld [tilespmem:s31+$0x280];
	v2 =	vadd.f32 v63, v40;
	v43 =	vmul.f32 v63, v47;
	v1 =	vsel vm0, $0xF149F2CA, v47  }
0xe1: {  	s25 =	sand.u32 $0x7, s23;
	s24 =	simm.s32 $0x20;
	v5 =	vmovc v22;
	v8 =	vmovc v11;
	v40 =	vld [tilespmem:s31+$0x300];
	vm0 =	vgt.f32 v4, $0.0e+00;
	v0 =	vadd.f32 v4, v41;
	v41 =	vmin.f32 v12, v1  }
.LBB2_12:
0xe2: {  	p0 =	sne.s32 s24, $0x7F0;
	s25 =	sshll.u32 s25, $0x4;
	vm1 =	vgt.f32 v3, $0.0e+00;
	v13 =	vmax.f32 v13, v41;
	v20 =	vadd.f32 v43, v20;
	s21 =	sadd.s32 $0x80, s21  }
0xe3: {  	s22 =	sand.u32 $0x70, s22;
	v21 =	vadd.f32 v3, v21;
	s25 =	sadd.s32 s25, s21;
	s26 =	sand.u32 $0x3C00, s21;
	vm2 =	vgt.f32 v6, $0.0e+00;
	v10 =	vadd.f32 v6, v10  }
0xe4: {  	s26 =	sor.u32 s22, s26;
	s25 =	sor.u32 $0x380, s25;
	v41 =	vsel vm0, $0xF149F2CA, v42;
	v42 =	vmul.f32 v4, v42;
	s22 =	smov.u32 s24  }
0xe5: {  	v43 =	vld [tilespmem:s25+$0x8000];
	v17 =	vmax.f32 v17, v41;
	v44 =	vsel vm1, $0xF149F2CA, v9;
	v9 =	vmul.f32 v3, v9  }
0xe6: {  	v45 =	vld [tilespmem:s25+$0x0];
	v11 =	vmax.f32 v11, v44;
	v46 =	vsel vm2, $0xF149F2CA, v40;
	v40 =	vmul.f32 v6, v40  }
0xe7: {  	v6 =	vmin.f32 v7, v41;
	v41 =	vmin.f32 v8, v44;
	v7 =	vmovc v17;
	v4 =	vld [tilespmem:s26+$0x8200];
	v22 =	vmax.f32 v22, v46  }
.Ltmp5:
0xe8: {  	v33 =	vmax.f32 v33, v6;
	v30 =	vmax.f32 v30, v41;
	v41 =	vmin.f32 v5, v46;
	v8 =	vmovc v11;
	v3 =	vld [tilespmem:s26+$0x8280];
	(pc) =	sbr.rel @p0 .LBB2_12-.Ltmp5, $4  }
0xe9: {  	v31 =	vadd.f32 v42, v31;
	v32 =	vadd.f32 v9, v32;
	v29 =	vmax.f32 v29, v41;
	v5 =	vmovc v22;
	v6 =	vld [tilespmem:s26+$0x8300]  }
0xea: {  	v18 =	vadd.f32 v40, v18;
	v42 =	vld [tilespmem:s26+$0x200];
	vm0 =	vgt.f32 v43, $0.0e+00;
	v2 =	vadd.f32 v43, v2  }
0xeb: {  	s23 =	sadd.s32 $0x1, s23;
	v12 =	vmax.f32 v12, v1;
	v9 =	vld [tilespmem:s26+$0x280];
	v43 =	vmul.f32 v43, v45;
	v1 =	vsel vm0, $0xF149F2CA, v45  }
0xec: {  	s24 =	sadd.s32 $0x10, s24;
	s25 =	sand.u32 $0x7, s23;
	vm0 =	vgt.f32 v4, $0.0e+00;
	v0 =	vadd.f32 v4, v0;
	v40 =	vld [tilespmem:s26+$0x300];
	v41 =	vmin.f32 v12, v1  }
0xed: {  	s23 =	sshll.u32 s25, $0x4;
	s21 =	sadd.s32 $0x80, s21  }
0xee: {  	s23 =	sadd.s32 s23, s21  }
0xef: {  	s23 =	sor.u32 $0x380, s23  }
0xf0: {  	vm1 =	vgt.f32 v3, $0.0e+00;
	s22 =	sand.u32 $0x70, s22;
	s21 =	sand.u32 $0x3C00, s21;
	v44 =	vld [tilespmem:s23+$0x8000]  }
0xf1: {  	v13 =	vmax.f32 v13, v41;
	v20 =	vadd.f32 v43, v20;
	v21 =	vadd.f32 v3, v21;
	s21 =	sor.u32 s22, s21;
	v53 =	vld [tilespmem:s23+$0x0]  }
0xf2: {  	v60 =	vmax.f32 v12, v1;
	vm2 =	vgt.f32 v6, $0.0e+00;
	v10 =	vadd.f32 v6, v10;
	v55 =	vld [tilespmem:s21+$0x8200]  }
0xf3: {  	v54 =	vsel vm0, $0xF149F2CA, v42;
	v4 =	vmul.f32 v4, v42;
	v45 =	vsel vm1, $0xF149F2CA, v9;
	v46 =	vld [tilespmem:s21+$0x8280]  }
0xf4: {  	v3 =	vmul.f32 v3, v9;
	v47 =	vmax.f32 v17, v54;
	v7 =	vmin.f32 v7, v54;
	v56 =	vld [tilespmem:s21+$0x8300]  }
0xf5: {  	v58 =	vld [tilespmem:s21+$0x200];
	v6 =	vmul.f32 v6, v40;
	v9 =	vsel vm2, $0xF149F2CA, v40;
	v57 =	vmax.f32 v11, v45  }
0xf6: {  	v59 =	vld [tilespmem:s21+$0x280];
	v8 =	vmin.f32 v8, v45;
	v7 =	vmax.f32 v33, v7;
	v31 =	vadd.f32 v4, v31  }
0xf7: {  	v4 =	vld [tilespmem:s21+$0x300];
	_ =	swait.ge [sflag:s17], $0x4000;
	v22 =	vmax.f32 v22, v9;
	v30 =	vmax.f32 v30, v8;
	v5 =	vmin.f32 v5, v9  }
0xf8: {  	v3 =	vadd.f32 v3, v32;
	[sflag:s17] =	ssyncset.done $0x0;
	v5 =	vmax.f32 v29, v5;
	vm0 =	vgt.f32 v44, $0.0e+00  }
0xf9: {  	[sflag:s17] =	ssyncadd.s32 $0xFFFFC000;
	v17 =	vadd.f32 v44, v2;
	v2 =	vadd.f32 v6, v18;
	v1 =	vmul.f32 v44, v53  }
0xfa: {  	s21 =	simm.s32 $0x0;
	_ =	swait.ge [sflag:s17], $0x4000;
	v18 =	vadd.f32 v55, v0;
	vm1 =	vgt.f32 v46, $0.0e+00;
	v8 =	vadd.f32 v46, v21  }
0xfb: {  	s30 =	sand.u32 $0x70, s21;
	s23 =	sand.u32 $0x3C00, s21;
	vm2 =	vgt.f32 v56, $0.0e+00;
	[sflag:s17] =	ssyncset.done $0x0;
	v11 =	vadd.f32 v56, v10;
	v29 =	vsel vm0, $0xF149F2CA, v53  }
0xfc: {  	s31 =	sor.u32 s30, s23;
	vm0 =	vgt.f32 v55, $0.0e+00;
	[sflag:s17] =	ssyncadd.s32 $0xFFFFC000;
	v10 =	vsel vm1, $0xF149F2CA, v59;
	v61 =	vsel vm2, $0xF149F2CA, v4  }
0xfd: {  	v62 =	vmul.f32 v56, v4;
	v6 =	vmin.f32 v60, v29;
	v1 =	vadd.f32 v1, v20;
	v21 =	vld [tilespmem:s31+$0xC180]  }
0xfe: {  	v20 =	vmul.f32 v46, v59;
	v12 =	vmax.f32 v57, v10;
	v63 =	vld [tilespmem:s31+$0x4180];
	v40 =	vmin.f32 v57, v10  }
0xff: {  	v4 =	vmax.f32 v22, v61;
	v33 =	vld [tilespmem:s31+$0xC000];
	v0 =	vmax.f32 v13, v6;
	v6 =	vsel vm0, $0xF149F2CA, v58  }
0x100: {  	v13 =	vmul.f32 v55, v58;
	v9 =	vmax.f32 v47, v6;
	v6 =	vmin.f32 v47, v6  }
0x101: {  	v22 =	vmin.f32 v22, v61;
	v41 =	vld [tilespmem:s31+$0xC100];
	v10 =	vmax.f32 v7, v6;
	v6 =	vmax.f32 v30, v40  }
0x102: {  	v40 =	vld [tilespmem:s31+$0xC080];
	v13 =	vadd.f32 v13, v31;
	v7 =	vadd.f32 v20, v3;
	vm0 =	vgt.f32 v21, $0.0e+00  }
0x103: {  	v42 =	vld [tilespmem:s31+$0x4000];
	v3 =	vmax.f32 v5, v22;
	v5 =	vadd.f32 v62, v2;
	v22 =	vsel vm0, $0xF149F2CA, v63  }
0x104: {  	v2 =	vmax.f32 v60, v29;
	v20 =	vadd.f32 v33, v39;
	v39 =	vld [tilespmem:s31+$0x4080];
	v29 =	vmin.f32 v14, v22  }
0x105: {  	v30 =	vadd.f32 v21, v36;
	v21 =	vmul.f32 v21, v63;
	v29 =	vmax.f32 v37, v29;
	v37 =	vld [tilespmem:s31+$0x4100]  }
0x106: {  	s24 =	simm.s32 $0x80;
	s22 =	simm.s32 $0x10;
	vm2 =	vgt.f32 v41, $0.0e+00;
	v31 =	vadd.f32 v41, v35;
	v36 =	vmovc v19;
	vm0 =	vgt.f32 v33, $0.0e+00  }
0x107: {  	s25 =	simm.s32 $0x20;
	s28 =	sand.u32 $0x3C00, s24;
	s26 =	sand.u32 $0x70, s22;
	v35 =	vmovc v23;
	v21 =	vadd.f32 v21, v38;
	vm1 =	vgt.f32 v40, $0.0e+00;
	v32 =	vadd.f32 v40, v34;
	v34 =	vmovc v15  }
.LBB2_14:
0x108: {  	p0 =	sne.s32 s25, $0x7F0;
	s26 =	sor.u32 s26, s28;
	v38 =	vsel vm0, $0xF149F2CA, v42;
	v42 =	vmul.f32 v33, v42  }
0x109: {  	v43 =	vld [tilespmem:s26+$0xC180];
	v15 =	vmax.f32 v15, v38;
	v44 =	vsel vm1, $0xF149F2CA, v39;
	v39 =	vmul.f32 v40, v39  }
0x10a: {  	v45 =	vld [tilespmem:s26+$0x4180];
	v19 =	vmax.f32 v19, v44;
	v46 =	vsel vm2, $0xF149F2CA, v37;
	v37 =	vmul.f32 v41, v37  }
0x10b: {  	v38 =	vmin.f32 v34, v38;
	v41 =	vmin.f32 v36, v44;
	v34 =	vmovc v15;
	v33 =	vld [tilespmem:s26+$0xC000];
	v23 =	vmax.f32 v23, v46  }
0x10c: {  	v24 =	vmax.f32 v24, v38;
	v25 =	vmax.f32 v25, v41;
	v38 =	vmin.f32 v35, v46;
	v36 =	vmovc v19;
	v40 =	vld [tilespmem:s26+$0xC080]  }
0x10d: {  	v26 =	vadd.f32 v42, v26;
	v27 =	vadd.f32 v39, v27;
	v28 =	vmax.f32 v28, v38;
	v35 =	vmovc v23;
	v41 =	vld [tilespmem:s26+$0xC100]  }
.Ltmp6:
0x10e: {  	v16 =	vadd.f32 v37, v16;
	v42 =	vld [tilespmem:s26+$0x4000];
	vm0 =	vgt.f32 v43, $0.0e+00;
	v30 =	vadd.f32 v43, v30;
	(pc) =	sbr.rel @p0 .LBB2_14-.Ltmp6, $4  }
0x10f: {  	v14 =	vmax.f32 v14, v22;
	v39 =	vld [tilespmem:s26+$0x4080];
	v38 =	vmul.f32 v43, v45;
	v22 =	vsel vm0, $0xF149F2CA, v45  }
0x110: {  	vm0 =	vgt.f32 v33, $0.0e+00;
	v20 =	vadd.f32 v33, v20;
	v37 =	vld [tilespmem:s26+$0x4100];
	v43 =	vmin.f32 v14, v22  }
0x111: {  	s24 =	sadd.s32 $0x80, s24;
	vm1 =	vgt.f32 v40, $0.0e+00;
	v29 =	vmax.f32 v29, v43;
	v21 =	vadd.f32 v38, v21  }
0x112: {  	s28 =	sand.u32 $0x3C00, s24;
	s26 =	sand.u32 $0x70, s25;
	s25 =	sadd.s32 $0x10, s25;
	v32 =	vadd.f32 v40, v32;
	vm2 =	vgt.f32 v41, $0.0e+00;
	v31 =	vadd.f32 v41, v31  }
0x113: {  	s24 =	sor.u32 s26, s28  }
0x114: {  	v52 =	vld [tilespmem:s24+$0xC180]  }
0x115: {  	v38 =	vsel vm0, $0xF149F2CA, v42;
	v54 =	vld [tilespmem:s24+$0x4180]  }
0x116: {  	v33 =	vmul.f32 v33, v42;
	v14 =	vmax.f32 v14, v22;
	v43 =	vmax.f32 v15, v38;
	v56 =	vld [tilespmem:s24+$0xC000]  }
0x117: {  	v15 =	vsel vm1, $0xF149F2CA, v39;
	v53 =	vmul.f32 v40, v39;
	v34 =	vmin.f32 v34, v38;
	v58 =	vld [tilespmem:s24+$0xC080]  }
0x118: {  	v59 =	vld [tilespmem:s24+$0xC100];
	v44 =	vmax.f32 v19, v15;
	v19 =	vsel vm2, $0xF149F2CA, v37;
	v55 =	vmul.f32 v41, v37  }
0x119: {  	s25 =	sand.u32 $0x70, s21;
	v15 =	vmin.f32 v36, v15;
	v34 =	vmax.f32 v24, v34;
	v33 =	vadd.f32 v33, v26;
	v24 =	vld [tilespmem:s24+$0x4000]  }
0x11a: {  	s31 =	sor.u32 s25, s23;
	v26 =	vld [tilespmem:s24+$0x4080];
	v57 =	vmax.f32 v23, v19;
	v25 =	vmax.f32 v25, v15;
	v15 =	vmin.f32 v35, v19  }
0x11b: {  	v27 =	vadd.f32 v53, v27;
	v35 =	vld [tilespmem:s31+$0xC200];
	v45 =	vmax.f32 v28, v15;
	v16 =	vadd.f32 v55, v16  }
0x11c: {  	vm0 =	vgt.f32 v52, $0.0e+00;
	v15 =	vadd.f32 v52, v30;
	v19 =	vmul.f32 v52, v54  }
0x11d: {  	s30 =	sand.u32 $0x7, s21;
	v28 =	vld [tilespmem:s24+$0x4100];
	v22 =	vadd.f32 v56, v20;
	vm1 =	vgt.f32 v58, $0.0e+00;
	vm2 =	vgt.f32 v59, $0.0e+00  }
0x11e: {  	s24 =	sshll.u32 s30, $0x4;
	v46 =	vsel vm0, $0xF149F2CA, v54;
	vm0 =	vgt.f32 v56, $0.0e+00;
	v30 =	vmul.f32 v56, v24  }
0x11f: {  	s24 =	sadd.s32 $0x0, s24;
	v60 =	vmul.f32 v58, v26;
	v23 =	vmin.f32 v14, v46;
	v19 =	vadd.f32 v19, v21  }
0x120: {  	s24 =	sor.u32 $0x380, s24;
	v21 =	vadd.f32 v59, v31;
	v31 =	vsel vm1, $0xF149F2CA, v26;
	v18 =	vadd.f32 v35, v18  }
0x121: {  	v61 =	vld [tilespmem:s24+$0xC000];
	v20 =	vmax.f32 v29, v23;
	v23 =	vadd.f32 v58, v32;
	v29 =	vsel vm0, $0xF149F2CA, v24  }
0x122: {  	v47 =	vld [tilespmem:s24+$0x4000];
	v26 =	vmax.f32 v44, v31;
	v62 =	vsel vm2, $0xF149F2CA, v28;
	v63 =	vmul.f32 v59, v28  }
0x123: {  	v31 =	vmin.f32 v44, v31;
	v24 =	vmax.f32 v43, v29;
	v29 =	vmin.f32 v43, v29  }
0x124: {  	v32 =	vmax.f32 v25, v31;
	v25 =	vmin.f32 v57, v62;
	v36 =	vmax.f32 v34, v29;
	v34 =	vld [tilespmem:s31+$0xC280]  }
0x125: {  	v39 =	vadd.f32 v30, v33;
	v37 =	vadd.f32 v60, v27;
	v33 =	vmax.f32 v45, v25;
	v25 =	vld [tilespmem:s31+$0xC300]  }
0x126: {  	v27 =	vmax.f32 v14, v46;
	v28 =	vmax.f32 v57, v62;
	v43 =	vld [tilespmem:s31+$0x4200];
	vm0 =	vgt.f32 v61, $0.0e+00  }
0x127: {  	s23 =	simm.s32 $0x1;
	v42 =	vld [tilespmem:s31+$0x4280];
	v38 =	vmovc v9;
	v30 =	vadd.f32 v63, v16;
	v31 =	vmul.f32 v61, v47;
	v16 =	vsel vm0, $0xF149F2CA, v47  }
0x128: {  	s25 =	sand.u32 $0x7, s23;
	v41 =	vld [tilespmem:s31+$0x4300];
	s24 =	simm.s32 $0x20;
	v14 =	vadd.f32 v61, v17;
	v17 =	vmovc v4;
	vm0 =	vgt.f32 v35, $0.0e+00;
	v29 =	vmovc v12;
	v40 =	vmin.f32 v2, v16  }
.LBB2_16:
0x129: {  	p0 =	sne.s32 s24, $0x7F0;
	s25 =	sshll.u32 s25, $0x4;
	vm1 =	vgt.f32 v34, $0.0e+00;
	v0 =	vmax.f32 v0, v40;
	v1 =	vadd.f32 v31, v1;
	s21 =	sadd.s32 $0x80, s21  }
0x12a: {  	s22 =	sand.u32 $0x70, s22;
	v8 =	vadd.f32 v34, v8;
	s25 =	sadd.s32 s25, s21;
	s26 =	sand.u32 $0x3C00, s21;
	vm2 =	vgt.f32 v25, $0.0e+00;
	v11 =	vadd.f32 v25, v11  }
0x12b: {  	s26 =	sor.u32 s22, s26;
	s25 =	sor.u32 $0x380, s25;
	v31 =	vsel vm0, $0xF149F2CA, v43;
	v40 =	vmul.f32 v35, v43;
	s22 =	smov.u32 s24  }
0x12c: {  	v44 =	vld [tilespmem:s25+$0xC000];
	v9 =	vmax.f32 v9, v31;
	v43 =	vsel vm1, $0xF149F2CA, v42;
	v42 =	vmul.f32 v34, v42  }
0x12d: {  	v45 =	vld [tilespmem:s25+$0x4000];
	v12 =	vmax.f32 v12, v43;
	v46 =	vsel vm2, $0xF149F2CA, v41;
	v41 =	vmul.f32 v25, v41  }
0x12e: {  	v25 =	vmin.f32 v38, v31;
	v31 =	vmin.f32 v29, v43;
	v38 =	vmovc v9;
	v35 =	vld [tilespmem:s26+$0xC200];
	v4 =	vmax.f32 v4, v46  }
.Ltmp7:
0x12f: {  	v10 =	vmax.f32 v10, v25;
	v6 =	vmax.f32 v6, v31;
	v31 =	vmin.f32 v17, v46;
	v29 =	vmovc v12;
	v34 =	vld [tilespmem:s26+$0xC280];
	(pc) =	sbr.rel @p0 .LBB2_16-.Ltmp7, $4  }
0x130: {  	v13 =	vadd.f32 v40, v13;
	v7 =	vadd.f32 v42, v7;
	v3 =	vmax.f32 v3, v31;
	v17 =	vmovc v4;
	v25 =	vld [tilespmem:s26+$0xC300]  }
0x131: {  	v5 =	vadd.f32 v41, v5;
	v43 =	vld [tilespmem:s26+$0x4200];
	vm0 =	vgt.f32 v44, $0.0e+00;
	v14 =	vadd.f32 v44, v14  }
0x132: {  	s23 =	sadd.s32 $0x1, s23;
	v2 =	vmax.f32 v2, v16;
	v42 =	vld [tilespmem:s26+$0x4280];
	v31 =	vmul.f32 v44, v45;
	v16 =	vsel vm0, $0xF149F2CA, v45  }
0x133: {  	s24 =	sadd.s32 $0x10, s24;
	s25 =	sand.u32 $0x7, s23;
	vm0 =	vgt.f32 v35, $0.0e+00;
	v18 =	vadd.f32 v35, v18;
	v41 =	vld [tilespmem:s26+$0x4300];
	v40 =	vmin.f32 v2, v16  }
0x134: {  	s23 =	sshll.u32 s25, $0x4;
	s21 =	sadd.s32 $0x80, s21  }
0x135: {  	s23 =	sadd.s32 s23, s21  }
0x136: {  	s23 =	sor.u32 $0x380, s23  }
0x137: {  	s22 =	sand.u32 $0x70, s22;
	s21 =	sand.u32 $0x3C00, s21;
	v44 =	vld [tilespmem:s23+$0xC000]  }
0x138: {  	s21 =	sor.u32 s22, s21;
	v45 =	vld [tilespmem:s23+$0x4000]  }
0x139: {  	v46 =	vld [tilespmem:s21+$0xC200]  }
0x13a: {  	v47 =	vld [tilespmem:s21+$0xC280]  }
0x13b: {  	v48 =	vld [tilespmem:s21+$0xC300]  }
0x13c: {  	v49 =	vld [tilespmem:s21+$0x4200]  }
0x13d: {  	v50 =	vld [tilespmem:s21+$0x4280]  }
0x13e: {  	v51 =	vld [tilespmem:s21+$0x4300];
	[tilespmem:$0x10000] =	vst v24  }
0x13f: {  	[tilespmem:$0x10010] =	vst v36  }
0x140: {  	[tilespmem:$0x10020] =	vst v39  }
0x141: {  	[tilespmem:$0x10030] =	vst v22  }
0x142: {  	[tilespmem:$0x10080] =	vst v26  }
0x143: {  	[tilespmem:$0x10090] =	vst v32  }
0x144: {  	[tilespmem:$0x100A0] =	vst v37  }
0x145: {  	[tilespmem:$0x100B0] =	vst v23  }
0x146: {  	[tilespmem:$0x10100] =	vst v28  }
0x147: {  	[tilespmem:$0x10110] =	vst v33  }
0x148: {  	vm1 =	vgt.f32 v34, $0.0e+00;
	v8 =	vadd.f32 v34, v8;
	[tilespmem:$0x10120] =	vst v30  }
0x149: {  	v2 =	vmax.f32 v2, v16;
	vm2 =	vgt.f32 v25, $0.0e+00;
	v11 =	vadd.f32 v25, v11;
	[tilespmem:$0x10130] =	vst v21  }
0x14a: {  	v30 =	vsel vm0, $0xF149F2CA, v43;
	v32 =	vmul.f32 v35, v43;
	v33 =	vsel vm1, $0xF149F2CA, v42;
	[tilespmem:$0x10180] =	vst v27  }
0x14b: {  	v35 =	vmul.f32 v34, v42;
	[tilespmem:$0x10190] =	vst v20;
	v9 =	vmax.f32 v9, v30;
	v12 =	vmax.f32 v12, v33  }
0x14c: {  	[tilespmem:$0x101A0] =	vst v19;
	v36 =	vsel vm2, $0xF149F2CA, v41;
	v22 =	vmin.f32 v38, v30;
	v18 =	vadd.f32 v46, v18  }
0x14d: {  	[tilespmem:$0x101B0] =	vst v15;
	v41 =	vmul.f32 v25, v41;
	v13 =	vadd.f32 v32, v13;
	v8 =	vadd.f32 v47, v8  }
0x14e: {  	v10 =	vmax.f32 v10, v22;
	v7 =	vadd.f32 v35, v7;
	v59 =	vadd.f32 v48, v11;
	[tilespmem:$0x10230] =	vst v18  }
0x14f: {  	v4 =	vmax.f32 v4, v36;
	vm12 =	vgt.f32 v46, $0.0e+00;
	v63 =	vadd.f32 v44, v14;
	[tilespmem:$0x102B0] =	vst v8  }
0x150: {  	v38 =	vmul.f32 v46, v49;
	vm13 =	vgt.f32 v47, $0.0e+00;
	v37 =	vsel vm12, $0xF149F2CA, v49;
	[tilespmem:$0x10330] =	vst v59  }
0x151: {  	vm14 =	vgt.f32 v48, $0.0e+00;
	v49 =	vsel vm13, $0xF149F2CA, v50;
	v39 =	vmax.f32 v9, v37;
	[tilespmem:$0x103B0] =	vst v63  }
0x152: {  	vm15 =	vgt.f32 v44, $0.0e+00;
	v55 =	vsel vm14, $0xF149F2CA, v51;
	v53 =	vmax.f32 v12, v49;
	[tilespmem:$0x10200] =	vst v39  }
0x153: {  	v52 =	vmul.f32 v47, v50;
	v60 =	vsel vm15, $0xF149F2CA, v45;
	v57 =	vmax.f32 v4, v55;
	[tilespmem:$0x10280] =	vst v53  }
0x154: {  	v9 =	vmin.f32 v9, v37;
	v62 =	vmin.f32 v2, v60;
	v2 =	vmax.f32 v2, v60;
	[tilespmem:$0x10300] =	vst v57  }
0x155: {  	v54 =	vmin.f32 v17, v36;
	v42 =	vadd.f32 v38, v13;
	v9 =	vmax.f32 v10, v9;
	[tilespmem:$0x10380] =	vst v2  }
0x156: {  	v5 =	vadd.f32 v41, v5;
	v56 =	vmul.f32 v48, v51;
	v7 =	vadd.f32 v52, v7;
	[tilespmem:$0x10210] =	vst v9  }
0x157: {  	v1 =	vadd.f32 v31, v1;
	v3 =	vmax.f32 v3, v54;
	v4 =	vmin.f32 v4, v55;
	[tilespmem:$0x10220] =	vst v42  }
0x158: {  	v61 =	vmul.f32 v44, v45;
	v58 =	vadd.f32 v56, v5;
	v3 =	vmax.f32 v3, v4;
	[tilespmem:$0x102A0] =	vst v7  }
0x159: {  	v0 =	vmax.f32 v0, v40;
	[tilespmem:$0x10310] =	vst v3  }
0x15a: {  	v43 =	vmin.f32 v29, v33;
	v1 =	vadd.f32 v61, v1;
	v0 =	vmax.f32 v0, v62;
	[tilespmem:$0x10320] =	vst v58  }
0x15b: {  	s20 =	sadd.s32 $0x1, s20;
	v6 =	vmax.f32 v6, v43;
	v9 =	vmin.f32 v12, v49;
	[tilespmem:$0x10390] =	vst v0  }
0x15c: {  	p0 =	sne.s32 s20, s12;
	[tilespmem:$0x103A0] =	vst v1;
	v6 =	vmax.f32 v6, v9  }
.Ltmp8:
0x15d: {  	[tilespmem:$0x10290] =	vst v6;
	(pc) =	sbr.rel @p0 .LBB2_1-.Ltmp8, $4  }
0x15e: {  	[hbm4b:s11+s2] =	stream.linear.scatter [tilespmem:s18], [sflag:$0x3], $0x800, $0x38;
	[tilespmem:$0x10800] =	vst v63  }
0x15f: {  	_ =	swait.ge [sflag:s19], $0x800  }
0x160: {  	[sflag:s19] =	ssyncset.done $0x0  }
0x161: {  	[sflag:s19] =	ssyncadd.s32 $0xFFFFF800  }
0x162: {  	_ =	sfence.sel $0x180000  }
0x163: {  	[bflag:$0x0] =	sbarrier.arrive $0xFFFF  }
0x164: {  	p0 =	sne.s32 s1, $0x0;
	_ =	strace $0x90000047  }
0x165: {  	s0 =	sadd.s32 @!p0 $0x100000, s0;
	[bflag:$0x2] =	sbarrier.arrive $0xFFFF  }
0x166: {  	[sflag:s0] =	ssyncadd.tile.s32 @!p0 $0x1;
	_ =	shalt  }
.Lfunc_end2:
_tile_overlayer_lowered:
.L_overlay_start_2:
0x167: {  	(tag) =	ssettag $0x2  }
0x168: {  	s0 =	rddreg [dreg:$0x0];
	s2 =	stileid.u32  }
0x169: {  	s1 =	rddreg [dreg:$0x1];
	p0 =	sne.s32 s2, $0x0  }
0x16a: {  	s3 =	rddreg [dreg:$0x2];
	[bflag:$0x3] =	sbarrier.arrive $0xFFFF;
	s2 =	simm.s32 @!p0 $0x1C03  }
0x16b: {  	[timem:s3], [sflag:s2] =	dma.local @!p0 [hbm:s0], s1  }
0x16c: {  	s0 =	simm.s32 @!p0 $0x3  }
0x16d: {  	_ =	swait.ge @!p0 [sflag:s0], s1  }
0x16e: {  	s1 =	ssub.s32 @!p0 $0x0, s1;
	[sflag:s0] =	ssyncset.done @!p0 $0x0  }
0x16f: {  	[sflag:s0] =	ssyncadd.s32 @!p0 s1  }
0x170: {  	[bflag:$0x3] =	sbarrier.arrive $0xFFFF  }
0x171: {  	_ =	shalt  }

</sc_bundles>
